<compile_context>
chip_gen: v7x
topology: tpu7x:2x2x1
jax: 0.10.2.dev20260603
libtpu: 0.0.44.dev20260713+nightly
codegen_flags: <defaults>
</compile_context>

<pallas_src>
import functools

import jax
import jax.numpy as jnp
from jax import lax
from jax.experimental import pallas as pl
from jax.experimental.pallas import tpu as pltpu
from jax.experimental.pallas import tpu_sc as plsc

N_NODES = 50000
N_EDGES = 3200000
N_GRAPHS = 512

SUB = 128
NSUB = 8
CHUNK = SUB * NSUB
NW = 32
NBUF = 4
G_ITERS_A = 132
G_ITERS_B = 64
E_PAD = 16 * (G_ITERS_A + G_ITERS_B) * CHUNK
N_PAD = 50048
ROWS_TBL = N_PAD
ROWS_PER_TILE = 3128

ROW_BLK = 2000
TC_GRID = N_NODES // ROW_BLK



def _sc_body(do_gather, nq, src1, dst1, *refs):
    hs_l = refs[:nq]
    out_l = refs[nq:2 * nq]
    idx_s, idx_d, rows, shared, sem_i, sem_g, sem_s = refs[2 * nq:]
    c = lax.axis_index("c")
    s = lax.axis_index("s")
    r0 = s * ROWS_PER_TILE
    gcur = G_ITERS_A + c * (G_ITERS_B - G_ITERS_A)
    base = (c * 16 * G_ITERS_A + s * gcur) * CHUNK

    for q in range(nq):
        hs = hs_l[q]
        pltpu.sync_copy(hs.at[pl.ds(r0, ROWS_PER_TILE)],
                        shared.at[pl.ds(r0, ROWS_PER_TILE)])
        if not do_gather:
            pltpu.sync_copy(hs.at[pl.ds(0, CHUNK)], rows.at[0])
        plsc.subcore_barrier()

        def fire_idx(g):
            b = lax.rem(g, NBUF)
            e0 = base + g * CHUNK
            pltpu.async_copy(dst1.at[pl.ds(e0, CHUNK)], idx_d.at[b],
                             sem_i.at[b])
            if do_gather:
                pltpu.async_copy(src1.at[pl.ds(e0, CHUNK)], idx_s.at[b],
                                 sem_i.at[b])

        def wait_idx(g):
            b = lax.rem(g, NBUF)
            pltpu.make_async_copy(dst1.at[pl.ds(0, CHUNK)], idx_d.at[b],
                                  sem_i.at[b]).wait()
            if do_gather:
                pltpu.make_async_copy(src1.at[pl.ds(0, CHUNK)], idx_s.at[b],
                                      sem_i.at[b]).wait()

        def fire_gather(g):
            if do_gather:
                b = lax.rem(g, NBUF)
                pltpu.async_copy(hs.at[idx_s.at[b]], rows.at[b], sem_g.at[b])

        def wait_gather(g):
            if do_gather:
                b = lax.rem(g, NBUF)
                pltpu.make_async_copy(hs.at[idx_s.at[b]], rows.at[b],
                                      sem_g.at[b]).wait()

        def fire_scatter(g):
            b = lax.rem(g, NBUF)
            rb = b if do_gather else 0
            pltpu.async_copy(rows.at[rb], shared.at[idx_d.at[b]],
                             sem_s.at[b], add=True)

        def wait_scatter(g):
            b = lax.rem(g, NBUF)
            rb = b if do_gather else 0
            pltpu.make_async_copy(rows.at[rb], shared.at[idx_d.at[b]],
                                  sem_s.at[b]).wait()

        fire_idx(0)
        fire_idx(1)

        def body(g, carry):
            wait_idx(g)
            fire_gather(g)

            @pl.when(g >= 1)
            def _():
                wait_gather(g - 1)
                fire_scatter(g - 1)

            @pl.when(g >= 2)
            def _():
                wait_scatter(g - 2)

            @pl.when(g + 2 < gcur)
            def _():
                fire_idx(g + 2)

            return carry

        lax.fori_loop(0, gcur, body, 0)
        wait_gather(gcur - 1)
        fire_scatter(gcur - 1)
        wait_scatter(gcur - 2)
        wait_scatter(gcur - 1)
        plsc.subcore_barrier()
        pltpu.sync_copy(shared.at[pl.ds(r0, ROWS_PER_TILE)],
                        out_l[q].at[c].at[pl.ds(r0, ROWS_PER_TILE)])


def _sc_prop(hs_list, src2, dst2, fsc, do_gather=True):
    nq = len(hs_list)
    mesh = plsc.VectorSubcoreMesh(core_axis_name="c", subcore_axis_name="s")
    return pl.kernel(
        functools.partial(_sc_body, do_gather, nq),
        out_type=[jax.ShapeDtypeStruct((2, ROWS_TBL, fsc), jnp.float32)] * nq,
        mesh=mesh,
        scratch_types=[
            pltpu.VMEM((NBUF, CHUNK), jnp.int32),
            pltpu.VMEM((NBUF, CHUNK), jnp.int32),
            pltpu.VMEM((NBUF, CHUNK, fsc), jnp.float32),
            pltpu.VMEM_SHARED((ROWS_TBL, fsc), jnp.float32),
            pltpu.SemaphoreType.DMA((NBUF,)),
            pltpu.SemaphoreType.DMA((NBUF,)),
            pltpu.SemaphoreType.DMA((NBUF,)),
        ],
        compiler_params=pltpu.CompilerParams(use_tc_tiling_on_sc=False),
    )(src2, dst2, *hs_list)



def _prep_body(pdeg_ref, xp_ref, dinv_ref, hs0_ref):
    deg = pdeg_ref[0, :, 0:1] + pdeg_ref[1, :, 0:1] - 1.0
    dinv = lax.rsqrt(deg)
    dinv_ref[...] = dinv
    hs0_ref[...] = xp_ref[...] * dinv


def _tc_prep(pdeg, xp):
    return pl.pallas_call(
        _prep_body,
        grid=(TC_GRID,),
        in_specs=[
            pl.BlockSpec((2, ROW_BLK, 8), lambda i: (0, i, 0)),
            pl.BlockSpec((ROW_BLK, 16), lambda i: (i, 0)),
        ],
        out_specs=[
            pl.BlockSpec((ROW_BLK, 1), lambda i: (i, 0)),
            pl.BlockSpec((ROW_BLK, 16), lambda i: (i, 0)),
        ],
        out_shape=[
            jax.ShapeDtypeStruct((N_NODES, 1), jnp.float32),
            jax.ShapeDtypeStruct((N_PAD, 16), jnp.float32),
        ],
    )(pdeg, xp)


def _layer_body(nout, p_ref, hs_ref, dinv_ref, w_ref, b_ref, *o_refs):
    dinv = dinv_ref[...]
    g = dinv * (p_ref[0] + p_ref[1] - hs_ref[...])
    h = jax.nn.relu(
        jnp.dot(g, w_ref[...], preferred_element_type=jnp.float32)
        + b_ref[...])
    hs_next = h * dinv
    if nout == 1:
        o_refs[0][...] = hs_next
    else:
        for q in range(nout):
            o_refs[q][...] = hs_next[:, 16 * q:16 * (q + 1)]


def _tc_layer(p, hs, dinv, W, b, split):
    fsc = hs.shape[1]
    fout = W.shape[1]
    if split:
        nout = fout // 16
        out_specs = [pl.BlockSpec((ROW_BLK, 16), lambda i: (i, 0))] * nout
        out_shape = [jax.ShapeDtypeStruct((N_PAD, 16), jnp.float32)] * nout
    else:
        nout = 1
        out_specs = [pl.BlockSpec((ROW_BLK, fout), lambda i: (i, 0))]
        out_shape = [jax.ShapeDtypeStruct((N_PAD, fout), jnp.float32)]
    return pl.pallas_call(
        functools.partial(_layer_body, nout),
        grid=(TC_GRID,),
        in_specs=[
            pl.BlockSpec((2, ROW_BLK, fsc), lambda i: (0, i, 0)),
            pl.BlockSpec((ROW_BLK, fsc), lambda i: (i, 0)),
            pl.BlockSpec((ROW_BLK, 1), lambda i: (i, 0)),
            pl.BlockSpec((fsc, fout), lambda i: (0, 0)),
            pl.BlockSpec((1, fout), lambda i: (0, 0)),
        ],
        out_specs=out_specs,
        out_shape=out_shape,
    )(p, hs, dinv, W, b.reshape(1, fout))


def _layer3_body(p0_ref, p1_ref, p2_ref, p3_ref, hs0_ref, hs1_ref, hs2_ref,
                 hs3_ref, dinv_ref, w_ref, b_ref,
                 batch_ref, wl_ref, bl_ref, sums_ref, cnt_ref, o_ref):
    i = pl.program_id(0)
    dinv = dinv_ref[...]
    w = w_ref[...]
    p_refs = (p0_ref, p1_ref, p2_ref, p3_ref)
    hs_refs = (hs0_ref, hs1_ref, hs2_ref, hs3_ref)
    acc = b_ref[...]
    for q in range(4):
        gq = dinv * (p_refs[q][0] + p_refs[q][1] - hs_refs[q][...])
        acc = acc + jnp.dot(gq, w[16 * q:16 * (q + 1)],
                            preferred_element_type=jnp.float32)
    h3 = jax.nn.relu(acc)
    b_ids = batch_ref[0, 0, :]
    onehot = jnp.where(
        b_ids[:, None] == lax.broadcasted_iota(jnp.int32, (ROW_BLK, N_GRAPHS), 1),
        1.0, 0.0)
    part = lax.dot_general(onehot, h3, (((0,), (0,)), ((), ())),
                           preferred_element_type=jnp.float32)
    pcnt = jnp.sum(onehot, axis=0)[:, None]

    @pl.when(i == 0)
    def _():
        sums_ref[...] = jnp.zeros_like(sums_ref)
        cnt_ref[...] = jnp.zeros_like(cnt_ref)

    sums_ref[...] += part
    cnt_ref[...] += pcnt

    @pl.when(i == TC_GRID - 1)
    def _():
        pooled = sums_ref[...] / jnp.maximum(cnt_ref[...], 1.0)
        logits = (jnp.dot(pooled, wl_ref[...],
                          preferred_element_type=jnp.float32) + bl_ref[...])
        m = jnp.max(logits, axis=1, keepdims=True)
        z = logits - m
        o_ref[...] = z - jnp.log(jnp.sum(jnp.exp(z), axis=1, keepdims=True))


def _tc_layer3_pool(ps, hss, dinv, W3, b3, batch3, Wl, bl):
    return pl.pallas_call(
        _layer3_body,
        grid=(TC_GRID,),
        in_specs=[
            pl.BlockSpec((2, ROW_BLK, 16), lambda i: (0, i, 0)),
            pl.BlockSpec((2, ROW_BLK, 16), lambda i: (0, i, 0)),
            pl.BlockSpec((2, ROW_BLK, 16), lambda i: (0, i, 0)),
            pl.BlockSpec((2, ROW_BLK, 16), lambda i: (0, i, 0)),
            pl.BlockSpec((ROW_BLK, 16), lambda i: (i, 0)),
            pl.BlockSpec((ROW_BLK, 16), lambda i: (i, 0)),
            pl.BlockSpec((ROW_BLK, 16), lambda i: (i, 0)),
            pl.BlockSpec((ROW_BLK, 16), lambda i: (i, 0)),
            pl.BlockSpec((ROW_BLK, 1), lambda i: (i, 0)),
            pl.BlockSpec((64, 128), lambda i: (0, 0)),
            pl.BlockSpec((1, 128), lambda i: (0, 0)),
            pl.BlockSpec((1, 1, ROW_BLK), lambda i: (i, 0, 0)),
            pl.BlockSpec((128, 10), lambda i: (0, 0)),
            pl.BlockSpec((1, 10), lambda i: (0, 0)),
        ],
        out_specs=[
            pl.BlockSpec((N_GRAPHS, 128), lambda i: (0, 0)),
            pl.BlockSpec((N_GRAPHS, 1), lambda i: (0, 0)),
            pl.BlockSpec((N_GRAPHS, 10), lambda i: (0, 0)),
        ],
        out_shape=[
            jax.ShapeDtypeStruct((N_GRAPHS, 128), jnp.float32),
            jax.ShapeDtypeStruct((N_GRAPHS, 1), jnp.float32),
            jax.ShapeDtypeStruct((N_GRAPHS, 10), jnp.float32),
        ],
    )(*ps, *hss, dinv, W3, b3.reshape(1, 128), batch3, Wl,
      bl.reshape(1, 10))




def kernel(x, edge_index, batch, W1, b1, W2, b2, W3, b3, Wl, bl):
    src = edge_index[0]
    dst = edge_index[1]
    src2 = jnp.concatenate(
        [src, jnp.zeros((E_PAD - N_EDGES,), jnp.int32)])
    dst2 = jnp.concatenate(
        [dst, jnp.full((E_PAD - N_EDGES,), N_NODES, jnp.int32)])

    ones = jnp.ones((N_PAD, 8), jnp.float32)
    (pdeg,) = _sc_prop([ones], src2, dst2, fsc=8, do_gather=False)

    xp = jnp.pad(x, ((0, N_PAD - N_NODES), (0, 3)))
    dinv, hs0 = _tc_prep(pdeg, xp)

    (p1,) = _sc_prop([hs0], src2, dst2, fsc=16)
    W1p = jnp.pad(W1, ((0, 3), (0, 0)))
    (hs1,) = _tc_layer(p1, hs0, dinv, W1p, b1, split=False)

    (p2,) = _sc_prop([hs1], src2, dst2, fsc=16)
    hs2 = _tc_layer(p2, hs1, dinv, W2, b2, split=True)

    ps = _sc_prop(list(hs2), src2, dst2, fsc=16)

    batch3 = batch.reshape(TC_GRID, 1, ROW_BLK)
    _, _, out = _tc_layer3_pool(ps, hs2, dinv, W3, b3, batch3, Wl, bl)
    return out

# --- scband reference (transcript-rebuilt; emitter-appended) ---
"""Pipeline reference for scband-graph-net-9259949490748 (READ-ONLY COPY).

The authoritative reference and input builder live on the scoring server;
editing this copy changes nothing except your own understanding.
"""

import jax, jax.numpy as jnp
import numpy as np

NUM_NODES = 50000
NUM_EDGES = 3200000
NUM_GRAPHS = 512
NUM_CLASSES = 10


def setup_inputs(seed: int = 0) -> dict:
    key = jax.random.key(seed)
    ks = jax.random.split(key, 12)
    x = jax.random.normal(ks[0], (NUM_NODES, 13), dtype=jnp.float32)
    edge_index = jax.random.randint(ks[1], (2, NUM_EDGES), 0, NUM_NODES)
    batch = jnp.sort(jax.random.randint(ks[2], (NUM_NODES,), 0, NUM_GRAPHS))
    W1 = jax.random.normal(ks[3], (13, 16), dtype=jnp.float32) * 0.1
    b1 = jnp.zeros((16,), dtype=jnp.float32)
    W2 = jax.random.normal(ks[4], (16, 64), dtype=jnp.float32) * 0.1
    b2 = jnp.zeros((64,), dtype=jnp.float32)
    W3 = jax.random.normal(ks[5], (64, 128), dtype=jnp.float32) * 0.1
    b3 = jnp.zeros((128,), dtype=jnp.float32)
    Wl = jax.random.normal(ks[6], (128, NUM_CLASSES), dtype=jnp.float32) * 0.1
    bl = jnp.zeros((NUM_CLASSES,), dtype=jnp.float32)
    return {"x": x, "edge_index": edge_index, "batch": batch,
            "W1": W1, "b1": b1, "W2": W2, "b2": b2, "W3": W3, "b3": b3,
            "Wl": Wl, "bl": bl}


def _gcn_conv(x, edge_index, W, b):
    # GCNConv: add self-loops, symmetric normalization, scatter-add aggregation
    loop = jnp.arange(NUM_NODES)
    src = jnp.concatenate([edge_index[0], loop])
    dst = jnp.concatenate([edge_index[1], loop])
    h = x @ W
    deg = jnp.zeros((NUM_NODES,), h.dtype).at[dst].add(1.0)
    dinv = jnp.where(deg > 0, jax.lax.rsqrt(deg), 0.0)
    norm = dinv[src] * dinv[dst]
    msg = h[src] * norm[:, None]
    out = jnp.zeros((NUM_NODES, h.shape[1]), h.dtype).at[dst].add(msg)
    return out + b


def reference(x, edge_index, batch, W1, b1, W2, b2, W3, b3, Wl, bl):
    h = jax.nn.relu(_gcn_conv(x, edge_index, W1, b1))
    h = jax.nn.relu(_gcn_conv(h, edge_index, W2, b2))
    h = jax.nn.relu(_gcn_conv(h, edge_index, W3, b3))
    sums = jax.ops.segment_sum(h, batch, num_segments=NUM_GRAPHS)
    cnt = jax.ops.segment_sum(jnp.ones((NUM_NODES,), h.dtype), batch, num_segments=NUM_GRAPHS)
    pooled = sums / jnp.maximum(cnt, 1.0)[:, None]
    # dropout p=0.025 is identity in eval mode
    logits = pooled @ Wl + bl
    return jax.nn.log_softmax(logits, axis=1)

if __name__ == "__main__":
    import jax
    _d = setup_inputs()
    print(jax.jit(kernel)(*tuple(_d.values())))

</pallas_src>

<mosaic_0001>
#map = affine_map<(d0, d1) -> (0)>
#map1 = affine_map<(d0, d1) -> (0, 0)>
#map2 = affine_map<(d0, d1) -> (0, 0, 0)>
module attributes {stable_mosaic.version = 14 : i64} {
  func.func @_sc_body(%arg0: i32, %arg1: i32, %arg2: memref<3211264xi32, #tpu.memory_space<hbm>>, %arg3: memref<3211264xi32, #tpu.memory_space<hbm>>, %arg4: memref<50048x16xf32, #tpu.memory_space<hbm>>, %arg5: memref<50048x16xf32, #tpu.memory_space<hbm>>, %arg6: memref<50048x16xf32, #tpu.memory_space<hbm>>, %arg7: memref<50048x16xf32, #tpu.memory_space<hbm>>, %arg8: memref<2x50048x16xf32, #tpu.memory_space<hbm>>, %arg9: memref<2x50048x16xf32, #tpu.memory_space<hbm>>, %arg10: memref<2x50048x16xf32, #tpu.memory_space<hbm>>, %arg11: memref<2x50048x16xf32, #tpu.memory_space<hbm>>, %arg12: memref<4x1024xi32, #tpu.memory_space<vmem>>, %arg13: memref<4x1024xi32, #tpu.memory_space<vmem>>, %arg14: memref<4x1024x16xf32, #tpu.memory_space<vmem>>, %arg15: memref<50048x16xf32, #tpu.memory_space<vmem_shared>>, %arg16: memref<4x!tpu.dma_semaphore, #tpu.memory_space<semaphore_mem>>, %arg17: memref<4x!tpu.dma_semaphore, #tpu.memory_space<semaphore_mem>>, %arg18: memref<4x!tpu.dma_semaphore, #tpu.memory_space<semaphore_mem>>) attributes {dimension_semantics = [#tpu.dimension_semantics<core_parallel>, #tpu.dimension_semantics<subcore_parallel>], iteration_bounds = array<i64: 2, 16>, scalar_prefetch = 0 : i64, scratch_operands = 7 : i64, tpu.core_type = #tpu.core_type<sc_vector_subcore>, window_params = [{transform_indices = #map}, {transform_indices = #map}, {transform_indices = #map1}, {transform_indices = #map1}, {transform_indices = #map1}, {transform_indices = #map1}, {transform_indices = #map2}, {transform_indices = #map2}, {transform_indices = #map2}, {transform_indices = #map2}]} {
    %mul3A = arith.constant 3128 : i32
    %mul3A_0 = arith.muli %arg1, %mul3A : i32
    %mul3A_1 = arith.constant -68 : i32
    %mul3A_2 = arith.muli %arg0, %mul3A_1 : i32
    %add3A = arith.constant 132 : i32
    %add3A_3 = arith.addi %add3A, %mul3A_2 : i32
    %mul3A_4 = arith.constant 16 : i32
    %mul3A_5 = arith.muli %arg0, %mul3A_4 : i32
    %mul3A_6 = arith.constant 132 : i32
    %mul3A_7 = arith.muli %mul3A_5, %mul3A_6 : i32
    %mul3A_8 = arith.muli %arg1, %add3A_3 : i32
    %add3A_9 = arith.addi %mul3A_7, %mul3A_8 : i32
    %mul3A_10 = arith.constant 1024 : i32
    %mul3A_11 = arith.muli %add3A_9, %mul3A_10 : i32
    "tpu.region"() ({
      %run_scoped3A = tpu.sem_alloc : memref<!tpu.dma_semaphore, #tpu.memory_space<semaphore_mem>>
      %dma_start3A_510 = arith.constant 0 : i32
      %dma_start3A_511 = tpu.memref_slice %arg15[%mul3A_0, %dma_start3A_510] : memref<50048x16xf32, #tpu.memory_space<vmem_shared>> -> memref<3128x16xf32, #tpu.memory_space<vmem_shared>>
      %dma_start3A_512 = arith.constant 0 : i32
      %dma_start3A_513 = tpu.memref_slice %arg4[%mul3A_0, %dma_start3A_512] : memref<50048x16xf32, #tpu.memory_space<hbm>> -> memref<3128x16xf32, #tpu.memory_space<hbm>>
      tpu.enqueue_dma source(%dma_start3A_513 : memref<3128x16xf32, #tpu.memory_space<hbm>>) target(%dma_start3A_511 : memref<3128x16xf32, #tpu.memory_space<vmem_shared>>) target_semaphore(%run_scoped3A : memref<!tpu.dma_semaphore, #tpu.memory_space<semaphore_mem>>)
      %dma_wait3A_514 = arith.constant 0 : i32
      %dma_wait3A_515 = tpu.memref_slice %arg15[%mul3A_0, %dma_wait3A_514] : memref<50048x16xf32, #tpu.memory_space<vmem_shared>> -> memref<3128x16xf32, #tpu.memory_space<vmem_shared>>
      %dma_wait3A_516 = arith.constant 0 : i32
      %dma_wait3A_517 = tpu.memref_slice %arg4[%mul3A_0, %dma_wait3A_516] : memref<50048x16xf32, #tpu.memory_space<hbm>> -> memref<3128x16xf32, #tpu.memory_space<hbm>>
      tpu.wait_dma2 semaphore(%run_scoped3A : memref<!tpu.dma_semaphore, #tpu.memory_space<semaphore_mem>>) src(%dma_wait3A_517 : memref<3128x16xf32, #tpu.memory_space<hbm>>) dst(%dma_wait3A_515 : memref<3128x16xf32, #tpu.memory_space<vmem_shared>>)
      tpu.yield
    }) : () -> ()
    %barrier3A = arith.constant 0 : index
    tpu.barrier barrier_id(%barrier3A)
    %rem3A = arith.constant 0 : i32
    %rem3A_12 = arith.constant 4 : i32
    %rem3A_13 = arith.remsi %rem3A, %rem3A_12 : i32
    %add3A_14 = arith.constant 0 : i32
    %add3A_15 = arith.addi %mul3A_11, %add3A_14 : i32
    %dma_start3A = arith.constant 0 : i32
    %dma_start3A_16 = tpu.memref_slice %arg13[%rem3A_13, %dma_start3A] : memref<4x1024xi32, #tpu.memory_space<vmem>> -> memref<1x1024xi32, #tpu.memory_space<vmem>>
    %dma_start3A_17 = tpu.memref_squeeze %dma_start3A_16 : memref<1x1024xi32, #tpu.memory_space<vmem>> -> memref<1024xi32, #tpu.memory_space<vmem>>
    %dma_start3A_18 = tpu.memref_slice %arg3[%add3A_15] : memref<3211264xi32, #tpu.memory_space<hbm>> -> memref<1024xi32, #tpu.memory_space<hbm>>
    %dma_start3A_19 = tpu.memref_slice %arg16[%rem3A_13] : memref<4x!tpu.dma_semaphore, #tpu.memory_space<semaphore_mem>> -> memref<1x!tpu.dma_semaphore, #tpu.memory_space<semaphore_mem>>
    %dma_start3A_20 = tpu.memref_squeeze %dma_start3A_19 : memref<1x!tpu.dma_semaphore, #tpu.memory_space<semaphore_mem>> -> memref<!tpu.dma_semaphore, #tpu.memory_space<semaphore_mem>>
    %dma_start3A_21 = arith.constant 0 : i32
    %dma_start3A_22 = tpu.memref_slice %arg13[%rem3A_13, %dma_start3A_21] : memref<4x1024xi32, #tpu.memory_space<vmem>> -> memref<1x1024xi32, #tpu.memory_space<vmem>>
    %dma_start3A_23 = tpu.memref_squeeze %dma_start3A_22 : memref<1x1024xi32, #tpu.memory_space<vmem>> -> memref<1024xi32, #tpu.memory_space<vmem>>
    %dma_start3A_24 = tpu.memref_slice %arg3[%add3A_15] : memref<3211264xi32, #tpu.memory_space<hbm>> -> memref<1024xi32, #tpu.memory_space<hbm>>
    tpu.enqueue_dma source(%dma_start3A_24 : memref<1024xi32, #tpu.memory_space<hbm>>) target(%dma_start3A_23 : memref<1024xi32, #tpu.memory_space<vmem>>) target_semaphore(%dma_start3A_20 : memref<!tpu.dma_semaphore, #tpu.memory_space<semaphore_mem>>)
    %dma_start3A_25 = arith.constant 0 : i32
    %dma_start3A_26 = tpu.memref_slice %arg12[%rem3A_13, %dma_start3A_25] : memref<4x1024xi32, #tpu.memory_space<vmem>> -> memref<1x1024xi32, #tpu.memory_space<vmem>>
    %dma_start3A_27 = tpu.memref_squeeze %dma_start3A_26 : memref<1x1024xi32, #tpu.memory_space<vmem>> -> memref<1024xi32, #tpu.memory_space<vmem>>
    %dma_start3A_28 = tpu.memref_slice %arg2[%add3A_15] : memref<3211264xi32, #tpu.memory_space<hbm>> -> memref<1024xi32, #tpu.memory_space<hbm>>
    %dma_start3A_29 = tpu.memref_slice %arg16[%rem3A_13] : memref<4x!tpu.dma_semaphore, #tpu.memory_space<semaphore_mem>> -> memref<1x!tpu.dma_semaphore, #tpu.memory_space<semaphore_mem>>
    %dma_start3A_30 = tpu.memref_squeeze %dma_start3A_29 : memref<1x!tpu.dma_semaphore, #tpu.memory_space<semaphore_mem>> -> memref<!tpu.dma_semaphore, #tpu.memory_space<semaphore_mem>>
    %dma_start3A_31 = arith.constant 0 : i32
    %dma_start3A_32 = tpu.memref_slice %arg12[%rem3A_13, %dma_start3A_31] : memref<4x1024xi32, #tpu.memory_space<vmem>> -> memref<1x1024xi32, #tpu.memory_space<vmem>>
    %dma_start3A_33 = tpu.memref_squeeze %dma_start3A_32 : memref<1x1024xi32, #tpu.memory_space<vmem>> -> memref<1024xi32, #tpu.memory_space<vmem>>
    %dma_start3A_34 = tpu.memref_slice %arg2[%add3A_15] : memref<3211264xi32, #tpu.memory_space<hbm>> -> memref<1024xi32, #tpu.memory_space<hbm>>
    tpu.enqueue_dma source(%dma_start3A_34 : memref<1024xi32, #tpu.memory_space<hbm>>) target(%dma_start3A_33 : memref<1024xi32, #tpu.memory_space<vmem>>) target_semaphore(%dma_start3A_30 : memref<!tpu.dma_semaphore, #tpu.memory_space<semaphore_mem>>)
    %rem3A_35 = arith.constant 1 : i32
    %rem3A_36 = arith.constant 4 : i32
    %rem3A_37 = arith.remsi %rem3A_35, %rem3A_36 : i32
    %add3A_38 = arith.constant 1024 : i32
    %add3A_39 = arith.addi %mul3A_11, %add3A_38 : i32
    %dma_start3A_40 = arith.constant 0 : i32
    %dma_start3A_41 = tpu.memref_slice %arg13[%rem3A_37, %dma_start3A_40] : memref<4x1024xi32, #tpu.memory_space<vmem>> -> memref<1x1024xi32, #tpu.memory_space<vmem>>
    %dma_start3A_42 = tpu.memref_squeeze %dma_start3A_41 : memref<1x1024xi32, #tpu.memory_space<vmem>> -> memref<1024xi32, #tpu.memory_space<vmem>>
    %dma_start3A_43 = tpu.memref_slice %arg3[%add3A_39] : memref<3211264xi32, #tpu.memory_space<hbm>> -> memref<1024xi32, #tpu.memory_space<hbm>>
    %dma_start3A_44 = tpu.memref_slice %arg16[%rem3A_37] : memref<4x!tpu.dma_semaphore, #tpu.memory_space<semaphore_mem>> -> memref<1x!tpu.dma_semaphore, #tpu.memory_space<semaphore_mem>>
    %dma_start3A_45 = tpu.memref_squeeze %dma_start3A_44 : memref<1x!tpu.dma_semaphore, #tpu.memory_space<semaphore_mem>> -> memref<!tpu.dma_semaphore, #tpu.memory_space<semaphore_mem>>
    %dma_start3A_46 = arith.constant 0 : i32
    %dma_start3A_47 = tpu.memref_slice %arg13[%rem3A_37, %dma_start3A_46] : memref<4x1024xi32, #tpu.memory_space<vmem>> -> memref<1x1024xi32, #tpu.memory_space<vmem>>
    %dma_start3A_48 = tpu.memref_squeeze %dma_start3A_47 : memref<1x1024xi32, #tpu.memory_space<vmem>> -> memref<1024xi32, #tpu.memory_space<vmem>>
    %dma_start3A_49 = tpu.memref_slice %arg3[%add3A_39] : memref<3211264xi32, #tpu.memory_space<hbm>> -> memref<1024xi32, #tpu.memory_space<hbm>>
    tpu.enqueue_dma source(%dma_start3A_49 : memref<1024xi32, #tpu.memory_space<hbm>>) target(%dma_start3A_48 : memref<1024xi32, #tpu.memory_space<vmem>>) target_semaphore(%dma_start3A_45 : memref<!tpu.dma_semaphore, #tpu.memory_space<semaphore_mem>>)
    %dma_start3A_50 = arith.constant 0 : i32
    %dma_start3A_51 = tpu.memref_slice %arg12[%rem3A_37, %dma_start3A_50] : memref<4x1024xi32, #tpu.memory_space<vmem>> -> memref<1x1024xi32, #tpu.memory_space<vmem>>
    %dma_start3A_52 = tpu.memref_squeeze %dma_start3A_51 : memref<1x1024xi32, #tpu.memory_space<vmem>> -> memref<1024xi32, #tpu.memory_space<vmem>>
    %dma_start3A_53 = tpu.memref_slice %arg2[%add3A_39] : memref<3211264xi32, #tpu.memory_space<hbm>> -> memref<1024xi32, #tpu.memory_space<hbm>>
    %dma_start3A_54 = tpu.memref_slice %arg16[%rem3A_37] : memref<4x!tpu.dma_semaphore, #tpu.memory_space<semaphore_mem>> -> memref<1x!tpu.dma_semaphore, #tpu.memory_space<semaphore_mem>>
    %dma_start3A_55 = tpu.memref_squeeze %dma_start3A_54 : memref<1x!tpu.dma_semaphore, #tpu.memory_space<semaphore_mem>> -> memref<!tpu.dma_semaphore, #tpu.memory_space<semaphore_mem>>
    %dma_start3A_56 = arith.constant 0 : i32
    %dma_start3A_57 = tpu.memref_slice %arg12[%rem3A_37, %dma_start3A_56] : memref<4x1024xi32, #tpu.memory_space<vmem>> -> memref<1x1024xi32, #tpu.memory_space<vmem>>
    %dma_start3A_58 = tpu.memref_squeeze %dma_start3A_57 : memref<1x1024xi32, #tpu.memory_space<vmem>> -> memref<1024xi32, #tpu.memory_space<vmem>>
    %dma_start3A_59 = tpu.memref_slice %arg2[%add3A_39] : memref<3211264xi32, #tpu.memory_space<hbm>> -> memref<1024xi32, #tpu.memory_space<hbm>>
    tpu.enqueue_dma source(%dma_start3A_59 : memref<1024xi32, #tpu.memory_space<hbm>>) target(%dma_start3A_58 : memref<1024xi32, #tpu.memory_space<vmem>>) target_semaphore(%dma_start3A_55 : memref<!tpu.dma_semaphore, #tpu.memory_space<semaphore_mem>>)
    %while3A = arith.constant 0 : i32
    %while3A_60 = arith.constant 0 : i32
    %while3A_61 = arith.subi %add3A_3, %while3A_60 : i32
    %while3A_62 = arith.addi %while3A_60, %while3A_61 : i32
    %while3A_63 = arith.constant 1 : i32
    %while3A_64 = arith.divsi %while3A_61, %while3A_63 : i32
    %while3A_65 = arith.muli %while3A_64, %while3A_63 : i32
    %while3A_66 = arith.addi %while3A_60, %while3A_65 : i32
    %while3A_67 = arith.constant 1 : i32
    scf.for %while3A_510 = %while3A_60 to %while3A_66 step %while3A_67  : i32 {
      %rem3A_511 = arith.constant 4 : i32
      %rem3A_512 = arith.remsi %while3A_510, %rem3A_511 : i32
      %dma_wait3A_513 = arith.constant 0 : i32
      %dma_wait3A_514 = tpu.memref_slice %arg13[%rem3A_512, %dma_wait3A_513] : memref<4x1024xi32, #tpu.memory_space<vmem>> -> memref<1x1024xi32, #tpu.memory_space<vmem>>
      %dma_wait3A_515 = tpu.memref_squeeze %dma_wait3A_514 : memref<1x1024xi32, #tpu.memory_space<vmem>> -> memref<1024xi32, #tpu.memory_space<vmem>>
      %dma_wait3A_516 = arith.constant 0 : i32
      %dma_wait3A_517 = tpu.memref_slice %arg3[%dma_wait3A_516] : memref<3211264xi32, #tpu.memory_space<hbm>> -> memref<1024xi32, #tpu.memory_space<hbm>>
      %dma_wait3A_518 = tpu.memref_slice %arg16[%rem3A_512] : memref<4x!tpu.dma_semaphore, #tpu.memory_space<semaphore_mem>> -> memref<1x!tpu.dma_semaphore, #tpu.memory_space<semaphore_mem>>
      %dma_wait3A_519 = tpu.memref_squeeze %dma_wait3A_518 : memref<1x!tpu.dma_semaphore, #tpu.memory_space<semaphore_mem>> -> memref<!tpu.dma_semaphore, #tpu.memory_space<semaphore_mem>>
      %dma_wait3A_520 = arith.constant 0 : i32
      %dma_wait3A_521 = tpu.memref_slice %arg13[%rem3A_512, %dma_wait3A_520] : memref<4x1024xi32, #tpu.memory_space<vmem>> -> memref<1x1024xi32, #tpu.memory_space<vmem>>
      %dma_wait3A_522 = tpu.memref_squeeze %dma_wait3A_521 : memref<1x1024xi32, #tpu.memory_space<vmem>> -> memref<1024xi32, #tpu.memory_space<vmem>>
      %dma_wait3A_523 = arith.constant 0 : i32
      %dma_wait3A_524 = tpu.memref_slice %arg3[%dma_wait3A_523] : memref<3211264xi32, #tpu.memory_space<hbm>> -> memref<1024xi32, #tpu.memory_space<hbm>>
      tpu.wait_dma2 semaphore(%dma_wait3A_519 : memref<!tpu.dma_semaphore, #tpu.memory_space<semaphore_mem>>) src(%dma_wait3A_524 : memref<1024xi32, #tpu.memory_space<hbm>>) dst(%dma_wait3A_522 : memref<1024xi32, #tpu.memory_space<vmem>>)
      %dma_wait3A_525 = arith.constant 0 : i32
      %dma_wait3A_526 = tpu.memref_slice %arg12[%rem3A_512, %dma_wait3A_525] : memref<4x1024xi32, #tpu.memory_space<vmem>> -> memref<1x1024xi32, #tpu.memory_space<vmem>>
      %dma_wait3A_527 = tpu.memref_squeeze %dma_wait3A_526 : memref<1x1024xi32, #tpu.memory_space<vmem>> -> memref<1024xi32, #tpu.memory_space<vmem>>
      %dma_wait3A_528 = arith.constant 0 : i32
      %dma_wait3A_529 = tpu.memref_slice %arg2[%dma_wait3A_528] : memref<3211264xi32, #tpu.memory_space<hbm>> -> memref<1024xi32, #tpu.memory_space<hbm>>
      %dma_wait3A_530 = tpu.memref_slice %arg16[%rem3A_512] : memref<4x!tpu.dma_semaphore, #tpu.memory_space<semaphore_mem>> -> memref<1x!tpu.dma_semaphore, #tpu.memory_space<semaphore_mem>>
      %dma_wait3A_531 = tpu.memref_squeeze %dma_wait3A_530 : memref<1x!tpu.dma_semaphore, #tpu.memory_space<semaphore_mem>> -> memref<!tpu.dma_semaphore, #tpu.memory_space<semaphore_mem>>
      %dma_wait3A_532 = arith.constant 0 : i32
      %dma_wait3A_533 = tpu.memref_slice %arg12[%rem3A_512, %dma_wait3A_532] : memref<4x1024xi32, #tpu.memory_space<vmem>> -> memref<1x1024xi32, #tpu.memory_space<vmem>>
      %dma_wait3A_534 = tpu.memref_squeeze %dma_wait3A_533 : memref<1x1024xi32, #tpu.memory_space<vmem>> -> memref<1024xi32, #tpu.memory_space<vmem>>
      %dma_wait3A_535 = arith.constant 0 : i32
      %dma_wait3A_536 = tpu.memref_slice %arg2[%dma_wait3A_535] : memref<3211264xi32, #tpu.memory_space<hbm>> -> memref<1024xi32, #tpu.memory_space<hbm>>
      tpu.wait_dma2 semaphore(%dma_wait3A_531 : memref<!tpu.dma_semaphore, #tpu.memory_space<semaphore_mem>>) src(%dma_wait3A_536 : memref<1024xi32, #tpu.memory_space<hbm>>) dst(%dma_wait3A_534 : memref<1024xi32, #tpu.memory_space<vmem>>)
      %rem3A_537 = arith.constant 4 : i32
      %rem3A_538 = arith.remsi %while3A_510, %rem3A_537 : i32
      %dma_start3A_539 = arith.constant 0 : i32
      %dma_start3A_540 = arith.constant 0 : i32
      %dma_start3A_541 = tpu.memref_slice %arg14[%rem3A_538, %dma_start3A_539, %dma_start3A_540] : memref<4x1024x16xf32, #tpu.memory_space<vmem>> -> memref<1x1024x16xf32, #tpu.memory_space<vmem>>
      %dma_start3A_542 = tpu.memref_squeeze %dma_start3A_541 : memref<1x1024x16xf32, #tpu.memory_space<vmem>> -> memref<1024x16xf32, #tpu.memory_space<vmem>>
      %dma_start3A_543 = arith.constant 0 : i32
      %dma_start3A_544 = tpu.memref_slice %arg12[%rem3A_538, %dma_start3A_543] : memref<4x1024xi32, #tpu.memory_space<vmem>> -> memref<1x1024xi32, #tpu.memory_space<vmem>>
      %dma_start3A_545 = tpu.memref_squeeze %dma_start3A_544 : memref<1x1024xi32, #tpu.memory_space<vmem>> -> memref<1024xi32, #tpu.memory_space<vmem>>
      %dma_start3A_546 = arith.constant 0 : i32
      %dma_start3A_547 = arith.constant 0 : i32
      %dma_start3A_548 = tpu.memref_slice %arg4[%dma_start3A_546, %dma_start3A_547] : memref<50048x16xf32, #tpu.memory_space<hbm>> -> memref<50048x16xf32, #tpu.memory_space<hbm>>
      %dma_start3A_549 = tpu.memref_slice %arg17[%rem3A_538] : memref<4x!tpu.dma_semaphore, #tpu.memory_space<semaphore_mem>> -> memref<1x!tpu.dma_semaphore, #tpu.memory_space<semaphore_mem>>
      %dma_start3A_550 = tpu.memref_squeeze %dma_start3A_549 : memref<1x!tpu.dma_semaphore, #tpu.memory_space<semaphore_mem>> -> memref<!tpu.dma_semaphore, #tpu.memory_space<semaphore_mem>>
      tpu.enqueue_indirect_dma source(%dma_start3A_548 : memref<50048x16xf32, #tpu.memory_space<hbm>>) target(%dma_start3A_542 : memref<1024x16xf32, #tpu.memory_space<vmem>>) offsets(%dma_start3A_545 : memref<1024xi32, #tpu.memory_space<vmem>>) semaphore(%dma_start3A_550 : memref<!tpu.dma_semaphore, #tpu.memory_space<semaphore_mem>>)
      %ge3A = arith.constant 1 : i32
      %ge3A_551 = arith.cmpi sge, %while3A_510, %ge3A : i32
      %convert_element_type3A = arith.extui %ge3A_551 : i1 to i32
      %cond3A = arith.constant 0 : i32
      %cond3A_552 = arith.cmpi ne, %convert_element_type3A, %cond3A : i32
      scf.if %cond3A_552 {
        %sub3A_563 = arith.constant 1 : i32
        %sub3A_564 = arith.subi %while3A_510, %sub3A_563 : i32
        %rem3A_565 = arith.constant 4 : i32
        %rem3A_566 = arith.remsi %sub3A_564, %rem3A_565 : i32
        %dma_wait3A_567 = arith.constant 0 : i32
        %dma_wait3A_568 = arith.constant 0 : i32
        %dma_wait3A_569 = tpu.memref_slice %arg14[%rem3A_566, %dma_wait3A_567, %dma_wait3A_568] : memref<4x1024x16xf32, #tpu.memory_space<vmem>> -> memref<1x1024x16xf32, #tpu.memory_space<vmem>>
        %dma_wait3A_570 = tpu.memref_squeeze %dma_wait3A_569 : memref<1x1024x16xf32, #tpu.memory_space<vmem>> -> memref<1024x16xf32, #tpu.memory_space<vmem>>
        %dma_wait3A_571 = arith.constant 0 : i32
        %dma_wait3A_572 = tpu.memref_slice %arg12[%rem3A_566, %dma_wait3A_571] : memref<4x1024xi32, #tpu.memory_space<vmem>> -> memref<1x1024xi32, #tpu.memory_space<vmem>>
        %dma_wait3A_573 = tpu.memref_squeeze %dma_wait3A_572 : memref<1x1024xi32, #tpu.memory_space<vmem>> -> memref<1024xi32, #tpu.memory_space<vmem>>
        %dma_wait3A_574 = arith.constant 0 : i32
        %dma_wait3A_575 = arith.constant 0 : i32
        %dma_wait3A_576 = tpu.memref_slice %arg4[%dma_wait3A_574, %dma_wait3A_575] : memref<50048x16xf32, #tpu.memory_space<hbm>> -> memref<50048x16xf32, #tpu.memory_space<hbm>>
        %dma_wait3A_577 = tpu.memref_slice %arg17[%rem3A_566] : memref<4x!tpu.dma_semaphore, #tpu.memory_space<semaphore_mem>> -> memref<1x!tpu.dma_semaphore, #tpu.memory_space<semaphore_mem>>
        %dma_wait3A_578 = tpu.memref_squeeze %dma_wait3A_577 : memref<1x!tpu.dma_semaphore, #tpu.memory_space<semaphore_mem>> -> memref<!tpu.dma_semaphore, #tpu.memory_space<semaphore_mem>>
        tpu.wait_indirect_dma semaphore(%dma_wait3A_578 : memref<!tpu.dma_semaphore, #tpu.memory_space<semaphore_mem>>) src(%dma_wait3A_576 : memref<50048x16xf32, #tpu.memory_space<hbm>>) dst(%dma_wait3A_570 : memref<1024x16xf32, #tpu.memory_space<vmem>>)
        %sub3A_579 = arith.constant 1 : i32
        %sub3A_580 = arith.subi %while3A_510, %sub3A_579 : i32
        %rem3A_581 = arith.constant 4 : i32
        %rem3A_582 = arith.remsi %sub3A_580, %rem3A_581 : i32
        %dma_start3A_583 = arith.constant 0 : i32
        %dma_start3A_584 = arith.constant 0 : i32
        %dma_start3A_585 = tpu.memref_slice %arg14[%rem3A_582, %dma_start3A_583, %dma_start3A_584] : memref<4x1024x16xf32, #tpu.memory_space<vmem>> -> memref<1x1024x16xf32, #tpu.memory_space<vmem>>
        %dma_start3A_586 = tpu.memref_squeeze %dma_start3A_585 : memref<1x1024x16xf32, #tpu.memory_space<vmem>> -> memref<1024x16xf32, #tpu.memory_space<vmem>>
        %dma_start3A_587 = arith.constant 0 : i32
        %dma_start3A_588 = tpu.memref_slice %arg13[%rem3A_582, %dma_start3A_587] : memref<4x1024xi32, #tpu.memory_space<vmem>> -> memref<1x1024xi32, #tpu.memory_space<vmem>>
        %dma_start3A_589 = tpu.memref_squeeze %dma_start3A_588 : memref<1x1024xi32, #tpu.memory_space<vmem>> -> memref<1024xi32, #tpu.memory_space<vmem>>
        %dma_start3A_590 = arith.constant 0 : i32
        %dma_start3A_591 = arith.constant 0 : i32
        %dma_start3A_592 = tpu.memref_slice %arg15[%dma_start3A_590, %dma_start3A_591] : memref<50048x16xf32, #tpu.memory_space<vmem_shared>> -> memref<50048x16xf32, #tpu.memory_space<vmem_shared>>
        %dma_start3A_593 = tpu.memref_slice %arg18[%rem3A_582] : memref<4x!tpu.dma_semaphore, #tpu.memory_space<semaphore_mem>> -> memref<1x!tpu.dma_semaphore, #tpu.memory_space<semaphore_mem>>
        %dma_start3A_594 = tpu.memref_squeeze %dma_start3A_593 : memref<1x!tpu.dma_semaphore, #tpu.memory_space<semaphore_mem>> -> memref<!tpu.dma_semaphore, #tpu.memory_space<semaphore_mem>>
        tpu.enqueue_indirect_dma source(%dma_start3A_586 : memref<1024x16xf32, #tpu.memory_space<vmem>>) target(%dma_start3A_592 : memref<50048x16xf32, #tpu.memory_space<vmem_shared>>) offsets(%dma_start3A_589 : memref<1024xi32, #tpu.memory_space<vmem>>) semaphore(%dma_start3A_594 : memref<!tpu.dma_semaphore, #tpu.memory_space<semaphore_mem>>) {add = true}
      } else {
      }
      %ge3A_553 = arith.constant 2 : i32
      %ge3A_554 = arith.cmpi sge, %while3A_510, %ge3A_553 : i32
      %convert_element_type3A_555 = arith.extui %ge3A_554 : i1 to i32
      %cond3A_556 = arith.constant 0 : i32
      %cond3A_557 = arith.cmpi ne, %convert_element_type3A_555, %cond3A_556 : i32
      scf.if %cond3A_557 {
        %sub3A_563 = arith.constant 2 : i32
        %sub3A_564 = arith.subi %while3A_510, %sub3A_563 : i32
        %rem3A_565 = arith.constant 4 : i32
        %rem3A_566 = arith.remsi %sub3A_564, %rem3A_565 : i32
        %dma_wait3A_567 = arith.constant 0 : i32
        %dma_wait3A_568 = arith.constant 0 : i32
        %dma_wait3A_569 = tpu.memref_slice %arg14[%rem3A_566, %dma_wait3A_567, %dma_wait3A_568] : memref<4x1024x16xf32, #tpu.memory_space<vmem>> -> memref<1x1024x16xf32, #tpu.memory_space<vmem>>
        %dma_wait3A_570 = tpu.memref_squeeze %dma_wait3A_569 : memref<1x1024x16xf32, #tpu.memory_space<vmem>> -> memref<1024x16xf32, #tpu.memory_space<vmem>>
        %dma_wait3A_571 = arith.constant 0 : i32
        %dma_wait3A_572 = tpu.memref_slice %arg13[%rem3A_566, %dma_wait3A_571] : memref<4x1024xi32, #tpu.memory_space<vmem>> -> memref<1x1024xi32, #tpu.memory_space<vmem>>
        %dma_wait3A_573 = tpu.memref_squeeze %dma_wait3A_572 : memref<1x1024xi32, #tpu.memory_space<vmem>> -> memref<1024xi32, #tpu.memory_space<vmem>>
        %dma_wait3A_574 = arith.constant 0 : i32
        %dma_wait3A_575 = arith.constant 0 : i32
        %dma_wait3A_576 = tpu.memref_slice %arg15[%dma_wait3A_574, %dma_wait3A_575] : memref<50048x16xf32, #tpu.memory_space<vmem_shared>> -> memref<50048x16xf32, #tpu.memory_space<vmem_shared>>
        %dma_wait3A_577 = tpu.memref_slice %arg18[%rem3A_566] : memref<4x!tpu.dma_semaphore, #tpu.memory_space<semaphore_mem>> -> memref<1x!tpu.dma_semaphore, #tpu.memory_space<semaphore_mem>>
        %dma_wait3A_578 = tpu.memref_squeeze %dma_wait3A_577 : memref<1x!tpu.dma_semaphore, #tpu.memory_space<semaphore_mem>> -> memref<!tpu.dma_semaphore, #tpu.memory_space<semaphore_mem>>
        tpu.wait_indirect_dma semaphore(%dma_wait3A_578 : memref<!tpu.dma_semaphore, #tpu.memory_space<semaphore_mem>>) src(%dma_wait3A_570 : memref<1024x16xf32, #tpu.memory_space<vmem>>) dst(%dma_wait3A_576 : memref<50048x16xf32, #tpu.memory_space<vmem_shared>>)
      } else {
      }
      %add3A_558 = arith.constant 2 : i32
      %add3A_559 = arith.addi %while3A_510, %add3A_558 : i32
      %lt3A = arith.cmpi slt, %add3A_559, %add3A_3 : i32
      %convert_element_type3A_560 = arith.extui %lt3A : i1 to i32
      %cond3A_561 = arith.constant 0 : i32
      %cond3A_562 = arith.cmpi ne, %convert_element_type3A_560, %cond3A_561 : i32
      scf.if %cond3A_562 {
        %add3A_563 = arith.constant 2 : i32
        %add3A_564 = arith.addi %while3A_510, %add3A_563 : i32
        %rem3A_565 = arith.constant 4 : i32
        %rem3A_566 = arith.remsi %add3A_564, %rem3A_565 : i32
        %mul3A_567 = arith.constant 1024 : i32
        %mul3A_568 = arith.muli %add3A_564, %mul3A_567 : i32
        %add3A_569 = arith.addi %mul3A_11, %mul3A_568 : i32
        %dma_start3A_570 = arith.constant 0 : i32
        %dma_start3A_571 = tpu.memref_slice %arg13[%rem3A_566, %dma_start3A_570] : memref<4x1024xi32, #tpu.memory_space<vmem>> -> memref<1x1024xi32, #tpu.memory_space<vmem>>
        %dma_start3A_572 = tpu.memref_squeeze %dma_start3A_571 : memref<1x1024xi32, #tpu.memory_space<vmem>> -> memref<1024xi32, #tpu.memory_space<vmem>>
        %dma_start3A_573 = tpu.memref_slice %arg3[%add3A_569] : memref<3211264xi32, #tpu.memory_space<hbm>> -> memref<1024xi32, #tpu.memory_space<hbm>>
        %dma_start3A_574 = tpu.memref_slice %arg16[%rem3A_566] : memref<4x!tpu.dma_semaphore, #tpu.memory_space<semaphore_mem>> -> memref<1x!tpu.dma_semaphore, #tpu.memory_space<semaphore_mem>>
        %dma_start3A_575 = tpu.memref_squeeze %dma_start3A_574 : memref<1x!tpu.dma_semaphore, #tpu.memory_space<semaphore_mem>> -> memref<!tpu.dma_semaphore, #tpu.memory_space<semaphore_mem>>
        %dma_start3A_576 = arith.constant 0 : i32
        %dma_start3A_577 = tpu.memref_slice %arg13[%rem3A_566, %dma_start3A_576] : memref<4x1024xi32, #tpu.memory_space<vmem>> -> memref<1x1024xi32, #tpu.memory_space<vmem>>
        %dma_start3A_578 = tpu.memref_squeeze %dma_start3A_577 : memref<1x1024xi32, #tpu.memory_space<vmem>> -> memref<1024xi32, #tpu.memory_space<vmem>>
        %dma_start3A_579 = tpu.memref_slice %arg3[%add3A_569] : memref<3211264xi32, #tpu.memory_space<hbm>> -> memref<1024xi32, #tpu.memory_space<hbm>>
        tpu.enqueue_dma source(%dma_start3A_579 : memref<1024xi32, #tpu.memory_space<hbm>>) target(%dma_start3A_578 : memref<1024xi32, #tpu.memory_space<vmem>>) target_semaphore(%dma_start3A_575 : memref<!tpu.dma_semaphore, #tpu.memory_space<semaphore_mem>>)
        %dma_start3A_580 = arith.constant 0 : i32
        %dma_start3A_581 = tpu.memref_slice %arg12[%rem3A_566, %dma_start3A_580] : memref<4x1024xi32, #tpu.memory_space<vmem>> -> memref<1x1024xi32, #tpu.memory_space<vmem>>
        %dma_start3A_582 = tpu.memref_squeeze %dma_start3A_581 : memref<1x1024xi32, #tpu.memory_space<vmem>> -> memref<1024xi32, #tpu.memory_space<vmem>>
        %dma_start3A_583 = tpu.memref_slice %arg2[%add3A_569] : memref<3211264xi32, #tpu.memory_space<hbm>> -> memref<1024xi32, #tpu.memory_space<hbm>>
        %dma_start3A_584 = tpu.memref_slice %arg16[%rem3A_566] : memref<4x!tpu.dma_semaphore, #tpu.memory_space<semaphore_mem>> -> memref<1x!tpu.dma_semaphore, #tpu.memory_space<semaphore_mem>>
        %dma_start3A_585 = tpu.memref_squeeze %dma_start3A_584 : memref<1x!tpu.dma_semaphore, #tpu.memory_space<semaphore_mem>> -> memref<!tpu.dma_semaphore, #tpu.memory_space<semaphore_mem>>
        %dma_start3A_586 = arith.constant 0 : i32
        %dma_start3A_587 = tpu.memref_slice %arg12[%rem3A_566, %dma_start3A_586] : memref<4x1024xi32, #tpu.memory_space<vmem>> -> memref<1x1024xi32, #tpu.memory_space<vmem>>
        %dma_start3A_588 = tpu.memref_squeeze %dma_start3A_587 : memref<1x1024xi32, #tpu.memory_space<vmem>> -> memref<1024xi32, #tpu.memory_space<vmem>>
        %dma_start3A_589 = tpu.memref_slice %arg2[%add3A_569] : memref<3211264xi32, #tpu.memory_space<hbm>> -> memref<1024xi32, #tpu.memory_space<hbm>>
        tpu.enqueue_dma source(%dma_start3A_589 : memref<1024xi32, #tpu.memory_space<hbm>>) target(%dma_start3A_588 : memref<1024xi32, #tpu.memory_space<vmem>>) target_semaphore(%dma_start3A_585 : memref<!tpu.dma_semaphore, #tpu.memory_space<semaphore_mem>>)
      } else {
      }
    }
    %while3A_68 = arith.constant 1 : i32
    scf.for %while3A_510 = %while3A_66 to %while3A_62 step %while3A_68  : i32 {
      %rem3A_511 = arith.constant 4 : i32
      %rem3A_512 = arith.remsi %while3A_510, %rem3A_511 : i32
      %dma_wait3A_513 = arith.constant 0 : i32
      %dma_wait3A_514 = tpu.memref_slice %arg13[%rem3A_512, %dma_wait3A_513] : memref<4x1024xi32, #tpu.memory_space<vmem>> -> memref<1x1024xi32, #tpu.memory_space<vmem>>
      %dma_wait3A_515 = tpu.memref_squeeze %dma_wait3A_514 : memref<1x1024xi32, #tpu.memory_space<vmem>> -> memref<1024xi32, #tpu.memory_space<vmem>>
      %dma_wait3A_516 = arith.constant 0 : i32
      %dma_wait3A_517 = tpu.memref_slice %arg3[%dma_wait3A_516] : memref<3211264xi32, #tpu.memory_space<hbm>> -> memref<1024xi32, #tpu.memory_space<hbm>>
      %dma_wait3A_518 = tpu.memref_slice %arg16[%rem3A_512] : memref<4x!tpu.dma_semaphore, #tpu.memory_space<semaphore_mem>> -> memref<1x!tpu.dma_semaphore, #tpu.memory_space<semaphore_mem>>
      %dma_wait3A_519 = tpu.memref_squeeze %dma_wait3A_518 : memref<1x!tpu.dma_semaphore, #tpu.memory_space<semaphore_mem>> -> memref<!tpu.dma_semaphore, #tpu.memory_space<semaphore_mem>>
      %dma_wait3A_520 = arith.constant 0 : i32
      %dma_wait3A_521 = tpu.memref_slice %arg13[%rem3A_512, %dma_wait3A_520] : memref<4x1024xi32, #tpu.memory_space<vmem>> -> memref<1x1024xi32, #tpu.memory_space<vmem>>
      %dma_wait3A_522 = tpu.memref_squeeze %dma_wait3A_521 : memref<1x1024xi32, #tpu.memory_space<vmem>> -> memref<1024xi32, #tpu.memory_space<vmem>>
      %dma_wait3A_523 = arith.constant 0 : i32
      %dma_wait3A_524 = tpu.memref_slice %arg3[%dma_wait3A_523] : memref<3211264xi32, #tpu.memory_space<hbm>> -> memref<1024xi32, #tpu.memory_space<hbm>>
      tpu.wait_dma2 semaphore(%dma_wait3A_519 : memref<!tpu.dma_semaphore, #tpu.memory_space<semaphore_mem>>) src(%dma_wait3A_524 : memref<1024xi32, #tpu.memory_space<hbm>>) dst(%dma_wait3A_522 : memref<1024xi32, #tpu.memory_space<vmem>>)
      %dma_wait3A_525 = arith.constant 0 : i32
      %dma_wait3A_526 = tpu.memref_slice %arg12[%rem3A_512, %dma_wait3A_525] : memref<4x1024xi32, #tpu.memory_space<vmem>> -> memref<1x1024xi32, #tpu.memory_space<vmem>>
      %dma_wait3A_527 = tpu.memref_squeeze %dma_wait3A_526 : memref<1x1024xi32, #tpu.memory_space<vmem>> -> memref<1024xi32, #tpu.memory_space<vmem>>
      %dma_wait3A_528 = arith.constant 0 : i32
      %dma_wait3A_529 = tpu.memref_slice %arg2[%dma_wait3A_528] : memref<3211264xi32, #tpu.memory_space<hbm>> -> memref<1024xi32, #tpu.memory_space<hbm>>
      %dma_wait3A_530 = tpu.memref_slice %arg16[%rem3A_512] : memref<4x!tpu.dma_semaphore, #tpu.memory_space<semaphore_mem>> -> memref<1x!tpu.dma_semaphore, #tpu.memory_space<semaphore_mem>>
      %dma_wait3A_531 = tpu.memref_squeeze %dma_wait3A_530 : memref<1x!tpu.dma_semaphore, #tpu.memory_space<semaphore_mem>> -> memref<!tpu.dma_semaphore, #tpu.memory_space<semaphore_mem>>
      %dma_wait3A_532 = arith.constant 0 : i32
      %dma_wait3A_533 = tpu.memref_slice %arg12[%rem3A_512, %dma_wait3A_532] : memref<4x1024xi32, #tpu.memory_space<vmem>> -> memref<1x1024xi32, #tpu.memory_space<vmem>>
      %dma_wait3A_534 = tpu.memref_squeeze %dma_wait3A_533 : memref<1x1024xi32, #tpu.memory_space<vmem>> -> memref<1024xi32, #tpu.memory_space<vmem>>
      %dma_wait3A_535 = arith.constant 0 : i32
      %dma_wait3A_536 = tpu.memref_slice %arg2[%dma_wait3A_535] : memref<3211264xi32, #tpu.memory_space<hbm>> -> memref<1024xi32, #tpu.memory_space<hbm>>
      tpu.wait_dma2 semaphore(%dma_wait3A_531 : memref<!tpu.dma_semaphore, #tpu.memory_space<semaphore_mem>>) src(%dma_wait3A_536 : memref<1024xi32, #tpu.memory_space<hbm>>) dst(%dma_wait3A_534 : memref<1024xi32, #tpu.memory_space<vmem>>)
      %rem3A_537 = arith.constant 4 : i32
      %rem3A_538 = arith.remsi %while3A_510, %rem3A_537 : i32
      %dma_start3A_539 = arith.constant 0 : i32
      %dma_start3A_540 = arith.constant 0 : i32
      %dma_start3A_541 = tpu.memref_slice %arg14[%rem3A_538, %dma_start3A_539, %dma_start3A_540] : memref<4x1024x16xf32, #tpu.memory_space<vmem>> -> memref<1x1024x16xf32, #tpu.memory_space<vmem>>
      %dma_start3A_542 = tpu.memref_squeeze %dma_start3A_541 : memref<1x1024x16xf32, #tpu.memory_space<vmem>> -> memref<1024x16xf32, #tpu.memory_space<vmem>>
      %dma_start3A_543 = arith.constant 0 : i32
      %dma_start3A_544 = tpu.memref_slice %arg12[%rem3A_538, %dma_start3A_543] : memref<4x1024xi32, #tpu.memory_space<vmem>> -> memref<1x1024xi32, #tpu.memory_space<vmem>>
      %dma_start3A_545 = tpu.memref_squeeze %dma_start3A_544 : memref<1x1024xi32, #tpu.memory_space<vmem>> -> memref<1024xi32, #tpu.memory_space<vmem>>
      %dma_start3A_546 = arith.constant 0 : i32
      %dma_start3A_547 = arith.constant 0 : i32
      %dma_start3A_548 = tpu.memref_slice %arg4[%dma_start3A_546, %dma_start3A_547] : memref<50048x16xf32, #tpu.memory_space<hbm>> -> memref<50048x16xf32, #tpu.memory_space<hbm>>
      %dma_start3A_549 = tpu.memref_slice %arg17[%rem3A_538] : memref<4x!tpu.dma_semaphore, #tpu.memory_space<semaphore_mem>> -> memref<1x!tpu.dma_semaphore, #tpu.memory_space<semaphore_mem>>
      %dma_start3A_550 = tpu.memref_squeeze %dma_start3A_549 : memref<1x!tpu.dma_semaphore, #tpu.memory_space<semaphore_mem>> -> memref<!tpu.dma_semaphore, #tpu.memory_space<semaphore_mem>>
      tpu.enqueue_indirect_dma source(%dma_start3A_548 : memref<50048x16xf32, #tpu.memory_space<hbm>>) target(%dma_start3A_542 : memref<1024x16xf32, #tpu.memory_space<vmem>>) offsets(%dma_start3A_545 : memref<1024xi32, #tpu.memory_space<vmem>>) semaphore(%dma_start3A_550 : memref<!tpu.dma_semaphore, #tpu.memory_space<semaphore_mem>>)
      %ge3A = arith.constant 1 : i32
      %ge3A_551 = arith.cmpi sge, %while3A_510, %ge3A : i32
      %convert_element_type3A = arith.extui %ge3A_551 : i1 to i32
      %cond3A = arith.constant 0 : i32
      %cond3A_552 = arith.cmpi ne, %convert_element_type3A, %cond3A : i32
      scf.if %cond3A_552 {
        %sub3A_563 = arith.constant 1 : i32
        %sub3A_564 = arith.subi %while3A_510, %sub3A_563 : i32
        %rem3A_565 = arith.constant 4 : i32
        %rem3A_566 = arith.remsi %sub3A_564, %rem3A_565 : i32
        %dma_wait3A_567 = arith.constant 0 : i32
        %dma_wait3A_568 = arith.constant 0 : i32
        %dma_wait3A_569 = tpu.memref_slice %arg14[%rem3A_566, %dma_wait3A_567, %dma_wait3A_568] : memref<4x1024x16xf32, #tpu.memory_space<vmem>> -> memref<1x1024x16xf32, #tpu.memory_space<vmem>>
        %dma_wait3A_570 = tpu.memref_squeeze %dma_wait3A_569 : memref<1x1024x16xf32, #tpu.memory_space<vmem>> -> memref<1024x16xf32, #tpu.memory_space<vmem>>
        %dma_wait3A_571 = arith.constant 0 : i32
        %dma_wait3A_572 = tpu.memref_slice %arg12[%rem3A_566, %dma_wait3A_571] : memref<4x1024xi32, #tpu.memory_space<vmem>> -> memref<1x1024xi32, #tpu.memory_space<vmem>>
        %dma_wait3A_573 = tpu.memref_squeeze %dma_wait3A_572 : memref<1x1024xi32, #tpu.memory_space<vmem>> -> memref<1024xi32, #tpu.memory_space<vmem>>
        %dma_wait3A_574 = arith.constant 0 : i32
        %dma_wait3A_575 = arith.constant 0 : i32
        %dma_wait3A_576 = tpu.memref_slice %arg4[%dma_wait3A_574, %dma_wait3A_575] : memref<50048x16xf32, #tpu.memory_space<hbm>> -> memref<50048x16xf32, #tpu.memory_space<hbm>>
        %dma_wait3A_577 = tpu.memref_slice %arg17[%rem3A_566] : memref<4x!tpu.dma_semaphore, #tpu.memory_space<semaphore_mem>> -> memref<1x!tpu.dma_semaphore, #tpu.memory_space<semaphore_mem>>
        %dma_wait3A_578 = tpu.memref_squeeze %dma_wait3A_577 : memref<1x!tpu.dma_semaphore, #tpu.memory_space<semaphore_mem>> -> memref<!tpu.dma_semaphore, #tpu.memory_space<semaphore_mem>>
        tpu.wait_indirect_dma semaphore(%dma_wait3A_578 : memref<!tpu.dma_semaphore, #tpu.memory_space<semaphore_mem>>) src(%dma_wait3A_576 : memref<50048x16xf32, #tpu.memory_space<hbm>>) dst(%dma_wait3A_570 : memref<1024x16xf32, #tpu.memory_space<vmem>>)
        %sub3A_579 = arith.constant 1 : i32
        %sub3A_580 = arith.subi %while3A_510, %sub3A_579 : i32
        %rem3A_581 = arith.constant 4 : i32
        %rem3A_582 = arith.remsi %sub3A_580, %rem3A_581 : i32
        %dma_start3A_583 = arith.constant 0 : i32
        %dma_start3A_584 = arith.constant 0 : i32
        %dma_start3A_585 = tpu.memref_slice %arg14[%rem3A_582, %dma_start3A_583, %dma_start3A_584] : memref<4x1024x16xf32, #tpu.memory_space<vmem>> -> memref<1x1024x16xf32, #tpu.memory_space<vmem>>
        %dma_start3A_586 = tpu.memref_squeeze %dma_start3A_585 : memref<1x1024x16xf32, #tpu.memory_space<vmem>> -> memref<1024x16xf32, #tpu.memory_space<vmem>>
        %dma_start3A_587 = arith.constant 0 : i32
        %dma_start3A_588 = tpu.memref_slice %arg13[%rem3A_582, %dma_start3A_587] : memref<4x1024xi32, #tpu.memory_space<vmem>> -> memref<1x1024xi32, #tpu.memory_space<vmem>>
        %dma_start3A_589 = tpu.memref_squeeze %dma_start3A_588 : memref<1x1024xi32, #tpu.memory_space<vmem>> -> memref<1024xi32, #tpu.memory_space<vmem>>
        %dma_start3A_590 = arith.constant 0 : i32
        %dma_start3A_591 = arith.constant 0 : i32
        %dma_start3A_592 = tpu.memref_slice %arg15[%dma_start3A_590, %dma_start3A_591] : memref<50048x16xf32, #tpu.memory_space<vmem_shared>> -> memref<50048x16xf32, #tpu.memory_space<vmem_shared>>
        %dma_start3A_593 = tpu.memref_slice %arg18[%rem3A_582] : memref<4x!tpu.dma_semaphore, #tpu.memory_space<semaphore_mem>> -> memref<1x!tpu.dma_semaphore, #tpu.memory_space<semaphore_mem>>
        %dma_start3A_594 = tpu.memref_squeeze %dma_start3A_593 : memref<1x!tpu.dma_semaphore, #tpu.memory_space<semaphore_mem>> -> memref<!tpu.dma_semaphore, #tpu.memory_space<semaphore_mem>>
        tpu.enqueue_indirect_dma source(%dma_start3A_586 : memref<1024x16xf32, #tpu.memory_space<vmem>>) target(%dma_start3A_592 : memref<50048x16xf32, #tpu.memory_space<vmem_shared>>) offsets(%dma_start3A_589 : memref<1024xi32, #tpu.memory_space<vmem>>) semaphore(%dma_start3A_594 : memref<!tpu.dma_semaphore, #tpu.memory_space<semaphore_mem>>) {add = true}
      } else {
      }
      %ge3A_553 = arith.constant 2 : i32
      %ge3A_554 = arith.cmpi sge, %while3A_510, %ge3A_553 : i32
      %convert_element_type3A_555 = arith.extui %ge3A_554 : i1 to i32
      %cond3A_556 = arith.constant 0 : i32
      %cond3A_557 = arith.cmpi ne, %convert_element_type3A_555, %cond3A_556 : i32
      scf.if %cond3A_557 {
        %sub3A_563 = arith.constant 2 : i32
        %sub3A_564 = arith.subi %while3A_510, %sub3A_563 : i32
        %rem3A_565 = arith.constant 4 : i32
        %rem3A_566 = arith.remsi %sub3A_564, %rem3A_565 : i32
        %dma_wait3A_567 = arith.constant 0 : i32
        %dma_wait3A_568 = arith.constant 0 : i32
        %dma_wait3A_569 = tpu.memref_slice %arg14[%rem3A_566, %dma_wait3A_567, %dma_wait3A_568] : memref<4x1024x16xf32, #tpu.memory_space<vmem>> -> memref<1x1024x16xf32, #tpu.memory_space<vmem>>
        %dma_wait3A_570 = tpu.memref_squeeze %dma_wait3A_569 : memref<1x1024x16xf32, #tpu.memory_space<vmem>> -> memref<1024x16xf32, #tpu.memory_space<vmem>>
        %dma_wait3A_571 = arith.constant 0 : i32
        %dma_wait3A_572 = tpu.memref_slice %arg13[%rem3A_566, %dma_wait3A_571] : memref<4x1024xi32, #tpu.memory_space<vmem>> -> memref<1x1024xi32, #tpu.memory_space<vmem>>
        %dma_wait3A_573 = tpu.memref_squeeze %dma_wait3A_572 : memref<1x1024xi32, #tpu.memory_space<vmem>> -> memref<1024xi32, #tpu.memory_space<vmem>>
        %dma_wait3A_574 = arith.constant 0 : i32
        %dma_wait3A_575 = arith.constant 0 : i32
        %dma_wait3A_576 = tpu.memref_slice %arg15[%dma_wait3A_574, %dma_wait3A_575] : memref<50048x16xf32, #tpu.memory_space<vmem_shared>> -> memref<50048x16xf32, #tpu.memory_space<vmem_shared>>
        %dma_wait3A_577 = tpu.memref_slice %arg18[%rem3A_566] : memref<4x!tpu.dma_semaphore, #tpu.memory_space<semaphore_mem>> -> memref<1x!tpu.dma_semaphore, #tpu.memory_space<semaphore_mem>>
        %dma_wait3A_578 = tpu.memref_squeeze %dma_wait3A_577 : memref<1x!tpu.dma_semaphore, #tpu.memory_space<semaphore_mem>> -> memref<!tpu.dma_semaphore, #tpu.memory_space<semaphore_mem>>
        tpu.wait_indirect_dma semaphore(%dma_wait3A_578 : memref<!tpu.dma_semaphore, #tpu.memory_space<semaphore_mem>>) src(%dma_wait3A_570 : memref<1024x16xf32, #tpu.memory_space<vmem>>) dst(%dma_wait3A_576 : memref<50048x16xf32, #tpu.memory_space<vmem_shared>>)
      } else {
      }
      %add3A_558 = arith.constant 2 : i32
      %add3A_559 = arith.addi %while3A_510, %add3A_558 : i32
      %lt3A = arith.cmpi slt, %add3A_559, %add3A_3 : i32
      %convert_element_type3A_560 = arith.extui %lt3A : i1 to i32
      %cond3A_561 = arith.constant 0 : i32
      %cond3A_562 = arith.cmpi ne, %convert_element_type3A_560, %cond3A_561 : i32
      scf.if %cond3A_562 {
        %add3A_563 = arith.constant 2 : i32
        %add3A_564 = arith.addi %while3A_510, %add3A_563 : i32
        %rem3A_565 = arith.constant 4 : i32
        %rem3A_566 = arith.remsi %add3A_564, %rem3A_565 : i32
        %mul3A_567 = arith.constant 1024 : i32
        %mul3A_568 = arith.muli %add3A_564, %mul3A_567 : i32
        %add3A_569 = arith.addi %mul3A_11, %mul3A_568 : i32
        %dma_start3A_570 = arith.constant 0 : i32
        %dma_start3A_571 = tpu.memref_slice %arg13[%rem3A_566, %dma_start3A_570] : memref<4x1024xi32, #tpu.memory_space<vmem>> -> memref<1x1024xi32, #tpu.memory_space<vmem>>
        %dma_start3A_572 = tpu.memref_squeeze %dma_start3A_571 : memref<1x1024xi32, #tpu.memory_space<vmem>> -> memref<1024xi32, #tpu.memory_space<vmem>>
        %dma_start3A_573 = tpu.memref_slice %arg3[%add3A_569] : memref<3211264xi32, #tpu.memory_space<hbm>> -> memref<1024xi32, #tpu.memory_space<hbm>>
        %dma_start3A_574 = tpu.memref_slice %arg16[%rem3A_566] : memref<4x!tpu.dma_semaphore, #tpu.memory_space<semaphore_mem>> -> memref<1x!tpu.dma_semaphore, #tpu.memory_space<semaphore_mem>>
        %dma_start3A_575 = tpu.memref_squeeze %dma_start3A_574 : memref<1x!tpu.dma_semaphore, #tpu.memory_space<semaphore_mem>> -> memref<!tpu.dma_semaphore, #tpu.memory_space<semaphore_mem>>
        %dma_start3A_576 = arith.constant 0 : i32
        %dma_start3A_577 = tpu.memref_slice %arg13[%rem3A_566, %dma_start3A_576] : memref<4x1024xi32, #tpu.memory_space<vmem>> -> memref<1x1024xi32, #tpu.memory_space<vmem>>
        %dma_start3A_578 = tpu.memref_squeeze %dma_start3A_577 : memref<1x1024xi32, #tpu.memory_space<vmem>> -> memref<1024xi32, #tpu.memory_space<vmem>>
        %dma_start3A_579 = tpu.memref_slice %arg3[%add3A_569] : memref<3211264xi32, #tpu.memory_space<hbm>> -> memref<1024xi32, #tpu.memory_space<hbm>>
        tpu.enqueue_dma source(%dma_start3A_579 : memref<1024xi32, #tpu.memory_space<hbm>>) target(%dma_start3A_578 : memref<1024xi32, #tpu.memory_space<vmem>>) target_semaphore(%dma_start3A_575 : memref<!tpu.dma_semaphore, #tpu.memory_space<semaphore_mem>>)
        %dma_start3A_580 = arith.constant 0 : i32
        %dma_start3A_581 = tpu.memref_slice %arg12[%rem3A_566, %dma_start3A_580] : memref<4x1024xi32, #tpu.memory_space<vmem>> -> memref<1x1024xi32, #tpu.memory_space<vmem>>
        %dma_start3A_582 = tpu.memref_squeeze %dma_start3A_581 : memref<1x1024xi32, #tpu.memory_space<vmem>> -> memref<1024xi32, #tpu.memory_space<vmem>>
        %dma_start3A_583 = tpu.memref_slice %arg2[%add3A_569] : memref<3211264xi32, #tpu.memory_space<hbm>> -> memref<1024xi32, #tpu.memory_space<hbm>>
        %dma_start3A_584 = tpu.memref_slice %arg16[%rem3A_566] : memref<4x!tpu.dma_semaphore, #tpu.memory_space<semaphore_mem>> -> memref<1x!tpu.dma_semaphore, #tpu.memory_space<semaphore_mem>>
        %dma_start3A_585 = tpu.memref_squeeze %dma_start3A_584 : memref<1x!tpu.dma_semaphore, #tpu.memory_space<semaphore_mem>> -> memref<!tpu.dma_semaphore, #tpu.memory_space<semaphore_mem>>
        %dma_start3A_586 = arith.constant 0 : i32
        %dma_start3A_587 = tpu.memref_slice %arg12[%rem3A_566, %dma_start3A_586] : memref<4x1024xi32, #tpu.memory_space<vmem>> -> memref<1x1024xi32, #tpu.memory_space<vmem>>
        %dma_start3A_588 = tpu.memref_squeeze %dma_start3A_587 : memref<1x1024xi32, #tpu.memory_space<vmem>> -> memref<1024xi32, #tpu.memory_space<vmem>>
        %dma_start3A_589 = tpu.memref_slice %arg2[%add3A_569] : memref<3211264xi32, #tpu.memory_space<hbm>> -> memref<1024xi32, #tpu.memory_space<hbm>>
        tpu.enqueue_dma source(%dma_start3A_589 : memref<1024xi32, #tpu.memory_space<hbm>>) target(%dma_start3A_588 : memref<1024xi32, #tpu.memory_space<vmem>>) target_semaphore(%dma_start3A_585 : memref<!tpu.dma_semaphore, #tpu.memory_space<semaphore_mem>>)
      } else {
      }
    }
    %sub3A = arith.constant 1 : i32
    %sub3A_69 = arith.subi %add3A_3, %sub3A : i32
    %rem3A_70 = arith.constant 4 : i32
    %rem3A_71 = arith.remsi %sub3A_69, %rem3A_70 : i32
    %dma_wait3A = arith.constant 0 : i32
    %dma_wait3A_72 = arith.constant 0 : i32
    %dma_wait3A_73 = tpu.memref_slice %arg14[%rem3A_71, %dma_wait3A, %dma_wait3A_72] : memref<4x1024x16xf32, #tpu.memory_space<vmem>> -> memref<1x1024x16xf32, #tpu.memory_space<vmem>>
    %dma_wait3A_74 = tpu.memref_squeeze %dma_wait3A_73 : memref<1x1024x16xf32, #tpu.memory_space<vmem>> -> memref<1024x16xf32, #tpu.memory_space<vmem>>
    %dma_wait3A_75 = arith.constant 0 : i32
    %dma_wait3A_76 = tpu.memref_slice %arg12[%rem3A_71, %dma_wait3A_75] : memref<4x1024xi32, #tpu.memory_space<vmem>> -> memref<1x1024xi32, #tpu.memory_space<vmem>>
    %dma_wait3A_77 = tpu.memref_squeeze %dma_wait3A_76 : memref<1x1024xi32, #tpu.memory_space<vmem>> -> memref<1024xi32, #tpu.memory_space<vmem>>
    %dma_wait3A_78 = arith.constant 0 : i32
    %dma_wait3A_79 = arith.constant 0 : i32
    %dma_wait3A_80 = tpu.memref_slice %arg4[%dma_wait3A_78, %dma_wait3A_79] : memref<50048x16xf32, #tpu.memory_space<hbm>> -> memref<50048x16xf32, #tpu.memory_space<hbm>>
    %dma_wait3A_81 = tpu.memref_slice %arg17[%rem3A_71] : memref<4x!tpu.dma_semaphore, #tpu.memory_space<semaphore_mem>> -> memref<1x!tpu.dma_semaphore, #tpu.memory_space<semaphore_mem>>
    %dma_wait3A_82 = tpu.memref_squeeze %dma_wait3A_81 : memref<1x!tpu.dma_semaphore, #tpu.memory_space<semaphore_mem>> -> memref<!tpu.dma_semaphore, #tpu.memory_space<semaphore_mem>>
    tpu.wait_indirect_dma semaphore(%dma_wait3A_82 : memref<!tpu.dma_semaphore, #tpu.memory_space<semaphore_mem>>) src(%dma_wait3A_80 : memref<50048x16xf32, #tpu.memory_space<hbm>>) dst(%dma_wait3A_74 : memref<1024x16xf32, #tpu.memory_space<vmem>>)
    %sub3A_83 = arith.constant 1 : i32
    %sub3A_84 = arith.subi %add3A_3, %sub3A_83 : i32
    %rem3A_85 = arith.constant 4 : i32
    %rem3A_86 = arith.remsi %sub3A_84, %rem3A_85 : i32
    %dma_start3A_87 = arith.constant 0 : i32
    %dma_start3A_88 = arith.constant 0 : i32
    %dma_start3A_89 = tpu.memref_slice %arg14[%rem3A_86, %dma_start3A_87, %dma_start3A_88] : memref<4x1024x16xf32, #tpu.memory_space<vmem>> -> memref<1x1024x16xf32, #tpu.memory_space<vmem>>
    %dma_start3A_90 = tpu.memref_squeeze %dma_start3A_89 : memref<1x1024x16xf32, #tpu.memory_space<vmem>> -> memref<1024x16xf32, #tpu.memory_space<vmem>>
    %dma_start3A_91 = arith.constant 0 : i32
    %dma_start3A_92 = tpu.memref_slice %arg13[%rem3A_86, %dma_start3A_91] : memref<4x1024xi32, #tpu.memory_space<vmem>> -> memref<1x1024xi32, #tpu.memory_space<vmem>>
    %dma_start3A_93 = tpu.memref_squeeze %dma_start3A_92 : memref<1x1024xi32, #tpu.memory_space<vmem>> -> memref<1024xi32, #tpu.memory_space<vmem>>
    %dma_start3A_94 = arith.constant 0 : i32
    %dma_start3A_95 = arith.constant 0 : i32
    %dma_start3A_96 = tpu.memref_slice %arg15[%dma_start3A_94, %dma_start3A_95] : memref<50048x16xf32, #tpu.memory_space<vmem_shared>> -> memref<50048x16xf32, #tpu.memory_space<vmem_shared>>
    %dma_start3A_97 = tpu.memref_slice %arg18[%rem3A_86] : memref<4x!tpu.dma_semaphore, #tpu.memory_space<semaphore_mem>> -> memref<1x!tpu.dma_semaphore, #tpu.memory_space<semaphore_mem>>
    %dma_start3A_98 = tpu.memref_squeeze %dma_start3A_97 : memref<1x!tpu.dma_semaphore, #tpu.memory_space<semaphore_mem>> -> memref<!tpu.dma_semaphore, #tpu.memory_space<semaphore_mem>>
    tpu.enqueue_indirect_dma source(%dma_start3A_90 : memref<1024x16xf32, #tpu.memory_space<vmem>>) target(%dma_start3A_96 : memref<50048x16xf32, #tpu.memory_space<vmem_shared>>) offsets(%dma_start3A_93 : memref<1024xi32, #tpu.memory_space<vmem>>) semaphore(%dma_start3A_98 : memref<!tpu.dma_semaphore, #tpu.memory_space<semaphore_mem>>) {add = true}
    %sub3A_99 = arith.constant 2 : i32
    %sub3A_100 = arith.subi %add3A_3, %sub3A_99 : i32
    %rem3A_101 = arith.constant 4 : i32
    %rem3A_102 = arith.remsi %sub3A_100, %rem3A_101 : i32
    %dma_wait3A_103 = arith.constant 0 : i32
    %dma_wait3A_104 = arith.constant 0 : i32
    %dma_wait3A_105 = tpu.memref_slice %arg14[%rem3A_102, %dma_wait3A_103, %dma_wait3A_104] : memref<4x1024x16xf32, #tpu.memory_space<vmem>> -> memref<1x1024x16xf32, #tpu.memory_space<vmem>>
    %dma_wait3A_106 = tpu.memref_squeeze %dma_wait3A_105 : memref<1x1024x16xf32, #tpu.memory_space<vmem>> -> memref<1024x16xf32, #tpu.memory_space<vmem>>
    %dma_wait3A_107 = arith.constant 0 : i32
    %dma_wait3A_108 = tpu.memref_slice %arg13[%rem3A_102, %dma_wait3A_107] : memref<4x1024xi32, #tpu.memory_space<vmem>> -> memref<1x1024xi32, #tpu.memory_space<vmem>>
    %dma_wait3A_109 = tpu.memref_squeeze %dma_wait3A_108 : memref<1x1024xi32, #tpu.memory_space<vmem>> -> memref<1024xi32, #tpu.memory_space<vmem>>
    %dma_wait3A_110 = arith.constant 0 : i32
    %dma_wait3A_111 = arith.constant 0 : i32
    %dma_wait3A_112 = tpu.memref_slice %arg15[%dma_wait3A_110, %dma_wait3A_111] : memref<50048x16xf32, #tpu.memory_space<vmem_shared>> -> memref<50048x16xf32, #tpu.memory_space<vmem_shared>>
    %dma_wait3A_113 = tpu.memref_slice %arg18[%rem3A_102] : memref<4x!tpu.dma_semaphore, #tpu.memory_space<semaphore_mem>> -> memref<1x!tpu.dma_semaphore, #tpu.memory_space<semaphore_mem>>
    %dma_wait3A_114 = tpu.memref_squeeze %dma_wait3A_113 : memref<1x!tpu.dma_semaphore, #tpu.memory_space<semaphore_mem>> -> memref<!tpu.dma_semaphore, #tpu.memory_space<semaphore_mem>>
    tpu.wait_indirect_dma semaphore(%dma_wait3A_114 : memref<!tpu.dma_semaphore, #tpu.memory_space<semaphore_mem>>) src(%dma_wait3A_106 : memref<1024x16xf32, #tpu.memory_space<vmem>>) dst(%dma_wait3A_112 : memref<50048x16xf32, #tpu.memory_space<vmem_shared>>)
    %sub3A_115 = arith.constant 1 : i32
    %sub3A_116 = arith.subi %add3A_3, %sub3A_115 : i32
    %rem3A_117 = arith.constant 4 : i32
    %rem3A_118 = arith.remsi %sub3A_116, %rem3A_117 : i32
    %dma_wait3A_119 = arith.constant 0 : i32
    %dma_wait3A_120 = arith.constant 0 : i32
    %dma_wait3A_121 = tpu.memref_slice %arg14[%rem3A_118, %dma_wait3A_119, %dma_wait3A_120] : memref<4x1024x16xf32, #tpu.memory_space<vmem>> -> memref<1x1024x16xf32, #tpu.memory_space<vmem>>
    %dma_wait3A_122 = tpu.memref_squeeze %dma_wait3A_121 : memref<1x1024x16xf32, #tpu.memory_space<vmem>> -> memref<1024x16xf32, #tpu.memory_space<vmem>>
    %dma_wait3A_123 = arith.constant 0 : i32
    %dma_wait3A_124 = tpu.memref_slice %arg13[%rem3A_118, %dma_wait3A_123] : memref<4x1024xi32, #tpu.memory_space<vmem>> -> memref<1x1024xi32, #tpu.memory_space<vmem>>
    %dma_wait3A_125 = tpu.memref_squeeze %dma_wait3A_124 : memref<1x1024xi32, #tpu.memory_space<vmem>> -> memref<1024xi32, #tpu.memory_space<vmem>>
    %dma_wait3A_126 = arith.constant 0 : i32
    %dma_wait3A_127 = arith.constant 0 : i32
    %dma_wait3A_128 = tpu.memref_slice %arg15[%dma_wait3A_126, %dma_wait3A_127] : memref<50048x16xf32, #tpu.memory_space<vmem_shared>> -> memref<50048x16xf32, #tpu.memory_space<vmem_shared>>
    %dma_wait3A_129 = tpu.memref_slice %arg18[%rem3A_118] : memref<4x!tpu.dma_semaphore, #tpu.memory_space<semaphore_mem>> -> memref<1x!tpu.dma_semaphore, #tpu.memory_space<semaphore_mem>>
    %dma_wait3A_130 = tpu.memref_squeeze %dma_wait3A_129 : memref<1x!tpu.dma_semaphore, #tpu.memory_space<semaphore_mem>> -> memref<!tpu.dma_semaphore, #tpu.memory_space<semaphore_mem>>
    tpu.wait_indirect_dma semaphore(%dma_wait3A_130 : memref<!tpu.dma_semaphore, #tpu.memory_space<semaphore_mem>>) src(%dma_wait3A_122 : memref<1024x16xf32, #tpu.memory_space<vmem>>) dst(%dma_wait3A_128 : memref<50048x16xf32, #tpu.memory_space<vmem_shared>>)
    %barrier3A_131 = arith.constant 0 : index
    tpu.barrier barrier_id(%barrier3A_131)
    "tpu.region"() ({
      %run_scoped3A = tpu.sem_alloc : memref<!tpu.dma_semaphore, #tpu.memory_space<semaphore_mem>>
      %dma_start3A_510 = arith.constant 0 : i32
      %dma_start3A_511 = arith.constant 0 : i32
      %dma_start3A_512 = tpu.memref_slice %arg8[%arg0, %dma_start3A_510, %dma_start3A_511] : memref<2x50048x16xf32, #tpu.memory_space<hbm>> -> memref<1x50048x16xf32, #tpu.memory_space<hbm>>
      %dma_start3A_513 = tpu.memref_squeeze %dma_start3A_512 : memref<1x50048x16xf32, #tpu.memory_space<hbm>> -> memref<50048x16xf32, #tpu.memory_space<hbm>>
      %dma_start3A_514 = arith.constant 0 : i32
      %dma_start3A_515 = tpu.memref_slice %dma_start3A_513[%mul3A_0, %dma_start3A_514] : memref<50048x16xf32, #tpu.memory_space<hbm>> -> memref<3128x16xf32, #tpu.memory_space<hbm>>
      %dma_start3A_516 = arith.constant 0 : i32
      %dma_start3A_517 = tpu.memref_slice %arg15[%mul3A_0, %dma_start3A_516] : memref<50048x16xf32, #tpu.memory_space<vmem_shared>> -> memref<3128x16xf32, #tpu.memory_space<vmem_shared>>
      tpu.enqueue_dma source(%dma_start3A_517 : memref<3128x16xf32, #tpu.memory_space<vmem_shared>>) target(%dma_start3A_515 : memref<3128x16xf32, #tpu.memory_space<hbm>>) target_semaphore(%run_scoped3A : memref<!tpu.dma_semaphore, #tpu.memory_space<semaphore_mem>>)
      %dma_wait3A_518 = arith.constant 0 : i32
      %dma_wait3A_519 = arith.constant 0 : i32
      %dma_wait3A_520 = tpu.memref_slice %arg8[%arg0, %dma_wait3A_518, %dma_wait3A_519] : memref<2x50048x16xf32, #tpu.memory_space<hbm>> -> memref<1x50048x16xf32, #tpu.memory_space<hbm>>
      %dma_wait3A_521 = tpu.memref_squeeze %dma_wait3A_520 : memref<1x50048x16xf32, #tpu.memory_space<hbm>> -> memref<50048x16xf32, #tpu.memory_space<hbm>>
      %dma_wait3A_522 = arith.constant 0 : i32
      %dma_wait3A_523 = tpu.memref_slice %dma_wait3A_521[%mul3A_0, %dma_wait3A_522] : memref<50048x16xf32, #tpu.memory_space<hbm>> -> memref<3128x16xf32, #tpu.memory_space<hbm>>
      %dma_wait3A_524 = arith.constant 0 : i32
      %dma_wait3A_525 = tpu.memref_slice %arg15[%mul3A_0, %dma_wait3A_524] : memref<50048x16xf32, #tpu.memory_space<vmem_shared>> -> memref<3128x16xf32, #tpu.memory_space<vmem_shared>>
      tpu.wait_dma2 semaphore(%run_scoped3A : memref<!tpu.dma_semaphore, #tpu.memory_space<semaphore_mem>>) src(%dma_wait3A_525 : memref<3128x16xf32, #tpu.memory_space<vmem_shared>>) dst(%dma_wait3A_523 : memref<3128x16xf32, #tpu.memory_space<hbm>>)
      tpu.yield
    }) : () -> ()
    "tpu.region"() ({
      %run_scoped3A = tpu.sem_alloc : memref<!tpu.dma_semaphore, #tpu.memory_space<semaphore_mem>>
      %dma_start3A_510 = arith.constant 0 : i32
      %dma_start3A_511 = tpu.memref_slice %arg15[%mul3A_0, %dma_start3A_510] : memref<50048x16xf32, #tpu.memory_space<vmem_shared>> -> memref<3128x16xf32, #tpu.memory_space<vmem_shared>>
      %dma_start3A_512 = arith.constant 0 : i32
      %dma_start3A_513 = tpu.memref_slice %arg5[%mul3A_0, %dma_start3A_512] : memref<50048x16xf32, #tpu.memory_space<hbm>> -> memref<3128x16xf32, #tpu.memory_space<hbm>>
      tpu.enqueue_dma source(%dma_start3A_513 : memref<3128x16xf32, #tpu.memory_space<hbm>>) target(%dma_start3A_511 : memref<3128x16xf32, #tpu.memory_space<vmem_shared>>) target_semaphore(%run_scoped3A : memref<!tpu.dma_semaphore, #tpu.memory_space<semaphore_mem>>)
      %dma_wait3A_514 = arith.constant 0 : i32
      %dma_wait3A_515 = tpu.memref_slice %arg15[%mul3A_0, %dma_wait3A_514] : memref<50048x16xf32, #tpu.memory_space<vmem_shared>> -> memref<3128x16xf32, #tpu.memory_space<vmem_shared>>
      %dma_wait3A_516 = arith.constant 0 : i32
      %dma_wait3A_517 = tpu.memref_slice %arg5[%mul3A_0, %dma_wait3A_516] : memref<50048x16xf32, #tpu.memory_space<hbm>> -> memref<3128x16xf32, #tpu.memory_space<hbm>>
      tpu.wait_dma2 semaphore(%run_scoped3A : memref<!tpu.dma_semaphore, #tpu.memory_space<semaphore_mem>>) src(%dma_wait3A_517 : memref<3128x16xf32, #tpu.memory_space<hbm>>) dst(%dma_wait3A_515 : memref<3128x16xf32, #tpu.memory_space<vmem_shared>>)
      tpu.yield
    }) : () -> ()
    %barrier3A_132 = arith.constant 0 : index
    tpu.barrier barrier_id(%barrier3A_132)
    %rem3A_133 = arith.constant 0 : i32
    %rem3A_134 = arith.constant 4 : i32
    %rem3A_135 = arith.remsi %rem3A_133, %rem3A_134 : i32
    %add3A_136 = arith.constant 0 : i32
    %add3A_137 = arith.addi %mul3A_11, %add3A_136 : i32
    %dma_start3A_138 = arith.constant 0 : i32
    %dma_start3A_139 = tpu.memref_slice %arg13[%rem3A_135, %dma_start3A_138] : memref<4x1024xi32, #tpu.memory_space<vmem>> -> memref<1x1024xi32, #tpu.memory_space<vmem>>
    %dma_start3A_140 = tpu.memref_squeeze %dma_start3A_139 : memref<1x1024xi32, #tpu.memory_space<vmem>> -> memref<1024xi32, #tpu.memory_space<vmem>>
    %dma_start3A_141 = tpu.memref_slice %arg3[%add3A_137] : memref<3211264xi32, #tpu.memory_space<hbm>> -> memref<1024xi32, #tpu.memory_space<hbm>>
    %dma_start3A_142 = tpu.memref_slice %arg16[%rem3A_135] : memref<4x!tpu.dma_semaphore, #tpu.memory_space<semaphore_mem>> -> memref<1x!tpu.dma_semaphore, #tpu.memory_space<semaphore_mem>>
    %dma_start3A_143 = tpu.memref_squeeze %dma_start3A_142 : memref<1x!tpu.dma_semaphore, #tpu.memory_space<semaphore_mem>> -> memref<!tpu.dma_semaphore, #tpu.memory_space<semaphore_mem>>
    %dma_start3A_144 = arith.constant 0 : i32
    %dma_start3A_145 = tpu.memref_slice %arg13[%rem3A_135, %dma_start3A_144] : memref<4x1024xi32, #tpu.memory_space<vmem>> -> memref<1x1024xi32, #tpu.memory_space<vmem>>
    %dma_start3A_146 = tpu.memref_squeeze %dma_start3A_145 : memref<1x1024xi32, #tpu.memory_space<vmem>> -> memref<1024xi32, #tpu.memory_space<vmem>>
    %dma_start3A_147 = tpu.memref_slice %arg3[%add3A_137] : memref<3211264xi32, #tpu.memory_space<hbm>> -> memref<1024xi32, #tpu.memory_space<hbm>>
    tpu.enqueue_dma source(%dma_start3A_147 : memref<1024xi32, #tpu.memory_space<hbm>>) target(%dma_start3A_146 : memref<1024xi32, #tpu.memory_space<vmem>>) target_semaphore(%dma_start3A_143 : memref<!tpu.dma_semaphore, #tpu.memory_space<semaphore_mem>>)
    %dma_start3A_148 = arith.constant 0 : i32
    %dma_start3A_149 = tpu.memref_slice %arg12[%rem3A_135, %dma_start3A_148] : memref<4x1024xi32, #tpu.memory_space<vmem>> -> memref<1x1024xi32, #tpu.memory_space<vmem>>
    %dma_start3A_150 = tpu.memref_squeeze %dma_start3A_149 : memref<1x1024xi32, #tpu.memory_space<vmem>> -> memref<1024xi32, #tpu.memory_space<vmem>>
    %dma_start3A_151 = tpu.memref_slice %arg2[%add3A_137] : memref<3211264xi32, #tpu.memory_space<hbm>> -> memref<1024xi32, #tpu.memory_space<hbm>>
    %dma_start3A_152 = tpu.memref_slice %arg16[%rem3A_135] : memref<4x!tpu.dma_semaphore, #tpu.memory_space<semaphore_mem>> -> memref<1x!tpu.dma_semaphore, #tpu.memory_space<semaphore_mem>>
    %dma_start3A_153 = tpu.memref_squeeze %dma_start3A_152 : memref<1x!tpu.dma_semaphore, #tpu.memory_space<semaphore_mem>> -> memref<!tpu.dma_semaphore, #tpu.memory_space<semaphore_mem>>
    %dma_start3A_154 = arith.constant 0 : i32
    %dma_start3A_155 = tpu.memref_slice %arg12[%rem3A_135, %dma_start3A_154] : memref<4x1024xi32, #tpu.memory_space<vmem>> -> memref<1x1024xi32, #tpu.memory_space<vmem>>
    %dma_start3A_156 = tpu.memref_squeeze %dma_start3A_155 : memref<1x1024xi32, #tpu.memory_space<vmem>> -> memref<1024xi32, #tpu.memory_space<vmem>>
    %dma_start3A_157 = tpu.memref_slice %arg2[%add3A_137] : memref<3211264xi32, #tpu.memory_space<hbm>> -> memref<1024xi32, #tpu.memory_space<hbm>>
    tpu.enqueue_dma source(%dma_start3A_157 : memref<1024xi32, #tpu.memory_space<hbm>>) target(%dma_start3A_156 : memref<1024xi32, #tpu.memory_space<vmem>>) target_semaphore(%dma_start3A_153 : memref<!tpu.dma_semaphore, #tpu.memory_space<semaphore_mem>>)
    %rem3A_158 = arith.constant 1 : i32
    %rem3A_159 = arith.constant 4 : i32
    %rem3A_160 = arith.remsi %rem3A_158, %rem3A_159 : i32
    %add3A_161 = arith.constant 1024 : i32
    %add3A_162 = arith.addi %mul3A_11, %add3A_161 : i32
    %dma_start3A_163 = arith.constant 0 : i32
    %dma_start3A_164 = tpu.memref_slice %arg13[%rem3A_160, %dma_start3A_163] : memref<4x1024xi32, #tpu.memory_space<vmem>> -> memref<1x1024xi32, #tpu.memory_space<vmem>>
    %dma_start3A_165 = tpu.memref_squeeze %dma_start3A_164 : memref<1x1024xi32, #tpu.memory_space<vmem>> -> memref<1024xi32, #tpu.memory_space<vmem>>
    %dma_start3A_166 = tpu.memref_slice %arg3[%add3A_162] : memref<3211264xi32, #tpu.memory_space<hbm>> -> memref<1024xi32, #tpu.memory_space<hbm>>
    %dma_start3A_167 = tpu.memref_slice %arg16[%rem3A_160] : memref<4x!tpu.dma_semaphore, #tpu.memory_space<semaphore_mem>> -> memref<1x!tpu.dma_semaphore, #tpu.memory_space<semaphore_mem>>
    %dma_start3A_168 = tpu.memref_squeeze %dma_start3A_167 : memref<1x!tpu.dma_semaphore, #tpu.memory_space<semaphore_mem>> -> memref<!tpu.dma_semaphore, #tpu.memory_space<semaphore_mem>>
    %dma_start3A_169 = arith.constant 0 : i32
    %dma_start3A_170 = tpu.memref_slice %arg13[%rem3A_160, %dma_start3A_169] : memref<4x1024xi32, #tpu.memory_space<vmem>> -> memref<1x1024xi32, #tpu.memory_space<vmem>>
    %dma_start3A_171 = tpu.memref_squeeze %dma_start3A_170 : memref<1x1024xi32, #tpu.memory_space<vmem>> -> memref<1024xi32, #tpu.memory_space<vmem>>
    %dma_start3A_172 = tpu.memref_slice %arg3[%add3A_162] : memref<3211264xi32, #tpu.memory_space<hbm>> -> memref<1024xi32, #tpu.memory_space<hbm>>
    tpu.enqueue_dma source(%dma_start3A_172 : memref<1024xi32, #tpu.memory_space<hbm>>) target(%dma_start3A_171 : memref<1024xi32, #tpu.memory_space<vmem>>) target_semaphore(%dma_start3A_168 : memref<!tpu.dma_semaphore, #tpu.memory_space<semaphore_mem>>)
    %dma_start3A_173 = arith.constant 0 : i32
    %dma_start3A_174 = tpu.memref_slice %arg12[%rem3A_160, %dma_start3A_173] : memref<4x1024xi32, #tpu.memory_space<vmem>> -> memref<1x1024xi32, #tpu.memory_space<vmem>>
    %dma_start3A_175 = tpu.memref_squeeze %dma_start3A_174 : memref<1x1024xi32, #tpu.memory_space<vmem>> -> memref<1024xi32, #tpu.memory_space<vmem>>
    %dma_start3A_176 = tpu.memref_slice %arg2[%add3A_162] : memref<3211264xi32, #tpu.memory_space<hbm>> -> memref<1024xi32, #tpu.memory_space<hbm>>
    %dma_start3A_177 = tpu.memref_slice %arg16[%rem3A_160] : memref<4x!tpu.dma_semaphore, #tpu.memory_space<semaphore_mem>> -> memref<1x!tpu.dma_semaphore, #tpu.memory_space<semaphore_mem>>
    %dma_start3A_178 = tpu.memref_squeeze %dma_start3A_177 : memref<1x!tpu.dma_semaphore, #tpu.memory_space<semaphore_mem>> -> memref<!tpu.dma_semaphore, #tpu.memory_space<semaphore_mem>>
    %dma_start3A_179 = arith.constant 0 : i32
    %dma_start3A_180 = tpu.memref_slice %arg12[%rem3A_160, %dma_start3A_179] : memref<4x1024xi32, #tpu.memory_space<vmem>> -> memref<1x1024xi32, #tpu.memory_space<vmem>>
    %dma_start3A_181 = tpu.memref_squeeze %dma_start3A_180 : memref<1x1024xi32, #tpu.memory_space<vmem>> -> memref<1024xi32, #tpu.memory_space<vmem>>
    %dma_start3A_182 = tpu.memref_slice %arg2[%add3A_162] : memref<3211264xi32, #tpu.memory_space<hbm>> -> memref<1024xi32, #tpu.memory_space<hbm>>
    tpu.enqueue_dma source(%dma_start3A_182 : memref<1024xi32, #tpu.memory_space<hbm>>) target(%dma_start3A_181 : memref<1024xi32, #tpu.memory_space<vmem>>) target_semaphore(%dma_start3A_178 : memref<!tpu.dma_semaphore, #tpu.memory_space<semaphore_mem>>)
    %while3A_183 = arith.constant 0 : i32
    %while3A_184 = arith.constant 0 : i32
    %while3A_185 = arith.subi %add3A_3, %while3A_184 : i32
    %while3A_186 = arith.addi %while3A_184, %while3A_185 : i32
    %while3A_187 = arith.constant 1 : i32
    %while3A_188 = arith.divsi %while3A_185, %while3A_187 : i32
    %while3A_189 = arith.muli %while3A_188, %while3A_187 : i32
    %while3A_190 = arith.addi %while3A_184, %while3A_189 : i32
    %while3A_191 = arith.constant 1 : i32
    scf.for %while3A_510 = %while3A_184 to %while3A_190 step %while3A_191  : i32 {
      %rem3A_511 = arith.constant 4 : i32
      %rem3A_512 = arith.remsi %while3A_510, %rem3A_511 : i32
      %dma_wait3A_513 = arith.constant 0 : i32
      %dma_wait3A_514 = tpu.memref_slice %arg13[%rem3A_512, %dma_wait3A_513] : memref<4x1024xi32, #tpu.memory_space<vmem>> -> memref<1x1024xi32, #tpu.memory_space<vmem>>
      %dma_wait3A_515 = tpu.memref_squeeze %dma_wait3A_514 : memref<1x1024xi32, #tpu.memory_space<vmem>> -> memref<1024xi32, #tpu.memory_space<vmem>>
      %dma_wait3A_516 = arith.constant 0 : i32
      %dma_wait3A_517 = tpu.memref_slice %arg3[%dma_wait3A_516] : memref<3211264xi32, #tpu.memory_space<hbm>> -> memref<1024xi32, #tpu.memory_space<hbm>>
      %dma_wait3A_518 = tpu.memref_slice %arg16[%rem3A_512] : memref<4x!tpu.dma_semaphore, #tpu.memory_space<semaphore_mem>> -> memref<1x!tpu.dma_semaphore, #tpu.memory_space<semaphore_mem>>
      %dma_wait3A_519 = tpu.memref_squeeze %dma_wait3A_518 : memref<1x!tpu.dma_semaphore, #tpu.memory_space<semaphore_mem>> -> memref<!tpu.dma_semaphore, #tpu.memory_space<semaphore_mem>>
      %dma_wait3A_520 = arith.constant 0 : i32
      %dma_wait3A_521 = tpu.memref_slice %arg13[%rem3A_512, %dma_wait3A_520] : memref<4x1024xi32, #tpu.memory_space<vmem>> -> memref<1x1024xi32, #tpu.memory_space<vmem>>
      %dma_wait3A_522 = tpu.memref_squeeze %dma_wait3A_521 : memref<1x1024xi32, #tpu.memory_space<vmem>> -> memref<1024xi32, #tpu.memory_space<vmem>>
      %dma_wait3A_523 = arith.constant 0 : i32
      %dma_wait3A_524 = tpu.memref_slice %arg3[%dma_wait3A_523] : memref<3211264xi32, #tpu.memory_space<hbm>> -> memref<1024xi32, #tpu.memory_space<hbm>>
      tpu.wait_dma2 semaphore(%dma_wait3A_519 : memref<!tpu.dma_semaphore, #tpu.memory_space<semaphore_mem>>) src(%dma_wait3A_524 : memref<1024xi32, #tpu.memory_space<hbm>>) dst(%dma_wait3A_522 : memref<1024xi32, #tpu.memory_space<vmem>>)
      %dma_wait3A_525 = arith.constant 0 : i32
      %dma_wait3A_526 = tpu.memref_slice %arg12[%rem3A_512, %dma_wait3A_525] : memref<4x1024xi32, #tpu.memory_space<vmem>> -> memref<1x1024xi32, #tpu.memory_space<vmem>>
      %dma_wait3A_527 = tpu.memref_squeeze %dma_wait3A_526 : memref<1x1024xi32, #tpu.memory_space<vmem>> -> memref<1024xi32, #tpu.memory_space<vmem>>
      %dma_wait3A_528 = arith.constant 0 : i32
      %dma_wait3A_529 = tpu.memref_slice %arg2[%dma_wait3A_528] : memref<3211264xi32, #tpu.memory_space<hbm>> -> memref<1024xi32, #tpu.memory_space<hbm>>
      %dma_wait3A_530 = tpu.memref_slice %arg16[%rem3A_512] : memref<4x!tpu.dma_semaphore, #tpu.memory_space<semaphore_mem>> -> memref<1x!tpu.dma_semaphore, #tpu.memory_space<semaphore_mem>>
      %dma_wait3A_531 = tpu.memref_squeeze %dma_wait3A_530 : memref<1x!tpu.dma_semaphore, #tpu.memory_space<semaphore_mem>> -> memref<!tpu.dma_semaphore, #tpu.memory_space<semaphore_mem>>
      %dma_wait3A_532 = arith.constant 0 : i32
      %dma_wait3A_533 = tpu.memref_slice %arg12[%rem3A_512, %dma_wait3A_532] : memref<4x1024xi32, #tpu.memory_space<vmem>> -> memref<1x1024xi32, #tpu.memory_space<vmem>>
      %dma_wait3A_534 = tpu.memref_squeeze %dma_wait3A_533 : memref<1x1024xi32, #tpu.memory_space<vmem>> -> memref<1024xi32, #tpu.memory_space<vmem>>
      %dma_wait3A_535 = arith.constant 0 : i32
      %dma_wait3A_536 = tpu.memref_slice %arg2[%dma_wait3A_535] : memref<3211264xi32, #tpu.memory_space<hbm>> -> memref<1024xi32, #tpu.memory_space<hbm>>
      tpu.wait_dma2 semaphore(%dma_wait3A_531 : memref<!tpu.dma_semaphore, #tpu.memory_space<semaphore_mem>>) src(%dma_wait3A_536 : memref<1024xi32, #tpu.memory_space<hbm>>) dst(%dma_wait3A_534 : memref<1024xi32, #tpu.memory_space<vmem>>)
      %rem3A_537 = arith.constant 4 : i32
      %rem3A_538 = arith.remsi %while3A_510, %rem3A_537 : i32
      %dma_start3A_539 = arith.constant 0 : i32
      %dma_start3A_540 = arith.constant 0 : i32
      %dma_start3A_541 = tpu.memref_slice %arg14[%rem3A_538, %dma_start3A_539, %dma_start3A_540] : memref<4x1024x16xf32, #tpu.memory_space<vmem>> -> memref<1x1024x16xf32, #tpu.memory_space<vmem>>
      %dma_start3A_542 = tpu.memref_squeeze %dma_start3A_541 : memref<1x1024x16xf32, #tpu.memory_space<vmem>> -> memref<1024x16xf32, #tpu.memory_space<vmem>>
      %dma_start3A_543 = arith.constant 0 : i32
      %dma_start3A_544 = tpu.memref_slice %arg12[%rem3A_538, %dma_start3A_543] : memref<4x1024xi32, #tpu.memory_space<vmem>> -> memref<1x1024xi32, #tpu.memory_space<vmem>>
      %dma_start3A_545 = tpu.memref_squeeze %dma_start3A_544 : memref<1x1024xi32, #tpu.memory_space<vmem>> -> memref<1024xi32, #tpu.memory_space<vmem>>
      %dma_start3A_546 = arith.constant 0 : i32
      %dma_start3A_547 = arith.constant 0 : i32
      %dma_start3A_548 = tpu.memref_slice %arg5[%dma_start3A_546, %dma_start3A_547] : memref<50048x16xf32, #tpu.memory_space<hbm>> -> memref<50048x16xf32, #tpu.memory_space<hbm>>
      %dma_start3A_549 = tpu.memref_slice %arg17[%rem3A_538] : memref<4x!tpu.dma_semaphore, #tpu.memory_space<semaphore_mem>> -> memref<1x!tpu.dma_semaphore, #tpu.memory_space<semaphore_mem>>
      %dma_start3A_550 = tpu.memref_squeeze %dma_start3A_549 : memref<1x!tpu.dma_semaphore, #tpu.memory_space<semaphore_mem>> -> memref<!tpu.dma_semaphore, #tpu.memory_space<semaphore_mem>>
      tpu.enqueue_indirect_dma source(%dma_start3A_548 : memref<50048x16xf32, #tpu.memory_space<hbm>>) target(%dma_start3A_542 : memref<1024x16xf32, #tpu.memory_space<vmem>>) offsets(%dma_start3A_545 : memref<1024xi32, #tpu.memory_space<vmem>>) semaphore(%dma_start3A_550 : memref<!tpu.dma_semaphore, #tpu.memory_space<semaphore_mem>>)
      %ge3A = arith.constant 1 : i32
      %ge3A_551 = arith.cmpi sge, %while3A_510, %ge3A : i32
      %convert_element_type3A = arith.extui %ge3A_551 : i1 to i32
      %cond3A = arith.constant 0 : i32
      %cond3A_552 = arith.cmpi ne, %convert_element_type3A, %cond3A : i32
      scf.if %cond3A_552 {
        %sub3A_563 = arith.constant 1 : i32
        %sub3A_564 = arith.subi %while3A_510, %sub3A_563 : i32
        %rem3A_565 = arith.constant 4 : i32
        %rem3A_566 = arith.remsi %sub3A_564, %rem3A_565 : i32
        %dma_wait3A_567 = arith.constant 0 : i32
        %dma_wait3A_568 = arith.constant 0 : i32
        %dma_wait3A_569 = tpu.memref_slice %arg14[%rem3A_566, %dma_wait3A_567, %dma_wait3A_568] : memref<4x1024x16xf32, #tpu.memory_space<vmem>> -> memref<1x1024x16xf32, #tpu.memory_space<vmem>>
        %dma_wait3A_570 = tpu.memref_squeeze %dma_wait3A_569 : memref<1x1024x16xf32, #tpu.memory_space<vmem>> -> memref<1024x16xf32, #tpu.memory_space<vmem>>
        %dma_wait3A_571 = arith.constant 0 : i32
        %dma_wait3A_572 = tpu.memref_slice %arg12[%rem3A_566, %dma_wait3A_571] : memref<4x1024xi32, #tpu.memory_space<vmem>> -> memref<1x1024xi32, #tpu.memory_space<vmem>>
        %dma_wait3A_573 = tpu.memref_squeeze %dma_wait3A_572 : memref<1x1024xi32, #tpu.memory_space<vmem>> -> memref<1024xi32, #tpu.memory_space<vmem>>
        %dma_wait3A_574 = arith.constant 0 : i32
        %dma_wait3A_575 = arith.constant 0 : i32
        %dma_wait3A_576 = tpu.memref_slice %arg5[%dma_wait3A_574, %dma_wait3A_575] : memref<50048x16xf32, #tpu.memory_space<hbm>> -> memref<50048x16xf32, #tpu.memory_space<hbm>>
        %dma_wait3A_577 = tpu.memref_slice %arg17[%rem3A_566] : memref<4x!tpu.dma_semaphore, #tpu.memory_space<semaphore_mem>> -> memref<1x!tpu.dma_semaphore, #tpu.memory_space<semaphore_mem>>
        %dma_wait3A_578 = tpu.memref_squeeze %dma_wait3A_577 : memref<1x!tpu.dma_semaphore, #tpu.memory_space<semaphore_mem>> -> memref<!tpu.dma_semaphore, #tpu.memory_space<semaphore_mem>>
        tpu.wait_indirect_dma semaphore(%dma_wait3A_578 : memref<!tpu.dma_semaphore, #tpu.memory_space<semaphore_mem>>) src(%dma_wait3A_576 : memref<50048x16xf32, #tpu.memory_space<hbm>>) dst(%dma_wait3A_570 : memref<1024x16xf32, #tpu.memory_space<vmem>>)
        %sub3A_579 = arith.constant 1 : i32
        %sub3A_580 = arith.subi %while3A_510, %sub3A_579 : i32
        %rem3A_581 = arith.constant 4 : i32
        %rem3A_582 = arith.remsi %sub3A_580, %rem3A_581 : i32
        %dma_start3A_583 = arith.constant 0 : i32
        %dma_start3A_584 = arith.constant 0 : i32
        %dma_start3A_585 = tpu.memref_slice %arg14[%rem3A_582, %dma_start3A_583, %dma_start3A_584] : memref<4x1024x16xf32, #tpu.memory_space<vmem>> -> memref<1x1024x16xf32, #tpu.memory_space<vmem>>
        %dma_start3A_586 = tpu.memref_squeeze %dma_start3A_585 : memref<1x1024x16xf32, #tpu.memory_space<vmem>> -> memref<1024x16xf32, #tpu.memory_space<vmem>>
        %dma_start3A_587 = arith.constant 0 : i32
        %dma_start3A_588 = tpu.memref_slice %arg13[%rem3A_582, %dma_start3A_587] : memref<4x1024xi32, #tpu.memory_space<vmem>> -> memref<1x1024xi32, #tpu.memory_space<vmem>>
        %dma_start3A_589 = tpu.memref_squeeze %dma_start3A_588 : memref<1x1024xi32, #tpu.memory_space<vmem>> -> memref<1024xi32, #tpu.memory_space<vmem>>
        %dma_start3A_590 = arith.constant 0 : i32
        %dma_start3A_591 = arith.constant 0 : i32
        %dma_start3A_592 = tpu.memref_slice %arg15[%dma_start3A_590, %dma_start3A_591] : memref<50048x16xf32, #tpu.memory_space<vmem_shared>> -> memref<50048x16xf32, #tpu.memory_space<vmem_shared>>
        %dma_start3A_593 = tpu.memref_slice %arg18[%rem3A_582] : memref<4x!tpu.dma_semaphore, #tpu.memory_space<semaphore_mem>> -> memref<1x!tpu.dma_semaphore, #tpu.memory_space<semaphore_mem>>
        %dma_start3A_594 = tpu.memref_squeeze %dma_start3A_593 : memref<1x!tpu.dma_semaphore, #tpu.memory_space<semaphore_mem>> -> memref<!tpu.dma_semaphore, #tpu.memory_space<semaphore_mem>>
        tpu.enqueue_indirect_dma source(%dma_start3A_586 : memref<1024x16xf32, #tpu.memory_space<vmem>>) target(%dma_start3A_592 : memref<50048x16xf32, #tpu.memory_space<vmem_shared>>) offsets(%dma_start3A_589 : memref<1024xi32, #tpu.memory_space<vmem>>) semaphore(%dma_start3A_594 : memref<!tpu.dma_semaphore, #tpu.memory_space<semaphore_mem>>) {add = true}
      } else {
      }
      %ge3A_553 = arith.constant 2 : i32
      %ge3A_554 = arith.cmpi sge, %while3A_510, %ge3A_553 : i32
      %convert_element_type3A_555 = arith.extui %ge3A_554 : i1 to i32
      %cond3A_556 = arith.constant 0 : i32
      %cond3A_557 = arith.cmpi ne, %convert_element_type3A_555, %cond3A_556 : i32
      scf.if %cond3A_557 {
        %sub3A_563 = arith.constant 2 : i32
        %sub3A_564 = arith.subi %while3A_510, %sub3A_563 : i32
        %rem3A_565 = arith.constant 4 : i32
        %rem3A_566 = arith.remsi %sub3A_564, %rem3A_565 : i32
        %dma_wait3A_567 = arith.constant 0 : i32
        %dma_wait3A_568 = arith.constant 0 : i32
        %dma_wait3A_569 = tpu.memref_slice %arg14[%rem3A_566, %dma_wait3A_567, %dma_wait3A_568] : memref<4x1024x16xf32, #tpu.memory_space<vmem>> -> memref<1x1024x16xf32, #tpu.memory_space<vmem>>
        %dma_wait3A_570 = tpu.memref_squeeze %dma_wait3A_569 : memref<1x1024x16xf32, #tpu.memory_space<vmem>> -> memref<1024x16xf32, #tpu.memory_space<vmem>>
        %dma_wait3A_571 = arith.constant 0 : i32
        %dma_wait3A_572 = tpu.memref_slice %arg13[%rem3A_566, %dma_wait3A_571] : memref<4x1024xi32, #tpu.memory_space<vmem>> -> memref<1x1024xi32, #tpu.memory_space<vmem>>
        %dma_wait3A_573 = tpu.memref_squeeze %dma_wait3A_572 : memref<1x1024xi32, #tpu.memory_space<vmem>> -> memref<1024xi32, #tpu.memory_space<vmem>>
        %dma_wait3A_574 = arith.constant 0 : i32
        %dma_wait3A_575 = arith.constant 0 : i32
        %dma_wait3A_576 = tpu.memref_slice %arg15[%dma_wait3A_574, %dma_wait3A_575] : memref<50048x16xf32, #tpu.memory_space<vmem_shared>> -> memref<50048x16xf32, #tpu.memory_space<vmem_shared>>
        %dma_wait3A_577 = tpu.memref_slice %arg18[%rem3A_566] : memref<4x!tpu.dma_semaphore, #tpu.memory_space<semaphore_mem>> -> memref<1x!tpu.dma_semaphore, #tpu.memory_space<semaphore_mem>>
        %dma_wait3A_578 = tpu.memref_squeeze %dma_wait3A_577 : memref<1x!tpu.dma_semaphore, #tpu.memory_space<semaphore_mem>> -> memref<!tpu.dma_semaphore, #tpu.memory_space<semaphore_mem>>
        tpu.wait_indirect_dma semaphore(%dma_wait3A_578 : memref<!tpu.dma_semaphore, #tpu.memory_space<semaphore_mem>>) src(%dma_wait3A_570 : memref<1024x16xf32, #tpu.memory_space<vmem>>) dst(%dma_wait3A_576 : memref<50048x16xf32, #tpu.memory_space<vmem_shared>>)
      } else {
      }
      %add3A_558 = arith.constant 2 : i32
      %add3A_559 = arith.addi %while3A_510, %add3A_558 : i32
      %lt3A = arith.cmpi slt, %add3A_559, %add3A_3 : i32
      %convert_element_type3A_560 = arith.extui %lt3A : i1 to i32
      %cond3A_561 = arith.constant 0 : i32
      %cond3A_562 = arith.cmpi ne, %convert_element_type3A_560, %cond3A_561 : i32
      scf.if %cond3A_562 {
        %add3A_563 = arith.constant 2 : i32
        %add3A_564 = arith.addi %while3A_510, %add3A_563 : i32
        %rem3A_565 = arith.constant 4 : i32
        %rem3A_566 = arith.remsi %add3A_564, %rem3A_565 : i32
        %mul3A_567 = arith.constant 1024 : i32
        %mul3A_568 = arith.muli %add3A_564, %mul3A_567 : i32
        %add3A_569 = arith.addi %mul3A_11, %mul3A_568 : i32
        %dma_start3A_570 = arith.constant 0 : i32
        %dma_start3A_571 = tpu.memref_slice %arg13[%rem3A_566, %dma_start3A_570] : memref<4x1024xi32, #tpu.memory_space<vmem>> -> memref<1x1024xi32, #tpu.memory_space<vmem>>
        %dma_start3A_572 = tpu.memref_squeeze %dma_start3A_571 : memref<1x1024xi32, #tpu.memory_space<vmem>> -> memref<1024xi32, #tpu.memory_space<vmem>>
        %dma_start3A_573 = tpu.memref_slice %arg3[%add3A_569] : memref<3211264xi32, #tpu.memory_space<hbm>> -> memref<1024xi32, #tpu.memory_space<hbm>>
        %dma_start3A_574 = tpu.memref_slice %arg16[%rem3A_566] : memref<4x!tpu.dma_semaphore, #tpu.memory_space<semaphore_mem>> -> memref<1x!tpu.dma_semaphore, #tpu.memory_space<semaphore_mem>>
        %dma_start3A_575 = tpu.memref_squeeze %dma_start3A_574 : memref<1x!tpu.dma_semaphore, #tpu.memory_space<semaphore_mem>> -> memref<!tpu.dma_semaphore, #tpu.memory_space<semaphore_mem>>
        %dma_start3A_576 = arith.constant 0 : i32
        %dma_start3A_577 = tpu.memref_slice %arg13[%rem3A_566, %dma_start3A_576] : memref<4x1024xi32, #tpu.memory_space<vmem>> -> memref<1x1024xi32, #tpu.memory_space<vmem>>
        %dma_start3A_578 = tpu.memref_squeeze %dma_start3A_577 : memref<1x1024xi32, #tpu.memory_space<vmem>> -> memref<1024xi32, #tpu.memory_space<vmem>>
        %dma_start3A_579 = tpu.memref_slice %arg3[%add3A_569] : memref<3211264xi32, #tpu.memory_space<hbm>> -> memref<1024xi32, #tpu.memory_space<hbm>>
        tpu.enqueue_dma source(%dma_start3A_579 : memref<1024xi32, #tpu.memory_space<hbm>>) target(%dma_start3A_578 : memref<1024xi32, #tpu.memory_space<vmem>>) target_semaphore(%dma_start3A_575 : memref<!tpu.dma_semaphore, #tpu.memory_space<semaphore_mem>>)
        %dma_start3A_580 = arith.constant 0 : i32
        %dma_start3A_581 = tpu.memref_slice %arg12[%rem3A_566, %dma_start3A_580] : memref<4x1024xi32, #tpu.memory_space<vmem>> -> memref<1x1024xi32, #tpu.memory_space<vmem>>
        %dma_start3A_582 = tpu.memref_squeeze %dma_start3A_581 : memref<1x1024xi32, #tpu.memory_space<vmem>> -> memref<1024xi32, #tpu.memory_space<vmem>>
        %dma_start3A_583 = tpu.memref_slice %arg2[%add3A_569] : memref<3211264xi32, #tpu.memory_space<hbm>> -> memref<1024xi32, #tpu.memory_space<hbm>>
        %dma_start3A_584 = tpu.memref_slice %arg16[%rem3A_566] : memref<4x!tpu.dma_semaphore, #tpu.memory_space<semaphore_mem>> -> memref<1x!tpu.dma_semaphore, #tpu.memory_space<semaphore_mem>>
        %dma_start3A_585 = tpu.memref_squeeze %dma_start3A_584 : memref<1x!tpu.dma_semaphore, #tpu.memory_space<semaphore_mem>> -> memref<!tpu.dma_semaphore, #tpu.memory_space<semaphore_mem>>
        %dma_start3A_586 = arith.constant 0 : i32
        %dma_start3A_587 = tpu.memref_slice %arg12[%rem3A_566, %dma_start3A_586] : memref<4x1024xi32, #tpu.memory_space<vmem>> -> memref<1x1024xi32, #tpu.memory_space<vmem>>
        %dma_start3A_588 = tpu.memref_squeeze %dma_start3A_587 : memref<1x1024xi32, #tpu.memory_space<vmem>> -> memref<1024xi32, #tpu.memory_space<vmem>>
        %dma_start3A_589 = tpu.memref_slice %arg2[%add3A_569] : memref<3211264xi32, #tpu.memory_space<hbm>> -> memref<1024xi32, #tpu.memory_space<hbm>>
        tpu.enqueue_dma source(%dma_start3A_589 : memref<1024xi32, #tpu.memory_space<hbm>>) target(%dma_start3A_588 : memref<1024xi32, #tpu.memory_space<vmem>>) target_semaphore(%dma_start3A_585 : memref<!tpu.dma_semaphore, #tpu.memory_space<semaphore_mem>>)
      } else {
      }
    }
    %while3A_192 = arith.constant 1 : i32
    scf.for %while3A_510 = %while3A_190 to %while3A_186 step %while3A_192  : i32 {
      %rem3A_511 = arith.constant 4 : i32
      %rem3A_512 = arith.remsi %while3A_510, %rem3A_511 : i32
      %dma_wait3A_513 = arith.constant 0 : i32
      %dma_wait3A_514 = tpu.memref_slice %arg13[%rem3A_512, %dma_wait3A_513] : memref<4x1024xi32, #tpu.memory_space<vmem>> -> memref<1x1024xi32, #tpu.memory_space<vmem>>
      %dma_wait3A_515 = tpu.memref_squeeze %dma_wait3A_514 : memref<1x1024xi32, #tpu.memory_space<vmem>> -> memref<1024xi32, #tpu.memory_space<vmem>>
      %dma_wait3A_516 = arith.constant 0 : i32
      %dma_wait3A_517 = tpu.memref_slice %arg3[%dma_wait3A_516] : memref<3211264xi32, #tpu.memory_space<hbm>> -> memref<1024xi32, #tpu.memory_space<hbm>>
      %dma_wait3A_518 = tpu.memref_slice %arg16[%rem3A_512] : memref<4x!tpu.dma_semaphore, #tpu.memory_space<semaphore_mem>> -> memref<1x!tpu.dma_semaphore, #tpu.memory_space<semaphore_mem>>
      %dma_wait3A_519 = tpu.memref_squeeze %dma_wait3A_518 : memref<1x!tpu.dma_semaphore, #tpu.memory_space<semaphore_mem>> -> memref<!tpu.dma_semaphore, #tpu.memory_space<semaphore_mem>>
      %dma_wait3A_520 = arith.constant 0 : i32
      %dma_wait3A_521 = tpu.memref_slice %arg13[%rem3A_512, %dma_wait3A_520] : memref<4x1024xi32, #tpu.memory_space<vmem>> -> memref<1x1024xi32, #tpu.memory_space<vmem>>
      %dma_wait3A_522 = tpu.memref_squeeze %dma_wait3A_521 : memref<1x1024xi32, #tpu.memory_space<vmem>> -> memref<1024xi32, #tpu.memory_space<vmem>>
      %dma_wait3A_523 = arith.constant 0 : i32
      %dma_wait3A_524 = tpu.memref_slice %arg3[%dma_wait3A_523] : memref<3211264xi32, #tpu.memory_space<hbm>> -> memref<1024xi32, #tpu.memory_space<hbm>>
      tpu.wait_dma2 semaphore(%dma_wait3A_519 : memref<!tpu.dma_semaphore, #tpu.memory_space<semaphore_mem>>) src(%dma_wait3A_524 : memref<1024xi32, #tpu.memory_space<hbm>>) dst(%dma_wait3A_522 : memref<1024xi32, #tpu.memory_space<vmem>>)
      %dma_wait3A_525 = arith.constant 0 : i32
      %dma_wait3A_526 = tpu.memref_slice %arg12[%rem3A_512, %dma_wait3A_525] : memref<4x1024xi32, #tpu.memory_space<vmem>> -> memref<1x1024xi32, #tpu.memory_space<vmem>>
      %dma_wait3A_527 = tpu.memref_squeeze %dma_wait3A_526 : memref<1x1024xi32, #tpu.memory_space<vmem>> -> memref<1024xi32, #tpu.memory_space<vmem>>
      %dma_wait3A_528 = arith.constant 0 : i32
      %dma_wait3A_529 = tpu.memref_slice %arg2[%dma_wait3A_528] : memref<3211264xi32, #tpu.memory_space<hbm>> -> memref<1024xi32, #tpu.memory_space<hbm>>
      %dma_wait3A_530 = tpu.memref_slice %arg16[%rem3A_512] : memref<4x!tpu.dma_semaphore, #tpu.memory_space<semaphore_mem>> -> memref<1x!tpu.dma_semaphore, #tpu.memory_space<semaphore_mem>>
      %dma_wait3A_531 = tpu.memref_squeeze %dma_wait3A_530 : memref<1x!tpu.dma_semaphore, #tpu.memory_space<semaphore_mem>> -> memref<!tpu.dma_semaphore, #tpu.memory_space<semaphore_mem>>
      %dma_wait3A_532 = arith.constant 0 : i32
      %dma_wait3A_533 = tpu.memref_slice %arg12[%rem3A_512, %dma_wait3A_532] : memref<4x1024xi32, #tpu.memory_space<vmem>> -> memref<1x1024xi32, #tpu.memory_space<vmem>>
      %dma_wait3A_534 = tpu.memref_squeeze %dma_wait3A_533 : memref<1x1024xi32, #tpu.memory_space<vmem>> -> memref<1024xi32, #tpu.memory_space<vmem>>
      %dma_wait3A_535 = arith.constant 0 : i32
      %dma_wait3A_536 = tpu.memref_slice %arg2[%dma_wait3A_535] : memref<3211264xi32, #tpu.memory_space<hbm>> -> memref<1024xi32, #tpu.memory_space<hbm>>
      tpu.wait_dma2 semaphore(%dma_wait3A_531 : memref<!tpu.dma_semaphore, #tpu.memory_space<semaphore_mem>>) src(%dma_wait3A_536 : memref<1024xi32, #tpu.memory_space<hbm>>) dst(%dma_wait3A_534 : memref<1024xi32, #tpu.memory_space<vmem>>)
      %rem3A_537 = arith.constant 4 : i32
      %rem3A_538 = arith.remsi %while3A_510, %rem3A_537 : i32
      %dma_start3A_539 = arith.constant 0 : i32
      %dma_start3A_540 = arith.constant 0 : i32
      %dma_start3A_541 = tpu.memref_slice %arg14[%rem3A_538, %dma_start3A_539, %dma_start3A_540] : memref<4x1024x16xf32, #tpu.memory_space<vmem>> -> memref<1x1024x16xf32, #tpu.memory_space<vmem>>
      %dma_start3A_542 = tpu.memref_squeeze %dma_start3A_541 : memref<1x1024x16xf32, #tpu.memory_space<vmem>> -> memref<1024x16xf32, #tpu.memory_space<vmem>>
      %dma_start3A_543 = arith.constant 0 : i32
      %dma_start3A_544 = tpu.memref_slice %arg12[%rem3A_538, %dma_start3A_543] : memref<4x1024xi32, #tpu.memory_space<vmem>> -> memref<1x1024xi32, #tpu.memory_space<vmem>>
      %dma_start3A_545 = tpu.memref_squeeze %dma_start3A_544 : memref<1x1024xi32, #tpu.memory_space<vmem>> -> memref<1024xi32, #tpu.memory_space<vmem>>
      %dma_start3A_546 = arith.constant 0 : i32
      %dma_start3A_547 = arith.constant 0 : i32
      %dma_start3A_548 = tpu.memref_slice %arg5[%dma_start3A_546, %dma_start3A_547] : memref<50048x16xf32, #tpu.memory_space<hbm>> -> memref<50048x16xf32, #tpu.memory_space<hbm>>
      %dma_start3A_549 = tpu.memref_slice %arg17[%rem3A_538] : memref<4x!tpu.dma_semaphore, #tpu.memory_space<semaphore_mem>> -> memref<1x!tpu.dma_semaphore, #tpu.memory_space<semaphore_mem>>
      %dma_start3A_550 = tpu.memref_squeeze %dma_start3A_549 : memref<1x!tpu.dma_semaphore, #tpu.memory_space<semaphore_mem>> -> memref<!tpu.dma_semaphore, #tpu.memory_space<semaphore_mem>>
      tpu.enqueue_indirect_dma source(%dma_start3A_548 : memref<50048x16xf32, #tpu.memory_space<hbm>>) target(%dma_start3A_542 : memref<1024x16xf32, #tpu.memory_space<vmem>>) offsets(%dma_start3A_545 : memref<1024xi32, #tpu.memory_space<vmem>>) semaphore(%dma_start3A_550 : memref<!tpu.dma_semaphore, #tpu.memory_space<semaphore_mem>>)
      %ge3A = arith.constant 1 : i32
      %ge3A_551 = arith.cmpi sge, %while3A_510, %ge3A : i32
      %convert_element_type3A = arith.extui %ge3A_551 : i1 to i32
      %cond3A = arith.constant 0 : i32
      %cond3A_552 = arith.cmpi ne, %convert_element_type3A, %cond3A : i32
      scf.if %cond3A_552 {
        %sub3A_563 = arith.constant 1 : i32
        %sub3A_564 = arith.subi %while3A_510, %sub3A_563 : i32
        %rem3A_565 = arith.constant 4 : i32
        %rem3A_566 = arith.remsi %sub3A_564, %rem3A_565 : i32
        %dma_wait3A_567 = arith.constant 0 : i32
        %dma_wait3A_568 = arith.constant 0 : i32
        %dma_wait3A_569 = tpu.memref_slice %arg14[%rem3A_566, %dma_wait3A_567, %dma_wait3A_568] : memref<4x1024x16xf32, #tpu.memory_space<vmem>> -> memref<1x1024x16xf32, #tpu.memory_space<vmem>>
        %dma_wait3A_570 = tpu.memref_squeeze %dma_wait3A_569 : memref<1x1024x16xf32, #tpu.memory_space<vmem>> -> memref<1024x16xf32, #tpu.memory_space<vmem>>
        %dma_wait3A_571 = arith.constant 0 : i32
        %dma_wait3A_572 = tpu.memref_slice %arg12[%rem3A_566, %dma_wait3A_571] : memref<4x1024xi32, #tpu.memory_space<vmem>> -> memref<1x1024xi32, #tpu.memory_space<vmem>>
        %dma_wait3A_573 = tpu.memref_squeeze %dma_wait3A_572 : memref<1x1024xi32, #tpu.memory_space<vmem>> -> memref<1024xi32, #tpu.memory_space<vmem>>
        %dma_wait3A_574 = arith.constant 0 : i32
        %dma_wait3A_575 = arith.constant 0 : i32
        %dma_wait3A_576 = tpu.memref_slice %arg5[%dma_wait3A_574, %dma_wait3A_575] : memref<50048x16xf32, #tpu.memory_space<hbm>> -> memref<50048x16xf32, #tpu.memory_space<hbm>>
        %dma_wait3A_577 = tpu.memref_slice %arg17[%rem3A_566] : memref<4x!tpu.dma_semaphore, #tpu.memory_space<semaphore_mem>> -> memref<1x!tpu.dma_semaphore, #tpu.memory_space<semaphore_mem>>
        %dma_wait3A_578 = tpu.memref_squeeze %dma_wait3A_577 : memref<1x!tpu.dma_semaphore, #tpu.memory_space<semaphore_mem>> -> memref<!tpu.dma_semaphore, #tpu.memory_space<semaphore_mem>>
        tpu.wait_indirect_dma semaphore(%dma_wait3A_578 : memref<!tpu.dma_semaphore, #tpu.memory_space<semaphore_mem>>) src(%dma_wait3A_576 : memref<50048x16xf32, #tpu.memory_space<hbm>>) dst(%dma_wait3A_570 : memref<1024x16xf32, #tpu.memory_space<vmem>>)
        %sub3A_579 = arith.constant 1 : i32
        %sub3A_580 = arith.subi %while3A_510, %sub3A_579 : i32
        %rem3A_581 = arith.constant 4 : i32
        %rem3A_582 = arith.remsi %sub3A_580, %rem3A_581 : i32
        %dma_start3A_583 = arith.constant 0 : i32
        %dma_start3A_584 = arith.constant 0 : i32
        %dma_start3A_585 = tpu.memref_slice %arg14[%rem3A_582, %dma_start3A_583, %dma_start3A_584] : memref<4x1024x16xf32, #tpu.memory_space<vmem>> -> memref<1x1024x16xf32, #tpu.memory_space<vmem>>
        %dma_start3A_586 = tpu.memref_squeeze %dma_start3A_585 : memref<1x1024x16xf32, #tpu.memory_space<vmem>> -> memref<1024x16xf32, #tpu.memory_space<vmem>>
        %dma_start3A_587 = arith.constant 0 : i32
        %dma_start3A_588 = tpu.memref_slice %arg13[%rem3A_582, %dma_start3A_587] : memref<4x1024xi32, #tpu.memory_space<vmem>> -> memref<1x1024xi32, #tpu.memory_space<vmem>>
        %dma_start3A_589 = tpu.memref_squeeze %dma_start3A_588 : memref<1x1024xi32, #tpu.memory_space<vmem>> -> memref<1024xi32, #tpu.memory_space<vmem>>
        %dma_start3A_590 = arith.constant 0 : i32
        %dma_start3A_591 = arith.constant 0 : i32
        %dma_start3A_592 = tpu.memref_slice %arg15[%dma_start3A_590, %dma_start3A_591] : memref<50048x16xf32, #tpu.memory_space<vmem_shared>> -> memref<50048x16xf32, #tpu.memory_space<vmem_shared>>
        %dma_start3A_593 = tpu.memref_slice %arg18[%rem3A_582] : memref<4x!tpu.dma_semaphore, #tpu.memory_space<semaphore_mem>> -> memref<1x!tpu.dma_semaphore, #tpu.memory_space<semaphore_mem>>
        %dma_start3A_594 = tpu.memref_squeeze %dma_start3A_593 : memref<1x!tpu.dma_semaphore, #tpu.memory_space<semaphore_mem>> -> memref<!tpu.dma_semaphore, #tpu.memory_space<semaphore_mem>>
        tpu.enqueue_indirect_dma source(%dma_start3A_586 : memref<1024x16xf32, #tpu.memory_space<vmem>>) target(%dma_start3A_592 : memref<50048x16xf32, #tpu.memory_space<vmem_shared>>) offsets(%dma_start3A_589 : memref<1024xi32, #tpu.memory_space<vmem>>) semaphore(%dma_start3A_594 : memref<!tpu.dma_semaphore, #tpu.memory_space<semaphore_mem>>) {add = true}
      } else {
      }
      %ge3A_553 = arith.constant 2 : i32
      %ge3A_554 = arith.cmpi sge, %while3A_510, %ge3A_553 : i32
      %convert_element_type3A_555 = arith.extui %ge3A_554 : i1 to i32
      %cond3A_556 = arith.constant 0 : i32
      %cond3A_557 = arith.cmpi ne, %convert_element_type3A_555, %cond3A_556 : i32
      scf.if %cond3A_557 {
        %sub3A_563 = arith.constant 2 : i32
        %sub3A_564 = arith.subi %while3A_510, %sub3A_563 : i32
        %rem3A_565 = arith.constant 4 : i32
        %rem3A_566 = arith.remsi %sub3A_564, %rem3A_565 : i32
        %dma_wait3A_567 = arith.constant 0 : i32
        %dma_wait3A_568 = arith.constant 0 : i32
        %dma_wait3A_569 = tpu.memref_slice %arg14[%rem3A_566, %dma_wait3A_567, %dma_wait3A_568] : memref<4x1024x16xf32, #tpu.memory_space<vmem>> -> memref<1x1024x16xf32, #tpu.memory_space<vmem>>
        %dma_wait3A_570 = tpu.memref_squeeze %dma_wait3A_569 : memref<1x1024x16xf32, #tpu.memory_space<vmem>> -> memref<1024x16xf32, #tpu.memory_space<vmem>>
        %dma_wait3A_571 = arith.constant 0 : i32
        %dma_wait3A_572 = tpu.memref_slice %arg13[%rem3A_566, %dma_wait3A_571] : memref<4x1024xi32, #tpu.memory_space<vmem>> -> memref<1x1024xi32, #tpu.memory_space<vmem>>
        %dma_wait3A_573 = tpu.memref_squeeze %dma_wait3A_572 : memref<1x1024xi32, #tpu.memory_space<vmem>> -> memref<1024xi32, #tpu.memory_space<vmem>>
        %dma_wait3A_574 = arith.constant 0 : i32
        %dma_wait3A_575 = arith.constant 0 : i32
        %dma_wait3A_576 = tpu.memref_slice %arg15[%dma_wait3A_574, %dma_wait3A_575] : memref<50048x16xf32, #tpu.memory_space<vmem_shared>> -> memref<50048x16xf32, #tpu.memory_space<vmem_shared>>
        %dma_wait3A_577 = tpu.memref_slice %arg18[%rem3A_566] : memref<4x!tpu.dma_semaphore, #tpu.memory_space<semaphore_mem>> -> memref<1x!tpu.dma_semaphore, #tpu.memory_space<semaphore_mem>>
        %dma_wait3A_578 = tpu.memref_squeeze %dma_wait3A_577 : memref<1x!tpu.dma_semaphore, #tpu.memory_space<semaphore_mem>> -> memref<!tpu.dma_semaphore, #tpu.memory_space<semaphore_mem>>
        tpu.wait_indirect_dma semaphore(%dma_wait3A_578 : memref<!tpu.dma_semaphore, #tpu.memory_space<semaphore_mem>>) src(%dma_wait3A_570 : memref<1024x16xf32, #tpu.memory_space<vmem>>) dst(%dma_wait3A_576 : memref<50048x16xf32, #tpu.memory_space<vmem_shared>>)
      } else {
      }
      %add3A_558 = arith.constant 2 : i32
      %add3A_559 = arith.addi %while3A_510, %add3A_558 : i32
      %lt3A = arith.cmpi slt, %add3A_559, %add3A_3 : i32
      %convert_element_type3A_560 = arith.extui %lt3A : i1 to i32
      %cond3A_561 = arith.constant 0 : i32
      %cond3A_562 = arith.cmpi ne, %convert_element_type3A_560, %cond3A_561 : i32
      scf.if %cond3A_562 {
        %add3A_563 = arith.constant 2 : i32
        %add3A_564 = arith.addi %while3A_510, %add3A_563 : i32
        %rem3A_565 = arith.constant 4 : i32
        %rem3A_566 = arith.remsi %add3A_564, %rem3A_565 : i32
        %mul3A_567 = arith.constant 1024 : i32
        %mul3A_568 = arith.muli %add3A_564, %mul3A_567 : i32
        %add3A_569 = arith.addi %mul3A_11, %mul3A_568 : i32
        %dma_start3A_570 = arith.constant 0 : i32
        %dma_start3A_571 = tpu.memref_slice %arg13[%rem3A_566, %dma_start3A_570] : memref<4x1024xi32, #tpu.memory_space<vmem>> -> memref<1x1024xi32, #tpu.memory_space<vmem>>
        %dma_start3A_572 = tpu.memref_squeeze %dma_start3A_571 : memref<1x1024xi32, #tpu.memory_space<vmem>> -> memref<1024xi32, #tpu.memory_space<vmem>>
        %dma_start3A_573 = tpu.memref_slice %arg3[%add3A_569] : memref<3211264xi32, #tpu.memory_space<hbm>> -> memref<1024xi32, #tpu.memory_space<hbm>>
        %dma_start3A_574 = tpu.memref_slice %arg16[%rem3A_566] : memref<4x!tpu.dma_semaphore, #tpu.memory_space<semaphore_mem>> -> memref<1x!tpu.dma_semaphore, #tpu.memory_space<semaphore_mem>>
        %dma_start3A_575 = tpu.memref_squeeze %dma_start3A_574 : memref<1x!tpu.dma_semaphore, #tpu.memory_space<semaphore_mem>> -> memref<!tpu.dma_semaphore, #tpu.memory_space<semaphore_mem>>
        %dma_start3A_576 = arith.constant 0 : i32
        %dma_start3A_577 = tpu.memref_slice %arg13[%rem3A_566, %dma_start3A_576] : memref<4x1024xi32, #tpu.memory_space<vmem>> -> memref<1x1024xi32, #tpu.memory_space<vmem>>
        %dma_start3A_578 = tpu.memref_squeeze %dma_start3A_577 : memref<1x1024xi32, #tpu.memory_space<vmem>> -> memref<1024xi32, #tpu.memory_space<vmem>>
        %dma_start3A_579 = tpu.memref_slice %arg3[%add3A_569] : memref<3211264xi32, #tpu.memory_space<hbm>> -> memref<1024xi32, #tpu.memory_space<hbm>>
        tpu.enqueue_dma source(%dma_start3A_579 : memref<1024xi32, #tpu.memory_space<hbm>>) target(%dma_start3A_578 : memref<1024xi32, #tpu.memory_space<vmem>>) target_semaphore(%dma_start3A_575 : memref<!tpu.dma_semaphore, #tpu.memory_space<semaphore_mem>>)
        %dma_start3A_580 = arith.constant 0 : i32
        %dma_start3A_581 = tpu.memref_slice %arg12[%rem3A_566, %dma_start3A_580] : memref<4x1024xi32, #tpu.memory_space<vmem>> -> memref<1x1024xi32, #tpu.memory_space<vmem>>
        %dma_start3A_582 = tpu.memref_squeeze %dma_start3A_581 : memref<1x1024xi32, #tpu.memory_space<vmem>> -> memref<1024xi32, #tpu.memory_space<vmem>>
        %dma_start3A_583 = tpu.memref_slice %arg2[%add3A_569] : memref<3211264xi32, #tpu.memory_space<hbm>> -> memref<1024xi32, #tpu.memory_space<hbm>>
        %dma_start3A_584 = tpu.memref_slice %arg16[%rem3A_566] : memref<4x!tpu.dma_semaphore, #tpu.memory_space<semaphore_mem>> -> memref<1x!tpu.dma_semaphore, #tpu.memory_space<semaphore_mem>>
        %dma_start3A_585 = tpu.memref_squeeze %dma_start3A_584 : memref<1x!tpu.dma_semaphore, #tpu.memory_space<semaphore_mem>> -> memref<!tpu.dma_semaphore, #tpu.memory_space<semaphore_mem>>
        %dma_start3A_586 = arith.constant 0 : i32
        %dma_start3A_587 = tpu.memref_slice %arg12[%rem3A_566, %dma_start3A_586] : memref<4x1024xi32, #tpu.memory_space<vmem>> -> memref<1x1024xi32, #tpu.memory_space<vmem>>
        %dma_start3A_588 = tpu.memref_squeeze %dma_start3A_587 : memref<1x1024xi32, #tpu.memory_space<vmem>> -> memref<1024xi32, #tpu.memory_space<vmem>>
        %dma_start3A_589 = tpu.memref_slice %arg2[%add3A_569] : memref<3211264xi32, #tpu.memory_space<hbm>> -> memref<1024xi32, #tpu.memory_space<hbm>>
        tpu.enqueue_dma source(%dma_start3A_589 : memref<1024xi32, #tpu.memory_space<hbm>>) target(%dma_start3A_588 : memref<1024xi32, #tpu.memory_space<vmem>>) target_semaphore(%dma_start3A_585 : memref<!tpu.dma_semaphore, #tpu.memory_space<semaphore_mem>>)
      } else {
      }
    }
    %sub3A_193 = arith.constant 1 : i32
    %sub3A_194 = arith.subi %add3A_3, %sub3A_193 : i32
    %rem3A_195 = arith.constant 4 : i32
    %rem3A_196 = arith.remsi %sub3A_194, %rem3A_195 : i32
    %dma_wait3A_197 = arith.constant 0 : i32
    %dma_wait3A_198 = arith.constant 0 : i32
    %dma_wait3A_199 = tpu.memref_slice %arg14[%rem3A_196, %dma_wait3A_197, %dma_wait3A_198] : memref<4x1024x16xf32, #tpu.memory_space<vmem>> -> memref<1x1024x16xf32, #tpu.memory_space<vmem>>
    %dma_wait3A_200 = tpu.memref_squeeze %dma_wait3A_199 : memref<1x1024x16xf32, #tpu.memory_space<vmem>> -> memref<1024x16xf32, #tpu.memory_space<vmem>>
    %dma_wait3A_201 = arith.constant 0 : i32
    %dma_wait3A_202 = tpu.memref_slice %arg12[%rem3A_196, %dma_wait3A_201] : memref<4x1024xi32, #tpu.memory_space<vmem>> -> memref<1x1024xi32, #tpu.memory_space<vmem>>
    %dma_wait3A_203 = tpu.memref_squeeze %dma_wait3A_202 : memref<1x1024xi32, #tpu.memory_space<vmem>> -> memref<1024xi32, #tpu.memory_space<vmem>>
    %dma_wait3A_204 = arith.constant 0 : i32
    %dma_wait3A_205 = arith.constant 0 : i32
    %dma_wait3A_206 = tpu.memref_slice %arg5[%dma_wait3A_204, %dma_wait3A_205] : memref<50048x16xf32, #tpu.memory_space<hbm>> -> memref<50048x16xf32, #tpu.memory_space<hbm>>
    %dma_wait3A_207 = tpu.memref_slice %arg17[%rem3A_196] : memref<4x!tpu.dma_semaphore, #tpu.memory_space<semaphore_mem>> -> memref<1x!tpu.dma_semaphore, #tpu.memory_space<semaphore_mem>>
    %dma_wait3A_208 = tpu.memref_squeeze %dma_wait3A_207 : memref<1x!tpu.dma_semaphore, #tpu.memory_space<semaphore_mem>> -> memref<!tpu.dma_semaphore, #tpu.memory_space<semaphore_mem>>
    tpu.wait_indirect_dma semaphore(%dma_wait3A_208 : memref<!tpu.dma_semaphore, #tpu.memory_space<semaphore_mem>>) src(%dma_wait3A_206 : memref<50048x16xf32, #tpu.memory_space<hbm>>) dst(%dma_wait3A_200 : memref<1024x16xf32, #tpu.memory_space<vmem>>)
    %sub3A_209 = arith.constant 1 : i32
    %sub3A_210 = arith.subi %add3A_3, %sub3A_209 : i32
    %rem3A_211 = arith.constant 4 : i32
    %rem3A_212 = arith.remsi %sub3A_210, %rem3A_211 : i32
    %dma_start3A_213 = arith.constant 0 : i32
    %dma_start3A_214 = arith.constant 0 : i32
    %dma_start3A_215 = tpu.memref_slice %arg14[%rem3A_212, %dma_start3A_213, %dma_start3A_214] : memref<4x1024x16xf32, #tpu.memory_space<vmem>> -> memref<1x1024x16xf32, #tpu.memory_space<vmem>>
    %dma_start3A_216 = tpu.memref_squeeze %dma_start3A_215 : memref<1x1024x16xf32, #tpu.memory_space<vmem>> -> memref<1024x16xf32, #tpu.memory_space<vmem>>
    %dma_start3A_217 = arith.constant 0 : i32
    %dma_start3A_218 = tpu.memref_slice %arg13[%rem3A_212, %dma_start3A_217] : memref<4x1024xi32, #tpu.memory_space<vmem>> -> memref<1x1024xi32, #tpu.memory_space<vmem>>
    %dma_start3A_219 = tpu.memref_squeeze %dma_start3A_218 : memref<1x1024xi32, #tpu.memory_space<vmem>> -> memref<1024xi32, #tpu.memory_space<vmem>>
    %dma_start3A_220 = arith.constant 0 : i32
    %dma_start3A_221 = arith.constant 0 : i32
    %dma_start3A_222 = tpu.memref_slice %arg15[%dma_start3A_220, %dma_start3A_221] : memref<50048x16xf32, #tpu.memory_space<vmem_shared>> -> memref<50048x16xf32, #tpu.memory_space<vmem_shared>>
    %dma_start3A_223 = tpu.memref_slice %arg18[%rem3A_212] : memref<4x!tpu.dma_semaphore, #tpu.memory_space<semaphore_mem>> -> memref<1x!tpu.dma_semaphore, #tpu.memory_space<semaphore_mem>>
    %dma_start3A_224 = tpu.memref_squeeze %dma_start3A_223 : memref<1x!tpu.dma_semaphore, #tpu.memory_space<semaphore_mem>> -> memref<!tpu.dma_semaphore, #tpu.memory_space<semaphore_mem>>
    tpu.enqueue_indirect_dma source(%dma_start3A_216 : memref<1024x16xf32, #tpu.memory_space<vmem>>) target(%dma_start3A_222 : memref<50048x16xf32, #tpu.memory_space<vmem_shared>>) offsets(%dma_start3A_219 : memref<1024xi32, #tpu.memory_space<vmem>>) semaphore(%dma_start3A_224 : memref<!tpu.dma_semaphore, #tpu.memory_space<semaphore_mem>>) {add = true}
    %sub3A_225 = arith.constant 2 : i32
    %sub3A_226 = arith.subi %add3A_3, %sub3A_225 : i32
    %rem3A_227 = arith.constant 4 : i32
    %rem3A_228 = arith.remsi %sub3A_226, %rem3A_227 : i32
    %dma_wait3A_229 = arith.constant 0 : i32
    %dma_wait3A_230 = arith.constant 0 : i32
    %dma_wait3A_231 = tpu.memref_slice %arg14[%rem3A_228, %dma_wait3A_229, %dma_wait3A_230] : memref<4x1024x16xf32, #tpu.memory_space<vmem>> -> memref<1x1024x16xf32, #tpu.memory_space<vmem>>
    %dma_wait3A_232 = tpu.memref_squeeze %dma_wait3A_231 : memref<1x1024x16xf32, #tpu.memory_space<vmem>> -> memref<1024x16xf32, #tpu.memory_space<vmem>>
    %dma_wait3A_233 = arith.constant 0 : i32
    %dma_wait3A_234 = tpu.memref_slice %arg13[%rem3A_228, %dma_wait3A_233] : memref<4x1024xi32, #tpu.memory_space<vmem>> -> memref<1x1024xi32, #tpu.memory_space<vmem>>
    %dma_wait3A_235 = tpu.memref_squeeze %dma_wait3A_234 : memref<1x1024xi32, #tpu.memory_space<vmem>> -> memref<1024xi32, #tpu.memory_space<vmem>>
    %dma_wait3A_236 = arith.constant 0 : i32
    %dma_wait3A_237 = arith.constant 0 : i32
    %dma_wait3A_238 = tpu.memref_slice %arg15[%dma_wait3A_236, %dma_wait3A_237] : memref<50048x16xf32, #tpu.memory_space<vmem_shared>> -> memref<50048x16xf32, #tpu.memory_space<vmem_shared>>
    %dma_wait3A_239 = tpu.memref_slice %arg18[%rem3A_228] : memref<4x!tpu.dma_semaphore, #tpu.memory_space<semaphore_mem>> -> memref<1x!tpu.dma_semaphore, #tpu.memory_space<semaphore_mem>>
    %dma_wait3A_240 = tpu.memref_squeeze %dma_wait3A_239 : memref<1x!tpu.dma_semaphore, #tpu.memory_space<semaphore_mem>> -> memref<!tpu.dma_semaphore, #tpu.memory_space<semaphore_mem>>
    tpu.wait_indirect_dma semaphore(%dma_wait3A_240 : memref<!tpu.dma_semaphore, #tpu.memory_space<semaphore_mem>>) src(%dma_wait3A_232 : memref<1024x16xf32, #tpu.memory_space<vmem>>) dst(%dma_wait3A_238 : memref<50048x16xf32, #tpu.memory_space<vmem_shared>>)
    %sub3A_241 = arith.constant 1 : i32
    %sub3A_242 = arith.subi %add3A_3, %sub3A_241 : i32
    %rem3A_243 = arith.constant 4 : i32
    %rem3A_244 = arith.remsi %sub3A_242, %rem3A_243 : i32
    %dma_wait3A_245 = arith.constant 0 : i32
    %dma_wait3A_246 = arith.constant 0 : i32
    %dma_wait3A_247 = tpu.memref_slice %arg14[%rem3A_244, %dma_wait3A_245, %dma_wait3A_246] : memref<4x1024x16xf32, #tpu.memory_space<vmem>> -> memref<1x1024x16xf32, #tpu.memory_space<vmem>>
    %dma_wait3A_248 = tpu.memref_squeeze %dma_wait3A_247 : memref<1x1024x16xf32, #tpu.memory_space<vmem>> -> memref<1024x16xf32, #tpu.memory_space<vmem>>
    %dma_wait3A_249 = arith.constant 0 : i32
    %dma_wait3A_250 = tpu.memref_slice %arg13[%rem3A_244, %dma_wait3A_249] : memref<4x1024xi32, #tpu.memory_space<vmem>> -> memref<1x1024xi32, #tpu.memory_space<vmem>>
    %dma_wait3A_251 = tpu.memref_squeeze %dma_wait3A_250 : memref<1x1024xi32, #tpu.memory_space<vmem>> -> memref<1024xi32, #tpu.memory_space<vmem>>
    %dma_wait3A_252 = arith.constant 0 : i32
    %dma_wait3A_253 = arith.constant 0 : i32
    %dma_wait3A_254 = tpu.memref_slice %arg15[%dma_wait3A_252, %dma_wait3A_253] : memref<50048x16xf32, #tpu.memory_space<vmem_shared>> -> memref<50048x16xf32, #tpu.memory_space<vmem_shared>>
    %dma_wait3A_255 = tpu.memref_slice %arg18[%rem3A_244] : memref<4x!tpu.dma_semaphore, #tpu.memory_space<semaphore_mem>> -> memref<1x!tpu.dma_semaphore, #tpu.memory_space<semaphore_mem>>
    %dma_wait3A_256 = tpu.memref_squeeze %dma_wait3A_255 : memref<1x!tpu.dma_semaphore, #tpu.memory_space<semaphore_mem>> -> memref<!tpu.dma_semaphore, #tpu.memory_space<semaphore_mem>>
    tpu.wait_indirect_dma semaphore(%dma_wait3A_256 : memref<!tpu.dma_semaphore, #tpu.memory_space<semaphore_mem>>) src(%dma_wait3A_248 : memref<1024x16xf32, #tpu.memory_space<vmem>>) dst(%dma_wait3A_254 : memref<50048x16xf32, #tpu.memory_space<vmem_shared>>)
    %barrier3A_257 = arith.constant 0 : index
    tpu.barrier barrier_id(%barrier3A_257)
    "tpu.region"() ({
      %run_scoped3A = tpu.sem_alloc : memref<!tpu.dma_semaphore, #tpu.memory_space<semaphore_mem>>
      %dma_start3A_510 = arith.constant 0 : i32
      %dma_start3A_511 = arith.constant 0 : i32
      %dma_start3A_512 = tpu.memref_slice %arg9[%arg0, %dma_start3A_510, %dma_start3A_511] : memref<2x50048x16xf32, #tpu.memory_space<hbm>> -> memref<1x50048x16xf32, #tpu.memory_space<hbm>>
      %dma_start3A_513 = tpu.memref_squeeze %dma_start3A_512 : memref<1x50048x16xf32, #tpu.memory_space<hbm>> -> memref<50048x16xf32, #tpu.memory_space<hbm>>
      %dma_start3A_514 = arith.constant 0 : i32
      %dma_start3A_515 = tpu.memref_slice %dma_start3A_513[%mul3A_0, %dma_start3A_514] : memref<50048x16xf32, #tpu.memory_space<hbm>> -> memref<3128x16xf32, #tpu.memory_space<hbm>>
      %dma_start3A_516 = arith.constant 0 : i32
      %dma_start3A_517 = tpu.memref_slice %arg15[%mul3A_0, %dma_start3A_516] : memref<50048x16xf32, #tpu.memory_space<vmem_shared>> -> memref<3128x16xf32, #tpu.memory_space<vmem_shared>>
      tpu.enqueue_dma source(%dma_start3A_517 : memref<3128x16xf32, #tpu.memory_space<vmem_shared>>) target(%dma_start3A_515 : memref<3128x16xf32, #tpu.memory_space<hbm>>) target_semaphore(%run_scoped3A : memref<!tpu.dma_semaphore, #tpu.memory_space<semaphore_mem>>)
      %dma_wait3A_518 = arith.constant 0 : i32
      %dma_wait3A_519 = arith.constant 0 : i32
      %dma_wait3A_520 = tpu.memref_slice %arg9[%arg0, %dma_wait3A_518, %dma_wait3A_519] : memref<2x50048x16xf32, #tpu.memory_space<hbm>> -> memref<1x50048x16xf32, #tpu.memory_space<hbm>>
      %dma_wait3A_521 = tpu.memref_squeeze %dma_wait3A_520 : memref<1x50048x16xf32, #tpu.memory_space<hbm>> -> memref<50048x16xf32, #tpu.memory_space<hbm>>
      %dma_wait3A_522 = arith.constant 0 : i32
      %dma_wait3A_523 = tpu.memref_slice %dma_wait3A_521[%mul3A_0, %dma_wait3A_522] : memref<50048x16xf32, #tpu.memory_space<hbm>> -> memref<3128x16xf32, #tpu.memory_space<hbm>>
      %dma_wait3A_524 = arith.constant 0 : i32
      %dma_wait3A_525 = tpu.memref_slice %arg15[%mul3A_0, %dma_wait3A_524] : memref<50048x16xf32, #tpu.memory_space<vmem_shared>> -> memref<3128x16xf32, #tpu.memory_space<vmem_shared>>
      tpu.wait_dma2 semaphore(%run_scoped3A : memref<!tpu.dma_semaphore, #tpu.memory_space<semaphore_mem>>) src(%dma_wait3A_525 : memref<3128x16xf32, #tpu.memory_space<vmem_shared>>) dst(%dma_wait3A_523 : memref<3128x16xf32, #tpu.memory_space<hbm>>)
      tpu.yield
    }) : () -> ()
    "tpu.region"() ({
      %run_scoped3A = tpu.sem_alloc : memref<!tpu.dma_semaphore, #tpu.memory_space<semaphore_mem>>
      %dma_start3A_510 = arith.constant 0 : i32
      %dma_start3A_511 = tpu.memref_slice %arg15[%mul3A_0, %dma_start3A_510] : memref<50048x16xf32, #tpu.memory_space<vmem_shared>> -> memref<3128x16xf32, #tpu.memory_space<vmem_shared>>
      %dma_start3A_512 = arith.constant 0 : i32
      %dma_start3A_513 = tpu.memref_slice %arg6[%mul3A_0, %dma_start3A_512] : memref<50048x16xf32, #tpu.memory_space<hbm>> -> memref<3128x16xf32, #tpu.memory_space<hbm>>
      tpu.enqueue_dma source(%dma_start3A_513 : memref<3128x16xf32, #tpu.memory_space<hbm>>) target(%dma_start3A_511 : memref<3128x16xf32, #tpu.memory_space<vmem_shared>>) target_semaphore(%run_scoped3A : memref<!tpu.dma_semaphore, #tpu.memory_space<semaphore_mem>>)
      %dma_wait3A_514 = arith.constant 0 : i32
      %dma_wait3A_515 = tpu.memref_slice %arg15[%mul3A_0, %dma_wait3A_514] : memref<50048x16xf32, #tpu.memory_space<vmem_shared>> -> memref<3128x16xf32, #tpu.memory_space<vmem_shared>>
      %dma_wait3A_516 = arith.constant 0 : i32
      %dma_wait3A_517 = tpu.memref_slice %arg6[%mul3A_0, %dma_wait3A_516] : memref<50048x16xf32, #tpu.memory_space<hbm>> -> memref<3128x16xf32, #tpu.memory_space<hbm>>
      tpu.wait_dma2 semaphore(%run_scoped3A : memref<!tpu.dma_semaphore, #tpu.memory_space<semaphore_mem>>) src(%dma_wait3A_517 : memref<3128x16xf32, #tpu.memory_space<hbm>>) dst(%dma_wait3A_515 : memref<3128x16xf32, #tpu.memory_space<vmem_shared>>)
      tpu.yield
    }) : () -> ()
    %barrier3A_258 = arith.constant 0 : index
    tpu.barrier barrier_id(%barrier3A_258)
    %rem3A_259 = arith.constant 0 : i32
    %rem3A_260 = arith.constant 4 : i32
    %rem3A_261 = arith.remsi %rem3A_259, %rem3A_260 : i32
    %add3A_262 = arith.constant 0 : i32
    %add3A_263 = arith.addi %mul3A_11, %add3A_262 : i32
    %dma_start3A_264 = arith.constant 0 : i32
    %dma_start3A_265 = tpu.memref_slice %arg13[%rem3A_261, %dma_start3A_264] : memref<4x1024xi32, #tpu.memory_space<vmem>> -> memref<1x1024xi32, #tpu.memory_space<vmem>>
    %dma_start3A_266 = tpu.memref_squeeze %dma_start3A_265 : memref<1x1024xi32, #tpu.memory_space<vmem>> -> memref<1024xi32, #tpu.memory_space<vmem>>
    %dma_start3A_267 = tpu.memref_slice %arg3[%add3A_263] : memref<3211264xi32, #tpu.memory_space<hbm>> -> memref<1024xi32, #tpu.memory_space<hbm>>
    %dma_start3A_268 = tpu.memref_slice %arg16[%rem3A_261] : memref<4x!tpu.dma_semaphore, #tpu.memory_space<semaphore_mem>> -> memref<1x!tpu.dma_semaphore, #tpu.memory_space<semaphore_mem>>
    %dma_start3A_269 = tpu.memref_squeeze %dma_start3A_268 : memref<1x!tpu.dma_semaphore, #tpu.memory_space<semaphore_mem>> -> memref<!tpu.dma_semaphore, #tpu.memory_space<semaphore_mem>>
    %dma_start3A_270 = arith.constant 0 : i32
    %dma_start3A_271 = tpu.memref_slice %arg13[%rem3A_261, %dma_start3A_270] : memref<4x1024xi32, #tpu.memory_space<vmem>> -> memref<1x1024xi32, #tpu.memory_space<vmem>>
    %dma_start3A_272 = tpu.memref_squeeze %dma_start3A_271 : memref<1x1024xi32, #tpu.memory_space<vmem>> -> memref<1024xi32, #tpu.memory_space<vmem>>
    %dma_start3A_273 = tpu.memref_slice %arg3[%add3A_263] : memref<3211264xi32, #tpu.memory_space<hbm>> -> memref<1024xi32, #tpu.memory_space<hbm>>
    tpu.enqueue_dma source(%dma_start3A_273 : memref<1024xi32, #tpu.memory_space<hbm>>) target(%dma_start3A_272 : memref<1024xi32, #tpu.memory_space<vmem>>) target_semaphore(%dma_start3A_269 : memref<!tpu.dma_semaphore, #tpu.memory_space<semaphore_mem>>)
    %dma_start3A_274 = arith.constant 0 : i32
    %dma_start3A_275 = tpu.memref_slice %arg12[%rem3A_261, %dma_start3A_274] : memref<4x1024xi32, #tpu.memory_space<vmem>> -> memref<1x1024xi32, #tpu.memory_space<vmem>>
    %dma_start3A_276 = tpu.memref_squeeze %dma_start3A_275 : memref<1x1024xi32, #tpu.memory_space<vmem>> -> memref<1024xi32, #tpu.memory_space<vmem>>
    %dma_start3A_277 = tpu.memref_slice %arg2[%add3A_263] : memref<3211264xi32, #tpu.memory_space<hbm>> -> memref<1024xi32, #tpu.memory_space<hbm>>
    %dma_start3A_278 = tpu.memref_slice %arg16[%rem3A_261] : memref<4x!tpu.dma_semaphore, #tpu.memory_space<semaphore_mem>> -> memref<1x!tpu.dma_semaphore, #tpu.memory_space<semaphore_mem>>
    %dma_start3A_279 = tpu.memref_squeeze %dma_start3A_278 : memref<1x!tpu.dma_semaphore, #tpu.memory_space<semaphore_mem>> -> memref<!tpu.dma_semaphore, #tpu.memory_space<semaphore_mem>>
    %dma_start3A_280 = arith.constant 0 : i32
    %dma_start3A_281 = tpu.memref_slice %arg12[%rem3A_261, %dma_start3A_280] : memref<4x1024xi32, #tpu.memory_space<vmem>> -> memref<1x1024xi32, #tpu.memory_space<vmem>>
    %dma_start3A_282 = tpu.memref_squeeze %dma_start3A_281 : memref<1x1024xi32, #tpu.memory_space<vmem>> -> memref<1024xi32, #tpu.memory_space<vmem>>
    %dma_start3A_283 = tpu.memref_slice %arg2[%add3A_263] : memref<3211264xi32, #tpu.memory_space<hbm>> -> memref<1024xi32, #tpu.memory_space<hbm>>
    tpu.enqueue_dma source(%dma_start3A_283 : memref<1024xi32, #tpu.memory_space<hbm>>) target(%dma_start3A_282 : memref<1024xi32, #tpu.memory_space<vmem>>) target_semaphore(%dma_start3A_279 : memref<!tpu.dma_semaphore, #tpu.memory_space<semaphore_mem>>)
    %rem3A_284 = arith.constant 1 : i32
    %rem3A_285 = arith.constant 4 : i32
    %rem3A_286 = arith.remsi %rem3A_284, %rem3A_285 : i32
    %add3A_287 = arith.constant 1024 : i32
    %add3A_288 = arith.addi %mul3A_11, %add3A_287 : i32
    %dma_start3A_289 = arith.constant 0 : i32
    %dma_start3A_290 = tpu.memref_slice %arg13[%rem3A_286, %dma_start3A_289] : memref<4x1024xi32, #tpu.memory_space<vmem>> -> memref<1x1024xi32, #tpu.memory_space<vmem>>
    %dma_start3A_291 = tpu.memref_squeeze %dma_start3A_290 : memref<1x1024xi32, #tpu.memory_space<vmem>> -> memref<1024xi32, #tpu.memory_space<vmem>>
    %dma_start3A_292 = tpu.memref_slice %arg3[%add3A_288] : memref<3211264xi32, #tpu.memory_space<hbm>> -> memref<1024xi32, #tpu.memory_space<hbm>>
    %dma_start3A_293 = tpu.memref_slice %arg16[%rem3A_286] : memref<4x!tpu.dma_semaphore, #tpu.memory_space<semaphore_mem>> -> memref<1x!tpu.dma_semaphore, #tpu.memory_space<semaphore_mem>>
    %dma_start3A_294 = tpu.memref_squeeze %dma_start3A_293 : memref<1x!tpu.dma_semaphore, #tpu.memory_space<semaphore_mem>> -> memref<!tpu.dma_semaphore, #tpu.memory_space<semaphore_mem>>
    %dma_start3A_295 = arith.constant 0 : i32
    %dma_start3A_296 = tpu.memref_slice %arg13[%rem3A_286, %dma_start3A_295] : memref<4x1024xi32, #tpu.memory_space<vmem>> -> memref<1x1024xi32, #tpu.memory_space<vmem>>
    %dma_start3A_297 = tpu.memref_squeeze %dma_start3A_296 : memref<1x1024xi32, #tpu.memory_space<vmem>> -> memref<1024xi32, #tpu.memory_space<vmem>>
    %dma_start3A_298 = tpu.memref_slice %arg3[%add3A_288] : memref<3211264xi32, #tpu.memory_space<hbm>> -> memref<1024xi32, #tpu.memory_space<hbm>>
    tpu.enqueue_dma source(%dma_start3A_298 : memref<1024xi32, #tpu.memory_space<hbm>>) target(%dma_start3A_297 : memref<1024xi32, #tpu.memory_space<vmem>>) target_semaphore(%dma_start3A_294 : memref<!tpu.dma_semaphore, #tpu.memory_space<semaphore_mem>>)
    %dma_start3A_299 = arith.constant 0 : i32
    %dma_start3A_300 = tpu.memref_slice %arg12[%rem3A_286, %dma_start3A_299] : memref<4x1024xi32, #tpu.memory_space<vmem>> -> memref<1x1024xi32, #tpu.memory_space<vmem>>
    %dma_start3A_301 = tpu.memref_squeeze %dma_start3A_300 : memref<1x1024xi32, #tpu.memory_space<vmem>> -> memref<1024xi32, #tpu.memory_space<vmem>>
    %dma_start3A_302 = tpu.memref_slice %arg2[%add3A_288] : memref<3211264xi32, #tpu.memory_space<hbm>> -> memref<1024xi32, #tpu.memory_space<hbm>>
    %dma_start3A_303 = tpu.memref_slice %arg16[%rem3A_286] : memref<4x!tpu.dma_semaphore, #tpu.memory_space<semaphore_mem>> -> memref<1x!tpu.dma_semaphore, #tpu.memory_space<semaphore_mem>>
    %dma_start3A_304 = tpu.memref_squeeze %dma_start3A_303 : memref<1x!tpu.dma_semaphore, #tpu.memory_space<semaphore_mem>> -> memref<!tpu.dma_semaphore, #tpu.memory_space<semaphore_mem>>
    %dma_start3A_305 = arith.constant 0 : i32
    %dma_start3A_306 = tpu.memref_slice %arg12[%rem3A_286, %dma_start3A_305] : memref<4x1024xi32, #tpu.memory_space<vmem>> -> memref<1x1024xi32, #tpu.memory_space<vmem>>
    %dma_start3A_307 = tpu.memref_squeeze %dma_start3A_306 : memref<1x1024xi32, #tpu.memory_space<vmem>> -> memref<1024xi32, #tpu.memory_space<vmem>>
    %dma_start3A_308 = tpu.memref_slice %arg2[%add3A_288] : memref<3211264xi32, #tpu.memory_space<hbm>> -> memref<1024xi32, #tpu.memory_space<hbm>>
    tpu.enqueue_dma source(%dma_start3A_308 : memref<1024xi32, #tpu.memory_space<hbm>>) target(%dma_start3A_307 : memref<1024xi32, #tpu.memory_space<vmem>>) target_semaphore(%dma_start3A_304 : memref<!tpu.dma_semaphore, #tpu.memory_space<semaphore_mem>>)
    %while3A_309 = arith.constant 0 : i32
    %while3A_310 = arith.constant 0 : i32
    %while3A_311 = arith.subi %add3A_3, %while3A_310 : i32
    %while3A_312 = arith.addi %while3A_310, %while3A_311 : i32
    %while3A_313 = arith.constant 1 : i32
    %while3A_314 = arith.divsi %while3A_311, %while3A_313 : i32
    %while3A_315 = arith.muli %while3A_314, %while3A_313 : i32
    %while3A_316 = arith.addi %while3A_310, %while3A_315 : i32
    %while3A_317 = arith.constant 1 : i32
    scf.for %while3A_510 = %while3A_310 to %while3A_316 step %while3A_317  : i32 {
      %rem3A_511 = arith.constant 4 : i32
      %rem3A_512 = arith.remsi %while3A_510, %rem3A_511 : i32
      %dma_wait3A_513 = arith.constant 0 : i32
      %dma_wait3A_514 = tpu.memref_slice %arg13[%rem3A_512, %dma_wait3A_513] : memref<4x1024xi32, #tpu.memory_space<vmem>> -> memref<1x1024xi32, #tpu.memory_space<vmem>>
      %dma_wait3A_515 = tpu.memref_squeeze %dma_wait3A_514 : memref<1x1024xi32, #tpu.memory_space<vmem>> -> memref<1024xi32, #tpu.memory_space<vmem>>
      %dma_wait3A_516 = arith.constant 0 : i32
      %dma_wait3A_517 = tpu.memref_slice %arg3[%dma_wait3A_516] : memref<3211264xi32, #tpu.memory_space<hbm>> -> memref<1024xi32, #tpu.memory_space<hbm>>
      %dma_wait3A_518 = tpu.memref_slice %arg16[%rem3A_512] : memref<4x!tpu.dma_semaphore, #tpu.memory_space<semaphore_mem>> -> memref<1x!tpu.dma_semaphore, #tpu.memory_space<semaphore_mem>>
      %dma_wait3A_519 = tpu.memref_squeeze %dma_wait3A_518 : memref<1x!tpu.dma_semaphore, #tpu.memory_space<semaphore_mem>> -> memref<!tpu.dma_semaphore, #tpu.memory_space<semaphore_mem>>
      %dma_wait3A_520 = arith.constant 0 : i32
      %dma_wait3A_521 = tpu.memref_slice %arg13[%rem3A_512, %dma_wait3A_520] : memref<4x1024xi32, #tpu.memory_space<vmem>> -> memref<1x1024xi32, #tpu.memory_space<vmem>>
      %dma_wait3A_522 = tpu.memref_squeeze %dma_wait3A_521 : memref<1x1024xi32, #tpu.memory_space<vmem>> -> memref<1024xi32, #tpu.memory_space<vmem>>
      %dma_wait3A_523 = arith.constant 0 : i32
      %dma_wait3A_524 = tpu.memref_slice %arg3[%dma_wait3A_523] : memref<3211264xi32, #tpu.memory_space<hbm>> -> memref<1024xi32, #tpu.memory_space<hbm>>
      tpu.wait_dma2 semaphore(%dma_wait3A_519 : memref<!tpu.dma_semaphore, #tpu.memory_space<semaphore_mem>>) src(%dma_wait3A_524 : memref<1024xi32, #tpu.memory_space<hbm>>) dst(%dma_wait3A_522 : memref<1024xi32, #tpu.memory_space<vmem>>)
      %dma_wait3A_525 = arith.constant 0 : i32
      %dma_wait3A_526 = tpu.memref_slice %arg12[%rem3A_512, %dma_wait3A_525] : memref<4x1024xi32, #tpu.memory_space<vmem>> -> memref<1x1024xi32, #tpu.memory_space<vmem>>
      %dma_wait3A_527 = tpu.memref_squeeze %dma_wait3A_526 : memref<1x1024xi32, #tpu.memory_space<vmem>> -> memref<1024xi32, #tpu.memory_space<vmem>>
      %dma_wait3A_528 = arith.constant 0 : i32
      %dma_wait3A_529 = tpu.memref_slice %arg2[%dma_wait3A_528] : memref<3211264xi32, #tpu.memory_space<hbm>> -> memref<1024xi32, #tpu.memory_space<hbm>>
      %dma_wait3A_530 = tpu.memref_slice %arg16[%rem3A_512] : memref<4x!tpu.dma_semaphore, #tpu.memory_space<semaphore_mem>> -> memref<1x!tpu.dma_semaphore, #tpu.memory_space<semaphore_mem>>
      %dma_wait3A_531 = tpu.memref_squeeze %dma_wait3A_530 : memref<1x!tpu.dma_semaphore, #tpu.memory_space<semaphore_mem>> -> memref<!tpu.dma_semaphore, #tpu.memory_space<semaphore_mem>>
      %dma_wait3A_532 = arith.constant 0 : i32
      %dma_wait3A_533 = tpu.memref_slice %arg12[%rem3A_512, %dma_wait3A_532] : memref<4x1024xi32, #tpu.memory_space<vmem>> -> memref<1x1024xi32, #tpu.memory_space<vmem>>
      %dma_wait3A_534 = tpu.memref_squeeze %dma_wait3A_533 : memref<1x1024xi32, #tpu.memory_space<vmem>> -> memref<1024xi32, #tpu.memory_space<vmem>>
      %dma_wait3A_535 = arith.constant 0 : i32
      %dma_wait3A_536 = tpu.memref_slice %arg2[%dma_wait3A_535] : memref<3211264xi32, #tpu.memory_space<hbm>> -> memref<1024xi32, #tpu.memory_space<hbm>>
      tpu.wait_dma2 semaphore(%dma_wait3A_531 : memref<!tpu.dma_semaphore, #tpu.memory_space<semaphore_mem>>) src(%dma_wait3A_536 : memref<1024xi32, #tpu.memory_space<hbm>>) dst(%dma_wait3A_534 : memref<1024xi32, #tpu.memory_space<vmem>>)
      %rem3A_537 = arith.constant 4 : i32
      %rem3A_538 = arith.remsi %while3A_510, %rem3A_537 : i32
      %dma_start3A_539 = arith.constant 0 : i32
      %dma_start3A_540 = arith.constant 0 : i32
      %dma_start3A_541 = tpu.memref_slice %arg14[%rem3A_538, %dma_start3A_539, %dma_start3A_540] : memref<4x1024x16xf32, #tpu.memory_space<vmem>> -> memref<1x1024x16xf32, #tpu.memory_space<vmem>>
      %dma_start3A_542 = tpu.memref_squeeze %dma_start3A_541 : memref<1x1024x16xf32, #tpu.memory_space<vmem>> -> memref<1024x16xf32, #tpu.memory_space<vmem>>
      %dma_start3A_543 = arith.constant 0 : i32
      %dma_start3A_544 = tpu.memref_slice %arg12[%rem3A_538, %dma_start3A_543] : memref<4x1024xi32, #tpu.memory_space<vmem>> -> memref<1x1024xi32, #tpu.memory_space<vmem>>
      %dma_start3A_545 = tpu.memref_squeeze %dma_start3A_544 : memref<1x1024xi32, #tpu.memory_space<vmem>> -> memref<1024xi32, #tpu.memory_space<vmem>>
      %dma_start3A_546 = arith.constant 0 : i32
      %dma_start3A_547 = arith.constant 0 : i32
      %dma_start3A_548 = tpu.memref_slice %arg6[%dma_start3A_546, %dma_start3A_547] : memref<50048x16xf32, #tpu.memory_space<hbm>> -> memref<50048x16xf32, #tpu.memory_space<hbm>>
      %dma_start3A_549 = tpu.memref_slice %arg17[%rem3A_538] : memref<4x!tpu.dma_semaphore, #tpu.memory_space<semaphore_mem>> -> memref<1x!tpu.dma_semaphore, #tpu.memory_space<semaphore_mem>>
      %dma_start3A_550 = tpu.memref_squeeze %dma_start3A_549 : memref<1x!tpu.dma_semaphore, #tpu.memory_space<semaphore_mem>> -> memref<!tpu.dma_semaphore, #tpu.memory_space<semaphore_mem>>
      tpu.enqueue_indirect_dma source(%dma_start3A_548 : memref<50048x16xf32, #tpu.memory_space<hbm>>) target(%dma_start3A_542 : memref<1024x16xf32, #tpu.memory_space<vmem>>) offsets(%dma_start3A_545 : memref<1024xi32, #tpu.memory_space<vmem>>) semaphore(%dma_start3A_550 : memref<!tpu.dma_semaphore, #tpu.memory_space<semaphore_mem>>)
      %ge3A = arith.constant 1 : i32
      %ge3A_551 = arith.cmpi sge, %while3A_510, %ge3A : i32
      %convert_element_type3A = arith.extui %ge3A_551 : i1 to i32
      %cond3A = arith.constant 0 : i32
      %cond3A_552 = arith.cmpi ne, %convert_element_type3A, %cond3A : i32
      scf.if %cond3A_552 {
        %sub3A_563 = arith.constant 1 : i32
        %sub3A_564 = arith.subi %while3A_510, %sub3A_563 : i32
        %rem3A_565 = arith.constant 4 : i32
        %rem3A_566 = arith.remsi %sub3A_564, %rem3A_565 : i32
        %dma_wait3A_567 = arith.constant 0 : i32
        %dma_wait3A_568 = arith.constant 0 : i32
        %dma_wait3A_569 = tpu.memref_slice %arg14[%rem3A_566, %dma_wait3A_567, %dma_wait3A_568] : memref<4x1024x16xf32, #tpu.memory_space<vmem>> -> memref<1x1024x16xf32, #tpu.memory_space<vmem>>
        %dma_wait3A_570 = tpu.memref_squeeze %dma_wait3A_569 : memref<1x1024x16xf32, #tpu.memory_space<vmem>> -> memref<1024x16xf32, #tpu.memory_space<vmem>>
        %dma_wait3A_571 = arith.constant 0 : i32
        %dma_wait3A_572 = tpu.memref_slice %arg12[%rem3A_566, %dma_wait3A_571] : memref<4x1024xi32, #tpu.memory_space<vmem>> -> memref<1x1024xi32, #tpu.memory_space<vmem>>
        %dma_wait3A_573 = tpu.memref_squeeze %dma_wait3A_572 : memref<1x1024xi32, #tpu.memory_space<vmem>> -> memref<1024xi32, #tpu.memory_space<vmem>>
        %dma_wait3A_574 = arith.constant 0 : i32
        %dma_wait3A_575 = arith.constant 0 : i32
        %dma_wait3A_576 = tpu.memref_slice %arg6[%dma_wait3A_574, %dma_wait3A_575] : memref<50048x16xf32, #tpu.memory_space<hbm>> -> memref<50048x16xf32, #tpu.memory_space<hbm>>
        %dma_wait3A_577 = tpu.memref_slice %arg17[%rem3A_566] : memref<4x!tpu.dma_semaphore, #tpu.memory_space<semaphore_mem>> -> memref<1x!tpu.dma_semaphore, #tpu.memory_space<semaphore_mem>>
        %dma_wait3A_578 = tpu.memref_squeeze %dma_wait3A_577 : memref<1x!tpu.dma_semaphore, #tpu.memory_space<semaphore_mem>> -> memref<!tpu.dma_semaphore, #tpu.memory_space<semaphore_mem>>
        tpu.wait_indirect_dma semaphore(%dma_wait3A_578 : memref<!tpu.dma_semaphore, #tpu.memory_space<semaphore_mem>>) src(%dma_wait3A_576 : memref<50048x16xf32, #tpu.memory_space<hbm>>) dst(%dma_wait3A_570 : memref<1024x16xf32, #tpu.memory_space<vmem>>)
        %sub3A_579 = arith.constant 1 : i32
        %sub3A_580 = arith.subi %while3A_510, %sub3A_579 : i32
        %rem3A_581 = arith.constant 4 : i32
        %rem3A_582 = arith.remsi %sub3A_580, %rem3A_581 : i32
        %dma_start3A_583 = arith.constant 0 : i32
        %dma_start3A_584 = arith.constant 0 : i32
        %dma_start3A_585 = tpu.memref_slice %arg14[%rem3A_582, %dma_start3A_583, %dma_start3A_584] : memref<4x1024x16xf32, #tpu.memory_space<vmem>> -> memref<1x1024x16xf32, #tpu.memory_space<vmem>>
        %dma_start3A_586 = tpu.memref_squeeze %dma_start3A_585 : memref<1x1024x16xf32, #tpu.memory_space<vmem>> -> memref<1024x16xf32, #tpu.memory_space<vmem>>
        %dma_start3A_587 = arith.constant 0 : i32
        %dma_start3A_588 = tpu.memref_slice %arg13[%rem3A_582, %dma_start3A_587] : memref<4x1024xi32, #tpu.memory_space<vmem>> -> memref<1x1024xi32, #tpu.memory_space<vmem>>
        %dma_start3A_589 = tpu.memref_squeeze %dma_start3A_588 : memref<1x1024xi32, #tpu.memory_space<vmem>> -> memref<1024xi32, #tpu.memory_space<vmem>>
        %dma_start3A_590 = arith.constant 0 : i32
        %dma_start3A_591 = arith.constant 0 : i32
        %dma_start3A_592 = tpu.memref_slice %arg15[%dma_start3A_590, %dma_start3A_591] : memref<50048x16xf32, #tpu.memory_space<vmem_shared>> -> memref<50048x16xf32, #tpu.memory_space<vmem_shared>>
        %dma_start3A_593 = tpu.memref_slice %arg18[%rem3A_582] : memref<4x!tpu.dma_semaphore, #tpu.memory_space<semaphore_mem>> -> memref<1x!tpu.dma_semaphore, #tpu.memory_space<semaphore_mem>>
        %dma_start3A_594 = tpu.memref_squeeze %dma_start3A_593 : memref<1x!tpu.dma_semaphore, #tpu.memory_space<semaphore_mem>> -> memref<!tpu.dma_semaphore, #tpu.memory_space<semaphore_mem>>
        tpu.enqueue_indirect_dma source(%dma_start3A_586 : memref<1024x16xf32, #tpu.memory_space<vmem>>) target(%dma_start3A_592 : memref<50048x16xf32, #tpu.memory_space<vmem_shared>>) offsets(%dma_start3A_589 : memref<1024xi32, #tpu.memory_space<vmem>>) semaphore(%dma_start3A_594 : memref<!tpu.dma_semaphore, #tpu.memory_space<semaphore_mem>>) {add = true}
      } else {
      }
      %ge3A_553 = arith.constant 2 : i32
      %ge3A_554 = arith.cmpi sge, %while3A_510, %ge3A_553 : i32
      %convert_element_type3A_555 = arith.extui %ge3A_554 : i1 to i32
      %cond3A_556 = arith.constant 0 : i32
      %cond3A_557 = arith.cmpi ne, %convert_element_type3A_555, %cond3A_556 : i32
      scf.if %cond3A_557 {
        %sub3A_563 = arith.constant 2 : i32
        %sub3A_564 = arith.subi %while3A_510, %sub3A_563 : i32
        %rem3A_565 = arith.constant 4 : i32
        %rem3A_566 = arith.remsi %sub3A_564, %rem3A_565 : i32
        %dma_wait3A_567 = arith.constant 0 : i32
        %dma_wait3A_568 = arith.constant 0 : i32
        %dma_wait3A_569 = tpu.memref_slice %arg14[%rem3A_566, %dma_wait3A_567, %dma_wait3A_568] : memref<4x1024x16xf32, #tpu.memory_space<vmem>> -> memref<1x1024x16xf32, #tpu.memory_space<vmem>>
        %dma_wait3A_570 = tpu.memref_squeeze %dma_wait3A_569 : memref<1x1024x16xf32, #tpu.memory_space<vmem>> -> memref<1024x16xf32, #tpu.memory_space<vmem>>
        %dma_wait3A_571 = arith.constant 0 : i32
        %dma_wait3A_572 = tpu.memref_slice %arg13[%rem3A_566, %dma_wait3A_571] : memref<4x1024xi32, #tpu.memory_space<vmem>> -> memref<1x1024xi32, #tpu.memory_space<vmem>>
        %dma_wait3A_573 = tpu.memref_squeeze %dma_wait3A_572 : memref<1x1024xi32, #tpu.memory_space<vmem>> -> memref<1024xi32, #tpu.memory_space<vmem>>
        %dma_wait3A_574 = arith.constant 0 : i32
        %dma_wait3A_575 = arith.constant 0 : i32
        %dma_wait3A_576 = tpu.memref_slice %arg15[%dma_wait3A_574, %dma_wait3A_575] : memref<50048x16xf32, #tpu.memory_space<vmem_shared>> -> memref<50048x16xf32, #tpu.memory_space<vmem_shared>>
        %dma_wait3A_577 = tpu.memref_slice %arg18[%rem3A_566] : memref<4x!tpu.dma_semaphore, #tpu.memory_space<semaphore_mem>> -> memref<1x!tpu.dma_semaphore, #tpu.memory_space<semaphore_mem>>
        %dma_wait3A_578 = tpu.memref_squeeze %dma_wait3A_577 : memref<1x!tpu.dma_semaphore, #tpu.memory_space<semaphore_mem>> -> memref<!tpu.dma_semaphore, #tpu.memory_space<semaphore_mem>>
        tpu.wait_indirect_dma semaphore(%dma_wait3A_578 : memref<!tpu.dma_semaphore, #tpu.memory_space<semaphore_mem>>) src(%dma_wait3A_570 : memref<1024x16xf32, #tpu.memory_space<vmem>>) dst(%dma_wait3A_576 : memref<50048x16xf32, #tpu.memory_space<vmem_shared>>)
      } else {
      }
      %add3A_558 = arith.constant 2 : i32
      %add3A_559 = arith.addi %while3A_510, %add3A_558 : i32
      %lt3A = arith.cmpi slt, %add3A_559, %add3A_3 : i32
      %convert_element_type3A_560 = arith.extui %lt3A : i1 to i32
      %cond3A_561 = arith.constant 0 : i32
      %cond3A_562 = arith.cmpi ne, %convert_element_type3A_560, %cond3A_561 : i32
      scf.if %cond3A_562 {
        %add3A_563 = arith.constant 2 : i32
        %add3A_564 = arith.addi %while3A_510, %add3A_563 : i32
        %rem3A_565 = arith.constant 4 : i32
        %rem3A_566 = arith.remsi %add3A_564, %rem3A_565 : i32
        %mul3A_567 = arith.constant 1024 : i32
        %mul3A_568 = arith.muli %add3A_564, %mul3A_567 : i32
        %add3A_569 = arith.addi %mul3A_11, %mul3A_568 : i32
        %dma_start3A_570 = arith.constant 0 : i32
        %dma_start3A_571 = tpu.memref_slice %arg13[%rem3A_566, %dma_start3A_570] : memref<4x1024xi32, #tpu.memory_space<vmem>> -> memref<1x1024xi32, #tpu.memory_space<vmem>>
        %dma_start3A_572 = tpu.memref_squeeze %dma_start3A_571 : memref<1x1024xi32, #tpu.memory_space<vmem>> -> memref<1024xi32, #tpu.memory_space<vmem>>
        %dma_start3A_573 = tpu.memref_slice %arg3[%add3A_569] : memref<3211264xi32, #tpu.memory_space<hbm>> -> memref<1024xi32, #tpu.memory_space<hbm>>
        %dma_start3A_574 = tpu.memref_slice %arg16[%rem3A_566] : memref<4x!tpu.dma_semaphore, #tpu.memory_space<semaphore_mem>> -> memref<1x!tpu.dma_semaphore, #tpu.memory_space<semaphore_mem>>
        %dma_start3A_575 = tpu.memref_squeeze %dma_start3A_574 : memref<1x!tpu.dma_semaphore, #tpu.memory_space<semaphore_mem>> -> memref<!tpu.dma_semaphore, #tpu.memory_space<semaphore_mem>>
        %dma_start3A_576 = arith.constant 0 : i32
        %dma_start3A_577 = tpu.memref_slice %arg13[%rem3A_566, %dma_start3A_576] : memref<4x1024xi32, #tpu.memory_space<vmem>> -> memref<1x1024xi32, #tpu.memory_space<vmem>>
        %dma_start3A_578 = tpu.memref_squeeze %dma_start3A_577 : memref<1x1024xi32, #tpu.memory_space<vmem>> -> memref<1024xi32, #tpu.memory_space<vmem>>
        %dma_start3A_579 = tpu.memref_slice %arg3[%add3A_569] : memref<3211264xi32, #tpu.memory_space<hbm>> -> memref<1024xi32, #tpu.memory_space<hbm>>
        tpu.enqueue_dma source(%dma_start3A_579 : memref<1024xi32, #tpu.memory_space<hbm>>) target(%dma_start3A_578 : memref<1024xi32, #tpu.memory_space<vmem>>) target_semaphore(%dma_start3A_575 : memref<!tpu.dma_semaphore, #tpu.memory_space<semaphore_mem>>)
        %dma_start3A_580 = arith.constant 0 : i32
        %dma_start3A_581 = tpu.memref_slice %arg12[%rem3A_566, %dma_start3A_580] : memref<4x1024xi32, #tpu.memory_space<vmem>> -> memref<1x1024xi32, #tpu.memory_space<vmem>>
        %dma_start3A_582 = tpu.memref_squeeze %dma_start3A_581 : memref<1x1024xi32, #tpu.memory_space<vmem>> -> memref<1024xi32, #tpu.memory_space<vmem>>
        %dma_start3A_583 = tpu.memref_slice %arg2[%add3A_569] : memref<3211264xi32, #tpu.memory_space<hbm>> -> memref<1024xi32, #tpu.memory_space<hbm>>
        %dma_start3A_584 = tpu.memref_slice %arg16[%rem3A_566] : memref<4x!tpu.dma_semaphore, #tpu.memory_space<semaphore_mem>> -> memref<1x!tpu.dma_semaphore, #tpu.memory_space<semaphore_mem>>
        %dma_start3A_585 = tpu.memref_squeeze %dma_start3A_584 : memref<1x!tpu.dma_semaphore, #tpu.memory_space<semaphore_mem>> -> memref<!tpu.dma_semaphore, #tpu.memory_space<semaphore_mem>>
        %dma_start3A_586 = arith.constant 0 : i32
        %dma_start3A_587 = tpu.memref_slice %arg12[%rem3A_566, %dma_start3A_586] : memref<4x1024xi32, #tpu.memory_space<vmem>> -> memref<1x1024xi32, #tpu.memory_space<vmem>>
        %dma_start3A_588 = tpu.memref_squeeze %dma_start3A_587 : memref<1x1024xi32, #tpu.memory_space<vmem>> -> memref<1024xi32, #tpu.memory_space<vmem>>
        %dma_start3A_589 = tpu.memref_slice %arg2[%add3A_569] : memref<3211264xi32, #tpu.memory_space<hbm>> -> memref<1024xi32, #tpu.memory_space<hbm>>
        tpu.enqueue_dma source(%dma_start3A_589 : memref<1024xi32, #tpu.memory_space<hbm>>) target(%dma_start3A_588 : memref<1024xi32, #tpu.memory_space<vmem>>) target_semaphore(%dma_start3A_585 : memref<!tpu.dma_semaphore, #tpu.memory_space<semaphore_mem>>)
      } else {
      }
    }
    %while3A_318 = arith.constant 1 : i32
    scf.for %while3A_510 = %while3A_316 to %while3A_312 step %while3A_318  : i32 {
      %rem3A_511 = arith.constant 4 : i32
      %rem3A_512 = arith.remsi %while3A_510, %rem3A_511 : i32
      %dma_wait3A_513 = arith.constant 0 : i32
      %dma_wait3A_514 = tpu.memref_slice %arg13[%rem3A_512, %dma_wait3A_513] : memref<4x1024xi32, #tpu.memory_space<vmem>> -> memref<1x1024xi32, #tpu.memory_space<vmem>>
      %dma_wait3A_515 = tpu.memref_squeeze %dma_wait3A_514 : memref<1x1024xi32, #tpu.memory_space<vmem>> -> memref<1024xi32, #tpu.memory_space<vmem>>
      %dma_wait3A_516 = arith.constant 0 : i32
      %dma_wait3A_517 = tpu.memref_slice %arg3[%dma_wait3A_516] : memref<3211264xi32, #tpu.memory_space<hbm>> -> memref<1024xi32, #tpu.memory_space<hbm>>
      %dma_wait3A_518 = tpu.memref_slice %arg16[%rem3A_512] : memref<4x!tpu.dma_semaphore, #tpu.memory_space<semaphore_mem>> -> memref<1x!tpu.dma_semaphore, #tpu.memory_space<semaphore_mem>>
      %dma_wait3A_519 = tpu.memref_squeeze %dma_wait3A_518 : memref<1x!tpu.dma_semaphore, #tpu.memory_space<semaphore_mem>> -> memref<!tpu.dma_semaphore, #tpu.memory_space<semaphore_mem>>
      %dma_wait3A_520 = arith.constant 0 : i32
      %dma_wait3A_521 = tpu.memref_slice %arg13[%rem3A_512, %dma_wait3A_520] : memref<4x1024xi32, #tpu.memory_space<vmem>> -> memref<1x1024xi32, #tpu.memory_space<vmem>>
      %dma_wait3A_522 = tpu.memref_squeeze %dma_wait3A_521 : memref<1x1024xi32, #tpu.memory_space<vmem>> -> memref<1024xi32, #tpu.memory_space<vmem>>
      %dma_wait3A_523 = arith.constant 0 : i32
      %dma_wait3A_524 = tpu.memref_slice %arg3[%dma_wait3A_523] : memref<3211264xi32, #tpu.memory_space<hbm>> -> memref<1024xi32, #tpu.memory_space<hbm>>
      tpu.wait_dma2 semaphore(%dma_wait3A_519 : memref<!tpu.dma_semaphore, #tpu.memory_space<semaphore_mem>>) src(%dma_wait3A_524 : memref<1024xi32, #tpu.memory_space<hbm>>) dst(%dma_wait3A_522 : memref<1024xi32, #tpu.memory_space<vmem>>)
      %dma_wait3A_525 = arith.constant 0 : i32
      %dma_wait3A_526 = tpu.memref_slice %arg12[%rem3A_512, %dma_wait3A_525] : memref<4x1024xi32, #tpu.memory_space<vmem>> -> memref<1x1024xi32, #tpu.memory_space<vmem>>
      %dma_wait3A_527 = tpu.memref_squeeze %dma_wait3A_526 : memref<1x1024xi32, #tpu.memory_space<vmem>> -> memref<1024xi32, #tpu.memory_space<vmem>>
      %dma_wait3A_528 = arith.constant 0 : i32
      %dma_wait3A_529 = tpu.memref_slice %arg2[%dma_wait3A_528] : memref<3211264xi32, #tpu.memory_space<hbm>> -> memref<1024xi32, #tpu.memory_space<hbm>>
      %dma_wait3A_530 = tpu.memref_slice %arg16[%rem3A_512] : memref<4x!tpu.dma_semaphore, #tpu.memory_space<semaphore_mem>> -> memref<1x!tpu.dma_semaphore, #tpu.memory_space<semaphore_mem>>
      %dma_wait3A_531 = tpu.memref_squeeze %dma_wait3A_530 : memref<1x!tpu.dma_semaphore, #tpu.memory_space<semaphore_mem>> -> memref<!tpu.dma_semaphore, #tpu.memory_space<semaphore_mem>>
      %dma_wait3A_532 = arith.constant 0 : i32
      %dma_wait3A_533 = tpu.memref_slice %arg12[%rem3A_512, %dma_wait3A_532] : memref<4x1024xi32, #tpu.memory_space<vmem>> -> memref<1x1024xi32, #tpu.memory_space<vmem>>
      %dma_wait3A_534 = tpu.memref_squeeze %dma_wait3A_533 : memref<1x1024xi32, #tpu.memory_space<vmem>> -> memref<1024xi32, #tpu.memory_space<vmem>>
      %dma_wait3A_535 = arith.constant 0 : i32
      %dma_wait3A_536 = tpu.memref_slice %arg2[%dma_wait3A_535] : memref<3211264xi32, #tpu.memory_space<hbm>> -> memref<1024xi32, #tpu.memory_space<hbm>>
      tpu.wait_dma2 semaphore(%dma_wait3A_531 : memref<!tpu.dma_semaphore, #tpu.memory_space<semaphore_mem>>) src(%dma_wait3A_536 : memref<1024xi32, #tpu.memory_space<hbm>>) dst(%dma_wait3A_534 : memref<1024xi32, #tpu.memory_space<vmem>>)
      %rem3A_537 = arith.constant 4 : i32
      %rem3A_538 = arith.remsi %while3A_510, %rem3A_537 : i32
      %dma_start3A_539 = arith.constant 0 : i32
      %dma_start3A_540 = arith.constant 0 : i32
      %dma_start3A_541 = tpu.memref_slice %arg14[%rem3A_538, %dma_start3A_539, %dma_start3A_540] : memref<4x1024x16xf32, #tpu.memory_space<vmem>> -> memref<1x1024x16xf32, #tpu.memory_space<vmem>>
      %dma_start3A_542 = tpu.memref_squeeze %dma_start3A_541 : memref<1x1024x16xf32, #tpu.memory_space<vmem>> -> memref<1024x16xf32, #tpu.memory_space<vmem>>
      %dma_start3A_543 = arith.constant 0 : i32
      %dma_start3A_544 = tpu.memref_slice %arg12[%rem3A_538, %dma_start3A_543] : memref<4x1024xi32, #tpu.memory_space<vmem>> -> memref<1x1024xi32, #tpu.memory_space<vmem>>
      %dma_start3A_545 = tpu.memref_squeeze %dma_start3A_544 : memref<1x1024xi32, #tpu.memory_space<vmem>> -> memref<1024xi32, #tpu.memory_space<vmem>>
      %dma_start3A_546 = arith.constant 0 : i32
      %dma_start3A_547 = arith.constant 0 : i32
      %dma_start3A_548 = tpu.memref_slice %arg6[%dma_start3A_546, %dma_start3A_547] : memref<50048x16xf32, #tpu.memory_space<hbm>> -> memref<50048x16xf32, #tpu.memory_space<hbm>>
      %dma_start3A_549 = tpu.memref_slice %arg17[%rem3A_538] : memref<4x!tpu.dma_semaphore, #tpu.memory_space<semaphore_mem>> -> memref<1x!tpu.dma_semaphore, #tpu.memory_space<semaphore_mem>>
      %dma_start3A_550 = tpu.memref_squeeze %dma_start3A_549 : memref<1x!tpu.dma_semaphore, #tpu.memory_space<semaphore_mem>> -> memref<!tpu.dma_semaphore, #tpu.memory_space<semaphore_mem>>
      tpu.enqueue_indirect_dma source(%dma_start3A_548 : memref<50048x16xf32, #tpu.memory_space<hbm>>) target(%dma_start3A_542 : memref<1024x16xf32, #tpu.memory_space<vmem>>) offsets(%dma_start3A_545 : memref<1024xi32, #tpu.memory_space<vmem>>) semaphore(%dma_start3A_550 : memref<!tpu.dma_semaphore, #tpu.memory_space<semaphore_mem>>)
      %ge3A = arith.constant 1 : i32
      %ge3A_551 = arith.cmpi sge, %while3A_510, %ge3A : i32
      %convert_element_type3A = arith.extui %ge3A_551 : i1 to i32
      %cond3A = arith.constant 0 : i32
      %cond3A_552 = arith.cmpi ne, %convert_element_type3A, %cond3A : i32
      scf.if %cond3A_552 {
        %sub3A_563 = arith.constant 1 : i32
        %sub3A_564 = arith.subi %while3A_510, %sub3A_563 : i32
        %rem3A_565 = arith.constant 4 : i32
        %rem3A_566 = arith.remsi %sub3A_564, %rem3A_565 : i32
        %dma_wait3A_567 = arith.constant 0 : i32
        %dma_wait3A_568 = arith.constant 0 : i32
        %dma_wait3A_569 = tpu.memref_slice %arg14[%rem3A_566, %dma_wait3A_567, %dma_wait3A_568] : memref<4x1024x16xf32, #tpu.memory_space<vmem>> -> memref<1x1024x16xf32, #tpu.memory_space<vmem>>
        %dma_wait3A_570 = tpu.memref_squeeze %dma_wait3A_569 : memref<1x1024x16xf32, #tpu.memory_space<vmem>> -> memref<1024x16xf32, #tpu.memory_space<vmem>>
        %dma_wait3A_571 = arith.constant 0 : i32
        %dma_wait3A_572 = tpu.memref_slice %arg12[%rem3A_566, %dma_wait3A_571] : memref<4x1024xi32, #tpu.memory_space<vmem>> -> memref<1x1024xi32, #tpu.memory_space<vmem>>
        %dma_wait3A_573 = tpu.memref_squeeze %dma_wait3A_572 : memref<1x1024xi32, #tpu.memory_space<vmem>> -> memref<1024xi32, #tpu.memory_space<vmem>>
        %dma_wait3A_574 = arith.constant 0 : i32
        %dma_wait3A_575 = arith.constant 0 : i32
        %dma_wait3A_576 = tpu.memref_slice %arg6[%dma_wait3A_574, %dma_wait3A_575] : memref<50048x16xf32, #tpu.memory_space<hbm>> -> memref<50048x16xf32, #tpu.memory_space<hbm>>
        %dma_wait3A_577 = tpu.memref_slice %arg17[%rem3A_566] : memref<4x!tpu.dma_semaphore, #tpu.memory_space<semaphore_mem>> -> memref<1x!tpu.dma_semaphore, #tpu.memory_space<semaphore_mem>>
        %dma_wait3A_578 = tpu.memref_squeeze %dma_wait3A_577 : memref<1x!tpu.dma_semaphore, #tpu.memory_space<semaphore_mem>> -> memref<!tpu.dma_semaphore, #tpu.memory_space<semaphore_mem>>
        tpu.wait_indirect_dma semaphore(%dma_wait3A_578 : memref<!tpu.dma_semaphore, #tpu.memory_space<semaphore_mem>>) src(%dma_wait3A_576 : memref<50048x16xf32, #tpu.memory_space<hbm>>) dst(%dma_wait3A_570 : memref<1024x16xf32, #tpu.memory_space<vmem>>)
        %sub3A_579 = arith.constant 1 : i32
        %sub3A_580 = arith.subi %while3A_510, %sub3A_579 : i32
        %rem3A_581 = arith.constant 4 : i32
        %rem3A_582 = arith.remsi %sub3A_580, %rem3A_581 : i32
        %dma_start3A_583 = arith.constant 0 : i32
        %dma_start3A_584 = arith.constant 0 : i32
        %dma_start3A_585 = tpu.memref_slice %arg14[%rem3A_582, %dma_start3A_583, %dma_start3A_584] : memref<4x1024x16xf32, #tpu.memory_space<vmem>> -> memref<1x1024x16xf32, #tpu.memory_space<vmem>>
        %dma_start3A_586 = tpu.memref_squeeze %dma_start3A_585 : memref<1x1024x16xf32, #tpu.memory_space<vmem>> -> memref<1024x16xf32, #tpu.memory_space<vmem>>
        %dma_start3A_587 = arith.constant 0 : i32
        %dma_start3A_588 = tpu.memref_slice %arg13[%rem3A_582, %dma_start3A_587] : memref<4x1024xi32, #tpu.memory_space<vmem>> -> memref<1x1024xi32, #tpu.memory_space<vmem>>
        %dma_start3A_589 = tpu.memref_squeeze %dma_start3A_588 : memref<1x1024xi32, #tpu.memory_space<vmem>> -> memref<1024xi32, #tpu.memory_space<vmem>>
        %dma_start3A_590 = arith.constant 0 : i32
        %dma_start3A_591 = arith.constant 0 : i32
        %dma_start3A_592 = tpu.memref_slice %arg15[%dma_start3A_590, %dma_start3A_591] : memref<50048x16xf32, #tpu.memory_space<vmem_shared>> -> memref<50048x16xf32, #tpu.memory_space<vmem_shared>>
        %dma_start3A_593 = tpu.memref_slice %arg18[%rem3A_582] : memref<4x!tpu.dma_semaphore, #tpu.memory_space<semaphore_mem>> -> memref<1x!tpu.dma_semaphore, #tpu.memory_space<semaphore_mem>>
        %dma_start3A_594 = tpu.memref_squeeze %dma_start3A_593 : memref<1x!tpu.dma_semaphore, #tpu.memory_space<semaphore_mem>> -> memref<!tpu.dma_semaphore, #tpu.memory_space<semaphore_mem>>
        tpu.enqueue_indirect_dma source(%dma_start3A_586 : memref<1024x16xf32, #tpu.memory_space<vmem>>) target(%dma_start3A_592 : memref<50048x16xf32, #tpu.memory_space<vmem_shared>>) offsets(%dma_start3A_589 : memref<1024xi32, #tpu.memory_space<vmem>>) semaphore(%dma_start3A_594 : memref<!tpu.dma_semaphore, #tpu.memory_space<semaphore_mem>>) {add = true}
      } else {
      }
      %ge3A_553 = arith.constant 2 : i32
      %ge3A_554 = arith.cmpi sge, %while3A_510, %ge3A_553 : i32
      %convert_element_type3A_555 = arith.extui %ge3A_554 : i1 to i32
      %cond3A_556 = arith.constant 0 : i32
      %cond3A_557 = arith.cmpi ne, %convert_element_type3A_555, %cond3A_556 : i32
      scf.if %cond3A_557 {
        %sub3A_563 = arith.constant 2 : i32
        %sub3A_564 = arith.subi %while3A_510, %sub3A_563 : i32
        %rem3A_565 = arith.constant 4 : i32
        %rem3A_566 = arith.remsi %sub3A_564, %rem3A_565 : i32
        %dma_wait3A_567 = arith.constant 0 : i32
        %dma_wait3A_568 = arith.constant 0 : i32
        %dma_wait3A_569 = tpu.memref_slice %arg14[%rem3A_566, %dma_wait3A_567, %dma_wait3A_568] : memref<4x1024x16xf32, #tpu.memory_space<vmem>> -> memref<1x1024x16xf32, #tpu.memory_space<vmem>>
        %dma_wait3A_570 = tpu.memref_squeeze %dma_wait3A_569 : memref<1x1024x16xf32, #tpu.memory_space<vmem>> -> memref<1024x16xf32, #tpu.memory_space<vmem>>
        %dma_wait3A_571 = arith.constant 0 : i32
        %dma_wait3A_572 = tpu.memref_slice %arg13[%rem3A_566, %dma_wait3A_571] : memref<4x1024xi32, #tpu.memory_space<vmem>> -> memref<1x1024xi32, #tpu.memory_space<vmem>>
        %dma_wait3A_573 = tpu.memref_squeeze %dma_wait3A_572 : memref<1x1024xi32, #tpu.memory_space<vmem>> -> memref<1024xi32, #tpu.memory_space<vmem>>
        %dma_wait3A_574 = arith.constant 0 : i32
        %dma_wait3A_575 = arith.constant 0 : i32
        %dma_wait3A_576 = tpu.memref_slice %arg15[%dma_wait3A_574, %dma_wait3A_575] : memref<50048x16xf32, #tpu.memory_space<vmem_shared>> -> memref<50048x16xf32, #tpu.memory_space<vmem_shared>>
        %dma_wait3A_577 = tpu.memref_slice %arg18[%rem3A_566] : memref<4x!tpu.dma_semaphore, #tpu.memory_space<semaphore_mem>> -> memref<1x!tpu.dma_semaphore, #tpu.memory_space<semaphore_mem>>
        %dma_wait3A_578 = tpu.memref_squeeze %dma_wait3A_577 : memref<1x!tpu.dma_semaphore, #tpu.memory_space<semaphore_mem>> -> memref<!tpu.dma_semaphore, #tpu.memory_space<semaphore_mem>>
        tpu.wait_indirect_dma semaphore(%dma_wait3A_578 : memref<!tpu.dma_semaphore, #tpu.memory_space<semaphore_mem>>) src(%dma_wait3A_570 : memref<1024x16xf32, #tpu.memory_space<vmem>>) dst(%dma_wait3A_576 : memref<50048x16xf32, #tpu.memory_space<vmem_shared>>)
      } else {
      }
      %add3A_558 = arith.constant 2 : i32
      %add3A_559 = arith.addi %while3A_510, %add3A_558 : i32
      %lt3A = arith.cmpi slt, %add3A_559, %add3A_3 : i32
      %convert_element_type3A_560 = arith.extui %lt3A : i1 to i32
      %cond3A_561 = arith.constant 0 : i32
      %cond3A_562 = arith.cmpi ne, %convert_element_type3A_560, %cond3A_561 : i32
      scf.if %cond3A_562 {
        %add3A_563 = arith.constant 2 : i32
        %add3A_564 = arith.addi %while3A_510, %add3A_563 : i32
        %rem3A_565 = arith.constant 4 : i32
        %rem3A_566 = arith.remsi %add3A_564, %rem3A_565 : i32
        %mul3A_567 = arith.constant 1024 : i32
        %mul3A_568 = arith.muli %add3A_564, %mul3A_567 : i32
        %add3A_569 = arith.addi %mul3A_11, %mul3A_568 : i32
        %dma_start3A_570 = arith.constant 0 : i32
        %dma_start3A_571 = tpu.memref_slice %arg13[%rem3A_566, %dma_start3A_570] : memref<4x1024xi32, #tpu.memory_space<vmem>> -> memref<1x1024xi32, #tpu.memory_space<vmem>>
        %dma_start3A_572 = tpu.memref_squeeze %dma_start3A_571 : memref<1x1024xi32, #tpu.memory_space<vmem>> -> memref<1024xi32, #tpu.memory_space<vmem>>
        %dma_start3A_573 = tpu.memref_slice %arg3[%add3A_569] : memref<3211264xi32, #tpu.memory_space<hbm>> -> memref<1024xi32, #tpu.memory_space<hbm>>
        %dma_start3A_574 = tpu.memref_slice %arg16[%rem3A_566] : memref<4x!tpu.dma_semaphore, #tpu.memory_space<semaphore_mem>> -> memref<1x!tpu.dma_semaphore, #tpu.memory_space<semaphore_mem>>
        %dma_start3A_575 = tpu.memref_squeeze %dma_start3A_574 : memref<1x!tpu.dma_semaphore, #tpu.memory_space<semaphore_mem>> -> memref<!tpu.dma_semaphore, #tpu.memory_space<semaphore_mem>>
        %dma_start3A_576 = arith.constant 0 : i32
        %dma_start3A_577 = tpu.memref_slice %arg13[%rem3A_566, %dma_start3A_576] : memref<4x1024xi32, #tpu.memory_space<vmem>> -> memref<1x1024xi32, #tpu.memory_space<vmem>>
        %dma_start3A_578 = tpu.memref_squeeze %dma_start3A_577 : memref<1x1024xi32, #tpu.memory_space<vmem>> -> memref<1024xi32, #tpu.memory_space<vmem>>
        %dma_start3A_579 = tpu.memref_slice %arg3[%add3A_569] : memref<3211264xi32, #tpu.memory_space<hbm>> -> memref<1024xi32, #tpu.memory_space<hbm>>
        tpu.enqueue_dma source(%dma_start3A_579 : memref<1024xi32, #tpu.memory_space<hbm>>) target(%dma_start3A_578 : memref<1024xi32, #tpu.memory_space<vmem>>) target_semaphore(%dma_start3A_575 : memref<!tpu.dma_semaphore, #tpu.memory_space<semaphore_mem>>)
        %dma_start3A_580 = arith.constant 0 : i32
        %dma_start3A_581 = tpu.memref_slice %arg12[%rem3A_566, %dma_start3A_580] : memref<4x1024xi32, #tpu.memory_space<vmem>> -> memref<1x1024xi32, #tpu.memory_space<vmem>>
        %dma_start3A_582 = tpu.memref_squeeze %dma_start3A_581 : memref<1x1024xi32, #tpu.memory_space<vmem>> -> memref<1024xi32, #tpu.memory_space<vmem>>
        %dma_start3A_583 = tpu.memref_slice %arg2[%add3A_569] : memref<3211264xi32, #tpu.memory_space<hbm>> -> memref<1024xi32, #tpu.memory_space<hbm>>
        %dma_start3A_584 = tpu.memref_slice %arg16[%rem3A_566] : memref<4x!tpu.dma_semaphore, #tpu.memory_space<semaphore_mem>> -> memref<1x!tpu.dma_semaphore, #tpu.memory_space<semaphore_mem>>
        %dma_start3A_585 = tpu.memref_squeeze %dma_start3A_584 : memref<1x!tpu.dma_semaphore, #tpu.memory_space<semaphore_mem>> -> memref<!tpu.dma_semaphore, #tpu.memory_space<semaphore_mem>>
        %dma_start3A_586 = arith.constant 0 : i32
        %dma_start3A_587 = tpu.memref_slice %arg12[%rem3A_566, %dma_start3A_586] : memref<4x1024xi32, #tpu.memory_space<vmem>> -> memref<1x1024xi32, #tpu.memory_space<vmem>>
        %dma_start3A_588 = tpu.memref_squeeze %dma_start3A_587 : memref<1x1024xi32, #tpu.memory_space<vmem>> -> memref<1024xi32, #tpu.memory_space<vmem>>
        %dma_start3A_589 = tpu.memref_slice %arg2[%add3A_569] : memref<3211264xi32, #tpu.memory_space<hbm>> -> memref<1024xi32, #tpu.memory_space<hbm>>
        tpu.enqueue_dma source(%dma_start3A_589 : memref<1024xi32, #tpu.memory_space<hbm>>) target(%dma_start3A_588 : memref<1024xi32, #tpu.memory_space<vmem>>) target_semaphore(%dma_start3A_585 : memref<!tpu.dma_semaphore, #tpu.memory_space<semaphore_mem>>)
      } else {
      }
    }
    %sub3A_319 = arith.constant 1 : i32
    %sub3A_320 = arith.subi %add3A_3, %sub3A_319 : i32
    %rem3A_321 = arith.constant 4 : i32
    %rem3A_322 = arith.remsi %sub3A_320, %rem3A_321 : i32
    %dma_wait3A_323 = arith.constant 0 : i32
    %dma_wait3A_324 = arith.constant 0 : i32
    %dma_wait3A_325 = tpu.memref_slice %arg14[%rem3A_322, %dma_wait3A_323, %dma_wait3A_324] : memref<4x1024x16xf32, #tpu.memory_space<vmem>> -> memref<1x1024x16xf32, #tpu.memory_space<vmem>>
    %dma_wait3A_326 = tpu.memref_squeeze %dma_wait3A_325 : memref<1x1024x16xf32, #tpu.memory_space<vmem>> -> memref<1024x16xf32, #tpu.memory_space<vmem>>
    %dma_wait3A_327 = arith.constant 0 : i32
    %dma_wait3A_328 = tpu.memref_slice %arg12[%rem3A_322, %dma_wait3A_327] : memref<4x1024xi32, #tpu.memory_space<vmem>> -> memref<1x1024xi32, #tpu.memory_space<vmem>>
    %dma_wait3A_329 = tpu.memref_squeeze %dma_wait3A_328 : memref<1x1024xi32, #tpu.memory_space<vmem>> -> memref<1024xi32, #tpu.memory_space<vmem>>
    %dma_wait3A_330 = arith.constant 0 : i32
    %dma_wait3A_331 = arith.constant 0 : i32
    %dma_wait3A_332 = tpu.memref_slice %arg6[%dma_wait3A_330, %dma_wait3A_331] : memref<50048x16xf32, #tpu.memory_space<hbm>> -> memref<50048x16xf32, #tpu.memory_space<hbm>>
    %dma_wait3A_333 = tpu.memref_slice %arg17[%rem3A_322] : memref<4x!tpu.dma_semaphore, #tpu.memory_space<semaphore_mem>> -> memref<1x!tpu.dma_semaphore, #tpu.memory_space<semaphore_mem>>
    %dma_wait3A_334 = tpu.memref_squeeze %dma_wait3A_333 : memref<1x!tpu.dma_semaphore, #tpu.memory_space<semaphore_mem>> -> memref<!tpu.dma_semaphore, #tpu.memory_space<semaphore_mem>>
    tpu.wait_indirect_dma semaphore(%dma_wait3A_334 : memref<!tpu.dma_semaphore, #tpu.memory_space<semaphore_mem>>) src(%dma_wait3A_332 : memref<50048x16xf32, #tpu.memory_space<hbm>>) dst(%dma_wait3A_326 : memref<1024x16xf32, #tpu.memory_space<vmem>>)
    %sub3A_335 = arith.constant 1 : i32
    %sub3A_336 = arith.subi %add3A_3, %sub3A_335 : i32
    %rem3A_337 = arith.constant 4 : i32
    %rem3A_338 = arith.remsi %sub3A_336, %rem3A_337 : i32
    %dma_start3A_339 = arith.constant 0 : i32
    %dma_start3A_340 = arith.constant 0 : i32
    %dma_start3A_341 = tpu.memref_slice %arg14[%rem3A_338, %dma_start3A_339, %dma_start3A_340] : memref<4x1024x16xf32, #tpu.memory_space<vmem>> -> memref<1x1024x16xf32, #tpu.memory_space<vmem>>
    %dma_start3A_342 = tpu.memref_squeeze %dma_start3A_341 : memref<1x1024x16xf32, #tpu.memory_space<vmem>> -> memref<1024x16xf32, #tpu.memory_space<vmem>>
    %dma_start3A_343 = arith.constant 0 : i32
    %dma_start3A_344 = tpu.memref_slice %arg13[%rem3A_338, %dma_start3A_343] : memref<4x1024xi32, #tpu.memory_space<vmem>> -> memref<1x1024xi32, #tpu.memory_space<vmem>>
    %dma_start3A_345 = tpu.memref_squeeze %dma_start3A_344 : memref<1x1024xi32, #tpu.memory_space<vmem>> -> memref<1024xi32, #tpu.memory_space<vmem>>
    %dma_start3A_346 = arith.constant 0 : i32
    %dma_start3A_347 = arith.constant 0 : i32
    %dma_start3A_348 = tpu.memref_slice %arg15[%dma_start3A_346, %dma_start3A_347] : memref<50048x16xf32, #tpu.memory_space<vmem_shared>> -> memref<50048x16xf32, #tpu.memory_space<vmem_shared>>
    %dma_start3A_349 = tpu.memref_slice %arg18[%rem3A_338] : memref<4x!tpu.dma_semaphore, #tpu.memory_space<semaphore_mem>> -> memref<1x!tpu.dma_semaphore, #tpu.memory_space<semaphore_mem>>
    %dma_start3A_350 = tpu.memref_squeeze %dma_start3A_349 : memref<1x!tpu.dma_semaphore, #tpu.memory_space<semaphore_mem>> -> memref<!tpu.dma_semaphore, #tpu.memory_space<semaphore_mem>>
    tpu.enqueue_indirect_dma source(%dma_start3A_342 : memref<1024x16xf32, #tpu.memory_space<vmem>>) target(%dma_start3A_348 : memref<50048x16xf32, #tpu.memory_space<vmem_shared>>) offsets(%dma_start3A_345 : memref<1024xi32, #tpu.memory_space<vmem>>) semaphore(%dma_start3A_350 : memref<!tpu.dma_semaphore, #tpu.memory_space<semaphore_mem>>) {add = true}
    %sub3A_351 = arith.constant 2 : i32
    %sub3A_352 = arith.subi %add3A_3, %sub3A_351 : i32
    %rem3A_353 = arith.constant 4 : i32
    %rem3A_354 = arith.remsi %sub3A_352, %rem3A_353 : i32
    %dma_wait3A_355 = arith.constant 0 : i32
    %dma_wait3A_356 = arith.constant 0 : i32
    %dma_wait3A_357 = tpu.memref_slice %arg14[%rem3A_354, %dma_wait3A_355, %dma_wait3A_356] : memref<4x1024x16xf32, #tpu.memory_space<vmem>> -> memref<1x1024x16xf32, #tpu.memory_space<vmem>>
    %dma_wait3A_358 = tpu.memref_squeeze %dma_wait3A_357 : memref<1x1024x16xf32, #tpu.memory_space<vmem>> -> memref<1024x16xf32, #tpu.memory_space<vmem>>
    %dma_wait3A_359 = arith.constant 0 : i32
    %dma_wait3A_360 = tpu.memref_slice %arg13[%rem3A_354, %dma_wait3A_359] : memref<4x1024xi32, #tpu.memory_space<vmem>> -> memref<1x1024xi32, #tpu.memory_space<vmem>>
    %dma_wait3A_361 = tpu.memref_squeeze %dma_wait3A_360 : memref<1x1024xi32, #tpu.memory_space<vmem>> -> memref<1024xi32, #tpu.memory_space<vmem>>
    %dma_wait3A_362 = arith.constant 0 : i32
    %dma_wait3A_363 = arith.constant 0 : i32
    %dma_wait3A_364 = tpu.memref_slice %arg15[%dma_wait3A_362, %dma_wait3A_363] : memref<50048x16xf32, #tpu.memory_space<vmem_shared>> -> memref<50048x16xf32, #tpu.memory_space<vmem_shared>>
    %dma_wait3A_365 = tpu.memref_slice %arg18[%rem3A_354] : memref<4x!tpu.dma_semaphore, #tpu.memory_space<semaphore_mem>> -> memref<1x!tpu.dma_semaphore, #tpu.memory_space<semaphore_mem>>
    %dma_wait3A_366 = tpu.memref_squeeze %dma_wait3A_365 : memref<1x!tpu.dma_semaphore, #tpu.memory_space<semaphore_mem>> -> memref<!tpu.dma_semaphore, #tpu.memory_space<semaphore_mem>>
    tpu.wait_indirect_dma semaphore(%dma_wait3A_366 : memref<!tpu.dma_semaphore, #tpu.memory_space<semaphore_mem>>) src(%dma_wait3A_358 : memref<1024x16xf32, #tpu.memory_space<vmem>>) dst(%dma_wait3A_364 : memref<50048x16xf32, #tpu.memory_space<vmem_shared>>)
    %sub3A_367 = arith.constant 1 : i32
    %sub3A_368 = arith.subi %add3A_3, %sub3A_367 : i32
    %rem3A_369 = arith.constant 4 : i32
    %rem3A_370 = arith.remsi %sub3A_368, %rem3A_369 : i32
    %dma_wait3A_371 = arith.constant 0 : i32
    %dma_wait3A_372 = arith.constant 0 : i32
    %dma_wait3A_373 = tpu.memref_slice %arg14[%rem3A_370, %dma_wait3A_371, %dma_wait3A_372] : memref<4x1024x16xf32, #tpu.memory_space<vmem>> -> memref<1x1024x16xf32, #tpu.memory_space<vmem>>
    %dma_wait3A_374 = tpu.memref_squeeze %dma_wait3A_373 : memref<1x1024x16xf32, #tpu.memory_space<vmem>> -> memref<1024x16xf32, #tpu.memory_space<vmem>>
    %dma_wait3A_375 = arith.constant 0 : i32
    %dma_wait3A_376 = tpu.memref_slice %arg13[%rem3A_370, %dma_wait3A_375] : memref<4x1024xi32, #tpu.memory_space<vmem>> -> memref<1x1024xi32, #tpu.memory_space<vmem>>
    %dma_wait3A_377 = tpu.memref_squeeze %dma_wait3A_376 : memref<1x1024xi32, #tpu.memory_space<vmem>> -> memref<1024xi32, #tpu.memory_space<vmem>>
    %dma_wait3A_378 = arith.constant 0 : i32
    %dma_wait3A_379 = arith.constant 0 : i32
    %dma_wait3A_380 = tpu.memref_slice %arg15[%dma_wait3A_378, %dma_wait3A_379] : memref<50048x16xf32, #tpu.memory_space<vmem_shared>> -> memref<50048x16xf32, #tpu.memory_space<vmem_shared>>
    %dma_wait3A_381 = tpu.memref_slice %arg18[%rem3A_370] : memref<4x!tpu.dma_semaphore, #tpu.memory_space<semaphore_mem>> -> memref<1x!tpu.dma_semaphore, #tpu.memory_space<semaphore_mem>>
    %dma_wait3A_382 = tpu.memref_squeeze %dma_wait3A_381 : memref<1x!tpu.dma_semaphore, #tpu.memory_space<semaphore_mem>> -> memref<!tpu.dma_semaphore, #tpu.memory_space<semaphore_mem>>
    tpu.wait_indirect_dma semaphore(%dma_wait3A_382 : memref<!tpu.dma_semaphore, #tpu.memory_space<semaphore_mem>>) src(%dma_wait3A_374 : memref<1024x16xf32, #tpu.memory_space<vmem>>) dst(%dma_wait3A_380 : memref<50048x16xf32, #tpu.memory_space<vmem_shared>>)
    %barrier3A_383 = arith.constant 0 : index
    tpu.barrier barrier_id(%barrier3A_383)
    "tpu.region"() ({
      %run_scoped3A = tpu.sem_alloc : memref<!tpu.dma_semaphore, #tpu.memory_space<semaphore_mem>>
      %dma_start3A_510 = arith.constant 0 : i32
      %dma_start3A_511 = arith.constant 0 : i32
      %dma_start3A_512 = tpu.memref_slice %arg10[%arg0, %dma_start3A_510, %dma_start3A_511] : memref<2x50048x16xf32, #tpu.memory_space<hbm>> -> memref<1x50048x16xf32, #tpu.memory_space<hbm>>
      %dma_start3A_513 = tpu.memref_squeeze %dma_start3A_512 : memref<1x50048x16xf32, #tpu.memory_space<hbm>> -> memref<50048x16xf32, #tpu.memory_space<hbm>>
      %dma_start3A_514 = arith.constant 0 : i32
      %dma_start3A_515 = tpu.memref_slice %dma_start3A_513[%mul3A_0, %dma_start3A_514] : memref<50048x16xf32, #tpu.memory_space<hbm>> -> memref<3128x16xf32, #tpu.memory_space<hbm>>
      %dma_start3A_516 = arith.constant 0 : i32
      %dma_start3A_517 = tpu.memref_slice %arg15[%mul3A_0, %dma_start3A_516] : memref<50048x16xf32, #tpu.memory_space<vmem_shared>> -> memref<3128x16xf32, #tpu.memory_space<vmem_shared>>
      tpu.enqueue_dma source(%dma_start3A_517 : memref<3128x16xf32, #tpu.memory_space<vmem_shared>>) target(%dma_start3A_515 : memref<3128x16xf32, #tpu.memory_space<hbm>>) target_semaphore(%run_scoped3A : memref<!tpu.dma_semaphore, #tpu.memory_space<semaphore_mem>>)
      %dma_wait3A_518 = arith.constant 0 : i32
      %dma_wait3A_519 = arith.constant 0 : i32
      %dma_wait3A_520 = tpu.memref_slice %arg10[%arg0, %dma_wait3A_518, %dma_wait3A_519] : memref<2x50048x16xf32, #tpu.memory_space<hbm>> -> memref<1x50048x16xf32, #tpu.memory_space<hbm>>
      %dma_wait3A_521 = tpu.memref_squeeze %dma_wait3A_520 : memref<1x50048x16xf32, #tpu.memory_space<hbm>> -> memref<50048x16xf32, #tpu.memory_space<hbm>>
      %dma_wait3A_522 = arith.constant 0 : i32
      %dma_wait3A_523 = tpu.memref_slice %dma_wait3A_521[%mul3A_0, %dma_wait3A_522] : memref<50048x16xf32, #tpu.memory_space<hbm>> -> memref<3128x16xf32, #tpu.memory_space<hbm>>
      %dma_wait3A_524 = arith.constant 0 : i32
      %dma_wait3A_525 = tpu.memref_slice %arg15[%mul3A_0, %dma_wait3A_524] : memref<50048x16xf32, #tpu.memory_space<vmem_shared>> -> memref<3128x16xf32, #tpu.memory_space<vmem_shared>>
      tpu.wait_dma2 semaphore(%run_scoped3A : memref<!tpu.dma_semaphore, #tpu.memory_space<semaphore_mem>>) src(%dma_wait3A_525 : memref<3128x16xf32, #tpu.memory_space<vmem_shared>>) dst(%dma_wait3A_523 : memref<3128x16xf32, #tpu.memory_space<hbm>>)
      tpu.yield
    }) : () -> ()
    "tpu.region"() ({
      %run_scoped3A = tpu.sem_alloc : memref<!tpu.dma_semaphore, #tpu.memory_space<semaphore_mem>>
      %dma_start3A_510 = arith.constant 0 : i32
      %dma_start3A_511 = tpu.memref_slice %arg15[%mul3A_0, %dma_start3A_510] : memref<50048x16xf32, #tpu.memory_space<vmem_shared>> -> memref<3128x16xf32, #tpu.memory_space<vmem_shared>>
      %dma_start3A_512 = arith.constant 0 : i32
      %dma_start3A_513 = tpu.memref_slice %arg7[%mul3A_0, %dma_start3A_512] : memref<50048x16xf32, #tpu.memory_space<hbm>> -> memref<3128x16xf32, #tpu.memory_space<hbm>>
      tpu.enqueue_dma source(%dma_start3A_513 : memref<3128x16xf32, #tpu.memory_space<hbm>>) target(%dma_start3A_511 : memref<3128x16xf32, #tpu.memory_space<vmem_shared>>) target_semaphore(%run_scoped3A : memref<!tpu.dma_semaphore, #tpu.memory_space<semaphore_mem>>)
      %dma_wait3A_514 = arith.constant 0 : i32
      %dma_wait3A_515 = tpu.memref_slice %arg15[%mul3A_0, %dma_wait3A_514] : memref<50048x16xf32, #tpu.memory_space<vmem_shared>> -> memref<3128x16xf32, #tpu.memory_space<vmem_shared>>
      %dma_wait3A_516 = arith.constant 0 : i32
      %dma_wait3A_517 = tpu.memref_slice %arg7[%mul3A_0, %dma_wait3A_516] : memref<50048x16xf32, #tpu.memory_space<hbm>> -> memref<3128x16xf32, #tpu.memory_space<hbm>>
      tpu.wait_dma2 semaphore(%run_scoped3A : memref<!tpu.dma_semaphore, #tpu.memory_space<semaphore_mem>>) src(%dma_wait3A_517 : memref<3128x16xf32, #tpu.memory_space<hbm>>) dst(%dma_wait3A_515 : memref<3128x16xf32, #tpu.memory_space<vmem_shared>>)
      tpu.yield
    }) : () -> ()
    %barrier3A_384 = arith.constant 0 : index
    tpu.barrier barrier_id(%barrier3A_384)
    %rem3A_385 = arith.constant 0 : i32
    %rem3A_386 = arith.constant 4 : i32
    %rem3A_387 = arith.remsi %rem3A_385, %rem3A_386 : i32
    %add3A_388 = arith.constant 0 : i32
    %add3A_389 = arith.addi %mul3A_11, %add3A_388 : i32
    %dma_start3A_390 = arith.constant 0 : i32
    %dma_start3A_391 = tpu.memref_slice %arg13[%rem3A_387, %dma_start3A_390] : memref<4x1024xi32, #tpu.memory_space<vmem>> -> memref<1x1024xi32, #tpu.memory_space<vmem>>
    %dma_start3A_392 = tpu.memref_squeeze %dma_start3A_391 : memref<1x1024xi32, #tpu.memory_space<vmem>> -> memref<1024xi32, #tpu.memory_space<vmem>>
    %dma_start3A_393 = tpu.memref_slice %arg3[%add3A_389] : memref<3211264xi32, #tpu.memory_space<hbm>> -> memref<1024xi32, #tpu.memory_space<hbm>>
    %dma_start3A_394 = tpu.memref_slice %arg16[%rem3A_387] : memref<4x!tpu.dma_semaphore, #tpu.memory_space<semaphore_mem>> -> memref<1x!tpu.dma_semaphore, #tpu.memory_space<semaphore_mem>>
    %dma_start3A_395 = tpu.memref_squeeze %dma_start3A_394 : memref<1x!tpu.dma_semaphore, #tpu.memory_space<semaphore_mem>> -> memref<!tpu.dma_semaphore, #tpu.memory_space<semaphore_mem>>
    %dma_start3A_396 = arith.constant 0 : i32
    %dma_start3A_397 = tpu.memref_slice %arg13[%rem3A_387, %dma_start3A_396] : memref<4x1024xi32, #tpu.memory_space<vmem>> -> memref<1x1024xi32, #tpu.memory_space<vmem>>
    %dma_start3A_398 = tpu.memref_squeeze %dma_start3A_397 : memref<1x1024xi32, #tpu.memory_space<vmem>> -> memref<1024xi32, #tpu.memory_space<vmem>>
    %dma_start3A_399 = tpu.memref_slice %arg3[%add3A_389] : memref<3211264xi32, #tpu.memory_space<hbm>> -> memref<1024xi32, #tpu.memory_space<hbm>>
    tpu.enqueue_dma source(%dma_start3A_399 : memref<1024xi32, #tpu.memory_space<hbm>>) target(%dma_start3A_398 : memref<1024xi32, #tpu.memory_space<vmem>>) target_semaphore(%dma_start3A_395 : memref<!tpu.dma_semaphore, #tpu.memory_space<semaphore_mem>>)
    %dma_start3A_400 = arith.constant 0 : i32
    %dma_start3A_401 = tpu.memref_slice %arg12[%rem3A_387, %dma_start3A_400] : memref<4x1024xi32, #tpu.memory_space<vmem>> -> memref<1x1024xi32, #tpu.memory_space<vmem>>
    %dma_start3A_402 = tpu.memref_squeeze %dma_start3A_401 : memref<1x1024xi32, #tpu.memory_space<vmem>> -> memref<1024xi32, #tpu.memory_space<vmem>>
    %dma_start3A_403 = tpu.memref_slice %arg2[%add3A_389] : memref<3211264xi32, #tpu.memory_space<hbm>> -> memref<1024xi32, #tpu.memory_space<hbm>>
    %dma_start3A_404 = tpu.memref_slice %arg16[%rem3A_387] : memref<4x!tpu.dma_semaphore, #tpu.memory_space<semaphore_mem>> -> memref<1x!tpu.dma_semaphore, #tpu.memory_space<semaphore_mem>>
    %dma_start3A_405 = tpu.memref_squeeze %dma_start3A_404 : memref<1x!tpu.dma_semaphore, #tpu.memory_space<semaphore_mem>> -> memref<!tpu.dma_semaphore, #tpu.memory_space<semaphore_mem>>
    %dma_start3A_406 = arith.constant 0 : i32
    %dma_start3A_407 = tpu.memref_slice %arg12[%rem3A_387, %dma_start3A_406] : memref<4x1024xi32, #tpu.memory_space<vmem>> -> memref<1x1024xi32, #tpu.memory_space<vmem>>
    %dma_start3A_408 = tpu.memref_squeeze %dma_start3A_407 : memref<1x1024xi32, #tpu.memory_space<vmem>> -> memref<1024xi32, #tpu.memory_space<vmem>>
    %dma_start3A_409 = tpu.memref_slice %arg2[%add3A_389] : memref<3211264xi32, #tpu.memory_space<hbm>> -> memref<1024xi32, #tpu.memory_space<hbm>>
    tpu.enqueue_dma source(%dma_start3A_409 : memref<1024xi32, #tpu.memory_space<hbm>>) target(%dma_start3A_408 : memref<1024xi32, #tpu.memory_space<vmem>>) target_semaphore(%dma_start3A_405 : memref<!tpu.dma_semaphore, #tpu.memory_space<semaphore_mem>>)
    %rem3A_410 = arith.constant 1 : i32
    %rem3A_411 = arith.constant 4 : i32
    %rem3A_412 = arith.remsi %rem3A_410, %rem3A_411 : i32
    %add3A_413 = arith.constant 1024 : i32
    %add3A_414 = arith.addi %mul3A_11, %add3A_413 : i32
    %dma_start3A_415 = arith.constant 0 : i32
    %dma_start3A_416 = tpu.memref_slice %arg13[%rem3A_412, %dma_start3A_415] : memref<4x1024xi32, #tpu.memory_space<vmem>> -> memref<1x1024xi32, #tpu.memory_space<vmem>>
    %dma_start3A_417 = tpu.memref_squeeze %dma_start3A_416 : memref<1x1024xi32, #tpu.memory_space<vmem>> -> memref<1024xi32, #tpu.memory_space<vmem>>
    %dma_start3A_418 = tpu.memref_slice %arg3[%add3A_414] : memref<3211264xi32, #tpu.memory_space<hbm>> -> memref<1024xi32, #tpu.memory_space<hbm>>
    %dma_start3A_419 = tpu.memref_slice %arg16[%rem3A_412] : memref<4x!tpu.dma_semaphore, #tpu.memory_space<semaphore_mem>> -> memref<1x!tpu.dma_semaphore, #tpu.memory_space<semaphore_mem>>
    %dma_start3A_420 = tpu.memref_squeeze %dma_start3A_419 : memref<1x!tpu.dma_semaphore, #tpu.memory_space<semaphore_mem>> -> memref<!tpu.dma_semaphore, #tpu.memory_space<semaphore_mem>>
    %dma_start3A_421 = arith.constant 0 : i32
    %dma_start3A_422 = tpu.memref_slice %arg13[%rem3A_412, %dma_start3A_421] : memref<4x1024xi32, #tpu.memory_space<vmem>> -> memref<1x1024xi32, #tpu.memory_space<vmem>>
    %dma_start3A_423 = tpu.memref_squeeze %dma_start3A_422 : memref<1x1024xi32, #tpu.memory_space<vmem>> -> memref<1024xi32, #tpu.memory_space<vmem>>
    %dma_start3A_424 = tpu.memref_slice %arg3[%add3A_414] : memref<3211264xi32, #tpu.memory_space<hbm>> -> memref<1024xi32, #tpu.memory_space<hbm>>
    tpu.enqueue_dma source(%dma_start3A_424 : memref<1024xi32, #tpu.memory_space<hbm>>) target(%dma_start3A_423 : memref<1024xi32, #tpu.memory_space<vmem>>) target_semaphore(%dma_start3A_420 : memref<!tpu.dma_semaphore, #tpu.memory_space<semaphore_mem>>)
    %dma_start3A_425 = arith.constant 0 : i32
    %dma_start3A_426 = tpu.memref_slice %arg12[%rem3A_412, %dma_start3A_425] : memref<4x1024xi32, #tpu.memory_space<vmem>> -> memref<1x1024xi32, #tpu.memory_space<vmem>>
    %dma_start3A_427 = tpu.memref_squeeze %dma_start3A_426 : memref<1x1024xi32, #tpu.memory_space<vmem>> -> memref<1024xi32, #tpu.memory_space<vmem>>
    %dma_start3A_428 = tpu.memref_slice %arg2[%add3A_414] : memref<3211264xi32, #tpu.memory_space<hbm>> -> memref<1024xi32, #tpu.memory_space<hbm>>
    %dma_start3A_429 = tpu.memref_slice %arg16[%rem3A_412] : memref<4x!tpu.dma_semaphore, #tpu.memory_space<semaphore_mem>> -> memref<1x!tpu.dma_semaphore, #tpu.memory_space<semaphore_mem>>
    %dma_start3A_430 = tpu.memref_squeeze %dma_start3A_429 : memref<1x!tpu.dma_semaphore, #tpu.memory_space<semaphore_mem>> -> memref<!tpu.dma_semaphore, #tpu.memory_space<semaphore_mem>>
    %dma_start3A_431 = arith.constant 0 : i32
    %dma_start3A_432 = tpu.memref_slice %arg12[%rem3A_412, %dma_start3A_431] : memref<4x1024xi32, #tpu.memory_space<vmem>> -> memref<1x1024xi32, #tpu.memory_space<vmem>>
    %dma_start3A_433 = tpu.memref_squeeze %dma_start3A_432 : memref<1x1024xi32, #tpu.memory_space<vmem>> -> memref<1024xi32, #tpu.memory_space<vmem>>
    %dma_start3A_434 = tpu.memref_slice %arg2[%add3A_414] : memref<3211264xi32, #tpu.memory_space<hbm>> -> memref<1024xi32, #tpu.memory_space<hbm>>
    tpu.enqueue_dma source(%dma_start3A_434 : memref<1024xi32, #tpu.memory_space<hbm>>) target(%dma_start3A_433 : memref<1024xi32, #tpu.memory_space<vmem>>) target_semaphore(%dma_start3A_430 : memref<!tpu.dma_semaphore, #tpu.memory_space<semaphore_mem>>)
    %while3A_435 = arith.constant 0 : i32
    %while3A_436 = arith.constant 0 : i32
    %while3A_437 = arith.subi %add3A_3, %while3A_436 : i32
    %while3A_438 = arith.addi %while3A_436, %while3A_437 : i32
    %while3A_439 = arith.constant 1 : i32
    %while3A_440 = arith.divsi %while3A_437, %while3A_439 : i32
    %while3A_441 = arith.muli %while3A_440, %while3A_439 : i32
    %while3A_442 = arith.addi %while3A_436, %while3A_441 : i32
    %while3A_443 = arith.constant 1 : i32
    scf.for %while3A_510 = %while3A_436 to %while3A_442 step %while3A_443  : i32 {
      %rem3A_511 = arith.constant 4 : i32
      %rem3A_512 = arith.remsi %while3A_510, %rem3A_511 : i32
      %dma_wait3A_513 = arith.constant 0 : i32
      %dma_wait3A_514 = tpu.memref_slice %arg13[%rem3A_512, %dma_wait3A_513] : memref<4x1024xi32, #tpu.memory_space<vmem>> -> memref<1x1024xi32, #tpu.memory_space<vmem>>
      %dma_wait3A_515 = tpu.memref_squeeze %dma_wait3A_514 : memref<1x1024xi32, #tpu.memory_space<vmem>> -> memref<1024xi32, #tpu.memory_space<vmem>>
      %dma_wait3A_516 = arith.constant 0 : i32
      %dma_wait3A_517 = tpu.memref_slice %arg3[%dma_wait3A_516] : memref<3211264xi32, #tpu.memory_space<hbm>> -> memref<1024xi32, #tpu.memory_space<hbm>>
      %dma_wait3A_518 = tpu.memref_slice %arg16[%rem3A_512] : memref<4x!tpu.dma_semaphore, #tpu.memory_space<semaphore_mem>> -> memref<1x!tpu.dma_semaphore, #tpu.memory_space<semaphore_mem>>
      %dma_wait3A_519 = tpu.memref_squeeze %dma_wait3A_518 : memref<1x!tpu.dma_semaphore, #tpu.memory_space<semaphore_mem>> -> memref<!tpu.dma_semaphore, #tpu.memory_space<semaphore_mem>>
      %dma_wait3A_520 = arith.constant 0 : i32
      %dma_wait3A_521 = tpu.memref_slice %arg13[%rem3A_512, %dma_wait3A_520] : memref<4x1024xi32, #tpu.memory_space<vmem>> -> memref<1x1024xi32, #tpu.memory_space<vmem>>
      %dma_wait3A_522 = tpu.memref_squeeze %dma_wait3A_521 : memref<1x1024xi32, #tpu.memory_space<vmem>> -> memref<1024xi32, #tpu.memory_space<vmem>>
      %dma_wait3A_523 = arith.constant 0 : i32
      %dma_wait3A_524 = tpu.memref_slice %arg3[%dma_wait3A_523] : memref<3211264xi32, #tpu.memory_space<hbm>> -> memref<1024xi32, #tpu.memory_space<hbm>>
      tpu.wait_dma2 semaphore(%dma_wait3A_519 : memref<!tpu.dma_semaphore, #tpu.memory_space<semaphore_mem>>) src(%dma_wait3A_524 : memref<1024xi32, #tpu.memory_space<hbm>>) dst(%dma_wait3A_522 : memref<1024xi32, #tpu.memory_space<vmem>>)
      %dma_wait3A_525 = arith.constant 0 : i32
      %dma_wait3A_526 = tpu.memref_slice %arg12[%rem3A_512, %dma_wait3A_525] : memref<4x1024xi32, #tpu.memory_space<vmem>> -> memref<1x1024xi32, #tpu.memory_space<vmem>>
      %dma_wait3A_527 = tpu.memref_squeeze %dma_wait3A_526 : memref<1x1024xi32, #tpu.memory_space<vmem>> -> memref<1024xi32, #tpu.memory_space<vmem>>
      %dma_wait3A_528 = arith.constant 0 : i32
      %dma_wait3A_529 = tpu.memref_slice %arg2[%dma_wait3A_528] : memref<3211264xi32, #tpu.memory_space<hbm>> -> memref<1024xi32, #tpu.memory_space<hbm>>
      %dma_wait3A_530 = tpu.memref_slice %arg16[%rem3A_512] : memref<4x!tpu.dma_semaphore, #tpu.memory_space<semaphore_mem>> -> memref<1x!tpu.dma_semaphore, #tpu.memory_space<semaphore_mem>>
      %dma_wait3A_531 = tpu.memref_squeeze %dma_wait3A_530 : memref<1x!tpu.dma_semaphore, #tpu.memory_space<semaphore_mem>> -> memref<!tpu.dma_semaphore, #tpu.memory_space<semaphore_mem>>
      %dma_wait3A_532 = arith.constant 0 : i32
      %dma_wait3A_533 = tpu.memref_slice %arg12[%rem3A_512, %dma_wait3A_532] : memref<4x1024xi32, #tpu.memory_space<vmem>> -> memref<1x1024xi32, #tpu.memory_space<vmem>>
      %dma_wait3A_534 = tpu.memref_squeeze %dma_wait3A_533 : memref<1x1024xi32, #tpu.memory_space<vmem>> -> memref<1024xi32, #tpu.memory_space<vmem>>
      %dma_wait3A_535 = arith.constant 0 : i32
      %dma_wait3A_536 = tpu.memref_slice %arg2[%dma_wait3A_535] : memref<3211264xi32, #tpu.memory_space<hbm>> -> memref<1024xi32, #tpu.memory_space<hbm>>
      tpu.wait_dma2 semaphore(%dma_wait3A_531 : memref<!tpu.dma_semaphore, #tpu.memory_space<semaphore_mem>>) src(%dma_wait3A_536 : memref<1024xi32, #tpu.memory_space<hbm>>) dst(%dma_wait3A_534 : memref<1024xi32, #tpu.memory_space<vmem>>)
      %rem3A_537 = arith.constant 4 : i32
      %rem3A_538 = arith.remsi %while3A_510, %rem3A_537 : i32
      %dma_start3A_539 = arith.constant 0 : i32
      %dma_start3A_540 = arith.constant 0 : i32
      %dma_start3A_541 = tpu.memref_slice %arg14[%rem3A_538, %dma_start3A_539, %dma_start3A_540] : memref<4x1024x16xf32, #tpu.memory_space<vmem>> -> memref<1x1024x16xf32, #tpu.memory_space<vmem>>
      %dma_start3A_542 = tpu.memref_squeeze %dma_start3A_541 : memref<1x1024x16xf32, #tpu.memory_space<vmem>> -> memref<1024x16xf32, #tpu.memory_space<vmem>>
      %dma_start3A_543 = arith.constant 0 : i32
      %dma_start3A_544 = tpu.memref_slice %arg12[%rem3A_538, %dma_start3A_543] : memref<4x1024xi32, #tpu.memory_space<vmem>> -> memref<1x1024xi32, #tpu.memory_space<vmem>>
      %dma_start3A_545 = tpu.memref_squeeze %dma_start3A_544 : memref<1x1024xi32, #tpu.memory_space<vmem>> -> memref<1024xi32, #tpu.memory_space<vmem>>
      %dma_start3A_546 = arith.constant 0 : i32
      %dma_start3A_547 = arith.constant 0 : i32
      %dma_start3A_548 = tpu.memref_slice %arg7[%dma_start3A_546, %dma_start3A_547] : memref<50048x16xf32, #tpu.memory_space<hbm>> -> memref<50048x16xf32, #tpu.memory_space<hbm>>
      %dma_start3A_549 = tpu.memref_slice %arg17[%rem3A_538] : memref<4x!tpu.dma_semaphore, #tpu.memory_space<semaphore_mem>> -> memref<1x!tpu.dma_semaphore, #tpu.memory_space<semaphore_mem>>
      %dma_start3A_550 = tpu.memref_squeeze %dma_start3A_549 : memref<1x!tpu.dma_semaphore, #tpu.memory_space<semaphore_mem>> -> memref<!tpu.dma_semaphore, #tpu.memory_space<semaphore_mem>>
      tpu.enqueue_indirect_dma source(%dma_start3A_548 : memref<50048x16xf32, #tpu.memory_space<hbm>>) target(%dma_start3A_542 : memref<1024x16xf32, #tpu.memory_space<vmem>>) offsets(%dma_start3A_545 : memref<1024xi32, #tpu.memory_space<vmem>>) semaphore(%dma_start3A_550 : memref<!tpu.dma_semaphore, #tpu.memory_space<semaphore_mem>>)
      %ge3A = arith.constant 1 : i32
      %ge3A_551 = arith.cmpi sge, %while3A_510, %ge3A : i32
      %convert_element_type3A = arith.extui %ge3A_551 : i1 to i32
      %cond3A = arith.constant 0 : i32
      %cond3A_552 = arith.cmpi ne, %convert_element_type3A, %cond3A : i32
      scf.if %cond3A_552 {
        %sub3A_563 = arith.constant 1 : i32
        %sub3A_564 = arith.subi %while3A_510, %sub3A_563 : i32
        %rem3A_565 = arith.constant 4 : i32
        %rem3A_566 = arith.remsi %sub3A_564, %rem3A_565 : i32
        %dma_wait3A_567 = arith.constant 0 : i32
        %dma_wait3A_568 = arith.constant 0 : i32
        %dma_wait3A_569 = tpu.memref_slice %arg14[%rem3A_566, %dma_wait3A_567, %dma_wait3A_568] : memref<4x1024x16xf32, #tpu.memory_space<vmem>> -> memref<1x1024x16xf32, #tpu.memory_space<vmem>>
        %dma_wait3A_570 = tpu.memref_squeeze %dma_wait3A_569 : memref<1x1024x16xf32, #tpu.memory_space<vmem>> -> memref<1024x16xf32, #tpu.memory_space<vmem>>
        %dma_wait3A_571 = arith.constant 0 : i32
        %dma_wait3A_572 = tpu.memref_slice %arg12[%rem3A_566, %dma_wait3A_571] : memref<4x1024xi32, #tpu.memory_space<vmem>> -> memref<1x1024xi32, #tpu.memory_space<vmem>>
        %dma_wait3A_573 = tpu.memref_squeeze %dma_wait3A_572 : memref<1x1024xi32, #tpu.memory_space<vmem>> -> memref<1024xi32, #tpu.memory_space<vmem>>
        %dma_wait3A_574 = arith.constant 0 : i32
        %dma_wait3A_575 = arith.constant 0 : i32
        %dma_wait3A_576 = tpu.memref_slice %arg7[%dma_wait3A_574, %dma_wait3A_575] : memref<50048x16xf32, #tpu.memory_space<hbm>> -> memref<50048x16xf32, #tpu.memory_space<hbm>>
        %dma_wait3A_577 = tpu.memref_slice %arg17[%rem3A_566] : memref<4x!tpu.dma_semaphore, #tpu.memory_space<semaphore_mem>> -> memref<1x!tpu.dma_semaphore, #tpu.memory_space<semaphore_mem>>
        %dma_wait3A_578 = tpu.memref_squeeze %dma_wait3A_577 : memref<1x!tpu.dma_semaphore, #tpu.memory_space<semaphore_mem>> -> memref<!tpu.dma_semaphore, #tpu.memory_space<semaphore_mem>>
        tpu.wait_indirect_dma semaphore(%dma_wait3A_578 : memref<!tpu.dma_semaphore, #tpu.memory_space<semaphore_mem>>) src(%dma_wait3A_576 : memref<50048x16xf32, #tpu.memory_space<hbm>>) dst(%dma_wait3A_570 : memref<1024x16xf32, #tpu.memory_space<vmem>>)
        %sub3A_579 = arith.constant 1 : i32
        %sub3A_580 = arith.subi %while3A_510, %sub3A_579 : i32
        %rem3A_581 = arith.constant 4 : i32
        %rem3A_582 = arith.remsi %sub3A_580, %rem3A_581 : i32
        %dma_start3A_583 = arith.constant 0 : i32
        %dma_start3A_584 = arith.constant 0 : i32
        %dma_start3A_585 = tpu.memref_slice %arg14[%rem3A_582, %dma_start3A_583, %dma_start3A_584] : memref<4x1024x16xf32, #tpu.memory_space<vmem>> -> memref<1x1024x16xf32, #tpu.memory_space<vmem>>
        %dma_start3A_586 = tpu.memref_squeeze %dma_start3A_585 : memref<1x1024x16xf32, #tpu.memory_space<vmem>> -> memref<1024x16xf32, #tpu.memory_space<vmem>>
        %dma_start3A_587 = arith.constant 0 : i32
        %dma_start3A_588 = tpu.memref_slice %arg13[%rem3A_582, %dma_start3A_587] : memref<4x1024xi32, #tpu.memory_space<vmem>> -> memref<1x1024xi32, #tpu.memory_space<vmem>>
        %dma_start3A_589 = tpu.memref_squeeze %dma_start3A_588 : memref<1x1024xi32, #tpu.memory_space<vmem>> -> memref<1024xi32, #tpu.memory_space<vmem>>
        %dma_start3A_590 = arith.constant 0 : i32
        %dma_start3A_591 = arith.constant 0 : i32
        %dma_start3A_592 = tpu.memref_slice %arg15[%dma_start3A_590, %dma_start3A_591] : memref<50048x16xf32, #tpu.memory_space<vmem_shared>> -> memref<50048x16xf32, #tpu.memory_space<vmem_shared>>
        %dma_start3A_593 = tpu.memref_slice %arg18[%rem3A_582] : memref<4x!tpu.dma_semaphore, #tpu.memory_space<semaphore_mem>> -> memref<1x!tpu.dma_semaphore, #tpu.memory_space<semaphore_mem>>
        %dma_start3A_594 = tpu.memref_squeeze %dma_start3A_593 : memref<1x!tpu.dma_semaphore, #tpu.memory_space<semaphore_mem>> -> memref<!tpu.dma_semaphore, #tpu.memory_space<semaphore_mem>>
        tpu.enqueue_indirect_dma source(%dma_start3A_586 : memref<1024x16xf32, #tpu.memory_space<vmem>>) target(%dma_start3A_592 : memref<50048x16xf32, #tpu.memory_space<vmem_shared>>) offsets(%dma_start3A_589 : memref<1024xi32, #tpu.memory_space<vmem>>) semaphore(%dma_start3A_594 : memref<!tpu.dma_semaphore, #tpu.memory_space<semaphore_mem>>) {add = true}
      } else {
      }
      %ge3A_553 = arith.constant 2 : i32
      %ge3A_554 = arith.cmpi sge, %while3A_510, %ge3A_553 : i32
      %convert_element_type3A_555 = arith.extui %ge3A_554 : i1 to i32
      %cond3A_556 = arith.constant 0 : i32
      %cond3A_557 = arith.cmpi ne, %convert_element_type3A_555, %cond3A_556 : i32
      scf.if %cond3A_557 {
        %sub3A_563 = arith.constant 2 : i32
        %sub3A_564 = arith.subi %while3A_510, %sub3A_563 : i32
        %rem3A_565 = arith.constant 4 : i32
        %rem3A_566 = arith.remsi %sub3A_564, %rem3A_565 : i32
        %dma_wait3A_567 = arith.constant 0 : i32
        %dma_wait3A_568 = arith.constant 0 : i32
        %dma_wait3A_569 = tpu.memref_slice %arg14[%rem3A_566, %dma_wait3A_567, %dma_wait3A_568] : memref<4x1024x16xf32, #tpu.memory_space<vmem>> -> memref<1x1024x16xf32, #tpu.memory_space<vmem>>
        %dma_wait3A_570 = tpu.memref_squeeze %dma_wait3A_569 : memref<1x1024x16xf32, #tpu.memory_space<vmem>> -> memref<1024x16xf32, #tpu.memory_space<vmem>>
        %dma_wait3A_571 = arith.constant 0 : i32
        %dma_wait3A_572 = tpu.memref_slice %arg13[%rem3A_566, %dma_wait3A_571] : memref<4x1024xi32, #tpu.memory_space<vmem>> -> memref<1x1024xi32, #tpu.memory_space<vmem>>
        %dma_wait3A_573 = tpu.memref_squeeze %dma_wait3A_572 : memref<1x1024xi32, #tpu.memory_space<vmem>> -> memref<1024xi32, #tpu.memory_space<vmem>>
        %dma_wait3A_574 = arith.constant 0 : i32
        %dma_wait3A_575 = arith.constant 0 : i32
        %dma_wait3A_576 = tpu.memref_slice %arg15[%dma_wait3A_574, %dma_wait3A_575] : memref<50048x16xf32, #tpu.memory_space<vmem_shared>> -> memref<50048x16xf32, #tpu.memory_space<vmem_shared>>
        %dma_wait3A_577 = tpu.memref_slice %arg18[%rem3A_566] : memref<4x!tpu.dma_semaphore, #tpu.memory_space<semaphore_mem>> -> memref<1x!tpu.dma_semaphore, #tpu.memory_space<semaphore_mem>>
        %dma_wait3A_578 = tpu.memref_squeeze %dma_wait3A_577 : memref<1x!tpu.dma_semaphore, #tpu.memory_space<semaphore_mem>> -> memref<!tpu.dma_semaphore, #tpu.memory_space<semaphore_mem>>
        tpu.wait_indirect_dma semaphore(%dma_wait3A_578 : memref<!tpu.dma_semaphore, #tpu.memory_space<semaphore_mem>>) src(%dma_wait3A_570 : memref<1024x16xf32, #tpu.memory_space<vmem>>) dst(%dma_wait3A_576 : memref<50048x16xf32, #tpu.memory_space<vmem_shared>>)
      } else {
      }
      %add3A_558 = arith.constant 2 : i32
      %add3A_559 = arith.addi %while3A_510, %add3A_558 : i32
      %lt3A = arith.cmpi slt, %add3A_559, %add3A_3 : i32
      %convert_element_type3A_560 = arith.extui %lt3A : i1 to i32
      %cond3A_561 = arith.constant 0 : i32
      %cond3A_562 = arith.cmpi ne, %convert_element_type3A_560, %cond3A_561 : i32
      scf.if %cond3A_562 {
        %add3A_563 = arith.constant 2 : i32
        %add3A_564 = arith.addi %while3A_510, %add3A_563 : i32
        %rem3A_565 = arith.constant 4 : i32
        %rem3A_566 = arith.remsi %add3A_564, %rem3A_565 : i32
        %mul3A_567 = arith.constant 1024 : i32
        %mul3A_568 = arith.muli %add3A_564, %mul3A_567 : i32
        %add3A_569 = arith.addi %mul3A_11, %mul3A_568 : i32
        %dma_start3A_570 = arith.constant 0 : i32
        %dma_start3A_571 = tpu.memref_slice %arg13[%rem3A_566, %dma_start3A_570] : memref<4x1024xi32, #tpu.memory_space<vmem>> -> memref<1x1024xi32, #tpu.memory_space<vmem>>
        %dma_start3A_572 = tpu.memref_squeeze %dma_start3A_571 : memref<1x1024xi32, #tpu.memory_space<vmem>> -> memref<1024xi32, #tpu.memory_space<vmem>>
        %dma_start3A_573 = tpu.memref_slice %arg3[%add3A_569] : memref<3211264xi32, #tpu.memory_space<hbm>> -> memref<1024xi32, #tpu.memory_space<hbm>>
        %dma_start3A_574 = tpu.memref_slice %arg16[%rem3A_566] : memref<4x!tpu.dma_semaphore, #tpu.memory_space<semaphore_mem>> -> memref<1x!tpu.dma_semaphore, #tpu.memory_space<semaphore_mem>>
        %dma_start3A_575 = tpu.memref_squeeze %dma_start3A_574 : memref<1x!tpu.dma_semaphore, #tpu.memory_space<semaphore_mem>> -> memref<!tpu.dma_semaphore, #tpu.memory_space<semaphore_mem>>
        %dma_start3A_576 = arith.constant 0 : i32
        %dma_start3A_577 = tpu.memref_slice %arg13[%rem3A_566, %dma_start3A_576] : memref<4x1024xi32, #tpu.memory_space<vmem>> -> memref<1x1024xi32, #tpu.memory_space<vmem>>
        %dma_start3A_578 = tpu.memref_squeeze %dma_start3A_577 : memref<1x1024xi32, #tpu.memory_space<vmem>> -> memref<1024xi32, #tpu.memory_space<vmem>>
        %dma_start3A_579 = tpu.memref_slice %arg3[%add3A_569] : memref<3211264xi32, #tpu.memory_space<hbm>> -> memref<1024xi32, #tpu.memory_space<hbm>>
        tpu.enqueue_dma source(%dma_start3A_579 : memref<1024xi32, #tpu.memory_space<hbm>>) target(%dma_start3A_578 : memref<1024xi32, #tpu.memory_space<vmem>>) target_semaphore(%dma_start3A_575 : memref<!tpu.dma_semaphore, #tpu.memory_space<semaphore_mem>>)
        %dma_start3A_580 = arith.constant 0 : i32
        %dma_start3A_581 = tpu.memref_slice %arg12[%rem3A_566, %dma_start3A_580] : memref<4x1024xi32, #tpu.memory_space<vmem>> -> memref<1x1024xi32, #tpu.memory_space<vmem>>
        %dma_start3A_582 = tpu.memref_squeeze %dma_start3A_581 : memref<1x1024xi32, #tpu.memory_space<vmem>> -> memref<1024xi32, #tpu.memory_space<vmem>>
        %dma_start3A_583 = tpu.memref_slice %arg2[%add3A_569] : memref<3211264xi32, #tpu.memory_space<hbm>> -> memref<1024xi32, #tpu.memory_space<hbm>>
        %dma_start3A_584 = tpu.memref_slice %arg16[%rem3A_566] : memref<4x!tpu.dma_semaphore, #tpu.memory_space<semaphore_mem>> -> memref<1x!tpu.dma_semaphore, #tpu.memory_space<semaphore_mem>>
        %dma_start3A_585 = tpu.memref_squeeze %dma_start3A_584 : memref<1x!tpu.dma_semaphore, #tpu.memory_space<semaphore_mem>> -> memref<!tpu.dma_semaphore, #tpu.memory_space<semaphore_mem>>
        %dma_start3A_586 = arith.constant 0 : i32
        %dma_start3A_587 = tpu.memref_slice %arg12[%rem3A_566, %dma_start3A_586] : memref<4x1024xi32, #tpu.memory_space<vmem>> -> memref<1x1024xi32, #tpu.memory_space<vmem>>
        %dma_start3A_588 = tpu.memref_squeeze %dma_start3A_587 : memref<1x1024xi32, #tpu.memory_space<vmem>> -> memref<1024xi32, #tpu.memory_space<vmem>>
        %dma_start3A_589 = tpu.memref_slice %arg2[%add3A_569] : memref<3211264xi32, #tpu.memory_space<hbm>> -> memref<1024xi32, #tpu.memory_space<hbm>>
        tpu.enqueue_dma source(%dma_start3A_589 : memref<1024xi32, #tpu.memory_space<hbm>>) target(%dma_start3A_588 : memref<1024xi32, #tpu.memory_space<vmem>>) target_semaphore(%dma_start3A_585 : memref<!tpu.dma_semaphore, #tpu.memory_space<semaphore_mem>>)
      } else {
      }
    }
    %while3A_444 = arith.constant 1 : i32
    scf.for %while3A_510 = %while3A_442 to %while3A_438 step %while3A_444  : i32 {
      %rem3A_511 = arith.constant 4 : i32
      %rem3A_512 = arith.remsi %while3A_510, %rem3A_511 : i32
      %dma_wait3A_513 = arith.constant 0 : i32
      %dma_wait3A_514 = tpu.memref_slice %arg13[%rem3A_512, %dma_wait3A_513] : memref<4x1024xi32, #tpu.memory_space<vmem>> -> memref<1x1024xi32, #tpu.memory_space<vmem>>
      %dma_wait3A_515 = tpu.memref_squeeze %dma_wait3A_514 : memref<1x1024xi32, #tpu.memory_space<vmem>> -> memref<1024xi32, #tpu.memory_space<vmem>>
      %dma_wait3A_516 = arith.constant 0 : i32
      %dma_wait3A_517 = tpu.memref_slice %arg3[%dma_wait3A_516] : memref<3211264xi32, #tpu.memory_space<hbm>> -> memref<1024xi32, #tpu.memory_space<hbm>>
      %dma_wait3A_518 = tpu.memref_slice %arg16[%rem3A_512] : memref<4x!tpu.dma_semaphore, #tpu.memory_space<semaphore_mem>> -> memref<1x!tpu.dma_semaphore, #tpu.memory_space<semaphore_mem>>
      %dma_wait3A_519 = tpu.memref_squeeze %dma_wait3A_518 : memref<1x!tpu.dma_semaphore, #tpu.memory_space<semaphore_mem>> -> memref<!tpu.dma_semaphore, #tpu.memory_space<semaphore_mem>>
      %dma_wait3A_520 = arith.constant 0 : i32
      %dma_wait3A_521 = tpu.memref_slice %arg13[%rem3A_512, %dma_wait3A_520] : memref<4x1024xi32, #tpu.memory_space<vmem>> -> memref<1x1024xi32, #tpu.memory_space<vmem>>
      %dma_wait3A_522 = tpu.memref_squeeze %dma_wait3A_521 : memref<1x1024xi32, #tpu.memory_space<vmem>> -> memref<1024xi32, #tpu.memory_space<vmem>>
      %dma_wait3A_523 = arith.constant 0 : i32
      %dma_wait3A_524 = tpu.memref_slice %arg3[%dma_wait3A_523] : memref<3211264xi32, #tpu.memory_space<hbm>> -> memref<1024xi32, #tpu.memory_space<hbm>>
      tpu.wait_dma2 semaphore(%dma_wait3A_519 : memref<!tpu.dma_semaphore, #tpu.memory_space<semaphore_mem>>) src(%dma_wait3A_524 : memref<1024xi32, #tpu.memory_space<hbm>>) dst(%dma_wait3A_522 : memref<1024xi32, #tpu.memory_space<vmem>>)
      %dma_wait3A_525 = arith.constant 0 : i32
      %dma_wait3A_526 = tpu.memref_slice %arg12[%rem3A_512, %dma_wait3A_525] : memref<4x1024xi32, #tpu.memory_space<vmem>> -> memref<1x1024xi32, #tpu.memory_space<vmem>>
      %dma_wait3A_527 = tpu.memref_squeeze %dma_wait3A_526 : memref<1x1024xi32, #tpu.memory_space<vmem>> -> memref<1024xi32, #tpu.memory_space<vmem>>
      %dma_wait3A_528 = arith.constant 0 : i32
      %dma_wait3A_529 = tpu.memref_slice %arg2[%dma_wait3A_528] : memref<3211264xi32, #tpu.memory_space<hbm>> -> memref<1024xi32, #tpu.memory_space<hbm>>
      %dma_wait3A_530 = tpu.memref_slice %arg16[%rem3A_512] : memref<4x!tpu.dma_semaphore, #tpu.memory_space<semaphore_mem>> -> memref<1x!tpu.dma_semaphore, #tpu.memory_space<semaphore_mem>>
      %dma_wait3A_531 = tpu.memref_squeeze %dma_wait3A_530 : memref<1x!tpu.dma_semaphore, #tpu.memory_space<semaphore_mem>> -> memref<!tpu.dma_semaphore, #tpu.memory_space<semaphore_mem>>
      %dma_wait3A_532 = arith.constant 0 : i32
      %dma_wait3A_533 = tpu.memref_slice %arg12[%rem3A_512, %dma_wait3A_532] : memref<4x1024xi32, #tpu.memory_space<vmem>> -> memref<1x1024xi32, #tpu.memory_space<vmem>>
      %dma_wait3A_534 = tpu.memref_squeeze %dma_wait3A_533 : memref<1x1024xi32, #tpu.memory_space<vmem>> -> memref<1024xi32, #tpu.memory_space<vmem>>
      %dma_wait3A_535 = arith.constant 0 : i32
      %dma_wait3A_536 = tpu.memref_slice %arg2[%dma_wait3A_535] : memref<3211264xi32, #tpu.memory_space<hbm>> -> memref<1024xi32, #tpu.memory_space<hbm>>
      tpu.wait_dma2 semaphore(%dma_wait3A_531 : memref<!tpu.dma_semaphore, #tpu.memory_space<semaphore_mem>>) src(%dma_wait3A_536 : memref<1024xi32, #tpu.memory_space<hbm>>) dst(%dma_wait3A_534 : memref<1024xi32, #tpu.memory_space<vmem>>)
      %rem3A_537 = arith.constant 4 : i32
      %rem3A_538 = arith.remsi %while3A_510, %rem3A_537 : i32
      %dma_start3A_539 = arith.constant 0 : i32
      %dma_start3A_540 = arith.constant 0 : i32
      %dma_start3A_541 = tpu.memref_slice %arg14[%rem3A_538, %dma_start3A_539, %dma_start3A_540] : memref<4x1024x16xf32, #tpu.memory_space<vmem>> -> memref<1x1024x16xf32, #tpu.memory_space<vmem>>
      %dma_start3A_542 = tpu.memref_squeeze %dma_start3A_541 : memref<1x1024x16xf32, #tpu.memory_space<vmem>> -> memref<1024x16xf32, #tpu.memory_space<vmem>>
      %dma_start3A_543 = arith.constant 0 : i32
      %dma_start3A_544 = tpu.memref_slice %arg12[%rem3A_538, %dma_start3A_543] : memref<4x1024xi32, #tpu.memory_space<vmem>> -> memref<1x1024xi32, #tpu.memory_space<vmem>>
      %dma_start3A_545 = tpu.memref_squeeze %dma_start3A_544 : memref<1x1024xi32, #tpu.memory_space<vmem>> -> memref<1024xi32, #tpu.memory_space<vmem>>
      %dma_start3A_546 = arith.constant 0 : i32
      %dma_start3A_547 = arith.constant 0 : i32
      %dma_start3A_548 = tpu.memref_slice %arg7[%dma_start3A_546, %dma_start3A_547] : memref<50048x16xf32, #tpu.memory_space<hbm>> -> memref<50048x16xf32, #tpu.memory_space<hbm>>
      %dma_start3A_549 = tpu.memref_slice %arg17[%rem3A_538] : memref<4x!tpu.dma_semaphore, #tpu.memory_space<semaphore_mem>> -> memref<1x!tpu.dma_semaphore, #tpu.memory_space<semaphore_mem>>
      %dma_start3A_550 = tpu.memref_squeeze %dma_start3A_549 : memref<1x!tpu.dma_semaphore, #tpu.memory_space<semaphore_mem>> -> memref<!tpu.dma_semaphore, #tpu.memory_space<semaphore_mem>>
      tpu.enqueue_indirect_dma source(%dma_start3A_548 : memref<50048x16xf32, #tpu.memory_space<hbm>>) target(%dma_start3A_542 : memref<1024x16xf32, #tpu.memory_space<vmem>>) offsets(%dma_start3A_545 : memref<1024xi32, #tpu.memory_space<vmem>>) semaphore(%dma_start3A_550 : memref<!tpu.dma_semaphore, #tpu.memory_space<semaphore_mem>>)
      %ge3A = arith.constant 1 : i32
      %ge3A_551 = arith.cmpi sge, %while3A_510, %ge3A : i32
      %convert_element_type3A = arith.extui %ge3A_551 : i1 to i32
      %cond3A = arith.constant 0 : i32
      %cond3A_552 = arith.cmpi ne, %convert_element_type3A, %cond3A : i32
      scf.if %cond3A_552 {
        %sub3A_563 = arith.constant 1 : i32
        %sub3A_564 = arith.subi %while3A_510, %sub3A_563 : i32
        %rem3A_565 = arith.constant 4 : i32
        %rem3A_566 = arith.remsi %sub3A_564, %rem3A_565 : i32
        %dma_wait3A_567 = arith.constant 0 : i32
        %dma_wait3A_568 = arith.constant 0 : i32
        %dma_wait3A_569 = tpu.memref_slice %arg14[%rem3A_566, %dma_wait3A_567, %dma_wait3A_568] : memref<4x1024x16xf32, #tpu.memory_space<vmem>> -> memref<1x1024x16xf32, #tpu.memory_space<vmem>>
        %dma_wait3A_570 = tpu.memref_squeeze %dma_wait3A_569 : memref<1x1024x16xf32, #tpu.memory_space<vmem>> -> memref<1024x16xf32, #tpu.memory_space<vmem>>
        %dma_wait3A_571 = arith.constant 0 : i32
        %dma_wait3A_572 = tpu.memref_slice %arg12[%rem3A_566, %dma_wait3A_571] : memref<4x1024xi32, #tpu.memory_space<vmem>> -> memref<1x1024xi32, #tpu.memory_space<vmem>>
        %dma_wait3A_573 = tpu.memref_squeeze %dma_wait3A_572 : memref<1x1024xi32, #tpu.memory_space<vmem>> -> memref<1024xi32, #tpu.memory_space<vmem>>
        %dma_wait3A_574 = arith.constant 0 : i32
        %dma_wait3A_575 = arith.constant 0 : i32
        %dma_wait3A_576 = tpu.memref_slice %arg7[%dma_wait3A_574, %dma_wait3A_575] : memref<50048x16xf32, #tpu.memory_space<hbm>> -> memref<50048x16xf32, #tpu.memory_space<hbm>>
        %dma_wait3A_577 = tpu.memref_slice %arg17[%rem3A_566] : memref<4x!tpu.dma_semaphore, #tpu.memory_space<semaphore_mem>> -> memref<1x!tpu.dma_semaphore, #tpu.memory_space<semaphore_mem>>
        %dma_wait3A_578 = tpu.memref_squeeze %dma_wait3A_577 : memref<1x!tpu.dma_semaphore, #tpu.memory_space<semaphore_mem>> -> memref<!tpu.dma_semaphore, #tpu.memory_space<semaphore_mem>>
        tpu.wait_indirect_dma semaphore(%dma_wait3A_578 : memref<!tpu.dma_semaphore, #tpu.memory_space<semaphore_mem>>) src(%dma_wait3A_576 : memref<50048x16xf32, #tpu.memory_space<hbm>>) dst(%dma_wait3A_570 : memref<1024x16xf32, #tpu.memory_space<vmem>>)
        %sub3A_579 = arith.constant 1 : i32
        %sub3A_580 = arith.subi %while3A_510, %sub3A_579 : i32
        %rem3A_581 = arith.constant 4 : i32
        %rem3A_582 = arith.remsi %sub3A_580, %rem3A_581 : i32
        %dma_start3A_583 = arith.constant 0 : i32
        %dma_start3A_584 = arith.constant 0 : i32
        %dma_start3A_585 = tpu.memref_slice %arg14[%rem3A_582, %dma_start3A_583, %dma_start3A_584] : memref<4x1024x16xf32, #tpu.memory_space<vmem>> -> memref<1x1024x16xf32, #tpu.memory_space<vmem>>
        %dma_start3A_586 = tpu.memref_squeeze %dma_start3A_585 : memref<1x1024x16xf32, #tpu.memory_space<vmem>> -> memref<1024x16xf32, #tpu.memory_space<vmem>>
        %dma_start3A_587 = arith.constant 0 : i32
        %dma_start3A_588 = tpu.memref_slice %arg13[%rem3A_582, %dma_start3A_587] : memref<4x1024xi32, #tpu.memory_space<vmem>> -> memref<1x1024xi32, #tpu.memory_space<vmem>>
        %dma_start3A_589 = tpu.memref_squeeze %dma_start3A_588 : memref<1x1024xi32, #tpu.memory_space<vmem>> -> memref<1024xi32, #tpu.memory_space<vmem>>
        %dma_start3A_590 = arith.constant 0 : i32
        %dma_start3A_591 = arith.constant 0 : i32
        %dma_start3A_592 = tpu.memref_slice %arg15[%dma_start3A_590, %dma_start3A_591] : memref<50048x16xf32, #tpu.memory_space<vmem_shared>> -> memref<50048x16xf32, #tpu.memory_space<vmem_shared>>
        %dma_start3A_593 = tpu.memref_slice %arg18[%rem3A_582] : memref<4x!tpu.dma_semaphore, #tpu.memory_space<semaphore_mem>> -> memref<1x!tpu.dma_semaphore, #tpu.memory_space<semaphore_mem>>
        %dma_start3A_594 = tpu.memref_squeeze %dma_start3A_593 : memref<1x!tpu.dma_semaphore, #tpu.memory_space<semaphore_mem>> -> memref<!tpu.dma_semaphore, #tpu.memory_space<semaphore_mem>>
        tpu.enqueue_indirect_dma source(%dma_start3A_586 : memref<1024x16xf32, #tpu.memory_space<vmem>>) target(%dma_start3A_592 : memref<50048x16xf32, #tpu.memory_space<vmem_shared>>) offsets(%dma_start3A_589 : memref<1024xi32, #tpu.memory_space<vmem>>) semaphore(%dma_start3A_594 : memref<!tpu.dma_semaphore, #tpu.memory_space<semaphore_mem>>) {add = true}
      } else {
      }
      %ge3A_553 = arith.constant 2 : i32
      %ge3A_554 = arith.cmpi sge, %while3A_510, %ge3A_553 : i32
      %convert_element_type3A_555 = arith.extui %ge3A_554 : i1 to i32
      %cond3A_556 = arith.constant 0 : i32
      %cond3A_557 = arith.cmpi ne, %convert_element_type3A_555, %cond3A_556 : i32
      scf.if %cond3A_557 {
        %sub3A_563 = arith.constant 2 : i32
        %sub3A_564 = arith.subi %while3A_510, %sub3A_563 : i32
        %rem3A_565 = arith.constant 4 : i32
        %rem3A_566 = arith.remsi %sub3A_564, %rem3A_565 : i32
        %dma_wait3A_567 = arith.constant 0 : i32
        %dma_wait3A_568 = arith.constant 0 : i32
        %dma_wait3A_569 = tpu.memref_slice %arg14[%rem3A_566, %dma_wait3A_567, %dma_wait3A_568] : memref<4x1024x16xf32, #tpu.memory_space<vmem>> -> memref<1x1024x16xf32, #tpu.memory_space<vmem>>
        %dma_wait3A_570 = tpu.memref_squeeze %dma_wait3A_569 : memref<1x1024x16xf32, #tpu.memory_space<vmem>> -> memref<1024x16xf32, #tpu.memory_space<vmem>>
        %dma_wait3A_571 = arith.constant 0 : i32
        %dma_wait3A_572 = tpu.memref_slice %arg13[%rem3A_566, %dma_wait3A_571] : memref<4x1024xi32, #tpu.memory_space<vmem>> -> memref<1x1024xi32, #tpu.memory_space<vmem>>
        %dma_wait3A_573 = tpu.memref_squeeze %dma_wait3A_572 : memref<1x1024xi32, #tpu.memory_space<vmem>> -> memref<1024xi32, #tpu.memory_space<vmem>>
        %dma_wait3A_574 = arith.constant 0 : i32
        %dma_wait3A_575 = arith.constant 0 : i32
        %dma_wait3A_576 = tpu.memref_slice %arg15[%dma_wait3A_574, %dma_wait3A_575] : memref<50048x16xf32, #tpu.memory_space<vmem_shared>> -> memref<50048x16xf32, #tpu.memory_space<vmem_shared>>
        %dma_wait3A_577 = tpu.memref_slice %arg18[%rem3A_566] : memref<4x!tpu.dma_semaphore, #tpu.memory_space<semaphore_mem>> -> memref<1x!tpu.dma_semaphore, #tpu.memory_space<semaphore_mem>>
        %dma_wait3A_578 = tpu.memref_squeeze %dma_wait3A_577 : memref<1x!tpu.dma_semaphore, #tpu.memory_space<semaphore_mem>> -> memref<!tpu.dma_semaphore, #tpu.memory_space<semaphore_mem>>
        tpu.wait_indirect_dma semaphore(%dma_wait3A_578 : memref<!tpu.dma_semaphore, #tpu.memory_space<semaphore_mem>>) src(%dma_wait3A_570 : memref<1024x16xf32, #tpu.memory_space<vmem>>) dst(%dma_wait3A_576 : memref<50048x16xf32, #tpu.memory_space<vmem_shared>>)
      } else {
      }
      %add3A_558 = arith.constant 2 : i32
      %add3A_559 = arith.addi %while3A_510, %add3A_558 : i32
      %lt3A = arith.cmpi slt, %add3A_559, %add3A_3 : i32
      %convert_element_type3A_560 = arith.extui %lt3A : i1 to i32
      %cond3A_561 = arith.constant 0 : i32
      %cond3A_562 = arith.cmpi ne, %convert_element_type3A_560, %cond3A_561 : i32
      scf.if %cond3A_562 {
        %add3A_563 = arith.constant 2 : i32
        %add3A_564 = arith.addi %while3A_510, %add3A_563 : i32
        %rem3A_565 = arith.constant 4 : i32
        %rem3A_566 = arith.remsi %add3A_564, %rem3A_565 : i32
        %mul3A_567 = arith.constant 1024 : i32
        %mul3A_568 = arith.muli %add3A_564, %mul3A_567 : i32
        %add3A_569 = arith.addi %mul3A_11, %mul3A_568 : i32
        %dma_start3A_570 = arith.constant 0 : i32
        %dma_start3A_571 = tpu.memref_slice %arg13[%rem3A_566, %dma_start3A_570] : memref<4x1024xi32, #tpu.memory_space<vmem>> -> memref<1x1024xi32, #tpu.memory_space<vmem>>
        %dma_start3A_572 = tpu.memref_squeeze %dma_start3A_571 : memref<1x1024xi32, #tpu.memory_space<vmem>> -> memref<1024xi32, #tpu.memory_space<vmem>>
        %dma_start3A_573 = tpu.memref_slice %arg3[%add3A_569] : memref<3211264xi32, #tpu.memory_space<hbm>> -> memref<1024xi32, #tpu.memory_space<hbm>>
        %dma_start3A_574 = tpu.memref_slice %arg16[%rem3A_566] : memref<4x!tpu.dma_semaphore, #tpu.memory_space<semaphore_mem>> -> memref<1x!tpu.dma_semaphore, #tpu.memory_space<semaphore_mem>>
        %dma_start3A_575 = tpu.memref_squeeze %dma_start3A_574 : memref<1x!tpu.dma_semaphore, #tpu.memory_space<semaphore_mem>> -> memref<!tpu.dma_semaphore, #tpu.memory_space<semaphore_mem>>
        %dma_start3A_576 = arith.constant 0 : i32
        %dma_start3A_577 = tpu.memref_slice %arg13[%rem3A_566, %dma_start3A_576] : memref<4x1024xi32, #tpu.memory_space<vmem>> -> memref<1x1024xi32, #tpu.memory_space<vmem>>
        %dma_start3A_578 = tpu.memref_squeeze %dma_start3A_577 : memref<1x1024xi32, #tpu.memory_space<vmem>> -> memref<1024xi32, #tpu.memory_space<vmem>>
        %dma_start3A_579 = tpu.memref_slice %arg3[%add3A_569] : memref<3211264xi32, #tpu.memory_space<hbm>> -> memref<1024xi32, #tpu.memory_space<hbm>>
        tpu.enqueue_dma source(%dma_start3A_579 : memref<1024xi32, #tpu.memory_space<hbm>>) target(%dma_start3A_578 : memref<1024xi32, #tpu.memory_space<vmem>>) target_semaphore(%dma_start3A_575 : memref<!tpu.dma_semaphore, #tpu.memory_space<semaphore_mem>>)
        %dma_start3A_580 = arith.constant 0 : i32
        %dma_start3A_581 = tpu.memref_slice %arg12[%rem3A_566, %dma_start3A_580] : memref<4x1024xi32, #tpu.memory_space<vmem>> -> memref<1x1024xi32, #tpu.memory_space<vmem>>
        %dma_start3A_582 = tpu.memref_squeeze %dma_start3A_581 : memref<1x1024xi32, #tpu.memory_space<vmem>> -> memref<1024xi32, #tpu.memory_space<vmem>>
        %dma_start3A_583 = tpu.memref_slice %arg2[%add3A_569] : memref<3211264xi32, #tpu.memory_space<hbm>> -> memref<1024xi32, #tpu.memory_space<hbm>>
        %dma_start3A_584 = tpu.memref_slice %arg16[%rem3A_566] : memref<4x!tpu.dma_semaphore, #tpu.memory_space<semaphore_mem>> -> memref<1x!tpu.dma_semaphore, #tpu.memory_space<semaphore_mem>>
        %dma_start3A_585 = tpu.memref_squeeze %dma_start3A_584 : memref<1x!tpu.dma_semaphore, #tpu.memory_space<semaphore_mem>> -> memref<!tpu.dma_semaphore, #tpu.memory_space<semaphore_mem>>
        %dma_start3A_586 = arith.constant 0 : i32
        %dma_start3A_587 = tpu.memref_slice %arg12[%rem3A_566, %dma_start3A_586] : memref<4x1024xi32, #tpu.memory_space<vmem>> -> memref<1x1024xi32, #tpu.memory_space<vmem>>
        %dma_start3A_588 = tpu.memref_squeeze %dma_start3A_587 : memref<1x1024xi32, #tpu.memory_space<vmem>> -> memref<1024xi32, #tpu.memory_space<vmem>>
        %dma_start3A_589 = tpu.memref_slice %arg2[%add3A_569] : memref<3211264xi32, #tpu.memory_space<hbm>> -> memref<1024xi32, #tpu.memory_space<hbm>>
        tpu.enqueue_dma source(%dma_start3A_589 : memref<1024xi32, #tpu.memory_space<hbm>>) target(%dma_start3A_588 : memref<1024xi32, #tpu.memory_space<vmem>>) target_semaphore(%dma_start3A_585 : memref<!tpu.dma_semaphore, #tpu.memory_space<semaphore_mem>>)
      } else {
      }
    }
    %sub3A_445 = arith.constant 1 : i32
    %sub3A_446 = arith.subi %add3A_3, %sub3A_445 : i32
    %rem3A_447 = arith.constant 4 : i32
    %rem3A_448 = arith.remsi %sub3A_446, %rem3A_447 : i32
    %dma_wait3A_449 = arith.constant 0 : i32
    %dma_wait3A_450 = arith.constant 0 : i32
    %dma_wait3A_451 = tpu.memref_slice %arg14[%rem3A_448, %dma_wait3A_449, %dma_wait3A_450] : memref<4x1024x16xf32, #tpu.memory_space<vmem>> -> memref<1x1024x16xf32, #tpu.memory_space<vmem>>
    %dma_wait3A_452 = tpu.memref_squeeze %dma_wait3A_451 : memref<1x1024x16xf32, #tpu.memory_space<vmem>> -> memref<1024x16xf32, #tpu.memory_space<vmem>>
    %dma_wait3A_453 = arith.constant 0 : i32
    %dma_wait3A_454 = tpu.memref_slice %arg12[%rem3A_448, %dma_wait3A_453] : memref<4x1024xi32, #tpu.memory_space<vmem>> -> memref<1x1024xi32, #tpu.memory_space<vmem>>
    %dma_wait3A_455 = tpu.memref_squeeze %dma_wait3A_454 : memref<1x1024xi32, #tpu.memory_space<vmem>> -> memref<1024xi32, #tpu.memory_space<vmem>>
    %dma_wait3A_456 = arith.constant 0 : i32
    %dma_wait3A_457 = arith.constant 0 : i32
    %dma_wait3A_458 = tpu.memref_slice %arg7[%dma_wait3A_456, %dma_wait3A_457] : memref<50048x16xf32, #tpu.memory_space<hbm>> -> memref<50048x16xf32, #tpu.memory_space<hbm>>
    %dma_wait3A_459 = tpu.memref_slice %arg17[%rem3A_448] : memref<4x!tpu.dma_semaphore, #tpu.memory_space<semaphore_mem>> -> memref<1x!tpu.dma_semaphore, #tpu.memory_space<semaphore_mem>>
    %dma_wait3A_460 = tpu.memref_squeeze %dma_wait3A_459 : memref<1x!tpu.dma_semaphore, #tpu.memory_space<semaphore_mem>> -> memref<!tpu.dma_semaphore, #tpu.memory_space<semaphore_mem>>
    tpu.wait_indirect_dma semaphore(%dma_wait3A_460 : memref<!tpu.dma_semaphore, #tpu.memory_space<semaphore_mem>>) src(%dma_wait3A_458 : memref<50048x16xf32, #tpu.memory_space<hbm>>) dst(%dma_wait3A_452 : memref<1024x16xf32, #tpu.memory_space<vmem>>)
    %sub3A_461 = arith.constant 1 : i32
    %sub3A_462 = arith.subi %add3A_3, %sub3A_461 : i32
    %rem3A_463 = arith.constant 4 : i32
    %rem3A_464 = arith.remsi %sub3A_462, %rem3A_463 : i32
    %dma_start3A_465 = arith.constant 0 : i32
    %dma_start3A_466 = arith.constant 0 : i32
    %dma_start3A_467 = tpu.memref_slice %arg14[%rem3A_464, %dma_start3A_465, %dma_start3A_466] : memref<4x1024x16xf32, #tpu.memory_space<vmem>> -> memref<1x1024x16xf32, #tpu.memory_space<vmem>>
    %dma_start3A_468 = tpu.memref_squeeze %dma_start3A_467 : memref<1x1024x16xf32, #tpu.memory_space<vmem>> -> memref<1024x16xf32, #tpu.memory_space<vmem>>
    %dma_start3A_469 = arith.constant 0 : i32
    %dma_start3A_470 = tpu.memref_slice %arg13[%rem3A_464, %dma_start3A_469] : memref<4x1024xi32, #tpu.memory_space<vmem>> -> memref<1x1024xi32, #tpu.memory_space<vmem>>
    %dma_start3A_471 = tpu.memref_squeeze %dma_start3A_470 : memref<1x1024xi32, #tpu.memory_space<vmem>> -> memref<1024xi32, #tpu.memory_space<vmem>>
    %dma_start3A_472 = arith.constant 0 : i32
    %dma_start3A_473 = arith.constant 0 : i32
    %dma_start3A_474 = tpu.memref_slice %arg15[%dma_start3A_472, %dma_start3A_473] : memref<50048x16xf32, #tpu.memory_space<vmem_shared>> -> memref<50048x16xf32, #tpu.memory_space<vmem_shared>>
    %dma_start3A_475 = tpu.memref_slice %arg18[%rem3A_464] : memref<4x!tpu.dma_semaphore, #tpu.memory_space<semaphore_mem>> -> memref<1x!tpu.dma_semaphore, #tpu.memory_space<semaphore_mem>>
    %dma_start3A_476 = tpu.memref_squeeze %dma_start3A_475 : memref<1x!tpu.dma_semaphore, #tpu.memory_space<semaphore_mem>> -> memref<!tpu.dma_semaphore, #tpu.memory_space<semaphore_mem>>
    tpu.enqueue_indirect_dma source(%dma_start3A_468 : memref<1024x16xf32, #tpu.memory_space<vmem>>) target(%dma_start3A_474 : memref<50048x16xf32, #tpu.memory_space<vmem_shared>>) offsets(%dma_start3A_471 : memref<1024xi32, #tpu.memory_space<vmem>>) semaphore(%dma_start3A_476 : memref<!tpu.dma_semaphore, #tpu.memory_space<semaphore_mem>>) {add = true}
    %sub3A_477 = arith.constant 2 : i32
    %sub3A_478 = arith.subi %add3A_3, %sub3A_477 : i32
    %rem3A_479 = arith.constant 4 : i32
    %rem3A_480 = arith.remsi %sub3A_478, %rem3A_479 : i32
    %dma_wait3A_481 = arith.constant 0 : i32
    %dma_wait3A_482 = arith.constant 0 : i32
    %dma_wait3A_483 = tpu.memref_slice %arg14[%rem3A_480, %dma_wait3A_481, %dma_wait3A_482] : memref<4x1024x16xf32, #tpu.memory_space<vmem>> -> memref<1x1024x16xf32, #tpu.memory_space<vmem>>
    %dma_wait3A_484 = tpu.memref_squeeze %dma_wait3A_483 : memref<1x1024x16xf32, #tpu.memory_space<vmem>> -> memref<1024x16xf32, #tpu.memory_space<vmem>>
    %dma_wait3A_485 = arith.constant 0 : i32
    %dma_wait3A_486 = tpu.memref_slice %arg13[%rem3A_480, %dma_wait3A_485] : memref<4x1024xi32, #tpu.memory_space<vmem>> -> memref<1x1024xi32, #tpu.memory_space<vmem>>
    %dma_wait3A_487 = tpu.memref_squeeze %dma_wait3A_486 : memref<1x1024xi32, #tpu.memory_space<vmem>> -> memref<1024xi32, #tpu.memory_space<vmem>>
    %dma_wait3A_488 = arith.constant 0 : i32
    %dma_wait3A_489 = arith.constant 0 : i32
    %dma_wait3A_490 = tpu.memref_slice %arg15[%dma_wait3A_488, %dma_wait3A_489] : memref<50048x16xf32, #tpu.memory_space<vmem_shared>> -> memref<50048x16xf32, #tpu.memory_space<vmem_shared>>
    %dma_wait3A_491 = tpu.memref_slice %arg18[%rem3A_480] : memref<4x!tpu.dma_semaphore, #tpu.memory_space<semaphore_mem>> -> memref<1x!tpu.dma_semaphore, #tpu.memory_space<semaphore_mem>>
    %dma_wait3A_492 = tpu.memref_squeeze %dma_wait3A_491 : memref<1x!tpu.dma_semaphore, #tpu.memory_space<semaphore_mem>> -> memref<!tpu.dma_semaphore, #tpu.memory_space<semaphore_mem>>
    tpu.wait_indirect_dma semaphore(%dma_wait3A_492 : memref<!tpu.dma_semaphore, #tpu.memory_space<semaphore_mem>>) src(%dma_wait3A_484 : memref<1024x16xf32, #tpu.memory_space<vmem>>) dst(%dma_wait3A_490 : memref<50048x16xf32, #tpu.memory_space<vmem_shared>>)
    %sub3A_493 = arith.constant 1 : i32
    %sub3A_494 = arith.subi %add3A_3, %sub3A_493 : i32
    %rem3A_495 = arith.constant 4 : i32
    %rem3A_496 = arith.remsi %sub3A_494, %rem3A_495 : i32
    %dma_wait3A_497 = arith.constant 0 : i32
    %dma_wait3A_498 = arith.constant 0 : i32
    %dma_wait3A_499 = tpu.memref_slice %arg14[%rem3A_496, %dma_wait3A_497, %dma_wait3A_498] : memref<4x1024x16xf32, #tpu.memory_space<vmem>> -> memref<1x1024x16xf32, #tpu.memory_space<vmem>>
    %dma_wait3A_500 = tpu.memref_squeeze %dma_wait3A_499 : memref<1x1024x16xf32, #tpu.memory_space<vmem>> -> memref<1024x16xf32, #tpu.memory_space<vmem>>
    %dma_wait3A_501 = arith.constant 0 : i32
    %dma_wait3A_502 = tpu.memref_slice %arg13[%rem3A_496, %dma_wait3A_501] : memref<4x1024xi32, #tpu.memory_space<vmem>> -> memref<1x1024xi32, #tpu.memory_space<vmem>>
    %dma_wait3A_503 = tpu.memref_squeeze %dma_wait3A_502 : memref<1x1024xi32, #tpu.memory_space<vmem>> -> memref<1024xi32, #tpu.memory_space<vmem>>
    %dma_wait3A_504 = arith.constant 0 : i32
    %dma_wait3A_505 = arith.constant 0 : i32
    %dma_wait3A_506 = tpu.memref_slice %arg15[%dma_wait3A_504, %dma_wait3A_505] : memref<50048x16xf32, #tpu.memory_space<vmem_shared>> -> memref<50048x16xf32, #tpu.memory_space<vmem_shared>>
    %dma_wait3A_507 = tpu.memref_slice %arg18[%rem3A_496] : memref<4x!tpu.dma_semaphore, #tpu.memory_space<semaphore_mem>> -> memref<1x!tpu.dma_semaphore, #tpu.memory_space<semaphore_mem>>
    %dma_wait3A_508 = tpu.memref_squeeze %dma_wait3A_507 : memref<1x!tpu.dma_semaphore, #tpu.memory_space<semaphore_mem>> -> memref<!tpu.dma_semaphore, #tpu.memory_space<semaphore_mem>>
    tpu.wait_indirect_dma semaphore(%dma_wait3A_508 : memref<!tpu.dma_semaphore, #tpu.memory_space<semaphore_mem>>) src(%dma_wait3A_500 : memref<1024x16xf32, #tpu.memory_space<vmem>>) dst(%dma_wait3A_506 : memref<50048x16xf32, #tpu.memory_space<vmem_shared>>)
    %barrier3A_509 = arith.constant 0 : index
    tpu.barrier barrier_id(%barrier3A_509)
    "tpu.region"() ({
      %run_scoped3A = tpu.sem_alloc : memref<!tpu.dma_semaphore, #tpu.memory_space<semaphore_mem>>
      %dma_start3A_510 = arith.constant 0 : i32
      %dma_start3A_511 = arith.constant 0 : i32
      %dma_start3A_512 = tpu.memref_slice %arg11[%arg0, %dma_start3A_510, %dma_start3A_511] : memref<2x50048x16xf32, #tpu.memory_space<hbm>> -> memref<1x50048x16xf32, #tpu.memory_space<hbm>>
      %dma_start3A_513 = tpu.memref_squeeze %dma_start3A_512 : memref<1x50048x16xf32, #tpu.memory_space<hbm>> -> memref<50048x16xf32, #tpu.memory_space<hbm>>
      %dma_start3A_514 = arith.constant 0 : i32
      %dma_start3A_515 = tpu.memref_slice %dma_start3A_513[%mul3A_0, %dma_start3A_514] : memref<50048x16xf32, #tpu.memory_space<hbm>> -> memref<3128x16xf32, #tpu.memory_space<hbm>>
      %dma_start3A_516 = arith.constant 0 : i32
      %dma_start3A_517 = tpu.memref_slice %arg15[%mul3A_0, %dma_start3A_516] : memref<50048x16xf32, #tpu.memory_space<vmem_shared>> -> memref<3128x16xf32, #tpu.memory_space<vmem_shared>>
      tpu.enqueue_dma source(%dma_start3A_517 : memref<3128x16xf32, #tpu.memory_space<vmem_shared>>) target(%dma_start3A_515 : memref<3128x16xf32, #tpu.memory_space<hbm>>) target_semaphore(%run_scoped3A : memref<!tpu.dma_semaphore, #tpu.memory_space<semaphore_mem>>)
      %dma_wait3A_518 = arith.constant 0 : i32
      %dma_wait3A_519 = arith.constant 0 : i32
      %dma_wait3A_520 = tpu.memref_slice %arg11[%arg0, %dma_wait3A_518, %dma_wait3A_519] : memref<2x50048x16xf32, #tpu.memory_space<hbm>> -> memref<1x50048x16xf32, #tpu.memory_space<hbm>>
      %dma_wait3A_521 = tpu.memref_squeeze %dma_wait3A_520 : memref<1x50048x16xf32, #tpu.memory_space<hbm>> -> memref<50048x16xf32, #tpu.memory_space<hbm>>
      %dma_wait3A_522 = arith.constant 0 : i32
      %dma_wait3A_523 = tpu.memref_slice %dma_wait3A_521[%mul3A_0, %dma_wait3A_522] : memref<50048x16xf32, #tpu.memory_space<hbm>> -> memref<3128x16xf32, #tpu.memory_space<hbm>>
      %dma_wait3A_524 = arith.constant 0 : i32
      %dma_wait3A_525 = tpu.memref_slice %arg15[%mul3A_0, %dma_wait3A_524] : memref<50048x16xf32, #tpu.memory_space<vmem_shared>> -> memref<3128x16xf32, #tpu.memory_space<vmem_shared>>
      tpu.wait_dma2 semaphore(%run_scoped3A : memref<!tpu.dma_semaphore, #tpu.memory_space<semaphore_mem>>) src(%dma_wait3A_525 : memref<3128x16xf32, #tpu.memory_space<vmem_shared>>) dst(%dma_wait3A_523 : memref<3128x16xf32, #tpu.memory_space<hbm>>)
      tpu.yield
    }) : () -> ()
    return
  }
}

#map = affine_map<(d0, d1) -> (0)>
#map1 = affine_map<(d0, d1) -> (0, 0)>
#map2 = affine_map<(d0, d1) -> (0, 0, 0)>
module attributes {stable_mosaic.version = 14 : i64} {
  func.func @_sc_body(%arg0: i32, %arg1: i32, %arg2: memref<3211264xi32, #tpu.memory_space<hbm>>, %arg3: memref<3211264xi32, #tpu.memory_space<hbm>>, %arg4: memref<50048x16xf32, #tpu.memory_space<hbm>>, %arg5: memref<2x50048x16xf32, #tpu.memory_space<hbm>>, %arg6: memref<4x1024xi32, #tpu.memory_space<vmem>>, %arg7: memref<4x1024xi32, #tpu.memory_space<vmem>>, %arg8: memref<4x1024x16xf32, #tpu.memory_space<vmem>>, %arg9: memref<50048x16xf32, #tpu.memory_space<vmem_shared>>, %arg10: memref<4x!tpu.dma_semaphore, #tpu.memory_space<semaphore_mem>>, %arg11: memref<4x!tpu.dma_semaphore, #tpu.memory_space<semaphore_mem>>, %arg12: memref<4x!tpu.dma_semaphore, #tpu.memory_space<semaphore_mem>>) attributes {dimension_semantics = [#tpu.dimension_semantics<core_parallel>, #tpu.dimension_semantics<subcore_parallel>], iteration_bounds = array<i64: 2, 16>, scalar_prefetch = 0 : i64, scratch_operands = 7 : i64, tpu.core_type = #tpu.core_type<sc_vector_subcore>, window_params = [{transform_indices = #map}, {transform_indices = #map}, {transform_indices = #map1}, {transform_indices = #map2}]} {
    %mul3A = arith.constant 3128 : i32
    %mul3A_0 = arith.muli %arg1, %mul3A : i32
    %mul3A_1 = arith.constant -68 : i32
    %mul3A_2 = arith.muli %arg0, %mul3A_1 : i32
    %add3A = arith.constant 132 : i32
    %add3A_3 = arith.addi %add3A, %mul3A_2 : i32
    %mul3A_4 = arith.constant 16 : i32
    %mul3A_5 = arith.muli %arg0, %mul3A_4 : i32
    %mul3A_6 = arith.constant 132 : i32
    %mul3A_7 = arith.muli %mul3A_5, %mul3A_6 : i32
    %mul3A_8 = arith.muli %arg1, %add3A_3 : i32
    %add3A_9 = arith.addi %mul3A_7, %mul3A_8 : i32
    %mul3A_10 = arith.constant 1024 : i32
    %mul3A_11 = arith.muli %add3A_9, %mul3A_10 : i32
    "tpu.region"() ({
      %run_scoped3A = tpu.sem_alloc : memref<!tpu.dma_semaphore, #tpu.memory_space<semaphore_mem>>
      %dma_start3A_132 = arith.constant 0 : i32
      %dma_start3A_133 = tpu.memref_slice %arg9[%mul3A_0, %dma_start3A_132] : memref<50048x16xf32, #tpu.memory_space<vmem_shared>> -> memref<3128x16xf32, #tpu.memory_space<vmem_shared>>
      %dma_start3A_134 = arith.constant 0 : i32
      %dma_start3A_135 = tpu.memref_slice %arg4[%mul3A_0, %dma_start3A_134] : memref<50048x16xf32, #tpu.memory_space<hbm>> -> memref<3128x16xf32, #tpu.memory_space<hbm>>
      tpu.enqueue_dma source(%dma_start3A_135 : memref<3128x16xf32, #tpu.memory_space<hbm>>) target(%dma_start3A_133 : memref<3128x16xf32, #tpu.memory_space<vmem_shared>>) target_semaphore(%run_scoped3A : memref<!tpu.dma_semaphore, #tpu.memory_space<semaphore_mem>>)
      %dma_wait3A_136 = arith.constant 0 : i32
      %dma_wait3A_137 = tpu.memref_slice %arg9[%mul3A_0, %dma_wait3A_136] : memref<50048x16xf32, #tpu.memory_space<vmem_shared>> -> memref<3128x16xf32, #tpu.memory_space<vmem_shared>>
      %dma_wait3A_138 = arith.constant 0 : i32
      %dma_wait3A_139 = tpu.memref_slice %arg4[%mul3A_0, %dma_wait3A_138] : memref<50048x16xf32, #tpu.memory_space<hbm>> -> memref<3128x16xf32, #tpu.memory_space<hbm>>
      tpu.wait_dma2 semaphore(%run_scoped3A : memref<!tpu.dma_semaphore, #tpu.memory_space<semaphore_mem>>) src(%dma_wait3A_139 : memref<3128x16xf32, #tpu.memory_space<hbm>>) dst(%dma_wait3A_137 : memref<3128x16xf32, #tpu.memory_space<vmem_shared>>)
      tpu.yield
    }) : () -> ()
    %barrier3A = arith.constant 0 : index
    tpu.barrier barrier_id(%barrier3A)
    %rem3A = arith.constant 0 : i32
    %rem3A_12 = arith.constant 4 : i32
    %rem3A_13 = arith.remsi %rem3A, %rem3A_12 : i32
    %add3A_14 = arith.constant 0 : i32
    %add3A_15 = arith.addi %mul3A_11, %add3A_14 : i32
    %dma_start3A = arith.constant 0 : i32
    %dma_start3A_16 = tpu.memref_slice %arg7[%rem3A_13, %dma_start3A] : memref<4x1024xi32, #tpu.memory_space<vmem>> -> memref<1x1024xi32, #tpu.memory_space<vmem>>
    %dma_start3A_17 = tpu.memref_squeeze %dma_start3A_16 : memref<1x1024xi32, #tpu.memory_space<vmem>> -> memref<1024xi32, #tpu.memory_space<vmem>>
    %dma_start3A_18 = tpu.memref_slice %arg3[%add3A_15] : memref<3211264xi32, #tpu.memory_space<hbm>> -> memref<1024xi32, #tpu.memory_space<hbm>>
    %dma_start3A_19 = tpu.memref_slice %arg10[%rem3A_13] : memref<4x!tpu.dma_semaphore, #tpu.memory_space<semaphore_mem>> -> memref<1x!tpu.dma_semaphore, #tpu.memory_space<semaphore_mem>>
    %dma_start3A_20 = tpu.memref_squeeze %dma_start3A_19 : memref<1x!tpu.dma_semaphore, #tpu.memory_space<semaphore_mem>> -> memref<!tpu.dma_semaphore, #tpu.memory_space<semaphore_mem>>
    %dma_start3A_21 = arith.constant 0 : i32
    %dma_start3A_22 = tpu.memref_slice %arg7[%rem3A_13, %dma_start3A_21] : memref<4x1024xi32, #tpu.memory_space<vmem>> -> memref<1x1024xi32, #tpu.memory_space<vmem>>
    %dma_start3A_23 = tpu.memref_squeeze %dma_start3A_22 : memref<1x1024xi32, #tpu.memory_space<vmem>> -> memref<1024xi32, #tpu.memory_space<vmem>>
    %dma_start3A_24 = tpu.memref_slice %arg3[%add3A_15] : memref<3211264xi32, #tpu.memory_space<hbm>> -> memref<1024xi32, #tpu.memory_space<hbm>>
    tpu.enqueue_dma source(%dma_start3A_24 : memref<1024xi32, #tpu.memory_space<hbm>>) target(%dma_start3A_23 : memref<1024xi32, #tpu.memory_space<vmem>>) target_semaphore(%dma_start3A_20 : memref<!tpu.dma_semaphore, #tpu.memory_space<semaphore_mem>>)
    %dma_start3A_25 = arith.constant 0 : i32
    %dma_start3A_26 = tpu.memref_slice %arg6[%rem3A_13, %dma_start3A_25] : memref<4x1024xi32, #tpu.memory_space<vmem>> -> memref<1x1024xi32, #tpu.memory_space<vmem>>
    %dma_start3A_27 = tpu.memref_squeeze %dma_start3A_26 : memref<1x1024xi32, #tpu.memory_space<vmem>> -> memref<1024xi32, #tpu.memory_space<vmem>>
    %dma_start3A_28 = tpu.memref_slice %arg2[%add3A_15] : memref<3211264xi32, #tpu.memory_space<hbm>> -> memref<1024xi32, #tpu.memory_space<hbm>>
    %dma_start3A_29 = tpu.memref_slice %arg10[%rem3A_13] : memref<4x!tpu.dma_semaphore, #tpu.memory_space<semaphore_mem>> -> memref<1x!tpu.dma_semaphore, #tpu.memory_space<semaphore_mem>>
    %dma_start3A_30 = tpu.memref_squeeze %dma_start3A_29 : memref<1x!tpu.dma_semaphore, #tpu.memory_space<semaphore_mem>> -> memref<!tpu.dma_semaphore, #tpu.memory_space<semaphore_mem>>
    %dma_start3A_31 = arith.constant 0 : i32
    %dma_start3A_32 = tpu.memref_slice %arg6[%rem3A_13, %dma_start3A_31] : memref<4x1024xi32, #tpu.memory_space<vmem>> -> memref<1x1024xi32, #tpu.memory_space<vmem>>
    %dma_start3A_33 = tpu.memref_squeeze %dma_start3A_32 : memref<1x1024xi32, #tpu.memory_space<vmem>> -> memref<1024xi32, #tpu.memory_space<vmem>>
    %dma_start3A_34 = tpu.memref_slice %arg2[%add3A_15] : memref<3211264xi32, #tpu.memory_space<hbm>> -> memref<1024xi32, #tpu.memory_space<hbm>>
    tpu.enqueue_dma source(%dma_start3A_34 : memref<1024xi32, #tpu.memory_space<hbm>>) target(%dma_start3A_33 : memref<1024xi32, #tpu.memory_space<vmem>>) target_semaphore(%dma_start3A_30 : memref<!tpu.dma_semaphore, #tpu.memory_space<semaphore_mem>>)
    %rem3A_35 = arith.constant 1 : i32
    %rem3A_36 = arith.constant 4 : i32
    %rem3A_37 = arith.remsi %rem3A_35, %rem3A_36 : i32
    %add3A_38 = arith.constant 1024 : i32
    %add3A_39 = arith.addi %mul3A_11, %add3A_38 : i32
    %dma_start3A_40 = arith.constant 0 : i32
    %dma_start3A_41 = tpu.memref_slice %arg7[%rem3A_37, %dma_start3A_40] : memref<4x1024xi32, #tpu.memory_space<vmem>> -> memref<1x1024xi32, #tpu.memory_space<vmem>>
    %dma_start3A_42 = tpu.memref_squeeze %dma_start3A_41 : memref<1x1024xi32, #tpu.memory_space<vmem>> -> memref<1024xi32, #tpu.memory_space<vmem>>
    %dma_start3A_43 = tpu.memref_slice %arg3[%add3A_39] : memref<3211264xi32, #tpu.memory_space<hbm>> -> memref<1024xi32, #tpu.memory_space<hbm>>
    %dma_start3A_44 = tpu.memref_slice %arg10[%rem3A_37] : memref<4x!tpu.dma_semaphore, #tpu.memory_space<semaphore_mem>> -> memref<1x!tpu.dma_semaphore, #tpu.memory_space<semaphore_mem>>
    %dma_start3A_45 = tpu.memref_squeeze %dma_start3A_44 : memref<1x!tpu.dma_semaphore, #tpu.memory_space<semaphore_mem>> -> memref<!tpu.dma_semaphore, #tpu.memory_space<semaphore_mem>>
    %dma_start3A_46 = arith.constant 0 : i32
    %dma_start3A_47 = tpu.memref_slice %arg7[%rem3A_37, %dma_start3A_46] : memref<4x1024xi32, #tpu.memory_space<vmem>> -> memref<1x1024xi32, #tpu.memory_space<vmem>>
    %dma_start3A_48 = tpu.memref_squeeze %dma_start3A_47 : memref<1x1024xi32, #tpu.memory_space<vmem>> -> memref<1024xi32, #tpu.memory_space<vmem>>
    %dma_start3A_49 = tpu.memref_slice %arg3[%add3A_39] : memref<3211264xi32, #tpu.memory_space<hbm>> -> memref<1024xi32, #tpu.memory_space<hbm>>
    tpu.enqueue_dma source(%dma_start3A_49 : memref<1024xi32, #tpu.memory_space<hbm>>) target(%dma_start3A_48 : memref<1024xi32, #tpu.memory_space<vmem>>) target_semaphore(%dma_start3A_45 : memref<!tpu.dma_semaphore, #tpu.memory_space<semaphore_mem>>)
    %dma_start3A_50 = arith.constant 0 : i32
    %dma_start3A_51 = tpu.memref_slice %arg6[%rem3A_37, %dma_start3A_50] : memref<4x1024xi32, #tpu.memory_space<vmem>> -> memref<1x1024xi32, #tpu.memory_space<vmem>>
    %dma_start3A_52 = tpu.memref_squeeze %dma_start3A_51 : memref<1x1024xi32, #tpu.memory_space<vmem>> -> memref<1024xi32, #tpu.memory_space<vmem>>
    %dma_start3A_53 = tpu.memref_slice %arg2[%add3A_39] : memref<3211264xi32, #tpu.memory_space<hbm>> -> memref<1024xi32, #tpu.memory_space<hbm>>
    %dma_start3A_54 = tpu.memref_slice %arg10[%rem3A_37] : memref<4x!tpu.dma_semaphore, #tpu.memory_space<semaphore_mem>> -> memref<1x!tpu.dma_semaphore, #tpu.memory_space<semaphore_mem>>
    %dma_start3A_55 = tpu.memref_squeeze %dma_start3A_54 : memref<1x!tpu.dma_semaphore, #tpu.memory_space<semaphore_mem>> -> memref<!tpu.dma_semaphore, #tpu.memory_space<semaphore_mem>>
    %dma_start3A_56 = arith.constant 0 : i32
    %dma_start3A_57 = tpu.memref_slice %arg6[%rem3A_37, %dma_start3A_56] : memref<4x1024xi32, #tpu.memory_space<vmem>> -> memref<1x1024xi32, #tpu.memory_space<vmem>>
    %dma_start3A_58 = tpu.memref_squeeze %dma_start3A_57 : memref<1x1024xi32, #tpu.memory_space<vmem>> -> memref<1024xi32, #tpu.memory_space<vmem>>
    %dma_start3A_59 = tpu.memref_slice %arg2[%add3A_39] : memref<3211264xi32, #tpu.memory_space<hbm>> -> memref<1024xi32, #tpu.memory_space<hbm>>
    tpu.enqueue_dma source(%dma_start3A_59 : memref<1024xi32, #tpu.memory_space<hbm>>) target(%dma_start3A_58 : memref<1024xi32, #tpu.memory_space<vmem>>) target_semaphore(%dma_start3A_55 : memref<!tpu.dma_semaphore, #tpu.memory_space<semaphore_mem>>)
    %while3A = arith.constant 0 : i32
    %while3A_60 = arith.constant 0 : i32
    %while3A_61 = arith.subi %add3A_3, %while3A_60 : i32
    %while3A_62 = arith.addi %while3A_60, %while3A_61 : i32
    %while3A_63 = arith.constant 1 : i32
    %while3A_64 = arith.divsi %while3A_61, %while3A_63 : i32
    %while3A_65 = arith.muli %while3A_64, %while3A_63 : i32
    %while3A_66 = arith.addi %while3A_60, %while3A_65 : i32
    %while3A_67 = arith.constant 1 : i32
    scf.for %while3A_132 = %while3A_60 to %while3A_66 step %while3A_67  : i32 {
      %rem3A_133 = arith.constant 4 : i32
      %rem3A_134 = arith.remsi %while3A_132, %rem3A_133 : i32
      %dma_wait3A_135 = arith.constant 0 : i32
      %dma_wait3A_136 = tpu.memref_slice %arg7[%rem3A_134, %dma_wait3A_135] : memref<4x1024xi32, #tpu.memory_space<vmem>> -> memref<1x1024xi32, #tpu.memory_space<vmem>>
      %dma_wait3A_137 = tpu.memref_squeeze %dma_wait3A_136 : memref<1x1024xi32, #tpu.memory_space<vmem>> -> memref<1024xi32, #tpu.memory_space<vmem>>
      %dma_wait3A_138 = arith.constant 0 : i32
      %dma_wait3A_139 = tpu.memref_slice %arg3[%dma_wait3A_138] : memref<3211264xi32, #tpu.memory_space<hbm>> -> memref<1024xi32, #tpu.memory_space<hbm>>
      %dma_wait3A_140 = tpu.memref_slice %arg10[%rem3A_134] : memref<4x!tpu.dma_semaphore, #tpu.memory_space<semaphore_mem>> -> memref<1x!tpu.dma_semaphore, #tpu.memory_space<semaphore_mem>>
      %dma_wait3A_141 = tpu.memref_squeeze %dma_wait3A_140 : memref<1x!tpu.dma_semaphore, #tpu.memory_space<semaphore_mem>> -> memref<!tpu.dma_semaphore, #tpu.memory_space<semaphore_mem>>
      %dma_wait3A_142 = arith.constant 0 : i32
      %dma_wait3A_143 = tpu.memref_slice %arg7[%rem3A_134, %dma_wait3A_142] : memref<4x1024xi32, #tpu.memory_space<vmem>> -> memref<1x1024xi32, #tpu.memory_space<vmem>>
      %dma_wait3A_144 = tpu.memref_squeeze %dma_wait3A_143 : memref<1x1024xi32, #tpu.memory_space<vmem>> -> memref<1024xi32, #tpu.memory_space<vmem>>
      %dma_wait3A_145 = arith.constant 0 : i32
      %dma_wait3A_146 = tpu.memref_slice %arg3[%dma_wait3A_145] : memref<3211264xi32, #tpu.memory_space<hbm>> -> memref<1024xi32, #tpu.memory_space<hbm>>
      tpu.wait_dma2 semaphore(%dma_wait3A_141 : memref<!tpu.dma_semaphore, #tpu.memory_space<semaphore_mem>>) src(%dma_wait3A_146 : memref<1024xi32, #tpu.memory_space<hbm>>) dst(%dma_wait3A_144 : memref<1024xi32, #tpu.memory_space<vmem>>)
      %dma_wait3A_147 = arith.constant 0 : i32
      %dma_wait3A_148 = tpu.memref_slice %arg6[%rem3A_134, %dma_wait3A_147] : memref<4x1024xi32, #tpu.memory_space<vmem>> -> memref<1x1024xi32, #tpu.memory_space<vmem>>
      %dma_wait3A_149 = tpu.memref_squeeze %dma_wait3A_148 : memref<1x1024xi32, #tpu.memory_space<vmem>> -> memref<1024xi32, #tpu.memory_space<vmem>>
      %dma_wait3A_150 = arith.constant 0 : i32
      %dma_wait3A_151 = tpu.memref_slice %arg2[%dma_wait3A_150] : memref<3211264xi32, #tpu.memory_space<hbm>> -> memref<1024xi32, #tpu.memory_space<hbm>>
      %dma_wait3A_152 = tpu.memref_slice %arg10[%rem3A_134] : memref<4x!tpu.dma_semaphore, #tpu.memory_space<semaphore_mem>> -> memref<1x!tpu.dma_semaphore, #tpu.memory_space<semaphore_mem>>
      %dma_wait3A_153 = tpu.memref_squeeze %dma_wait3A_152 : memref<1x!tpu.dma_semaphore, #tpu.memory_space<semaphore_mem>> -> memref<!tpu.dma_semaphore, #tpu.memory_space<semaphore_mem>>
      %dma_wait3A_154 = arith.constant 0 : i32
      %dma_wait3A_155 = tpu.memref_slice %arg6[%rem3A_134, %dma_wait3A_154] : memref<4x1024xi32, #tpu.memory_space<vmem>> -> memref<1x1024xi32, #tpu.memory_space<vmem>>
      %dma_wait3A_156 = tpu.memref_squeeze %dma_wait3A_155 : memref<1x1024xi32, #tpu.memory_space<vmem>> -> memref<1024xi32, #tpu.memory_space<vmem>>
      %dma_wait3A_157 = arith.constant 0 : i32
      %dma_wait3A_158 = tpu.memref_slice %arg2[%dma_wait3A_157] : memref<3211264xi32, #tpu.memory_space<hbm>> -> memref<1024xi32, #tpu.memory_space<hbm>>
      tpu.wait_dma2 semaphore(%dma_wait3A_153 : memref<!tpu.dma_semaphore, #tpu.memory_space<semaphore_mem>>) src(%dma_wait3A_158 : memref<1024xi32, #tpu.memory_space<hbm>>) dst(%dma_wait3A_156 : memref<1024xi32, #tpu.memory_space<vmem>>)
      %rem3A_159 = arith.constant 4 : i32
      %rem3A_160 = arith.remsi %while3A_132, %rem3A_159 : i32
      %dma_start3A_161 = arith.constant 0 : i32
      %dma_start3A_162 = arith.constant 0 : i32
      %dma_start3A_163 = tpu.memref_slice %arg8[%rem3A_160, %dma_start3A_161, %dma_start3A_162] : memref<4x1024x16xf32, #tpu.memory_space<vmem>> -> memref<1x1024x16xf32, #tpu.memory_space<vmem>>
      %dma_start3A_164 = tpu.memref_squeeze %dma_start3A_163 : memref<1x1024x16xf32, #tpu.memory_space<vmem>> -> memref<1024x16xf32, #tpu.memory_space<vmem>>
      %dma_start3A_165 = arith.constant 0 : i32
      %dma_start3A_166 = tpu.memref_slice %arg6[%rem3A_160, %dma_start3A_165] : memref<4x1024xi32, #tpu.memory_space<vmem>> -> memref<1x1024xi32, #tpu.memory_space<vmem>>
      %dma_start3A_167 = tpu.memref_squeeze %dma_start3A_166 : memref<1x1024xi32, #tpu.memory_space<vmem>> -> memref<1024xi32, #tpu.memory_space<vmem>>
      %dma_start3A_168 = arith.constant 0 : i32
      %dma_start3A_169 = arith.constant 0 : i32
      %dma_start3A_170 = tpu.memref_slice %arg4[%dma_start3A_168, %dma_start3A_169] : memref<50048x16xf32, #tpu.memory_space<hbm>> -> memref<50048x16xf32, #tpu.memory_space<hbm>>
      %dma_start3A_171 = tpu.memref_slice %arg11[%rem3A_160] : memref<4x!tpu.dma_semaphore, #tpu.memory_space<semaphore_mem>> -> memref<1x!tpu.dma_semaphore, #tpu.memory_space<semaphore_mem>>
      %dma_start3A_172 = tpu.memref_squeeze %dma_start3A_171 : memref<1x!tpu.dma_semaphore, #tpu.memory_space<semaphore_mem>> -> memref<!tpu.dma_semaphore, #tpu.memory_space<semaphore_mem>>
      tpu.enqueue_indirect_dma source(%dma_start3A_170 : memref<50048x16xf32, #tpu.memory_space<hbm>>) target(%dma_start3A_164 : memref<1024x16xf32, #tpu.memory_space<vmem>>) offsets(%dma_start3A_167 : memref<1024xi32, #tpu.memory_space<vmem>>) semaphore(%dma_start3A_172 : memref<!tpu.dma_semaphore, #tpu.memory_space<semaphore_mem>>)
      %ge3A = arith.constant 1 : i32
      %ge3A_173 = arith.cmpi sge, %while3A_132, %ge3A : i32
      %convert_element_type3A = arith.extui %ge3A_173 : i1 to i32
      %cond3A = arith.constant 0 : i32
      %cond3A_174 = arith.cmpi ne, %convert_element_type3A, %cond3A : i32
      scf.if %cond3A_174 {
        %sub3A_185 = arith.constant 1 : i32
        %sub3A_186 = arith.subi %while3A_132, %sub3A_185 : i32
        %rem3A_187 = arith.constant 4 : i32
        %rem3A_188 = arith.remsi %sub3A_186, %rem3A_187 : i32
        %dma_wait3A_189 = arith.constant 0 : i32
        %dma_wait3A_190 = arith.constant 0 : i32
        %dma_wait3A_191 = tpu.memref_slice %arg8[%rem3A_188, %dma_wait3A_189, %dma_wait3A_190] : memref<4x1024x16xf32, #tpu.memory_space<vmem>> -> memref<1x1024x16xf32, #tpu.memory_space<vmem>>
        %dma_wait3A_192 = tpu.memref_squeeze %dma_wait3A_191 : memref<1x1024x16xf32, #tpu.memory_space<vmem>> -> memref<1024x16xf32, #tpu.memory_space<vmem>>
        %dma_wait3A_193 = arith.constant 0 : i32
        %dma_wait3A_194 = tpu.memref_slice %arg6[%rem3A_188, %dma_wait3A_193] : memref<4x1024xi32, #tpu.memory_space<vmem>> -> memref<1x1024xi32, #tpu.memory_space<vmem>>
        %dma_wait3A_195 = tpu.memref_squeeze %dma_wait3A_194 : memref<1x1024xi32, #tpu.memory_space<vmem>> -> memref<1024xi32, #tpu.memory_space<vmem>>
        %dma_wait3A_196 = arith.constant 0 : i32
        %dma_wait3A_197 = arith.constant 0 : i32
        %dma_wait3A_198 = tpu.memref_slice %arg4[%dma_wait3A_196, %dma_wait3A_197] : memref<50048x16xf32, #tpu.memory_space<hbm>> -> memref<50048x16xf32, #tpu.memory_space<hbm>>
        %dma_wait3A_199 = tpu.memref_slice %arg11[%rem3A_188] : memref<4x!tpu.dma_semaphore, #tpu.memory_space<semaphore_mem>> -> memref<1x!tpu.dma_semaphore, #tpu.memory_space<semaphore_mem>>
        %dma_wait3A_200 = tpu.memref_squeeze %dma_wait3A_199 : memref<1x!tpu.dma_semaphore, #tpu.memory_space<semaphore_mem>> -> memref<!tpu.dma_semaphore, #tpu.memory_space<semaphore_mem>>
        tpu.wait_indirect_dma semaphore(%dma_wait3A_200 : memref<!tpu.dma_semaphore, #tpu.memory_space<semaphore_mem>>) src(%dma_wait3A_198 : memref<50048x16xf32, #tpu.memory_space<hbm>>) dst(%dma_wait3A_192 : memref<1024x16xf32, #tpu.memory_space<vmem>>)
        %sub3A_201 = arith.constant 1 : i32
        %sub3A_202 = arith.subi %while3A_132, %sub3A_201 : i32
        %rem3A_203 = arith.constant 4 : i32
        %rem3A_204 = arith.remsi %sub3A_202, %rem3A_203 : i32
        %dma_start3A_205 = arith.constant 0 : i32
        %dma_start3A_206 = arith.constant 0 : i32
        %dma_start3A_207 = tpu.memref_slice %arg8[%rem3A_204, %dma_start3A_205, %dma_start3A_206] : memref<4x1024x16xf32, #tpu.memory_space<vmem>> -> memref<1x1024x16xf32, #tpu.memory_space<vmem>>
        %dma_start3A_208 = tpu.memref_squeeze %dma_start3A_207 : memref<1x1024x16xf32, #tpu.memory_space<vmem>> -> memref<1024x16xf32, #tpu.memory_space<vmem>>
        %dma_start3A_209 = arith.constant 0 : i32
        %dma_start3A_210 = tpu.memref_slice %arg7[%rem3A_204, %dma_start3A_209] : memref<4x1024xi32, #tpu.memory_space<vmem>> -> memref<1x1024xi32, #tpu.memory_space<vmem>>
        %dma_start3A_211 = tpu.memref_squeeze %dma_start3A_210 : memref<1x1024xi32, #tpu.memory_space<vmem>> -> memref<1024xi32, #tpu.memory_space<vmem>>
        %dma_start3A_212 = arith.constant 0 : i32
        %dma_start3A_213 = arith.constant 0 : i32
        %dma_start3A_214 = tpu.memref_slice %arg9[%dma_start3A_212, %dma_start3A_213] : memref<50048x16xf32, #tpu.memory_space<vmem_shared>> -> memref<50048x16xf32, #tpu.memory_space<vmem_shared>>
        %dma_start3A_215 = tpu.memref_slice %arg12[%rem3A_204] : memref<4x!tpu.dma_semaphore, #tpu.memory_space<semaphore_mem>> -> memref<1x!tpu.dma_semaphore, #tpu.memory_space<semaphore_mem>>
        %dma_start3A_216 = tpu.memref_squeeze %dma_start3A_215 : memref<1x!tpu.dma_semaphore, #tpu.memory_space<semaphore_mem>> -> memref<!tpu.dma_semaphore, #tpu.memory_space<semaphore_mem>>
        tpu.enqueue_indirect_dma source(%dma_start3A_208 : memref<1024x16xf32, #tpu.memory_space<vmem>>) target(%dma_start3A_214 : memref<50048x16xf32, #tpu.memory_space<vmem_shared>>) offsets(%dma_start3A_211 : memref<1024xi32, #tpu.memory_space<vmem>>) semaphore(%dma_start3A_216 : memref<!tpu.dma_semaphore, #tpu.memory_space<semaphore_mem>>) {add = true}
      } else {
      }
      %ge3A_175 = arith.constant 2 : i32
      %ge3A_176 = arith.cmpi sge, %while3A_132, %ge3A_175 : i32
      %convert_element_type3A_177 = arith.extui %ge3A_176 : i1 to i32
      %cond3A_178 = arith.constant 0 : i32
      %cond3A_179 = arith.cmpi ne, %convert_element_type3A_177, %cond3A_178 : i32
      scf.if %cond3A_179 {
        %sub3A_185 = arith.constant 2 : i32
        %sub3A_186 = arith.subi %while3A_132, %sub3A_185 : i32
        %rem3A_187 = arith.constant 4 : i32
        %rem3A_188 = arith.remsi %sub3A_186, %rem3A_187 : i32
        %dma_wait3A_189 = arith.constant 0 : i32
        %dma_wait3A_190 = arith.constant 0 : i32
        %dma_wait3A_191 = tpu.memref_slice %arg8[%rem3A_188, %dma_wait3A_189, %dma_wait3A_190] : memref<4x1024x16xf32, #tpu.memory_space<vmem>> -> memref<1x1024x16xf32, #tpu.memory_space<vmem>>
        %dma_wait3A_192 = tpu.memref_squeeze %dma_wait3A_191 : memref<1x1024x16xf32, #tpu.memory_space<vmem>> -> memref<1024x16xf32, #tpu.memory_space<vmem>>
        %dma_wait3A_193 = arith.constant 0 : i32
        %dma_wait3A_194 = tpu.memref_slice %arg7[%rem3A_188, %dma_wait3A_193] : memref<4x1024xi32, #tpu.memory_space<vmem>> -> memref<1x1024xi32, #tpu.memory_space<vmem>>
        %dma_wait3A_195 = tpu.memref_squeeze %dma_wait3A_194 : memref<1x1024xi32, #tpu.memory_space<vmem>> -> memref<1024xi32, #tpu.memory_space<vmem>>
        %dma_wait3A_196 = arith.constant 0 : i32
        %dma_wait3A_197 = arith.constant 0 : i32
        %dma_wait3A_198 = tpu.memref_slice %arg9[%dma_wait3A_196, %dma_wait3A_197] : memref<50048x16xf32, #tpu.memory_space<vmem_shared>> -> memref<50048x16xf32, #tpu.memory_space<vmem_shared>>
        %dma_wait3A_199 = tpu.memref_slice %arg12[%rem3A_188] : memref<4x!tpu.dma_semaphore, #tpu.memory_space<semaphore_mem>> -> memref<1x!tpu.dma_semaphore, #tpu.memory_space<semaphore_mem>>
        %dma_wait3A_200 = tpu.memref_squeeze %dma_wait3A_199 : memref<1x!tpu.dma_semaphore, #tpu.memory_space<semaphore_mem>> -> memref<!tpu.dma_semaphore, #tpu.memory_space<semaphore_mem>>
        tpu.wait_indirect_dma semaphore(%dma_wait3A_200 : memref<!tpu.dma_semaphore, #tpu.memory_space<semaphore_mem>>) src(%dma_wait3A_192 : memref<1024x16xf32, #tpu.memory_space<vmem>>) dst(%dma_wait3A_198 : memref<50048x16xf32, #tpu.memory_space<vmem_shared>>)
      } else {
      }
      %add3A_180 = arith.constant 2 : i32
      %add3A_181 = arith.addi %while3A_132, %add3A_180 : i32
      %lt3A = arith.cmpi slt, %add3A_181, %add3A_3 : i32
      %convert_element_type3A_182 = arith.extui %lt3A : i1 to i32
      %cond3A_183 = arith.constant 0 : i32
      %cond3A_184 = arith.cmpi ne, %convert_element_type3A_182, %cond3A_183 : i32
      scf.if %cond3A_184 {
        %add3A_185 = arith.constant 2 : i32
        %add3A_186 = arith.addi %while3A_132, %add3A_185 : i32
        %rem3A_187 = arith.constant 4 : i32
        %rem3A_188 = arith.remsi %add3A_186, %rem3A_187 : i32
        %mul3A_189 = arith.constant 1024 : i32
        %mul3A_190 = arith.muli %add3A_186, %mul3A_189 : i32
        %add3A_191 = arith.addi %mul3A_11, %mul3A_190 : i32
        %dma_start3A_192 = arith.constant 0 : i32
        %dma_start3A_193 = tpu.memref_slice %arg7[%rem3A_188, %dma_start3A_192] : memref<4x1024xi32, #tpu.memory_space<vmem>> -> memref<1x1024xi32, #tpu.memory_space<vmem>>
        %dma_start3A_194 = tpu.memref_squeeze %dma_start3A_193 : memref<1x1024xi32, #tpu.memory_space<vmem>> -> memref<1024xi32, #tpu.memory_space<vmem>>
        %dma_start3A_195 = tpu.memref_slice %arg3[%add3A_191] : memref<3211264xi32, #tpu.memory_space<hbm>> -> memref<1024xi32, #tpu.memory_space<hbm>>
        %dma_start3A_196 = tpu.memref_slice %arg10[%rem3A_188] : memref<4x!tpu.dma_semaphore, #tpu.memory_space<semaphore_mem>> -> memref<1x!tpu.dma_semaphore, #tpu.memory_space<semaphore_mem>>
        %dma_start3A_197 = tpu.memref_squeeze %dma_start3A_196 : memref<1x!tpu.dma_semaphore, #tpu.memory_space<semaphore_mem>> -> memref<!tpu.dma_semaphore, #tpu.memory_space<semaphore_mem>>
        %dma_start3A_198 = arith.constant 0 : i32
        %dma_start3A_199 = tpu.memref_slice %arg7[%rem3A_188, %dma_start3A_198] : memref<4x1024xi32, #tpu.memory_space<vmem>> -> memref<1x1024xi32, #tpu.memory_space<vmem>>
        %dma_start3A_200 = tpu.memref_squeeze %dma_start3A_199 : memref<1x1024xi32, #tpu.memory_space<vmem>> -> memref<1024xi32, #tpu.memory_space<vmem>>
        %dma_start3A_201 = tpu.memref_slice %arg3[%add3A_191] : memref<3211264xi32, #tpu.memory_space<hbm>> -> memref<1024xi32, #tpu.memory_space<hbm>>
        tpu.enqueue_dma source(%dma_start3A_201 : memref<1024xi32, #tpu.memory_space<hbm>>) target(%dma_start3A_200 : memref<1024xi32, #tpu.memory_space<vmem>>) target_semaphore(%dma_start3A_197 : memref<!tpu.dma_semaphore, #tpu.memory_space<semaphore_mem>>)
        %dma_start3A_202 = arith.constant 0 : i32
        %dma_start3A_203 = tpu.memref_slice %arg6[%rem3A_188, %dma_start3A_202] : memref<4x1024xi32, #tpu.memory_space<vmem>> -> memref<1x1024xi32, #tpu.memory_space<vmem>>
        %dma_start3A_204 = tpu.memref_squeeze %dma_start3A_203 : memref<1x1024xi32, #tpu.memory_space<vmem>> -> memref<1024xi32, #tpu.memory_space<vmem>>
        %dma_start3A_205 = tpu.memref_slice %arg2[%add3A_191] : memref<3211264xi32, #tpu.memory_space<hbm>> -> memref<1024xi32, #tpu.memory_space<hbm>>
        %dma_start3A_206 = tpu.memref_slice %arg10[%rem3A_188] : memref<4x!tpu.dma_semaphore, #tpu.memory_space<semaphore_mem>> -> memref<1x!tpu.dma_semaphore, #tpu.memory_space<semaphore_mem>>
        %dma_start3A_207 = tpu.memref_squeeze %dma_start3A_206 : memref<1x!tpu.dma_semaphore, #tpu.memory_space<semaphore_mem>> -> memref<!tpu.dma_semaphore, #tpu.memory_space<semaphore_mem>>
        %dma_start3A_208 = arith.constant 0 : i32
        %dma_start3A_209 = tpu.memref_slice %arg6[%rem3A_188, %dma_start3A_208] : memref<4x1024xi32, #tpu.memory_space<vmem>> -> memref<1x1024xi32, #tpu.memory_space<vmem>>
        %dma_start3A_210 = tpu.memref_squeeze %dma_start3A_209 : memref<1x1024xi32, #tpu.memory_space<vmem>> -> memref<1024xi32, #tpu.memory_space<vmem>>
        %dma_start3A_211 = tpu.memref_slice %arg2[%add3A_191] : memref<3211264xi32, #tpu.memory_space<hbm>> -> memref<1024xi32, #tpu.memory_space<hbm>>
        tpu.enqueue_dma source(%dma_start3A_211 : memref<1024xi32, #tpu.memory_space<hbm>>) target(%dma_start3A_210 : memref<1024xi32, #tpu.memory_space<vmem>>) target_semaphore(%dma_start3A_207 : memref<!tpu.dma_semaphore, #tpu.memory_space<semaphore_mem>>)
      } else {
      }
    }
    %while3A_68 = arith.constant 1 : i32
    scf.for %while3A_132 = %while3A_66 to %while3A_62 step %while3A_68  : i32 {
      %rem3A_133 = arith.constant 4 : i32
      %rem3A_134 = arith.remsi %while3A_132, %rem3A_133 : i32
      %dma_wait3A_135 = arith.constant 0 : i32
      %dma_wait3A_136 = tpu.memref_slice %arg7[%rem3A_134, %dma_wait3A_135] : memref<4x1024xi32, #tpu.memory_space<vmem>> -> memref<1x1024xi32, #tpu.memory_space<vmem>>
      %dma_wait3A_137 = tpu.memref_squeeze %dma_wait3A_136 : memref<1x1024xi32, #tpu.memory_space<vmem>> -> memref<1024xi32, #tpu.memory_space<vmem>>
      %dma_wait3A_138 = arith.constant 0 : i32
      %dma_wait3A_139 = tpu.memref_slice %arg3[%dma_wait3A_138] : memref<3211264xi32, #tpu.memory_space<hbm>> -> memref<1024xi32, #tpu.memory_space<hbm>>
      %dma_wait3A_140 = tpu.memref_slice %arg10[%rem3A_134] : memref<4x!tpu.dma_semaphore, #tpu.memory_space<semaphore_mem>> -> memref<1x!tpu.dma_semaphore, #tpu.memory_space<semaphore_mem>>
      %dma_wait3A_141 = tpu.memref_squeeze %dma_wait3A_140 : memref<1x!tpu.dma_semaphore, #tpu.memory_space<semaphore_mem>> -> memref<!tpu.dma_semaphore, #tpu.memory_space<semaphore_mem>>
      %dma_wait3A_142 = arith.constant 0 : i32
      %dma_wait3A_143 = tpu.memref_slice %arg7[%rem3A_134, %dma_wait3A_142] : memref<4x1024xi32, #tpu.memory_space<vmem>> -> memref<1x1024xi32, #tpu.memory_space<vmem>>
      %dma_wait3A_144 = tpu.memref_squeeze %dma_wait3A_143 : memref<1x1024xi32, #tpu.memory_space<vmem>> -> memref<1024xi32, #tpu.memory_space<vmem>>
      %dma_wait3A_145 = arith.constant 0 : i32
      %dma_wait3A_146 = tpu.memref_slice %arg3[%dma_wait3A_145] : memref<3211264xi32, #tpu.memory_space<hbm>> -> memref<1024xi32, #tpu.memory_space<hbm>>
      tpu.wait_dma2 semaphore(%dma_wait3A_141 : memref<!tpu.dma_semaphore, #tpu.memory_space<semaphore_mem>>) src(%dma_wait3A_146 : memref<1024xi32, #tpu.memory_space<hbm>>) dst(%dma_wait3A_144 : memref<1024xi32, #tpu.memory_space<vmem>>)
      %dma_wait3A_147 = arith.constant 0 : i32
      %dma_wait3A_148 = tpu.memref_slice %arg6[%rem3A_134, %dma_wait3A_147] : memref<4x1024xi32, #tpu.memory_space<vmem>> -> memref<1x1024xi32, #tpu.memory_space<vmem>>
      %dma_wait3A_149 = tpu.memref_squeeze %dma_wait3A_148 : memref<1x1024xi32, #tpu.memory_space<vmem>> -> memref<1024xi32, #tpu.memory_space<vmem>>
      %dma_wait3A_150 = arith.constant 0 : i32
      %dma_wait3A_151 = tpu.memref_slice %arg2[%dma_wait3A_150] : memref<3211264xi32, #tpu.memory_space<hbm>> -> memref<1024xi32, #tpu.memory_space<hbm>>
      %dma_wait3A_152 = tpu.memref_slice %arg10[%rem3A_134] : memref<4x!tpu.dma_semaphore, #tpu.memory_space<semaphore_mem>> -> memref<1x!tpu.dma_semaphore, #tpu.memory_space<semaphore_mem>>
      %dma_wait3A_153 = tpu.memref_squeeze %dma_wait3A_152 : memref<1x!tpu.dma_semaphore, #tpu.memory_space<semaphore_mem>> -> memref<!tpu.dma_semaphore, #tpu.memory_space<semaphore_mem>>
      %dma_wait3A_154 = arith.constant 0 : i32
      %dma_wait3A_155 = tpu.memref_slice %arg6[%rem3A_134, %dma_wait3A_154] : memref<4x1024xi32, #tpu.memory_space<vmem>> -> memref<1x1024xi32, #tpu.memory_space<vmem>>
      %dma_wait3A_156 = tpu.memref_squeeze %dma_wait3A_155 : memref<1x1024xi32, #tpu.memory_space<vmem>> -> memref<1024xi32, #tpu.memory_space<vmem>>
      %dma_wait3A_157 = arith.constant 0 : i32
      %dma_wait3A_158 = tpu.memref_slice %arg2[%dma_wait3A_157] : memref<3211264xi32, #tpu.memory_space<hbm>> -> memref<1024xi32, #tpu.memory_space<hbm>>
      tpu.wait_dma2 semaphore(%dma_wait3A_153 : memref<!tpu.dma_semaphore, #tpu.memory_space<semaphore_mem>>) src(%dma_wait3A_158 : memref<1024xi32, #tpu.memory_space<hbm>>) dst(%dma_wait3A_156 : memref<1024xi32, #tpu.memory_space<vmem>>)
      %rem3A_159 = arith.constant 4 : i32
      %rem3A_160 = arith.remsi %while3A_132, %rem3A_159 : i32
      %dma_start3A_161 = arith.constant 0 : i32
      %dma_start3A_162 = arith.constant 0 : i32
      %dma_start3A_163 = tpu.memref_slice %arg8[%rem3A_160, %dma_start3A_161, %dma_start3A_162] : memref<4x1024x16xf32, #tpu.memory_space<vmem>> -> memref<1x1024x16xf32, #tpu.memory_space<vmem>>
      %dma_start3A_164 = tpu.memref_squeeze %dma_start3A_163 : memref<1x1024x16xf32, #tpu.memory_space<vmem>> -> memref<1024x16xf32, #tpu.memory_space<vmem>>
      %dma_start3A_165 = arith.constant 0 : i32
      %dma_start3A_166 = tpu.memref_slice %arg6[%rem3A_160, %dma_start3A_165] : memref<4x1024xi32, #tpu.memory_space<vmem>> -> memref<1x1024xi32, #tpu.memory_space<vmem>>
      %dma_start3A_167 = tpu.memref_squeeze %dma_start3A_166 : memref<1x1024xi32, #tpu.memory_space<vmem>> -> memref<1024xi32, #tpu.memory_space<vmem>>
      %dma_start3A_168 = arith.constant 0 : i32
      %dma_start3A_169 = arith.constant 0 : i32
      %dma_start3A_170 = tpu.memref_slice %arg4[%dma_start3A_168, %dma_start3A_169] : memref<50048x16xf32, #tpu.memory_space<hbm>> -> memref<50048x16xf32, #tpu.memory_space<hbm>>
      %dma_start3A_171 = tpu.memref_slice %arg11[%rem3A_160] : memref<4x!tpu.dma_semaphore, #tpu.memory_space<semaphore_mem>> -> memref<1x!tpu.dma_semaphore, #tpu.memory_space<semaphore_mem>>
      %dma_start3A_172 = tpu.memref_squeeze %dma_start3A_171 : memref<1x!tpu.dma_semaphore, #tpu.memory_space<semaphore_mem>> -> memref<!tpu.dma_semaphore, #tpu.memory_space<semaphore_mem>>
      tpu.enqueue_indirect_dma source(%dma_start3A_170 : memref<50048x16xf32, #tpu.memory_space<hbm>>) target(%dma_start3A_164 : memref<1024x16xf32, #tpu.memory_space<vmem>>) offsets(%dma_start3A_167 : memref<1024xi32, #tpu.memory_space<vmem>>) semaphore(%dma_start3A_172 : memref<!tpu.dma_semaphore, #tpu.memory_space<semaphore_mem>>)
      %ge3A = arith.constant 1 : i32
      %ge3A_173 = arith.cmpi sge, %while3A_132, %ge3A : i32
      %convert_element_type3A = arith.extui %ge3A_173 : i1 to i32
      %cond3A = arith.constant 0 : i32
      %cond3A_174 = arith.cmpi ne, %convert_element_type3A, %cond3A : i32
      scf.if %cond3A_174 {
        %sub3A_185 = arith.constant 1 : i32
        %sub3A_186 = arith.subi %while3A_132, %sub3A_185 : i32
        %rem3A_187 = arith.constant 4 : i32
        %rem3A_188 = arith.remsi %sub3A_186, %rem3A_187 : i32
        %dma_wait3A_189 = arith.constant 0 : i32
        %dma_wait3A_190 = arith.constant 0 : i32
        %dma_wait3A_191 = tpu.memref_slice %arg8[%rem3A_188, %dma_wait3A_189, %dma_wait3A_190] : memref<4x1024x16xf32, #tpu.memory_space<vmem>> -> memref<1x1024x16xf32, #tpu.memory_space<vmem>>
        %dma_wait3A_192 = tpu.memref_squeeze %dma_wait3A_191 : memref<1x1024x16xf32, #tpu.memory_space<vmem>> -> memref<1024x16xf32, #tpu.memory_space<vmem>>
        %dma_wait3A_193 = arith.constant 0 : i32
        %dma_wait3A_194 = tpu.memref_slice %arg6[%rem3A_188, %dma_wait3A_193] : memref<4x1024xi32, #tpu.memory_space<vmem>> -> memref<1x1024xi32, #tpu.memory_space<vmem>>
        %dma_wait3A_195 = tpu.memref_squeeze %dma_wait3A_194 : memref<1x1024xi32, #tpu.memory_space<vmem>> -> memref<1024xi32, #tpu.memory_space<vmem>>
        %dma_wait3A_196 = arith.constant 0 : i32
        %dma_wait3A_197 = arith.constant 0 : i32
        %dma_wait3A_198 = tpu.memref_slice %arg4[%dma_wait3A_196, %dma_wait3A_197] : memref<50048x16xf32, #tpu.memory_space<hbm>> -> memref<50048x16xf32, #tpu.memory_space<hbm>>
        %dma_wait3A_199 = tpu.memref_slice %arg11[%rem3A_188] : memref<4x!tpu.dma_semaphore, #tpu.memory_space<semaphore_mem>> -> memref<1x!tpu.dma_semaphore, #tpu.memory_space<semaphore_mem>>
        %dma_wait3A_200 = tpu.memref_squeeze %dma_wait3A_199 : memref<1x!tpu.dma_semaphore, #tpu.memory_space<semaphore_mem>> -> memref<!tpu.dma_semaphore, #tpu.memory_space<semaphore_mem>>
        tpu.wait_indirect_dma semaphore(%dma_wait3A_200 : memref<!tpu.dma_semaphore, #tpu.memory_space<semaphore_mem>>) src(%dma_wait3A_198 : memref<50048x16xf32, #tpu.memory_space<hbm>>) dst(%dma_wait3A_192 : memref<1024x16xf32, #tpu.memory_space<vmem>>)
        %sub3A_201 = arith.constant 1 : i32
        %sub3A_202 = arith.subi %while3A_132, %sub3A_201 : i32
        %rem3A_203 = arith.constant 4 : i32
        %rem3A_204 = arith.remsi %sub3A_202, %rem3A_203 : i32
        %dma_start3A_205 = arith.constant 0 : i32
        %dma_start3A_206 = arith.constant 0 : i32
        %dma_start3A_207 = tpu.memref_slice %arg8[%rem3A_204, %dma_start3A_205, %dma_start3A_206] : memref<4x1024x16xf32, #tpu.memory_space<vmem>> -> memref<1x1024x16xf32, #tpu.memory_space<vmem>>
        %dma_start3A_208 = tpu.memref_squeeze %dma_start3A_207 : memref<1x1024x16xf32, #tpu.memory_space<vmem>> -> memref<1024x16xf32, #tpu.memory_space<vmem>>
        %dma_start3A_209 = arith.constant 0 : i32
        %dma_start3A_210 = tpu.memref_slice %arg7[%rem3A_204, %dma_start3A_209] : memref<4x1024xi32, #tpu.memory_space<vmem>> -> memref<1x1024xi32, #tpu.memory_space<vmem>>
        %dma_start3A_211 = tpu.memref_squeeze %dma_start3A_210 : memref<1x1024xi32, #tpu.memory_space<vmem>> -> memref<1024xi32, #tpu.memory_space<vmem>>
        %dma_start3A_212 = arith.constant 0 : i32
        %dma_start3A_213 = arith.constant 0 : i32
        %dma_start3A_214 = tpu.memref_slice %arg9[%dma_start3A_212, %dma_start3A_213] : memref<50048x16xf32, #tpu.memory_space<vmem_shared>> -> memref<50048x16xf32, #tpu.memory_space<vmem_shared>>
        %dma_start3A_215 = tpu.memref_slice %arg12[%rem3A_204] : memref<4x!tpu.dma_semaphore, #tpu.memory_space<semaphore_mem>> -> memref<1x!tpu.dma_semaphore, #tpu.memory_space<semaphore_mem>>
        %dma_start3A_216 = tpu.memref_squeeze %dma_start3A_215 : memref<1x!tpu.dma_semaphore, #tpu.memory_space<semaphore_mem>> -> memref<!tpu.dma_semaphore, #tpu.memory_space<semaphore_mem>>
        tpu.enqueue_indirect_dma source(%dma_start3A_208 : memref<1024x16xf32, #tpu.memory_space<vmem>>) target(%dma_start3A_214 : memref<50048x16xf32, #tpu.memory_space<vmem_shared>>) offsets(%dma_start3A_211 : memref<1024xi32, #tpu.memory_space<vmem>>) semaphore(%dma_start3A_216 : memref<!tpu.dma_semaphore, #tpu.memory_space<semaphore_mem>>) {add = true}
      } else {
      }
      %ge3A_175 = arith.constant 2 : i32
      %ge3A_176 = arith.cmpi sge, %while3A_132, %ge3A_175 : i32
      %convert_element_type3A_177 = arith.extui %ge3A_176 : i1 to i32
      %cond3A_178 = arith.constant 0 : i32
      %cond3A_179 = arith.cmpi ne, %convert_element_type3A_177, %cond3A_178 : i32
      scf.if %cond3A_179 {
        %sub3A_185 = arith.constant 2 : i32
        %sub3A_186 = arith.subi %while3A_132, %sub3A_185 : i32
        %rem3A_187 = arith.constant 4 : i32
        %rem3A_188 = arith.remsi %sub3A_186, %rem3A_187 : i32
        %dma_wait3A_189 = arith.constant 0 : i32
        %dma_wait3A_190 = arith.constant 0 : i32
        %dma_wait3A_191 = tpu.memref_slice %arg8[%rem3A_188, %dma_wait3A_189, %dma_wait3A_190] : memref<4x1024x16xf32, #tpu.memory_space<vmem>> -> memref<1x1024x16xf32, #tpu.memory_space<vmem>>
        %dma_wait3A_192 = tpu.memref_squeeze %dma_wait3A_191 : memref<1x1024x16xf32, #tpu.memory_space<vmem>> -> memref<1024x16xf32, #tpu.memory_space<vmem>>
        %dma_wait3A_193 = arith.constant 0 : i32
        %dma_wait3A_194 = tpu.memref_slice %arg7[%rem3A_188, %dma_wait3A_193] : memref<4x1024xi32, #tpu.memory_space<vmem>> -> memref<1x1024xi32, #tpu.memory_space<vmem>>
        %dma_wait3A_195 = tpu.memref_squeeze %dma_wait3A_194 : memref<1x1024xi32, #tpu.memory_space<vmem>> -> memref<1024xi32, #tpu.memory_space<vmem>>
        %dma_wait3A_196 = arith.constant 0 : i32
        %dma_wait3A_197 = arith.constant 0 : i32
        %dma_wait3A_198 = tpu.memref_slice %arg9[%dma_wait3A_196, %dma_wait3A_197] : memref<50048x16xf32, #tpu.memory_space<vmem_shared>> -> memref<50048x16xf32, #tpu.memory_space<vmem_shared>>
        %dma_wait3A_199 = tpu.memref_slice %arg12[%rem3A_188] : memref<4x!tpu.dma_semaphore, #tpu.memory_space<semaphore_mem>> -> memref<1x!tpu.dma_semaphore, #tpu.memory_space<semaphore_mem>>
        %dma_wait3A_200 = tpu.memref_squeeze %dma_wait3A_199 : memref<1x!tpu.dma_semaphore, #tpu.memory_space<semaphore_mem>> -> memref<!tpu.dma_semaphore, #tpu.memory_space<semaphore_mem>>
        tpu.wait_indirect_dma semaphore(%dma_wait3A_200 : memref<!tpu.dma_semaphore, #tpu.memory_space<semaphore_mem>>) src(%dma_wait3A_192 : memref<1024x16xf32, #tpu.memory_space<vmem>>) dst(%dma_wait3A_198 : memref<50048x16xf32, #tpu.memory_space<vmem_shared>>)
      } else {
      }
      %add3A_180 = arith.constant 2 : i32
      %add3A_181 = arith.addi %while3A_132, %add3A_180 : i32
      %lt3A = arith.cmpi slt, %add3A_181, %add3A_3 : i32
      %convert_element_type3A_182 = arith.extui %lt3A : i1 to i32
      %cond3A_183 = arith.constant 0 : i32
      %cond3A_184 = arith.cmpi ne, %convert_element_type3A_182, %cond3A_183 : i32
      scf.if %cond3A_184 {
        %add3A_185 = arith.constant 2 : i32
        %add3A_186 = arith.addi %while3A_132, %add3A_185 : i32
        %rem3A_187 = arith.constant 4 : i32
        %rem3A_188 = arith.remsi %add3A_186, %rem3A_187 : i32
        %mul3A_189 = arith.constant 1024 : i32
        %mul3A_190 = arith.muli %add3A_186, %mul3A_189 : i32
        %add3A_191 = arith.addi %mul3A_11, %mul3A_190 : i32
        %dma_start3A_192 = arith.constant 0 : i32
        %dma_start3A_193 = tpu.memref_slice %arg7[%rem3A_188, %dma_start3A_192] : memref<4x1024xi32, #tpu.memory_space<vmem>> -> memref<1x1024xi32, #tpu.memory_space<vmem>>
        %dma_start3A_194 = tpu.memref_squeeze %dma_start3A_193 : memref<1x1024xi32, #tpu.memory_space<vmem>> -> memref<1024xi32, #tpu.memory_space<vmem>>
        %dma_start3A_195 = tpu.memref_slice %arg3[%add3A_191] : memref<3211264xi32, #tpu.memory_space<hbm>> -> memref<1024xi32, #tpu.memory_space<hbm>>
        %dma_start3A_196 = tpu.memref_slice %arg10[%rem3A_188] : memref<4x!tpu.dma_semaphore, #tpu.memory_space<semaphore_mem>> -> memref<1x!tpu.dma_semaphore, #tpu.memory_space<semaphore_mem>>
        %dma_start3A_197 = tpu.memref_squeeze %dma_start3A_196 : memref<1x!tpu.dma_semaphore, #tpu.memory_space<semaphore_mem>> -> memref<!tpu.dma_semaphore, #tpu.memory_space<semaphore_mem>>
        %dma_start3A_198 = arith.constant 0 : i32
        %dma_start3A_199 = tpu.memref_slice %arg7[%rem3A_188, %dma_start3A_198] : memref<4x1024xi32, #tpu.memory_space<vmem>> -> memref<1x1024xi32, #tpu.memory_space<vmem>>
        %dma_start3A_200 = tpu.memref_squeeze %dma_start3A_199 : memref<1x1024xi32, #tpu.memory_space<vmem>> -> memref<1024xi32, #tpu.memory_space<vmem>>
        %dma_start3A_201 = tpu.memref_slice %arg3[%add3A_191] : memref<3211264xi32, #tpu.memory_space<hbm>> -> memref<1024xi32, #tpu.memory_space<hbm>>
        tpu.enqueue_dma source(%dma_start3A_201 : memref<1024xi32, #tpu.memory_space<hbm>>) target(%dma_start3A_200 : memref<1024xi32, #tpu.memory_space<vmem>>) target_semaphore(%dma_start3A_197 : memref<!tpu.dma_semaphore, #tpu.memory_space<semaphore_mem>>)
        %dma_start3A_202 = arith.constant 0 : i32
        %dma_start3A_203 = tpu.memref_slice %arg6[%rem3A_188, %dma_start3A_202] : memref<4x1024xi32, #tpu.memory_space<vmem>> -> memref<1x1024xi32, #tpu.memory_space<vmem>>
        %dma_start3A_204 = tpu.memref_squeeze %dma_start3A_203 : memref<1x1024xi32, #tpu.memory_space<vmem>> -> memref<1024xi32, #tpu.memory_space<vmem>>
        %dma_start3A_205 = tpu.memref_slice %arg2[%add3A_191] : memref<3211264xi32, #tpu.memory_space<hbm>> -> memref<1024xi32, #tpu.memory_space<hbm>>
        %dma_start3A_206 = tpu.memref_slice %arg10[%rem3A_188] : memref<4x!tpu.dma_semaphore, #tpu.memory_space<semaphore_mem>> -> memref<1x!tpu.dma_semaphore, #tpu.memory_space<semaphore_mem>>
        %dma_start3A_207 = tpu.memref_squeeze %dma_start3A_206 : memref<1x!tpu.dma_semaphore, #tpu.memory_space<semaphore_mem>> -> memref<!tpu.dma_semaphore, #tpu.memory_space<semaphore_mem>>
        %dma_start3A_208 = arith.constant 0 : i32
        %dma_start3A_209 = tpu.memref_slice %arg6[%rem3A_188, %dma_start3A_208] : memref<4x1024xi32, #tpu.memory_space<vmem>> -> memref<1x1024xi32, #tpu.memory_space<vmem>>
        %dma_start3A_210 = tpu.memref_squeeze %dma_start3A_209 : memref<1x1024xi32, #tpu.memory_space<vmem>> -> memref<1024xi32, #tpu.memory_space<vmem>>
        %dma_start3A_211 = tpu.memref_slice %arg2[%add3A_191] : memref<3211264xi32, #tpu.memory_space<hbm>> -> memref<1024xi32, #tpu.memory_space<hbm>>
        tpu.enqueue_dma source(%dma_start3A_211 : memref<1024xi32, #tpu.memory_space<hbm>>) target(%dma_start3A_210 : memref<1024xi32, #tpu.memory_space<vmem>>) target_semaphore(%dma_start3A_207 : memref<!tpu.dma_semaphore, #tpu.memory_space<semaphore_mem>>)
      } else {
      }
    }
    %sub3A = arith.constant 1 : i32
    %sub3A_69 = arith.subi %add3A_3, %sub3A : i32
    %rem3A_70 = arith.constant 4 : i32
    %rem3A_71 = arith.remsi %sub3A_69, %rem3A_70 : i32
    %dma_wait3A = arith.constant 0 : i32
    %dma_wait3A_72 = arith.constant 0 : i32
    %dma_wait3A_73 = tpu.memref_slice %arg8[%rem3A_71, %dma_wait3A, %dma_wait3A_72] : memref<4x1024x16xf32, #tpu.memory_space<vmem>> -> memref<1x1024x16xf32, #tpu.memory_space<vmem>>
    %dma_wait3A_74 = tpu.memref_squeeze %dma_wait3A_73 : memref<1x1024x16xf32, #tpu.memory_space<vmem>> -> memref<1024x16xf32, #tpu.memory_space<vmem>>
    %dma_wait3A_75 = arith.constant 0 : i32
    %dma_wait3A_76 = tpu.memref_slice %arg6[%rem3A_71, %dma_wait3A_75] : memref<4x1024xi32, #tpu.memory_space<vmem>> -> memref<1x1024xi32, #tpu.memory_space<vmem>>
    %dma_wait3A_77 = tpu.memref_squeeze %dma_wait3A_76 : memref<1x1024xi32, #tpu.memory_space<vmem>> -> memref<1024xi32, #tpu.memory_space<vmem>>
    %dma_wait3A_78 = arith.constant 0 : i32
    %dma_wait3A_79 = arith.constant 0 : i32
    %dma_wait3A_80 = tpu.memref_slice %arg4[%dma_wait3A_78, %dma_wait3A_79] : memref<50048x16xf32, #tpu.memory_space<hbm>> -> memref<50048x16xf32, #tpu.memory_space<hbm>>
    %dma_wait3A_81 = tpu.memref_slice %arg11[%rem3A_71] : memref<4x!tpu.dma_semaphore, #tpu.memory_space<semaphore_mem>> -> memref<1x!tpu.dma_semaphore, #tpu.memory_space<semaphore_mem>>
    %dma_wait3A_82 = tpu.memref_squeeze %dma_wait3A_81 : memref<1x!tpu.dma_semaphore, #tpu.memory_space<semaphore_mem>> -> memref<!tpu.dma_semaphore, #tpu.memory_space<semaphore_mem>>
    tpu.wait_indirect_dma semaphore(%dma_wait3A_82 : memref<!tpu.dma_semaphore, #tpu.memory_space<semaphore_mem>>) src(%dma_wait3A_80 : memref<50048x16xf32, #tpu.memory_space<hbm>>) dst(%dma_wait3A_74 : memref<1024x16xf32, #tpu.memory_space<vmem>>)
    %sub3A_83 = arith.constant 1 : i32
    %sub3A_84 = arith.subi %add3A_3, %sub3A_83 : i32
    %rem3A_85 = arith.constant 4 : i32
    %rem3A_86 = arith.remsi %sub3A_84, %rem3A_85 : i32
    %dma_start3A_87 = arith.constant 0 : i32
    %dma_start3A_88 = arith.constant 0 : i32
    %dma_start3A_89 = tpu.memref_slice %arg8[%rem3A_86, %dma_start3A_87, %dma_start3A_88] : memref<4x1024x16xf32, #tpu.memory_space<vmem>> -> memref<1x1024x16xf32, #tpu.memory_space<vmem>>
    %dma_start3A_90 = tpu.memref_squeeze %dma_start3A_89 : memref<1x1024x16xf32, #tpu.memory_space<vmem>> -> memref<1024x16xf32, #tpu.memory_space<vmem>>
    %dma_start3A_91 = arith.constant 0 : i32
    %dma_start3A_92 = tpu.memref_slice %arg7[%rem3A_86, %dma_start3A_91] : memref<4x1024xi32, #tpu.memory_space<vmem>> -> memref<1x1024xi32, #tpu.memory_space<vmem>>
    %dma_start3A_93 = tpu.memref_squeeze %dma_start3A_92 : memref<1x1024xi32, #tpu.memory_space<vmem>> -> memref<1024xi32, #tpu.memory_space<vmem>>
    %dma_start3A_94 = arith.constant 0 : i32
    %dma_start3A_95 = arith.constant 0 : i32
    %dma_start3A_96 = tpu.memref_slice %arg9[%dma_start3A_94, %dma_start3A_95] : memref<50048x16xf32, #tpu.memory_space<vmem_shared>> -> memref<50048x16xf32, #tpu.memory_space<vmem_shared>>
    %dma_start3A_97 = tpu.memref_slice %arg12[%rem3A_86] : memref<4x!tpu.dma_semaphore, #tpu.memory_space<semaphore_mem>> -> memref<1x!tpu.dma_semaphore, #tpu.memory_space<semaphore_mem>>
    %dma_start3A_98 = tpu.memref_squeeze %dma_start3A_97 : memref<1x!tpu.dma_semaphore, #tpu.memory_space<semaphore_mem>> -> memref<!tpu.dma_semaphore, #tpu.memory_space<semaphore_mem>>
    tpu.enqueue_indirect_dma source(%dma_start3A_90 : memref<1024x16xf32, #tpu.memory_space<vmem>>) target(%dma_start3A_96 : memref<50048x16xf32, #tpu.memory_space<vmem_shared>>) offsets(%dma_start3A_93 : memref<1024xi32, #tpu.memory_space<vmem>>) semaphore(%dma_start3A_98 : memref<!tpu.dma_semaphore, #tpu.memory_space<semaphore_mem>>) {add = true}
    %sub3A_99 = arith.constant 2 : i32
    %sub3A_100 = arith.subi %add3A_3, %sub3A_99 : i32
    %rem3A_101 = arith.constant 4 : i32
    %rem3A_102 = arith.remsi %sub3A_100, %rem3A_101 : i32
    %dma_wait3A_103 = arith.constant 0 : i32
    %dma_wait3A_104 = arith.constant 0 : i32
    %dma_wait3A_105 = tpu.memref_slice %arg8[%rem3A_102, %dma_wait3A_103, %dma_wait3A_104] : memref<4x1024x16xf32, #tpu.memory_space<vmem>> -> memref<1x1024x16xf32, #tpu.memory_space<vmem>>
    %dma_wait3A_106 = tpu.memref_squeeze %dma_wait3A_105 : memref<1x1024x16xf32, #tpu.memory_space<vmem>> -> memref<1024x16xf32, #tpu.memory_space<vmem>>
    %dma_wait3A_107 = arith.constant 0 : i32
    %dma_wait3A_108 = tpu.memref_slice %arg7[%rem3A_102, %dma_wait3A_107] : memref<4x1024xi32, #tpu.memory_space<vmem>> -> memref<1x1024xi32, #tpu.memory_space<vmem>>
    %dma_wait3A_109 = tpu.memref_squeeze %dma_wait3A_108 : memref<1x1024xi32, #tpu.memory_space<vmem>> -> memref<1024xi32, #tpu.memory_space<vmem>>
    %dma_wait3A_110 = arith.constant 0 : i32
    %dma_wait3A_111 = arith.constant 0 : i32
    %dma_wait3A_112 = tpu.memref_slice %arg9[%dma_wait3A_110, %dma_wait3A_111] : memref<50048x16xf32, #tpu.memory_space<vmem_shared>> -> memref<50048x16xf32, #tpu.memory_space<vmem_shared>>
    %dma_wait3A_113 = tpu.memref_slice %arg12[%rem3A_102] : memref<4x!tpu.dma_semaphore, #tpu.memory_space<semaphore_mem>> -> memref<1x!tpu.dma_semaphore, #tpu.memory_space<semaphore_mem>>
    %dma_wait3A_114 = tpu.memref_squeeze %dma_wait3A_113 : memref<1x!tpu.dma_semaphore, #tpu.memory_space<semaphore_mem>> -> memref<!tpu.dma_semaphore, #tpu.memory_space<semaphore_mem>>
    tpu.wait_indirect_dma semaphore(%dma_wait3A_114 : memref<!tpu.dma_semaphore, #tpu.memory_space<semaphore_mem>>) src(%dma_wait3A_106 : memref<1024x16xf32, #tpu.memory_space<vmem>>) dst(%dma_wait3A_112 : memref<50048x16xf32, #tpu.memory_space<vmem_shared>>)
    %sub3A_115 = arith.constant 1 : i32
    %sub3A_116 = arith.subi %add3A_3, %sub3A_115 : i32
    %rem3A_117 = arith.constant 4 : i32
    %rem3A_118 = arith.remsi %sub3A_116, %rem3A_117 : i32
    %dma_wait3A_119 = arith.constant 0 : i32
    %dma_wait3A_120 = arith.constant 0 : i32
    %dma_wait3A_121 = tpu.memref_slice %arg8[%rem3A_118, %dma_wait3A_119, %dma_wait3A_120] : memref<4x1024x16xf32, #tpu.memory_space<vmem>> -> memref<1x1024x16xf32, #tpu.memory_space<vmem>>
    %dma_wait3A_122 = tpu.memref_squeeze %dma_wait3A_121 : memref<1x1024x16xf32, #tpu.memory_space<vmem>> -> memref<1024x16xf32, #tpu.memory_space<vmem>>
    %dma_wait3A_123 = arith.constant 0 : i32
    %dma_wait3A_124 = tpu.memref_slice %arg7[%rem3A_118, %dma_wait3A_123] : memref<4x1024xi32, #tpu.memory_space<vmem>> -> memref<1x1024xi32, #tpu.memory_space<vmem>>
    %dma_wait3A_125 = tpu.memref_squeeze %dma_wait3A_124 : memref<1x1024xi32, #tpu.memory_space<vmem>> -> memref<1024xi32, #tpu.memory_space<vmem>>
    %dma_wait3A_126 = arith.constant 0 : i32
    %dma_wait3A_127 = arith.constant 0 : i32
    %dma_wait3A_128 = tpu.memref_slice %arg9[%dma_wait3A_126, %dma_wait3A_127] : memref<50048x16xf32, #tpu.memory_space<vmem_shared>> -> memref<50048x16xf32, #tpu.memory_space<vmem_shared>>
    %dma_wait3A_129 = tpu.memref_slice %arg12[%rem3A_118] : memref<4x!tpu.dma_semaphore, #tpu.memory_space<semaphore_mem>> -> memref<1x!tpu.dma_semaphore, #tpu.memory_space<semaphore_mem>>
    %dma_wait3A_130 = tpu.memref_squeeze %dma_wait3A_129 : memref<1x!tpu.dma_semaphore, #tpu.memory_space<semaphore_mem>> -> memref<!tpu.dma_semaphore, #tpu.memory_space<semaphore_mem>>
    tpu.wait_indirect_dma semaphore(%dma_wait3A_130 : memref<!tpu.dma_semaphore, #tpu.memory_space<semaphore_mem>>) src(%dma_wait3A_122 : memref<1024x16xf32, #tpu.memory_space<vmem>>) dst(%dma_wait3A_128 : memref<50048x16xf32, #tpu.memory_space<vmem_shared>>)
    %barrier3A_131 = arith.constant 0 : index
    tpu.barrier barrier_id(%barrier3A_131)
    "tpu.region"() ({
      %run_scoped3A = tpu.sem_alloc : memref<!tpu.dma_semaphore, #tpu.memory_space<semaphore_mem>>
      %dma_start3A_132 = arith.constant 0 : i32
      %dma_start3A_133 = arith.constant 0 : i32
      %dma_start3A_134 = tpu.memref_slice %arg5[%arg0, %dma_start3A_132, %dma_start3A_133] : memref<2x50048x16xf32, #tpu.memory_space<hbm>> -> memref<1x50048x16xf32, #tpu.memory_space<hbm>>
      %dma_start3A_135 = tpu.memref_squeeze %dma_start3A_134 : memref<1x50048x16xf32, #tpu.memory_space<hbm>> -> memref<50048x16xf32, #tpu.memory_space<hbm>>
      %dma_start3A_136 = arith.constant 0 : i32
      %dma_start3A_137 = tpu.memref_slice %dma_start3A_135[%mul3A_0, %dma_start3A_136] : memref<50048x16xf32, #tpu.memory_space<hbm>> -> memref<3128x16xf32, #tpu.memory_space<hbm>>
      %dma_start3A_138 = arith.constant 0 : i32
      %dma_start3A_139 = tpu.memref_slice %arg9[%mul3A_0, %dma_start3A_138] : memref<50048x16xf32, #tpu.memory_space<vmem_shared>> -> memref<3128x16xf32, #tpu.memory_space<vmem_shared>>
      tpu.enqueue_dma source(%dma_start3A_139 : memref<3128x16xf32, #tpu.memory_space<vmem_shared>>) target(%dma_start3A_137 : memref<3128x16xf32, #tpu.memory_space<hbm>>) target_semaphore(%run_scoped3A : memref<!tpu.dma_semaphore, #tpu.memory_space<semaphore_mem>>)
      %dma_wait3A_140 = arith.constant 0 : i32
      %dma_wait3A_141 = arith.constant 0 : i32
      %dma_wait3A_142 = tpu.memref_slice %arg5[%arg0, %dma_wait3A_140, %dma_wait3A_141] : memref<2x50048x16xf32, #tpu.memory_space<hbm>> -> memref<1x50048x16xf32, #tpu.memory_space<hbm>>
      %dma_wait3A_143 = tpu.memref_squeeze %dma_wait3A_142 : memref<1x50048x16xf32, #tpu.memory_space<hbm>> -> memref<50048x16xf32, #tpu.memory_space<hbm>>
      %dma_wait3A_144 = arith.constant 0 : i32
      %dma_wait3A_145 = tpu.memref_slice %dma_wait3A_143[%mul3A_0, %dma_wait3A_144] : memref<50048x16xf32, #tpu.memory_space<hbm>> -> memref<3128x16xf32, #tpu.memory_space<hbm>>
      %dma_wait3A_146 = arith.constant 0 : i32
      %dma_wait3A_147 = tpu.memref_slice %arg9[%mul3A_0, %dma_wait3A_146] : memref<50048x16xf32, #tpu.memory_space<vmem_shared>> -> memref<3128x16xf32, #tpu.memory_space<vmem_shared>>
      tpu.wait_dma2 semaphore(%run_scoped3A : memref<!tpu.dma_semaphore, #tpu.memory_space<semaphore_mem>>) src(%dma_wait3A_147 : memref<3128x16xf32, #tpu.memory_space<vmem_shared>>) dst(%dma_wait3A_145 : memref<3128x16xf32, #tpu.memory_space<hbm>>)
      tpu.yield
    }) : () -> ()
    return
  }
}

#map = affine_map<(d0, d1) -> (0)>
#map1 = affine_map<(d0, d1) -> (0, 0)>
#map2 = affine_map<(d0, d1) -> (0, 0, 0)>
module attributes {stable_mosaic.version = 14 : i64} {
  func.func @_sc_body(%arg0: i32, %arg1: i32, %arg2: memref<3211264xi32, #tpu.memory_space<hbm>>, %arg3: memref<3211264xi32, #tpu.memory_space<hbm>>, %arg4: memref<50048x8xf32, #tpu.memory_space<hbm>>, %arg5: memref<2x50048x8xf32, #tpu.memory_space<hbm>>, %arg6: memref<4x1024xi32, #tpu.memory_space<vmem>>, %arg7: memref<4x1024xi32, #tpu.memory_space<vmem>>, %arg8: memref<4x1024x8xf32, #tpu.memory_space<vmem>>, %arg9: memref<50048x8xf32, #tpu.memory_space<vmem_shared>>, %arg10: memref<4x!tpu.dma_semaphore, #tpu.memory_space<semaphore_mem>>, %arg11: memref<4x!tpu.dma_semaphore, #tpu.memory_space<semaphore_mem>>, %arg12: memref<4x!tpu.dma_semaphore, #tpu.memory_space<semaphore_mem>>) attributes {dimension_semantics = [#tpu.dimension_semantics<core_parallel>, #tpu.dimension_semantics<subcore_parallel>], iteration_bounds = array<i64: 2, 16>, scalar_prefetch = 0 : i64, scratch_operands = 7 : i64, tpu.core_type = #tpu.core_type<sc_vector_subcore>, window_params = [{transform_indices = #map}, {transform_indices = #map}, {transform_indices = #map1}, {transform_indices = #map2}]} {
    %mul3A = arith.constant 3128 : i32
    %mul3A_0 = arith.muli %arg1, %mul3A : i32
    %mul3A_1 = arith.constant -68 : i32
    %mul3A_2 = arith.muli %arg0, %mul3A_1 : i32
    %add3A = arith.constant 132 : i32
    %add3A_3 = arith.addi %add3A, %mul3A_2 : i32
    %mul3A_4 = arith.constant 16 : i32
    %mul3A_5 = arith.muli %arg0, %mul3A_4 : i32
    %mul3A_6 = arith.constant 132 : i32
    %mul3A_7 = arith.muli %mul3A_5, %mul3A_6 : i32
    %mul3A_8 = arith.muli %arg1, %add3A_3 : i32
    %add3A_9 = arith.addi %mul3A_7, %mul3A_8 : i32
    %mul3A_10 = arith.constant 1024 : i32
    %mul3A_11 = arith.muli %add3A_9, %mul3A_10 : i32
    "tpu.region"() ({
      %run_scoped3A_101 = tpu.sem_alloc : memref<!tpu.dma_semaphore, #tpu.memory_space<semaphore_mem>>
      %dma_start3A_102 = arith.constant 0 : i32
      %dma_start3A_103 = tpu.memref_slice %arg9[%mul3A_0, %dma_start3A_102] : memref<50048x8xf32, #tpu.memory_space<vmem_shared>> -> memref<3128x8xf32, #tpu.memory_space<vmem_shared>>
      %dma_start3A_104 = arith.constant 0 : i32
      %dma_start3A_105 = tpu.memref_slice %arg4[%mul3A_0, %dma_start3A_104] : memref<50048x8xf32, #tpu.memory_space<hbm>> -> memref<3128x8xf32, #tpu.memory_space<hbm>>
      tpu.enqueue_dma source(%dma_start3A_105 : memref<3128x8xf32, #tpu.memory_space<hbm>>) target(%dma_start3A_103 : memref<3128x8xf32, #tpu.memory_space<vmem_shared>>) target_semaphore(%run_scoped3A_101 : memref<!tpu.dma_semaphore, #tpu.memory_space<semaphore_mem>>)
      %dma_wait3A_106 = arith.constant 0 : i32
      %dma_wait3A_107 = tpu.memref_slice %arg9[%mul3A_0, %dma_wait3A_106] : memref<50048x8xf32, #tpu.memory_space<vmem_shared>> -> memref<3128x8xf32, #tpu.memory_space<vmem_shared>>
      %dma_wait3A_108 = arith.constant 0 : i32
      %dma_wait3A_109 = tpu.memref_slice %arg4[%mul3A_0, %dma_wait3A_108] : memref<50048x8xf32, #tpu.memory_space<hbm>> -> memref<3128x8xf32, #tpu.memory_space<hbm>>
      tpu.wait_dma2 semaphore(%run_scoped3A_101 : memref<!tpu.dma_semaphore, #tpu.memory_space<semaphore_mem>>) src(%dma_wait3A_109 : memref<3128x8xf32, #tpu.memory_space<hbm>>) dst(%dma_wait3A_107 : memref<3128x8xf32, #tpu.memory_space<vmem_shared>>)
      tpu.yield
    }) : () -> ()
    %run_scoped3A = arith.constant 0 : i32
    "tpu.region"() ({
      %run_scoped3A_101 = tpu.sem_alloc : memref<!tpu.dma_semaphore, #tpu.memory_space<semaphore_mem>>
      %dma_start3A_102 = arith.constant 0 : i32
      %dma_start3A_103 = arith.constant 0 : i32
      %dma_start3A_104 = tpu.memref_slice %arg8[%run_scoped3A, %dma_start3A_102, %dma_start3A_103] : memref<4x1024x8xf32, #tpu.memory_space<vmem>> -> memref<1x1024x8xf32, #tpu.memory_space<vmem>>
      %dma_start3A_105 = tpu.memref_squeeze %dma_start3A_104 : memref<1x1024x8xf32, #tpu.memory_space<vmem>> -> memref<1024x8xf32, #tpu.memory_space<vmem>>
      %dma_start3A_106 = arith.constant 0 : i32
      %dma_start3A_107 = arith.constant 0 : i32
      %dma_start3A_108 = tpu.memref_slice %arg4[%dma_start3A_106, %dma_start3A_107] : memref<50048x8xf32, #tpu.memory_space<hbm>> -> memref<1024x8xf32, #tpu.memory_space<hbm>>
      %dma_start3A_109 = arith.constant 0 : i32
      %dma_start3A_110 = arith.constant 0 : i32
      %dma_start3A_111 = tpu.memref_slice %arg8[%run_scoped3A, %dma_start3A_109, %dma_start3A_110] : memref<4x1024x8xf32, #tpu.memory_space<vmem>> -> memref<1x1024x8xf32, #tpu.memory_space<vmem>>
      %dma_start3A_112 = tpu.memref_squeeze %dma_start3A_111 : memref<1x1024x8xf32, #tpu.memory_space<vmem>> -> memref<1024x8xf32, #tpu.memory_space<vmem>>
      %dma_start3A_113 = arith.constant 0 : i32
      %dma_start3A_114 = arith.constant 0 : i32
      %dma_start3A_115 = tpu.memref_slice %arg4[%dma_start3A_113, %dma_start3A_114] : memref<50048x8xf32, #tpu.memory_space<hbm>> -> memref<1024x8xf32, #tpu.memory_space<hbm>>
      tpu.enqueue_dma source(%dma_start3A_115 : memref<1024x8xf32, #tpu.memory_space<hbm>>) target(%dma_start3A_112 : memref<1024x8xf32, #tpu.memory_space<vmem>>) target_semaphore(%run_scoped3A_101 : memref<!tpu.dma_semaphore, #tpu.memory_space<semaphore_mem>>)
      %dma_wait3A_116 = arith.constant 0 : i32
      %dma_wait3A_117 = arith.constant 0 : i32
      %dma_wait3A_118 = tpu.memref_slice %arg8[%run_scoped3A, %dma_wait3A_116, %dma_wait3A_117] : memref<4x1024x8xf32, #tpu.memory_space<vmem>> -> memref<1x1024x8xf32, #tpu.memory_space<vmem>>
      %dma_wait3A_119 = tpu.memref_squeeze %dma_wait3A_118 : memref<1x1024x8xf32, #tpu.memory_space<vmem>> -> memref<1024x8xf32, #tpu.memory_space<vmem>>
      %dma_wait3A_120 = arith.constant 0 : i32
      %dma_wait3A_121 = arith.constant 0 : i32
      %dma_wait3A_122 = tpu.memref_slice %arg4[%dma_wait3A_120, %dma_wait3A_121] : memref<50048x8xf32, #tpu.memory_space<hbm>> -> memref<1024x8xf32, #tpu.memory_space<hbm>>
      %dma_wait3A_123 = arith.constant 0 : i32
      %dma_wait3A_124 = arith.constant 0 : i32
      %dma_wait3A_125 = tpu.memref_slice %arg8[%run_scoped3A, %dma_wait3A_123, %dma_wait3A_124] : memref<4x1024x8xf32, #tpu.memory_space<vmem>> -> memref<1x1024x8xf32, #tpu.memory_space<vmem>>
      %dma_wait3A_126 = tpu.memref_squeeze %dma_wait3A_125 : memref<1x1024x8xf32, #tpu.memory_space<vmem>> -> memref<1024x8xf32, #tpu.memory_space<vmem>>
      %dma_wait3A_127 = arith.constant 0 : i32
      %dma_wait3A_128 = arith.constant 0 : i32
      %dma_wait3A_129 = tpu.memref_slice %arg4[%dma_wait3A_127, %dma_wait3A_128] : memref<50048x8xf32, #tpu.memory_space<hbm>> -> memref<1024x8xf32, #tpu.memory_space<hbm>>
      tpu.wait_dma2 semaphore(%run_scoped3A_101 : memref<!tpu.dma_semaphore, #tpu.memory_space<semaphore_mem>>) src(%dma_wait3A_129 : memref<1024x8xf32, #tpu.memory_space<hbm>>) dst(%dma_wait3A_126 : memref<1024x8xf32, #tpu.memory_space<vmem>>)
      tpu.yield
    }) : () -> ()
    %barrier3A = arith.constant 0 : index
    tpu.barrier barrier_id(%barrier3A)
    %rem3A = arith.constant 0 : i32
    %rem3A_12 = arith.constant 4 : i32
    %rem3A_13 = arith.remsi %rem3A, %rem3A_12 : i32
    %add3A_14 = arith.constant 0 : i32
    %add3A_15 = arith.addi %mul3A_11, %add3A_14 : i32
    %dma_start3A = arith.constant 0 : i32
    %dma_start3A_16 = tpu.memref_slice %arg7[%rem3A_13, %dma_start3A] : memref<4x1024xi32, #tpu.memory_space<vmem>> -> memref<1x1024xi32, #tpu.memory_space<vmem>>
    %dma_start3A_17 = tpu.memref_squeeze %dma_start3A_16 : memref<1x1024xi32, #tpu.memory_space<vmem>> -> memref<1024xi32, #tpu.memory_space<vmem>>
    %dma_start3A_18 = tpu.memref_slice %arg3[%add3A_15] : memref<3211264xi32, #tpu.memory_space<hbm>> -> memref<1024xi32, #tpu.memory_space<hbm>>
    %dma_start3A_19 = tpu.memref_slice %arg10[%rem3A_13] : memref<4x!tpu.dma_semaphore, #tpu.memory_space<semaphore_mem>> -> memref<1x!tpu.dma_semaphore, #tpu.memory_space<semaphore_mem>>
    %dma_start3A_20 = tpu.memref_squeeze %dma_start3A_19 : memref<1x!tpu.dma_semaphore, #tpu.memory_space<semaphore_mem>> -> memref<!tpu.dma_semaphore, #tpu.memory_space<semaphore_mem>>
    %dma_start3A_21 = arith.constant 0 : i32
    %dma_start3A_22 = tpu.memref_slice %arg7[%rem3A_13, %dma_start3A_21] : memref<4x1024xi32, #tpu.memory_space<vmem>> -> memref<1x1024xi32, #tpu.memory_space<vmem>>
    %dma_start3A_23 = tpu.memref_squeeze %dma_start3A_22 : memref<1x1024xi32, #tpu.memory_space<vmem>> -> memref<1024xi32, #tpu.memory_space<vmem>>
    %dma_start3A_24 = tpu.memref_slice %arg3[%add3A_15] : memref<3211264xi32, #tpu.memory_space<hbm>> -> memref<1024xi32, #tpu.memory_space<hbm>>
    tpu.enqueue_dma source(%dma_start3A_24 : memref<1024xi32, #tpu.memory_space<hbm>>) target(%dma_start3A_23 : memref<1024xi32, #tpu.memory_space<vmem>>) target_semaphore(%dma_start3A_20 : memref<!tpu.dma_semaphore, #tpu.memory_space<semaphore_mem>>)
    %rem3A_25 = arith.constant 1 : i32
    %rem3A_26 = arith.constant 4 : i32
    %rem3A_27 = arith.remsi %rem3A_25, %rem3A_26 : i32
    %add3A_28 = arith.constant 1024 : i32
    %add3A_29 = arith.addi %mul3A_11, %add3A_28 : i32
    %dma_start3A_30 = arith.constant 0 : i32
    %dma_start3A_31 = tpu.memref_slice %arg7[%rem3A_27, %dma_start3A_30] : memref<4x1024xi32, #tpu.memory_space<vmem>> -> memref<1x1024xi32, #tpu.memory_space<vmem>>
    %dma_start3A_32 = tpu.memref_squeeze %dma_start3A_31 : memref<1x1024xi32, #tpu.memory_space<vmem>> -> memref<1024xi32, #tpu.memory_space<vmem>>
    %dma_start3A_33 = tpu.memref_slice %arg3[%add3A_29] : memref<3211264xi32, #tpu.memory_space<hbm>> -> memref<1024xi32, #tpu.memory_space<hbm>>
    %dma_start3A_34 = tpu.memref_slice %arg10[%rem3A_27] : memref<4x!tpu.dma_semaphore, #tpu.memory_space<semaphore_mem>> -> memref<1x!tpu.dma_semaphore, #tpu.memory_space<semaphore_mem>>
    %dma_start3A_35 = tpu.memref_squeeze %dma_start3A_34 : memref<1x!tpu.dma_semaphore, #tpu.memory_space<semaphore_mem>> -> memref<!tpu.dma_semaphore, #tpu.memory_space<semaphore_mem>>
    %dma_start3A_36 = arith.constant 0 : i32
    %dma_start3A_37 = tpu.memref_slice %arg7[%rem3A_27, %dma_start3A_36] : memref<4x1024xi32, #tpu.memory_space<vmem>> -> memref<1x1024xi32, #tpu.memory_space<vmem>>
    %dma_start3A_38 = tpu.memref_squeeze %dma_start3A_37 : memref<1x1024xi32, #tpu.memory_space<vmem>> -> memref<1024xi32, #tpu.memory_space<vmem>>
    %dma_start3A_39 = tpu.memref_slice %arg3[%add3A_29] : memref<3211264xi32, #tpu.memory_space<hbm>> -> memref<1024xi32, #tpu.memory_space<hbm>>
    tpu.enqueue_dma source(%dma_start3A_39 : memref<1024xi32, #tpu.memory_space<hbm>>) target(%dma_start3A_38 : memref<1024xi32, #tpu.memory_space<vmem>>) target_semaphore(%dma_start3A_35 : memref<!tpu.dma_semaphore, #tpu.memory_space<semaphore_mem>>)
    %while3A = arith.constant 0 : i32
    %while3A_40 = arith.constant 0 : i32
    %while3A_41 = arith.subi %add3A_3, %while3A_40 : i32
    %while3A_42 = arith.addi %while3A_40, %while3A_41 : i32
    %while3A_43 = arith.constant 1 : i32
    %while3A_44 = arith.divsi %while3A_41, %while3A_43 : i32
    %while3A_45 = arith.muli %while3A_44, %while3A_43 : i32
    %while3A_46 = arith.addi %while3A_40, %while3A_45 : i32
    %while3A_47 = arith.constant 1 : i32
    scf.for %while3A_101 = %while3A_40 to %while3A_46 step %while3A_47  : i32 {
      %rem3A_102 = arith.constant 4 : i32
      %rem3A_103 = arith.remsi %while3A_101, %rem3A_102 : i32
      %dma_wait3A_104 = arith.constant 0 : i32
      %dma_wait3A_105 = tpu.memref_slice %arg7[%rem3A_103, %dma_wait3A_104] : memref<4x1024xi32, #tpu.memory_space<vmem>> -> memref<1x1024xi32, #tpu.memory_space<vmem>>
      %dma_wait3A_106 = tpu.memref_squeeze %dma_wait3A_105 : memref<1x1024xi32, #tpu.memory_space<vmem>> -> memref<1024xi32, #tpu.memory_space<vmem>>
      %dma_wait3A_107 = arith.constant 0 : i32
      %dma_wait3A_108 = tpu.memref_slice %arg3[%dma_wait3A_107] : memref<3211264xi32, #tpu.memory_space<hbm>> -> memref<1024xi32, #tpu.memory_space<hbm>>
      %dma_wait3A_109 = tpu.memref_slice %arg10[%rem3A_103] : memref<4x!tpu.dma_semaphore, #tpu.memory_space<semaphore_mem>> -> memref<1x!tpu.dma_semaphore, #tpu.memory_space<semaphore_mem>>
      %dma_wait3A_110 = tpu.memref_squeeze %dma_wait3A_109 : memref<1x!tpu.dma_semaphore, #tpu.memory_space<semaphore_mem>> -> memref<!tpu.dma_semaphore, #tpu.memory_space<semaphore_mem>>
      %dma_wait3A_111 = arith.constant 0 : i32
      %dma_wait3A_112 = tpu.memref_slice %arg7[%rem3A_103, %dma_wait3A_111] : memref<4x1024xi32, #tpu.memory_space<vmem>> -> memref<1x1024xi32, #tpu.memory_space<vmem>>
      %dma_wait3A_113 = tpu.memref_squeeze %dma_wait3A_112 : memref<1x1024xi32, #tpu.memory_space<vmem>> -> memref<1024xi32, #tpu.memory_space<vmem>>
      %dma_wait3A_114 = arith.constant 0 : i32
      %dma_wait3A_115 = tpu.memref_slice %arg3[%dma_wait3A_114] : memref<3211264xi32, #tpu.memory_space<hbm>> -> memref<1024xi32, #tpu.memory_space<hbm>>
      tpu.wait_dma2 semaphore(%dma_wait3A_110 : memref<!tpu.dma_semaphore, #tpu.memory_space<semaphore_mem>>) src(%dma_wait3A_115 : memref<1024xi32, #tpu.memory_space<hbm>>) dst(%dma_wait3A_113 : memref<1024xi32, #tpu.memory_space<vmem>>)
      %ge3A = arith.constant 1 : i32
      %ge3A_116 = arith.cmpi sge, %while3A_101, %ge3A : i32
      %convert_element_type3A = arith.extui %ge3A_116 : i1 to i32
      %cond3A = arith.constant 0 : i32
      %cond3A_117 = arith.cmpi ne, %convert_element_type3A, %cond3A : i32
      scf.if %cond3A_117 {
        %sub3A_128 = arith.constant 1 : i32
        %sub3A_129 = arith.subi %while3A_101, %sub3A_128 : i32
        %sub3A_130 = arith.constant 1 : i32
        %sub3A_131 = arith.subi %while3A_101, %sub3A_130 : i32
        %rem3A_132 = arith.constant 4 : i32
        %rem3A_133 = arith.remsi %sub3A_131, %rem3A_132 : i32
        %dma_start3A_134 = arith.constant 0 : i32
        %dma_start3A_135 = arith.constant 0 : i32
        %dma_start3A_136 = arith.constant 0 : i32
        %dma_start3A_137 = tpu.memref_slice %arg8[%dma_start3A_134, %dma_start3A_135, %dma_start3A_136] : memref<4x1024x8xf32, #tpu.memory_space<vmem>> -> memref<1x1024x8xf32, #tpu.memory_space<vmem>>
        %dma_start3A_138 = tpu.memref_squeeze %dma_start3A_137 : memref<1x1024x8xf32, #tpu.memory_space<vmem>> -> memref<1024x8xf32, #tpu.memory_space<vmem>>
        %dma_start3A_139 = arith.constant 0 : i32
        %dma_start3A_140 = tpu.memref_slice %arg7[%rem3A_133, %dma_start3A_139] : memref<4x1024xi32, #tpu.memory_space<vmem>> -> memref<1x1024xi32, #tpu.memory_space<vmem>>
        %dma_start3A_141 = tpu.memref_squeeze %dma_start3A_140 : memref<1x1024xi32, #tpu.memory_space<vmem>> -> memref<1024xi32, #tpu.memory_space<vmem>>
        %dma_start3A_142 = arith.constant 0 : i32
        %dma_start3A_143 = arith.constant 0 : i32
        %dma_start3A_144 = tpu.memref_slice %arg9[%dma_start3A_142, %dma_start3A_143] : memref<50048x8xf32, #tpu.memory_space<vmem_shared>> -> memref<50048x8xf32, #tpu.memory_space<vmem_shared>>
        %dma_start3A_145 = tpu.memref_slice %arg12[%rem3A_133] : memref<4x!tpu.dma_semaphore, #tpu.memory_space<semaphore_mem>> -> memref<1x!tpu.dma_semaphore, #tpu.memory_space<semaphore_mem>>
        %dma_start3A_146 = tpu.memref_squeeze %dma_start3A_145 : memref<1x!tpu.dma_semaphore, #tpu.memory_space<semaphore_mem>> -> memref<!tpu.dma_semaphore, #tpu.memory_space<semaphore_mem>>
        tpu.enqueue_indirect_dma source(%dma_start3A_138 : memref<1024x8xf32, #tpu.memory_space<vmem>>) target(%dma_start3A_144 : memref<50048x8xf32, #tpu.memory_space<vmem_shared>>) offsets(%dma_start3A_141 : memref<1024xi32, #tpu.memory_space<vmem>>) semaphore(%dma_start3A_146 : memref<!tpu.dma_semaphore, #tpu.memory_space<semaphore_mem>>) {add = true}
      } else {
      }
      %ge3A_118 = arith.constant 2 : i32
      %ge3A_119 = arith.cmpi sge, %while3A_101, %ge3A_118 : i32
      %convert_element_type3A_120 = arith.extui %ge3A_119 : i1 to i32
      %cond3A_121 = arith.constant 0 : i32
      %cond3A_122 = arith.cmpi ne, %convert_element_type3A_120, %cond3A_121 : i32
      scf.if %cond3A_122 {
        %sub3A_128 = arith.constant 2 : i32
        %sub3A_129 = arith.subi %while3A_101, %sub3A_128 : i32
        %rem3A_130 = arith.constant 4 : i32
        %rem3A_131 = arith.remsi %sub3A_129, %rem3A_130 : i32
        %dma_wait3A_132 = arith.constant 0 : i32
        %dma_wait3A_133 = arith.constant 0 : i32
        %dma_wait3A_134 = arith.constant 0 : i32
        %dma_wait3A_135 = tpu.memref_slice %arg8[%dma_wait3A_132, %dma_wait3A_133, %dma_wait3A_134] : memref<4x1024x8xf32, #tpu.memory_space<vmem>> -> memref<1x1024x8xf32, #tpu.memory_space<vmem>>
        %dma_wait3A_136 = tpu.memref_squeeze %dma_wait3A_135 : memref<1x1024x8xf32, #tpu.memory_space<vmem>> -> memref<1024x8xf32, #tpu.memory_space<vmem>>
        %dma_wait3A_137 = arith.constant 0 : i32
        %dma_wait3A_138 = tpu.memref_slice %arg7[%rem3A_131, %dma_wait3A_137] : memref<4x1024xi32, #tpu.memory_space<vmem>> -> memref<1x1024xi32, #tpu.memory_space<vmem>>
        %dma_wait3A_139 = tpu.memref_squeeze %dma_wait3A_138 : memref<1x1024xi32, #tpu.memory_space<vmem>> -> memref<1024xi32, #tpu.memory_space<vmem>>
        %dma_wait3A_140 = arith.constant 0 : i32
        %dma_wait3A_141 = arith.constant 0 : i32
        %dma_wait3A_142 = tpu.memref_slice %arg9[%dma_wait3A_140, %dma_wait3A_141] : memref<50048x8xf32, #tpu.memory_space<vmem_shared>> -> memref<50048x8xf32, #tpu.memory_space<vmem_shared>>
        %dma_wait3A_143 = tpu.memref_slice %arg12[%rem3A_131] : memref<4x!tpu.dma_semaphore, #tpu.memory_space<semaphore_mem>> -> memref<1x!tpu.dma_semaphore, #tpu.memory_space<semaphore_mem>>
        %dma_wait3A_144 = tpu.memref_squeeze %dma_wait3A_143 : memref<1x!tpu.dma_semaphore, #tpu.memory_space<semaphore_mem>> -> memref<!tpu.dma_semaphore, #tpu.memory_space<semaphore_mem>>
        tpu.wait_indirect_dma semaphore(%dma_wait3A_144 : memref<!tpu.dma_semaphore, #tpu.memory_space<semaphore_mem>>) src(%dma_wait3A_136 : memref<1024x8xf32, #tpu.memory_space<vmem>>) dst(%dma_wait3A_142 : memref<50048x8xf32, #tpu.memory_space<vmem_shared>>)
      } else {
      }
      %add3A_123 = arith.constant 2 : i32
      %add3A_124 = arith.addi %while3A_101, %add3A_123 : i32
      %lt3A = arith.cmpi slt, %add3A_124, %add3A_3 : i32
      %convert_element_type3A_125 = arith.extui %lt3A : i1 to i32
      %cond3A_126 = arith.constant 0 : i32
      %cond3A_127 = arith.cmpi ne, %convert_element_type3A_125, %cond3A_126 : i32
      scf.if %cond3A_127 {
        %add3A_128 = arith.constant 2 : i32
        %add3A_129 = arith.addi %while3A_101, %add3A_128 : i32
        %rem3A_130 = arith.constant 4 : i32
        %rem3A_131 = arith.remsi %add3A_129, %rem3A_130 : i32
        %mul3A_132 = arith.constant 1024 : i32
        %mul3A_133 = arith.muli %add3A_129, %mul3A_132 : i32
        %add3A_134 = arith.addi %mul3A_11, %mul3A_133 : i32
        %dma_start3A_135 = arith.constant 0 : i32
        %dma_start3A_136 = tpu.memref_slice %arg7[%rem3A_131, %dma_start3A_135] : memref<4x1024xi32, #tpu.memory_space<vmem>> -> memref<1x1024xi32, #tpu.memory_space<vmem>>
        %dma_start3A_137 = tpu.memref_squeeze %dma_start3A_136 : memref<1x1024xi32, #tpu.memory_space<vmem>> -> memref<1024xi32, #tpu.memory_space<vmem>>
        %dma_start3A_138 = tpu.memref_slice %arg3[%add3A_134] : memref<3211264xi32, #tpu.memory_space<hbm>> -> memref<1024xi32, #tpu.memory_space<hbm>>
        %dma_start3A_139 = tpu.memref_slice %arg10[%rem3A_131] : memref<4x!tpu.dma_semaphore, #tpu.memory_space<semaphore_mem>> -> memref<1x!tpu.dma_semaphore, #tpu.memory_space<semaphore_mem>>
        %dma_start3A_140 = tpu.memref_squeeze %dma_start3A_139 : memref<1x!tpu.dma_semaphore, #tpu.memory_space<semaphore_mem>> -> memref<!tpu.dma_semaphore, #tpu.memory_space<semaphore_mem>>
        %dma_start3A_141 = arith.constant 0 : i32
        %dma_start3A_142 = tpu.memref_slice %arg7[%rem3A_131, %dma_start3A_141] : memref<4x1024xi32, #tpu.memory_space<vmem>> -> memref<1x1024xi32, #tpu.memory_space<vmem>>
        %dma_start3A_143 = tpu.memref_squeeze %dma_start3A_142 : memref<1x1024xi32, #tpu.memory_space<vmem>> -> memref<1024xi32, #tpu.memory_space<vmem>>
        %dma_start3A_144 = tpu.memref_slice %arg3[%add3A_134] : memref<3211264xi32, #tpu.memory_space<hbm>> -> memref<1024xi32, #tpu.memory_space<hbm>>
        tpu.enqueue_dma source(%dma_start3A_144 : memref<1024xi32, #tpu.memory_space<hbm>>) target(%dma_start3A_143 : memref<1024xi32, #tpu.memory_space<vmem>>) target_semaphore(%dma_start3A_140 : memref<!tpu.dma_semaphore, #tpu.memory_space<semaphore_mem>>)
      } else {
      }
    }
    %while3A_48 = arith.constant 1 : i32
    scf.for %while3A_101 = %while3A_46 to %while3A_42 step %while3A_48  : i32 {
      %rem3A_102 = arith.constant 4 : i32
      %rem3A_103 = arith.remsi %while3A_101, %rem3A_102 : i32
      %dma_wait3A_104 = arith.constant 0 : i32
      %dma_wait3A_105 = tpu.memref_slice %arg7[%rem3A_103, %dma_wait3A_104] : memref<4x1024xi32, #tpu.memory_space<vmem>> -> memref<1x1024xi32, #tpu.memory_space<vmem>>
      %dma_wait3A_106 = tpu.memref_squeeze %dma_wait3A_105 : memref<1x1024xi32, #tpu.memory_space<vmem>> -> memref<1024xi32, #tpu.memory_space<vmem>>
      %dma_wait3A_107 = arith.constant 0 : i32
      %dma_wait3A_108 = tpu.memref_slice %arg3[%dma_wait3A_107] : memref<3211264xi32, #tpu.memory_space<hbm>> -> memref<1024xi32, #tpu.memory_space<hbm>>
      %dma_wait3A_109 = tpu.memref_slice %arg10[%rem3A_103] : memref<4x!tpu.dma_semaphore, #tpu.memory_space<semaphore_mem>> -> memref<1x!tpu.dma_semaphore, #tpu.memory_space<semaphore_mem>>
      %dma_wait3A_110 = tpu.memref_squeeze %dma_wait3A_109 : memref<1x!tpu.dma_semaphore, #tpu.memory_space<semaphore_mem>> -> memref<!tpu.dma_semaphore, #tpu.memory_space<semaphore_mem>>
      %dma_wait3A_111 = arith.constant 0 : i32
      %dma_wait3A_112 = tpu.memref_slice %arg7[%rem3A_103, %dma_wait3A_111] : memref<4x1024xi32, #tpu.memory_space<vmem>> -> memref<1x1024xi32, #tpu.memory_space<vmem>>
      %dma_wait3A_113 = tpu.memref_squeeze %dma_wait3A_112 : memref<1x1024xi32, #tpu.memory_space<vmem>> -> memref<1024xi32, #tpu.memory_space<vmem>>
      %dma_wait3A_114 = arith.constant 0 : i32
      %dma_wait3A_115 = tpu.memref_slice %arg3[%dma_wait3A_114] : memref<3211264xi32, #tpu.memory_space<hbm>> -> memref<1024xi32, #tpu.memory_space<hbm>>
      tpu.wait_dma2 semaphore(%dma_wait3A_110 : memref<!tpu.dma_semaphore, #tpu.memory_space<semaphore_mem>>) src(%dma_wait3A_115 : memref<1024xi32, #tpu.memory_space<hbm>>) dst(%dma_wait3A_113 : memref<1024xi32, #tpu.memory_space<vmem>>)
      %ge3A = arith.constant 1 : i32
      %ge3A_116 = arith.cmpi sge, %while3A_101, %ge3A : i32
      %convert_element_type3A = arith.extui %ge3A_116 : i1 to i32
      %cond3A = arith.constant 0 : i32
      %cond3A_117 = arith.cmpi ne, %convert_element_type3A, %cond3A : i32
      scf.if %cond3A_117 {
        %sub3A_128 = arith.constant 1 : i32
        %sub3A_129 = arith.subi %while3A_101, %sub3A_128 : i32
        %sub3A_130 = arith.constant 1 : i32
        %sub3A_131 = arith.subi %while3A_101, %sub3A_130 : i32
        %rem3A_132 = arith.constant 4 : i32
        %rem3A_133 = arith.remsi %sub3A_131, %rem3A_132 : i32
        %dma_start3A_134 = arith.constant 0 : i32
        %dma_start3A_135 = arith.constant 0 : i32
        %dma_start3A_136 = arith.constant 0 : i32
        %dma_start3A_137 = tpu.memref_slice %arg8[%dma_start3A_134, %dma_start3A_135, %dma_start3A_136] : memref<4x1024x8xf32, #tpu.memory_space<vmem>> -> memref<1x1024x8xf32, #tpu.memory_space<vmem>>
        %dma_start3A_138 = tpu.memref_squeeze %dma_start3A_137 : memref<1x1024x8xf32, #tpu.memory_space<vmem>> -> memref<1024x8xf32, #tpu.memory_space<vmem>>
        %dma_start3A_139 = arith.constant 0 : i32
        %dma_start3A_140 = tpu.memref_slice %arg7[%rem3A_133, %dma_start3A_139] : memref<4x1024xi32, #tpu.memory_space<vmem>> -> memref<1x1024xi32, #tpu.memory_space<vmem>>
        %dma_start3A_141 = tpu.memref_squeeze %dma_start3A_140 : memref<1x1024xi32, #tpu.memory_space<vmem>> -> memref<1024xi32, #tpu.memory_space<vmem>>
        %dma_start3A_142 = arith.constant 0 : i32
        %dma_start3A_143 = arith.constant 0 : i32
        %dma_start3A_144 = tpu.memref_slice %arg9[%dma_start3A_142, %dma_start3A_143] : memref<50048x8xf32, #tpu.memory_space<vmem_shared>> -> memref<50048x8xf32, #tpu.memory_space<vmem_shared>>
        %dma_start3A_145 = tpu.memref_slice %arg12[%rem3A_133] : memref<4x!tpu.dma_semaphore, #tpu.memory_space<semaphore_mem>> -> memref<1x!tpu.dma_semaphore, #tpu.memory_space<semaphore_mem>>
        %dma_start3A_146 = tpu.memref_squeeze %dma_start3A_145 : memref<1x!tpu.dma_semaphore, #tpu.memory_space<semaphore_mem>> -> memref<!tpu.dma_semaphore, #tpu.memory_space<semaphore_mem>>
        tpu.enqueue_indirect_dma source(%dma_start3A_138 : memref<1024x8xf32, #tpu.memory_space<vmem>>) target(%dma_start3A_144 : memref<50048x8xf32, #tpu.memory_space<vmem_shared>>) offsets(%dma_start3A_141 : memref<1024xi32, #tpu.memory_space<vmem>>) semaphore(%dma_start3A_146 : memref<!tpu.dma_semaphore, #tpu.memory_space<semaphore_mem>>) {add = true}
      } else {
      }
      %ge3A_118 = arith.constant 2 : i32
      %ge3A_119 = arith.cmpi sge, %while3A_101, %ge3A_118 : i32
      %convert_element_type3A_120 = arith.extui %ge3A_119 : i1 to i32
      %cond3A_121 = arith.constant 0 : i32
      %cond3A_122 = arith.cmpi ne, %convert_element_type3A_120, %cond3A_121 : i32
      scf.if %cond3A_122 {
        %sub3A_128 = arith.constant 2 : i32
        %sub3A_129 = arith.subi %while3A_101, %sub3A_128 : i32
        %rem3A_130 = arith.constant 4 : i32
        %rem3A_131 = arith.remsi %sub3A_129, %rem3A_130 : i32
        %dma_wait3A_132 = arith.constant 0 : i32
        %dma_wait3A_133 = arith.constant 0 : i32
        %dma_wait3A_134 = arith.constant 0 : i32
        %dma_wait3A_135 = tpu.memref_slice %arg8[%dma_wait3A_132, %dma_wait3A_133, %dma_wait3A_134] : memref<4x1024x8xf32, #tpu.memory_space<vmem>> -> memref<1x1024x8xf32, #tpu.memory_space<vmem>>
        %dma_wait3A_136 = tpu.memref_squeeze %dma_wait3A_135 : memref<1x1024x8xf32, #tpu.memory_space<vmem>> -> memref<1024x8xf32, #tpu.memory_space<vmem>>
        %dma_wait3A_137 = arith.constant 0 : i32
        %dma_wait3A_138 = tpu.memref_slice %arg7[%rem3A_131, %dma_wait3A_137] : memref<4x1024xi32, #tpu.memory_space<vmem>> -> memref<1x1024xi32, #tpu.memory_space<vmem>>
        %dma_wait3A_139 = tpu.memref_squeeze %dma_wait3A_138 : memref<1x1024xi32, #tpu.memory_space<vmem>> -> memref<1024xi32, #tpu.memory_space<vmem>>
        %dma_wait3A_140 = arith.constant 0 : i32
        %dma_wait3A_141 = arith.constant 0 : i32
        %dma_wait3A_142 = tpu.memref_slice %arg9[%dma_wait3A_140, %dma_wait3A_141] : memref<50048x8xf32, #tpu.memory_space<vmem_shared>> -> memref<50048x8xf32, #tpu.memory_space<vmem_shared>>
        %dma_wait3A_143 = tpu.memref_slice %arg12[%rem3A_131] : memref<4x!tpu.dma_semaphore, #tpu.memory_space<semaphore_mem>> -> memref<1x!tpu.dma_semaphore, #tpu.memory_space<semaphore_mem>>
        %dma_wait3A_144 = tpu.memref_squeeze %dma_wait3A_143 : memref<1x!tpu.dma_semaphore, #tpu.memory_space<semaphore_mem>> -> memref<!tpu.dma_semaphore, #tpu.memory_space<semaphore_mem>>
        tpu.wait_indirect_dma semaphore(%dma_wait3A_144 : memref<!tpu.dma_semaphore, #tpu.memory_space<semaphore_mem>>) src(%dma_wait3A_136 : memref<1024x8xf32, #tpu.memory_space<vmem>>) dst(%dma_wait3A_142 : memref<50048x8xf32, #tpu.memory_space<vmem_shared>>)
      } else {
      }
      %add3A_123 = arith.constant 2 : i32
      %add3A_124 = arith.addi %while3A_101, %add3A_123 : i32
      %lt3A = arith.cmpi slt, %add3A_124, %add3A_3 : i32
      %convert_element_type3A_125 = arith.extui %lt3A : i1 to i32
      %cond3A_126 = arith.constant 0 : i32
      %cond3A_127 = arith.cmpi ne, %convert_element_type3A_125, %cond3A_126 : i32
      scf.if %cond3A_127 {
        %add3A_128 = arith.constant 2 : i32
        %add3A_129 = arith.addi %while3A_101, %add3A_128 : i32
        %rem3A_130 = arith.constant 4 : i32
        %rem3A_131 = arith.remsi %add3A_129, %rem3A_130 : i32
        %mul3A_132 = arith.constant 1024 : i32
        %mul3A_133 = arith.muli %add3A_129, %mul3A_132 : i32
        %add3A_134 = arith.addi %mul3A_11, %mul3A_133 : i32
        %dma_start3A_135 = arith.constant 0 : i32
        %dma_start3A_136 = tpu.memref_slice %arg7[%rem3A_131, %dma_start3A_135] : memref<4x1024xi32, #tpu.memory_space<vmem>> -> memref<1x1024xi32, #tpu.memory_space<vmem>>
        %dma_start3A_137 = tpu.memref_squeeze %dma_start3A_136 : memref<1x1024xi32, #tpu.memory_space<vmem>> -> memref<1024xi32, #tpu.memory_space<vmem>>
        %dma_start3A_138 = tpu.memref_slice %arg3[%add3A_134] : memref<3211264xi32, #tpu.memory_space<hbm>> -> memref<1024xi32, #tpu.memory_space<hbm>>
        %dma_start3A_139 = tpu.memref_slice %arg10[%rem3A_131] : memref<4x!tpu.dma_semaphore, #tpu.memory_space<semaphore_mem>> -> memref<1x!tpu.dma_semaphore, #tpu.memory_space<semaphore_mem>>
        %dma_start3A_140 = tpu.memref_squeeze %dma_start3A_139 : memref<1x!tpu.dma_semaphore, #tpu.memory_space<semaphore_mem>> -> memref<!tpu.dma_semaphore, #tpu.memory_space<semaphore_mem>>
        %dma_start3A_141 = arith.constant 0 : i32
        %dma_start3A_142 = tpu.memref_slice %arg7[%rem3A_131, %dma_start3A_141] : memref<4x1024xi32, #tpu.memory_space<vmem>> -> memref<1x1024xi32, #tpu.memory_space<vmem>>
        %dma_start3A_143 = tpu.memref_squeeze %dma_start3A_142 : memref<1x1024xi32, #tpu.memory_space<vmem>> -> memref<1024xi32, #tpu.memory_space<vmem>>
        %dma_start3A_144 = tpu.memref_slice %arg3[%add3A_134] : memref<3211264xi32, #tpu.memory_space<hbm>> -> memref<1024xi32, #tpu.memory_space<hbm>>
        tpu.enqueue_dma source(%dma_start3A_144 : memref<1024xi32, #tpu.memory_space<hbm>>) target(%dma_start3A_143 : memref<1024xi32, #tpu.memory_space<vmem>>) target_semaphore(%dma_start3A_140 : memref<!tpu.dma_semaphore, #tpu.memory_space<semaphore_mem>>)
      } else {
      }
    }
    %sub3A = arith.constant 1 : i32
    %sub3A_49 = arith.subi %add3A_3, %sub3A : i32
    %sub3A_50 = arith.constant 1 : i32
    %sub3A_51 = arith.subi %add3A_3, %sub3A_50 : i32
    %rem3A_52 = arith.constant 4 : i32
    %rem3A_53 = arith.remsi %sub3A_51, %rem3A_52 : i32
    %dma_start3A_54 = arith.constant 0 : i32
    %dma_start3A_55 = arith.constant 0 : i32
    %dma_start3A_56 = arith.constant 0 : i32
    %dma_start3A_57 = tpu.memref_slice %arg8[%dma_start3A_54, %dma_start3A_55, %dma_start3A_56] : memref<4x1024x8xf32, #tpu.memory_space<vmem>> -> memref<1x1024x8xf32, #tpu.memory_space<vmem>>
    %dma_start3A_58 = tpu.memref_squeeze %dma_start3A_57 : memref<1x1024x8xf32, #tpu.memory_space<vmem>> -> memref<1024x8xf32, #tpu.memory_space<vmem>>
    %dma_start3A_59 = arith.constant 0 : i32
    %dma_start3A_60 = tpu.memref_slice %arg7[%rem3A_53, %dma_start3A_59] : memref<4x1024xi32, #tpu.memory_space<vmem>> -> memref<1x1024xi32, #tpu.memory_space<vmem>>
    %dma_start3A_61 = tpu.memref_squeeze %dma_start3A_60 : memref<1x1024xi32, #tpu.memory_space<vmem>> -> memref<1024xi32, #tpu.memory_space<vmem>>
    %dma_start3A_62 = arith.constant 0 : i32
    %dma_start3A_63 = arith.constant 0 : i32
    %dma_start3A_64 = tpu.memref_slice %arg9[%dma_start3A_62, %dma_start3A_63] : memref<50048x8xf32, #tpu.memory_space<vmem_shared>> -> memref<50048x8xf32, #tpu.memory_space<vmem_shared>>
    %dma_start3A_65 = tpu.memref_slice %arg12[%rem3A_53] : memref<4x!tpu.dma_semaphore, #tpu.memory_space<semaphore_mem>> -> memref<1x!tpu.dma_semaphore, #tpu.memory_space<semaphore_mem>>
    %dma_start3A_66 = tpu.memref_squeeze %dma_start3A_65 : memref<1x!tpu.dma_semaphore, #tpu.memory_space<semaphore_mem>> -> memref<!tpu.dma_semaphore, #tpu.memory_space<semaphore_mem>>
    tpu.enqueue_indirect_dma source(%dma_start3A_58 : memref<1024x8xf32, #tpu.memory_space<vmem>>) target(%dma_start3A_64 : memref<50048x8xf32, #tpu.memory_space<vmem_shared>>) offsets(%dma_start3A_61 : memref<1024xi32, #tpu.memory_space<vmem>>) semaphore(%dma_start3A_66 : memref<!tpu.dma_semaphore, #tpu.memory_space<semaphore_mem>>) {add = true}
    %sub3A_67 = arith.constant 2 : i32
    %sub3A_68 = arith.subi %add3A_3, %sub3A_67 : i32
    %rem3A_69 = arith.constant 4 : i32
    %rem3A_70 = arith.remsi %sub3A_68, %rem3A_69 : i32
    %dma_wait3A = arith.constant 0 : i32
    %dma_wait3A_71 = arith.constant 0 : i32
    %dma_wait3A_72 = arith.constant 0 : i32
    %dma_wait3A_73 = tpu.memref_slice %arg8[%dma_wait3A, %dma_wait3A_71, %dma_wait3A_72] : memref<4x1024x8xf32, #tpu.memory_space<vmem>> -> memref<1x1024x8xf32, #tpu.memory_space<vmem>>
    %dma_wait3A_74 = tpu.memref_squeeze %dma_wait3A_73 : memref<1x1024x8xf32, #tpu.memory_space<vmem>> -> memref<1024x8xf32, #tpu.memory_space<vmem>>
    %dma_wait3A_75 = arith.constant 0 : i32
    %dma_wait3A_76 = tpu.memref_slice %arg7[%rem3A_70, %dma_wait3A_75] : memref<4x1024xi32, #tpu.memory_space<vmem>> -> memref<1x1024xi32, #tpu.memory_space<vmem>>
    %dma_wait3A_77 = tpu.memref_squeeze %dma_wait3A_76 : memref<1x1024xi32, #tpu.memory_space<vmem>> -> memref<1024xi32, #tpu.memory_space<vmem>>
    %dma_wait3A_78 = arith.constant 0 : i32
    %dma_wait3A_79 = arith.constant 0 : i32
    %dma_wait3A_80 = tpu.memref_slice %arg9[%dma_wait3A_78, %dma_wait3A_79] : memref<50048x8xf32, #tpu.memory_space<vmem_shared>> -> memref<50048x8xf32, #tpu.memory_space<vmem_shared>>
    %dma_wait3A_81 = tpu.memref_slice %arg12[%rem3A_70] : memref<4x!tpu.dma_semaphore, #tpu.memory_space<semaphore_mem>> -> memref<1x!tpu.dma_semaphore, #tpu.memory_space<semaphore_mem>>
    %dma_wait3A_82 = tpu.memref_squeeze %dma_wait3A_81 : memref<1x!tpu.dma_semaphore, #tpu.memory_space<semaphore_mem>> -> memref<!tpu.dma_semaphore, #tpu.memory_space<semaphore_mem>>
    tpu.wait_indirect_dma semaphore(%dma_wait3A_82 : memref<!tpu.dma_semaphore, #tpu.memory_space<semaphore_mem>>) src(%dma_wait3A_74 : memref<1024x8xf32, #tpu.memory_space<vmem>>) dst(%dma_wait3A_80 : memref<50048x8xf32, #tpu.memory_space<vmem_shared>>)
    %sub3A_83 = arith.constant 1 : i32
    %sub3A_84 = arith.subi %add3A_3, %sub3A_83 : i32
    %rem3A_85 = arith.constant 4 : i32
    %rem3A_86 = arith.remsi %sub3A_84, %rem3A_85 : i32
    %dma_wait3A_87 = arith.constant 0 : i32
    %dma_wait3A_88 = arith.constant 0 : i32
    %dma_wait3A_89 = arith.constant 0 : i32
    %dma_wait3A_90 = tpu.memref_slice %arg8[%dma_wait3A_87, %dma_wait3A_88, %dma_wait3A_89] : memref<4x1024x8xf32, #tpu.memory_space<vmem>> -> memref<1x1024x8xf32, #tpu.memory_space<vmem>>
    %dma_wait3A_91 = tpu.memref_squeeze %dma_wait3A_90 : memref<1x1024x8xf32, #tpu.memory_space<vmem>> -> memref<1024x8xf32, #tpu.memory_space<vmem>>
    %dma_wait3A_92 = arith.constant 0 : i32
    %dma_wait3A_93 = tpu.memref_slice %arg7[%rem3A_86, %dma_wait3A_92] : memref<4x1024xi32, #tpu.memory_space<vmem>> -> memref<1x1024xi32, #tpu.memory_space<vmem>>
    %dma_wait3A_94 = tpu.memref_squeeze %dma_wait3A_93 : memref<1x1024xi32, #tpu.memory_space<vmem>> -> memref<1024xi32, #tpu.memory_space<vmem>>
    %dma_wait3A_95 = arith.constant 0 : i32
    %dma_wait3A_96 = arith.constant 0 : i32
    %dma_wait3A_97 = tpu.memref_slice %arg9[%dma_wait3A_95, %dma_wait3A_96] : memref<50048x8xf32, #tpu.memory_space<vmem_shared>> -> memref<50048x8xf32, #tpu.memory_space<vmem_shared>>
    %dma_wait3A_98 = tpu.memref_slice %arg12[%rem3A_86] : memref<4x!tpu.dma_semaphore, #tpu.memory_space<semaphore_mem>> -> memref<1x!tpu.dma_semaphore, #tpu.memory_space<semaphore_mem>>
    %dma_wait3A_99 = tpu.memref_squeeze %dma_wait3A_98 : memref<1x!tpu.dma_semaphore, #tpu.memory_space<semaphore_mem>> -> memref<!tpu.dma_semaphore, #tpu.memory_space<semaphore_mem>>
    tpu.wait_indirect_dma semaphore(%dma_wait3A_99 : memref<!tpu.dma_semaphore, #tpu.memory_space<semaphore_mem>>) src(%dma_wait3A_91 : memref<1024x8xf32, #tpu.memory_space<vmem>>) dst(%dma_wait3A_97 : memref<50048x8xf32, #tpu.memory_space<vmem_shared>>)
    %barrier3A_100 = arith.constant 0 : index
    tpu.barrier barrier_id(%barrier3A_100)
    "tpu.region"() ({
      %run_scoped3A_101 = tpu.sem_alloc : memref<!tpu.dma_semaphore, #tpu.memory_space<semaphore_mem>>
      %dma_start3A_102 = arith.constant 0 : i32
      %dma_start3A_103 = arith.constant 0 : i32
      %dma_start3A_104 = tpu.memref_slice %arg5[%arg0, %dma_start3A_102, %dma_start3A_103] : memref<2x50048x8xf32, #tpu.memory_space<hbm>> -> memref<1x50048x8xf32, #tpu.memory_space<hbm>>
      %dma_start3A_105 = tpu.memref_squeeze %dma_start3A_104 : memref<1x50048x8xf32, #tpu.memory_space<hbm>> -> memref<50048x8xf32, #tpu.memory_space<hbm>>
      %dma_start3A_106 = arith.constant 0 : i32
      %dma_start3A_107 = tpu.memref_slice %dma_start3A_105[%mul3A_0, %dma_start3A_106] : memref<50048x8xf32, #tpu.memory_space<hbm>> -> memref<3128x8xf32, #tpu.memory_space<hbm>>
      %dma_start3A_108 = arith.constant 0 : i32
      %dma_start3A_109 = tpu.memref_slice %arg9[%mul3A_0, %dma_start3A_108] : memref<50048x8xf32, #tpu.memory_space<vmem_shared>> -> memref<3128x8xf32, #tpu.memory_space<vmem_shared>>
      tpu.enqueue_dma source(%dma_start3A_109 : memref<3128x8xf32, #tpu.memory_space<vmem_shared>>) target(%dma_start3A_107 : memref<3128x8xf32, #tpu.memory_space<hbm>>) target_semaphore(%run_scoped3A_101 : memref<!tpu.dma_semaphore, #tpu.memory_space<semaphore_mem>>)
      %dma_wait3A_110 = arith.constant 0 : i32
      %dma_wait3A_111 = arith.constant 0 : i32
      %dma_wait3A_112 = tpu.memref_slice %arg5[%arg0, %dma_wait3A_110, %dma_wait3A_111] : memref<2x50048x8xf32, #tpu.memory_space<hbm>> -> memref<1x50048x8xf32, #tpu.memory_space<hbm>>
      %dma_wait3A_113 = tpu.memref_squeeze %dma_wait3A_112 : memref<1x50048x8xf32, #tpu.memory_space<hbm>> -> memref<50048x8xf32, #tpu.memory_space<hbm>>
      %dma_wait3A_114 = arith.constant 0 : i32
      %dma_wait3A_115 = tpu.memref_slice %dma_wait3A_113[%mul3A_0, %dma_wait3A_114] : memref<50048x8xf32, #tpu.memory_space<hbm>> -> memref<3128x8xf32, #tpu.memory_space<hbm>>
      %dma_wait3A_116 = arith.constant 0 : i32
      %dma_wait3A_117 = tpu.memref_slice %arg9[%mul3A_0, %dma_wait3A_116] : memref<50048x8xf32, #tpu.memory_space<vmem_shared>> -> memref<3128x8xf32, #tpu.memory_space<vmem_shared>>
      tpu.wait_dma2 semaphore(%run_scoped3A_101 : memref<!tpu.dma_semaphore, #tpu.memory_space<semaphore_mem>>) src(%dma_wait3A_117 : memref<3128x8xf32, #tpu.memory_space<vmem_shared>>) dst(%dma_wait3A_115 : memref<3128x8xf32, #tpu.memory_space<hbm>>)
      tpu.yield
    }) : () -> ()
    return
  }
}

#map = affine_map<(d0, d1) -> (0)>
#map1 = affine_map<(d0, d1) -> (0, 0)>
#map2 = affine_map<(d0, d1) -> (0, 0, 0)>
module attributes {stable_mosaic.version = 14 : i64} {
  func.func @_sc_body(%arg0: i32, %arg1: i32, %arg2: memref<3211264xi32, #tpu.memory_space<hbm>>, %arg3: memref<3211264xi32, #tpu.memory_space<hbm>>, %arg4: memref<50048x16xf32, #tpu.memory_space<hbm>>, %arg5: memref<2x50048x16xf32, #tpu.memory_space<hbm>>, %arg6: memref<4x1024xi32, #tpu.memory_space<vmem>>, %arg7: memref<4x1024xi32, #tpu.memory_space<vmem>>, %arg8: memref<4x1024x16xf32, #tpu.memory_space<vmem>>, %arg9: memref<50048x16xf32, #tpu.memory_space<vmem_shared>>, %arg10: memref<4x!tpu.dma_semaphore, #tpu.memory_space<semaphore_mem>>, %arg11: memref<4x!tpu.dma_semaphore, #tpu.memory_space<semaphore_mem>>, %arg12: memref<4x!tpu.dma_semaphore, #tpu.memory_space<semaphore_mem>>) attributes {dimension_semantics = [#tpu.dimension_semantics<core_parallel>, #tpu.dimension_semantics<subcore_parallel>], iteration_bounds = array<i64: 2, 16>, scalar_prefetch = 0 : i64, scratch_operands = 7 : i64, tpu.core_type = #tpu.core_type<sc_vector_subcore>, window_params = [{transform_indices = #map}, {transform_indices = #map}, {transform_indices = #map1}, {transform_indices = #map2}]} {
    %mul3A = arith.constant 3128 : i32
    %mul3A_0 = arith.muli %arg1, %mul3A : i32
    %mul3A_1 = arith.constant -68 : i32
    %mul3A_2 = arith.muli %arg0, %mul3A_1 : i32
    %add3A = arith.constant 132 : i32
    %add3A_3 = arith.addi %add3A, %mul3A_2 : i32
    %mul3A_4 = arith.constant 16 : i32
    %mul3A_5 = arith.muli %arg0, %mul3A_4 : i32
    %mul3A_6 = arith.constant 132 : i32
    %mul3A_7 = arith.muli %mul3A_5, %mul3A_6 : i32
    %mul3A_8 = arith.muli %arg1, %add3A_3 : i32
    %add3A_9 = arith.addi %mul3A_7, %mul3A_8 : i32
    %mul3A_10 = arith.constant 1024 : i32
    %mul3A_11 = arith.muli %add3A_9, %mul3A_10 : i32
    "tpu.region"() ({
      %run_scoped3A = tpu.sem_alloc : memref<!tpu.dma_semaphore, #tpu.memory_space<semaphore_mem>>
      %dma_start3A_132 = arith.constant 0 : i32
      %dma_start3A_133 = tpu.memref_slice %arg9[%mul3A_0, %dma_start3A_132] : memref<50048x16xf32, #tpu.memory_space<vmem_shared>> -> memref<3128x16xf32, #tpu.memory_space<vmem_shared>>
      %dma_start3A_134 = arith.constant 0 : i32
      %dma_start3A_135 = tpu.memref_slice %arg4[%mul3A_0, %dma_start3A_134] : memref<50048x16xf32, #tpu.memory_space<hbm>> -> memref<3128x16xf32, #tpu.memory_space<hbm>>
      tpu.enqueue_dma source(%dma_start3A_135 : memref<3128x16xf32, #tpu.memory_space<hbm>>) target(%dma_start3A_133 : memref<3128x16xf32, #tpu.memory_space<vmem_shared>>) target_semaphore(%run_scoped3A : memref<!tpu.dma_semaphore, #tpu.memory_space<semaphore_mem>>)
      %dma_wait3A_136 = arith.constant 0 : i32
      %dma_wait3A_137 = tpu.memref_slice %arg9[%mul3A_0, %dma_wait3A_136] : memref<50048x16xf32, #tpu.memory_space<vmem_shared>> -> memref<3128x16xf32, #tpu.memory_space<vmem_shared>>
      %dma_wait3A_138 = arith.constant 0 : i32
      %dma_wait3A_139 = tpu.memref_slice %arg4[%mul3A_0, %dma_wait3A_138] : memref<50048x16xf32, #tpu.memory_space<hbm>> -> memref<3128x16xf32, #tpu.memory_space<hbm>>
      tpu.wait_dma2 semaphore(%run_scoped3A : memref<!tpu.dma_semaphore, #tpu.memory_space<semaphore_mem>>) src(%dma_wait3A_139 : memref<3128x16xf32, #tpu.memory_space<hbm>>) dst(%dma_wait3A_137 : memref<3128x16xf32, #tpu.memory_space<vmem_shared>>)
      tpu.yield
    }) : () -> ()
    %barrier3A = arith.constant 0 : index
    tpu.barrier barrier_id(%barrier3A)
    %rem3A = arith.constant 0 : i32
    %rem3A_12 = arith.constant 4 : i32
    %rem3A_13 = arith.remsi %rem3A, %rem3A_12 : i32
    %add3A_14 = arith.constant 0 : i32
    %add3A_15 = arith.addi %mul3A_11, %add3A_14 : i32
    %dma_start3A = arith.constant 0 : i32
    %dma_start3A_16 = tpu.memref_slice %arg7[%rem3A_13, %dma_start3A] : memref<4x1024xi32, #tpu.memory_space<vmem>> -> memref<1x1024xi32, #tpu.memory_space<vmem>>
    %dma_start3A_17 = tpu.memref_squeeze %dma_start3A_16 : memref<1x1024xi32, #tpu.memory_space<vmem>> -> memref<1024xi32, #tpu.memory_space<vmem>>
    %dma_start3A_18 = tpu.memref_slice %arg3[%add3A_15] : memref<3211264xi32, #tpu.memory_space<hbm>> -> memref<1024xi32, #tpu.memory_space<hbm>>
    %dma_start3A_19 = tpu.memref_slice %arg10[%rem3A_13] : memref<4x!tpu.dma_semaphore, #tpu.memory_space<semaphore_mem>> -> memref<1x!tpu.dma_semaphore, #tpu.memory_space<semaphore_mem>>
    %dma_start3A_20 = tpu.memref_squeeze %dma_start3A_19 : memref<1x!tpu.dma_semaphore, #tpu.memory_space<semaphore_mem>> -> memref<!tpu.dma_semaphore, #tpu.memory_space<semaphore_mem>>
    %dma_start3A_21 = arith.constant 0 : i32
    %dma_start3A_22 = tpu.memref_slice %arg7[%rem3A_13, %dma_start3A_21] : memref<4x1024xi32, #tpu.memory_space<vmem>> -> memref<1x1024xi32, #tpu.memory_space<vmem>>
    %dma_start3A_23 = tpu.memref_squeeze %dma_start3A_22 : memref<1x1024xi32, #tpu.memory_space<vmem>> -> memref<1024xi32, #tpu.memory_space<vmem>>
    %dma_start3A_24 = tpu.memref_slice %arg3[%add3A_15] : memref<3211264xi32, #tpu.memory_space<hbm>> -> memref<1024xi32, #tpu.memory_space<hbm>>
    tpu.enqueue_dma source(%dma_start3A_24 : memref<1024xi32, #tpu.memory_space<hbm>>) target(%dma_start3A_23 : memref<1024xi32, #tpu.memory_space<vmem>>) target_semaphore(%dma_start3A_20 : memref<!tpu.dma_semaphore, #tpu.memory_space<semaphore_mem>>)
    %dma_start3A_25 = arith.constant 0 : i32
    %dma_start3A_26 = tpu.memref_slice %arg6[%rem3A_13, %dma_start3A_25] : memref<4x1024xi32, #tpu.memory_space<vmem>> -> memref<1x1024xi32, #tpu.memory_space<vmem>>
    %dma_start3A_27 = tpu.memref_squeeze %dma_start3A_26 : memref<1x1024xi32, #tpu.memory_space<vmem>> -> memref<1024xi32, #tpu.memory_space<vmem>>
    %dma_start3A_28 = tpu.memref_slice %arg2[%add3A_15] : memref<3211264xi32, #tpu.memory_space<hbm>> -> memref<1024xi32, #tpu.memory_space<hbm>>
    %dma_start3A_29 = tpu.memref_slice %arg10[%rem3A_13] : memref<4x!tpu.dma_semaphore, #tpu.memory_space<semaphore_mem>> -> memref<1x!tpu.dma_semaphore, #tpu.memory_space<semaphore_mem>>
    %dma_start3A_30 = tpu.memref_squeeze %dma_start3A_29 : memref<1x!tpu.dma_semaphore, #tpu.memory_space<semaphore_mem>> -> memref<!tpu.dma_semaphore, #tpu.memory_space<semaphore_mem>>
    %dma_start3A_31 = arith.constant 0 : i32
    %dma_start3A_32 = tpu.memref_slice %arg6[%rem3A_13, %dma_start3A_31] : memref<4x1024xi32, #tpu.memory_space<vmem>> -> memref<1x1024xi32, #tpu.memory_space<vmem>>
    %dma_start3A_33 = tpu.memref_squeeze %dma_start3A_32 : memref<1x1024xi32, #tpu.memory_space<vmem>> -> memref<1024xi32, #tpu.memory_space<vmem>>
    %dma_start3A_34 = tpu.memref_slice %arg2[%add3A_15] : memref<3211264xi32, #tpu.memory_space<hbm>> -> memref<1024xi32, #tpu.memory_space<hbm>>
    tpu.enqueue_dma source(%dma_start3A_34 : memref<1024xi32, #tpu.memory_space<hbm>>) target(%dma_start3A_33 : memref<1024xi32, #tpu.memory_space<vmem>>) target_semaphore(%dma_start3A_30 : memref<!tpu.dma_semaphore, #tpu.memory_space<semaphore_mem>>)
    %rem3A_35 = arith.constant 1 : i32
    %rem3A_36 = arith.constant 4 : i32
    %rem3A_37 = arith.remsi %rem3A_35, %rem3A_36 : i32
    %add3A_38 = arith.constant 1024 : i32
    %add3A_39 = arith.addi %mul3A_11, %add3A_38 : i32
    %dma_start3A_40 = arith.constant 0 : i32
    %dma_start3A_41 = tpu.memref_slice %arg7[%rem3A_37, %dma_start3A_40] : memref<4x1024xi32, #tpu.memory_space<vmem>> -> memref<1x1024xi32, #tpu.memory_space<vmem>>
    %dma_start3A_42 = tpu.memref_squeeze %dma_start3A_41 : memref<1x1024xi32, #tpu.memory_space<vmem>> -> memref<1024xi32, #tpu.memory_space<vmem>>
    %dma_start3A_43 = tpu.memref_slice %arg3[%add3A_39] : memref<3211264xi32, #tpu.memory_space<hbm>> -> memref<1024xi32, #tpu.memory_space<hbm>>
    %dma_start3A_44 = tpu.memref_slice %arg10[%rem3A_37] : memref<4x!tpu.dma_semaphore, #tpu.memory_space<semaphore_mem>> -> memref<1x!tpu.dma_semaphore, #tpu.memory_space<semaphore_mem>>
    %dma_start3A_45 = tpu.memref_squeeze %dma_start3A_44 : memref<1x!tpu.dma_semaphore, #tpu.memory_space<semaphore_mem>> -> memref<!tpu.dma_semaphore, #tpu.memory_space<semaphore_mem>>
    %dma_start3A_46 = arith.constant 0 : i32
    %dma_start3A_47 = tpu.memref_slice %arg7[%rem3A_37, %dma_start3A_46] : memref<4x1024xi32, #tpu.memory_space<vmem>> -> memref<1x1024xi32, #tpu.memory_space<vmem>>
    %dma_start3A_48 = tpu.memref_squeeze %dma_start3A_47 : memref<1x1024xi32, #tpu.memory_space<vmem>> -> memref<1024xi32, #tpu.memory_space<vmem>>
    %dma_start3A_49 = tpu.memref_slice %arg3[%add3A_39] : memref<3211264xi32, #tpu.memory_space<hbm>> -> memref<1024xi32, #tpu.memory_space<hbm>>
    tpu.enqueue_dma source(%dma_start3A_49 : memref<1024xi32, #tpu.memory_space<hbm>>) target(%dma_start3A_48 : memref<1024xi32, #tpu.memory_space<vmem>>) target_semaphore(%dma_start3A_45 : memref<!tpu.dma_semaphore, #tpu.memory_space<semaphore_mem>>)
    %dma_start3A_50 = arith.constant 0 : i32
    %dma_start3A_51 = tpu.memref_slice %arg6[%rem3A_37, %dma_start3A_50] : memref<4x1024xi32, #tpu.memory_space<vmem>> -> memref<1x1024xi32, #tpu.memory_space<vmem>>
    %dma_start3A_52 = tpu.memref_squeeze %dma_start3A_51 : memref<1x1024xi32, #tpu.memory_space<vmem>> -> memref<1024xi32, #tpu.memory_space<vmem>>
    %dma_start3A_53 = tpu.memref_slice %arg2[%add3A_39] : memref<3211264xi32, #tpu.memory_space<hbm>> -> memref<1024xi32, #tpu.memory_space<hbm>>
    %dma_start3A_54 = tpu.memref_slice %arg10[%rem3A_37] : memref<4x!tpu.dma_semaphore, #tpu.memory_space<semaphore_mem>> -> memref<1x!tpu.dma_semaphore, #tpu.memory_space<semaphore_mem>>
    %dma_start3A_55 = tpu.memref_squeeze %dma_start3A_54 : memref<1x!tpu.dma_semaphore, #tpu.memory_space<semaphore_mem>> -> memref<!tpu.dma_semaphore, #tpu.memory_space<semaphore_mem>>
    %dma_start3A_56 = arith.constant 0 : i32
    %dma_start3A_57 = tpu.memref_slice %arg6[%rem3A_37, %dma_start3A_56] : memref<4x1024xi32, #tpu.memory_space<vmem>> -> memref<1x1024xi32, #tpu.memory_space<vmem>>
    %dma_start3A_58 = tpu.memref_squeeze %dma_start3A_57 : memref<1x1024xi32, #tpu.memory_space<vmem>> -> memref<1024xi32, #tpu.memory_space<vmem>>
    %dma_start3A_59 = tpu.memref_slice %arg2[%add3A_39] : memref<3211264xi32, #tpu.memory_space<hbm>> -> memref<1024xi32, #tpu.memory_space<hbm>>
    tpu.enqueue_dma source(%dma_start3A_59 : memref<1024xi32, #tpu.memory_space<hbm>>) target(%dma_start3A_58 : memref<1024xi32, #tpu.memory_space<vmem>>) target_semaphore(%dma_start3A_55 : memref<!tpu.dma_semaphore, #tpu.memory_space<semaphore_mem>>)
    %while3A = arith.constant 0 : i32
    %while3A_60 = arith.constant 0 : i32
    %while3A_61 = arith.subi %add3A_3, %while3A_60 : i32
    %while3A_62 = arith.addi %while3A_60, %while3A_61 : i32
    %while3A_63 = arith.constant 1 : i32
    %while3A_64 = arith.divsi %while3A_61, %while3A_63 : i32
    %while3A_65 = arith.muli %while3A_64, %while3A_63 : i32
    %while3A_66 = arith.addi %while3A_60, %while3A_65 : i32
    %while3A_67 = arith.constant 1 : i32
    scf.for %while3A_132 = %while3A_60 to %while3A_66 step %while3A_67  : i32 {
      %rem3A_133 = arith.constant 4 : i32
      %rem3A_134 = arith.remsi %while3A_132, %rem3A_133 : i32
      %dma_wait3A_135 = arith.constant 0 : i32
      %dma_wait3A_136 = tpu.memref_slice %arg7[%rem3A_134, %dma_wait3A_135] : memref<4x1024xi32, #tpu.memory_space<vmem>> -> memref<1x1024xi32, #tpu.memory_space<vmem>>
      %dma_wait3A_137 = tpu.memref_squeeze %dma_wait3A_136 : memref<1x1024xi32, #tpu.memory_space<vmem>> -> memref<1024xi32, #tpu.memory_space<vmem>>
      %dma_wait3A_138 = arith.constant 0 : i32
      %dma_wait3A_139 = tpu.memref_slice %arg3[%dma_wait3A_138] : memref<3211264xi32, #tpu.memory_space<hbm>> -> memref<1024xi32, #tpu.memory_space<hbm>>
      %dma_wait3A_140 = tpu.memref_slice %arg10[%rem3A_134] : memref<4x!tpu.dma_semaphore, #tpu.memory_space<semaphore_mem>> -> memref<1x!tpu.dma_semaphore, #tpu.memory_space<semaphore_mem>>
      %dma_wait3A_141 = tpu.memref_squeeze %dma_wait3A_140 : memref<1x!tpu.dma_semaphore, #tpu.memory_space<semaphore_mem>> -> memref<!tpu.dma_semaphore, #tpu.memory_space<semaphore_mem>>
      %dma_wait3A_142 = arith.constant 0 : i32
      %dma_wait3A_143 = tpu.memref_slice %arg7[%rem3A_134, %dma_wait3A_142] : memref<4x1024xi32, #tpu.memory_space<vmem>> -> memref<1x1024xi32, #tpu.memory_space<vmem>>
      %dma_wait3A_144 = tpu.memref_squeeze %dma_wait3A_143 : memref<1x1024xi32, #tpu.memory_space<vmem>> -> memref<1024xi32, #tpu.memory_space<vmem>>
      %dma_wait3A_145 = arith.constant 0 : i32
      %dma_wait3A_146 = tpu.memref_slice %arg3[%dma_wait3A_145] : memref<3211264xi32, #tpu.memory_space<hbm>> -> memref<1024xi32, #tpu.memory_space<hbm>>
      tpu.wait_dma2 semaphore(%dma_wait3A_141 : memref<!tpu.dma_semaphore, #tpu.memory_space<semaphore_mem>>) src(%dma_wait3A_146 : memref<1024xi32, #tpu.memory_space<hbm>>) dst(%dma_wait3A_144 : memref<1024xi32, #tpu.memory_space<vmem>>)
      %dma_wait3A_147 = arith.constant 0 : i32
      %dma_wait3A_148 = tpu.memref_slice %arg6[%rem3A_134, %dma_wait3A_147] : memref<4x1024xi32, #tpu.memory_space<vmem>> -> memref<1x1024xi32, #tpu.memory_space<vmem>>
      %dma_wait3A_149 = tpu.memref_squeeze %dma_wait3A_148 : memref<1x1024xi32, #tpu.memory_space<vmem>> -> memref<1024xi32, #tpu.memory_space<vmem>>
      %dma_wait3A_150 = arith.constant 0 : i32
      %dma_wait3A_151 = tpu.memref_slice %arg2[%dma_wait3A_150] : memref<3211264xi32, #tpu.memory_space<hbm>> -> memref<1024xi32, #tpu.memory_space<hbm>>
      %dma_wait3A_152 = tpu.memref_slice %arg10[%rem3A_134] : memref<4x!tpu.dma_semaphore, #tpu.memory_space<semaphore_mem>> -> memref<1x!tpu.dma_semaphore, #tpu.memory_space<semaphore_mem>>
      %dma_wait3A_153 = tpu.memref_squeeze %dma_wait3A_152 : memref<1x!tpu.dma_semaphore, #tpu.memory_space<semaphore_mem>> -> memref<!tpu.dma_semaphore, #tpu.memory_space<semaphore_mem>>
      %dma_wait3A_154 = arith.constant 0 : i32
      %dma_wait3A_155 = tpu.memref_slice %arg6[%rem3A_134, %dma_wait3A_154] : memref<4x1024xi32, #tpu.memory_space<vmem>> -> memref<1x1024xi32, #tpu.memory_space<vmem>>
      %dma_wait3A_156 = tpu.memref_squeeze %dma_wait3A_155 : memref<1x1024xi32, #tpu.memory_space<vmem>> -> memref<1024xi32, #tpu.memory_space<vmem>>
      %dma_wait3A_157 = arith.constant 0 : i32
      %dma_wait3A_158 = tpu.memref_slice %arg2[%dma_wait3A_157] : memref<3211264xi32, #tpu.memory_space<hbm>> -> memref<1024xi32, #tpu.memory_space<hbm>>
      tpu.wait_dma2 semaphore(%dma_wait3A_153 : memref<!tpu.dma_semaphore, #tpu.memory_space<semaphore_mem>>) src(%dma_wait3A_158 : memref<1024xi32, #tpu.memory_space<hbm>>) dst(%dma_wait3A_156 : memref<1024xi32, #tpu.memory_space<vmem>>)
      %rem3A_159 = arith.constant 4 : i32
      %rem3A_160 = arith.remsi %while3A_132, %rem3A_159 : i32
      %dma_start3A_161 = arith.constant 0 : i32
      %dma_start3A_162 = arith.constant 0 : i32
      %dma_start3A_163 = tpu.memref_slice %arg8[%rem3A_160, %dma_start3A_161, %dma_start3A_162] : memref<4x1024x16xf32, #tpu.memory_space<vmem>> -> memref<1x1024x16xf32, #tpu.memory_space<vmem>>
      %dma_start3A_164 = tpu.memref_squeeze %dma_start3A_163 : memref<1x1024x16xf32, #tpu.memory_space<vmem>> -> memref<1024x16xf32, #tpu.memory_space<vmem>>
      %dma_start3A_165 = arith.constant 0 : i32
      %dma_start3A_166 = tpu.memref_slice %arg6[%rem3A_160, %dma_start3A_165] : memref<4x1024xi32, #tpu.memory_space<vmem>> -> memref<1x1024xi32, #tpu.memory_space<vmem>>
      %dma_start3A_167 = tpu.memref_squeeze %dma_start3A_166 : memref<1x1024xi32, #tpu.memory_space<vmem>> -> memref<1024xi32, #tpu.memory_space<vmem>>
      %dma_start3A_168 = arith.constant 0 : i32
      %dma_start3A_169 = arith.constant 0 : i32
      %dma_start3A_170 = tpu.memref_slice %arg4[%dma_start3A_168, %dma_start3A_169] : memref<50048x16xf32, #tpu.memory_space<hbm>> -> memref<50048x16xf32, #tpu.memory_space<hbm>>
      %dma_start3A_171 = tpu.memref_slice %arg11[%rem3A_160] : memref<4x!tpu.dma_semaphore, #tpu.memory_space<semaphore_mem>> -> memref<1x!tpu.dma_semaphore, #tpu.memory_space<semaphore_mem>>
      %dma_start3A_172 = tpu.memref_squeeze %dma_start3A_171 : memref<1x!tpu.dma_semaphore, #tpu.memory_space<semaphore_mem>> -> memref<!tpu.dma_semaphore, #tpu.memory_space<semaphore_mem>>
      tpu.enqueue_indirect_dma source(%dma_start3A_170 : memref<50048x16xf32, #tpu.memory_space<hbm>>) target(%dma_start3A_164 : memref<1024x16xf32, #tpu.memory_space<vmem>>) offsets(%dma_start3A_167 : memref<1024xi32, #tpu.memory_space<vmem>>) semaphore(%dma_start3A_172 : memref<!tpu.dma_semaphore, #tpu.memory_space<semaphore_mem>>)
      %ge3A = arith.constant 1 : i32
      %ge3A_173 = arith.cmpi sge, %while3A_132, %ge3A : i32
      %convert_element_type3A = arith.extui %ge3A_173 : i1 to i32
      %cond3A = arith.constant 0 : i32
      %cond3A_174 = arith.cmpi ne, %convert_element_type3A, %cond3A : i32
      scf.if %cond3A_174 {
        %sub3A_185 = arith.constant 1 : i32
        %sub3A_186 = arith.subi %while3A_132, %sub3A_185 : i32
        %rem3A_187 = arith.constant 4 : i32
        %rem3A_188 = arith.remsi %sub3A_186, %rem3A_187 : i32
        %dma_wait3A_189 = arith.constant 0 : i32
        %dma_wait3A_190 = arith.constant 0 : i32
        %dma_wait3A_191 = tpu.memref_slice %arg8[%rem3A_188, %dma_wait3A_189, %dma_wait3A_190] : memref<4x1024x16xf32, #tpu.memory_space<vmem>> -> memref<1x1024x16xf32, #tpu.memory_space<vmem>>
        %dma_wait3A_192 = tpu.memref_squeeze %dma_wait3A_191 : memref<1x1024x16xf32, #tpu.memory_space<vmem>> -> memref<1024x16xf32, #tpu.memory_space<vmem>>
        %dma_wait3A_193 = arith.constant 0 : i32
        %dma_wait3A_194 = tpu.memref_slice %arg6[%rem3A_188, %dma_wait3A_193] : memref<4x1024xi32, #tpu.memory_space<vmem>> -> memref<1x1024xi32, #tpu.memory_space<vmem>>
        %dma_wait3A_195 = tpu.memref_squeeze %dma_wait3A_194 : memref<1x1024xi32, #tpu.memory_space<vmem>> -> memref<1024xi32, #tpu.memory_space<vmem>>
        %dma_wait3A_196 = arith.constant 0 : i32
        %dma_wait3A_197 = arith.constant 0 : i32
        %dma_wait3A_198 = tpu.memref_slice %arg4[%dma_wait3A_196, %dma_wait3A_197] : memref<50048x16xf32, #tpu.memory_space<hbm>> -> memref<50048x16xf32, #tpu.memory_space<hbm>>
        %dma_wait3A_199 = tpu.memref_slice %arg11[%rem3A_188] : memref<4x!tpu.dma_semaphore, #tpu.memory_space<semaphore_mem>> -> memref<1x!tpu.dma_semaphore, #tpu.memory_space<semaphore_mem>>
        %dma_wait3A_200 = tpu.memref_squeeze %dma_wait3A_199 : memref<1x!tpu.dma_semaphore, #tpu.memory_space<semaphore_mem>> -> memref<!tpu.dma_semaphore, #tpu.memory_space<semaphore_mem>>
        tpu.wait_indirect_dma semaphore(%dma_wait3A_200 : memref<!tpu.dma_semaphore, #tpu.memory_space<semaphore_mem>>) src(%dma_wait3A_198 : memref<50048x16xf32, #tpu.memory_space<hbm>>) dst(%dma_wait3A_192 : memref<1024x16xf32, #tpu.memory_space<vmem>>)
        %sub3A_201 = arith.constant 1 : i32
        %sub3A_202 = arith.subi %while3A_132, %sub3A_201 : i32
        %rem3A_203 = arith.constant 4 : i32
        %rem3A_204 = arith.remsi %sub3A_202, %rem3A_203 : i32
        %dma_start3A_205 = arith.constant 0 : i32
        %dma_start3A_206 = arith.constant 0 : i32
        %dma_start3A_207 = tpu.memref_slice %arg8[%rem3A_204, %dma_start3A_205, %dma_start3A_206] : memref<4x1024x16xf32, #tpu.memory_space<vmem>> -> memref<1x1024x16xf32, #tpu.memory_space<vmem>>
        %dma_start3A_208 = tpu.memref_squeeze %dma_start3A_207 : memref<1x1024x16xf32, #tpu.memory_space<vmem>> -> memref<1024x16xf32, #tpu.memory_space<vmem>>
        %dma_start3A_209 = arith.constant 0 : i32
        %dma_start3A_210 = tpu.memref_slice %arg7[%rem3A_204, %dma_start3A_209] : memref<4x1024xi32, #tpu.memory_space<vmem>> -> memref<1x1024xi32, #tpu.memory_space<vmem>>
        %dma_start3A_211 = tpu.memref_squeeze %dma_start3A_210 : memref<1x1024xi32, #tpu.memory_space<vmem>> -> memref<1024xi32, #tpu.memory_space<vmem>>
        %dma_start3A_212 = arith.constant 0 : i32
        %dma_start3A_213 = arith.constant 0 : i32
        %dma_start3A_214 = tpu.memref_slice %arg9[%dma_start3A_212, %dma_start3A_213] : memref<50048x16xf32, #tpu.memory_space<vmem_shared>> -> memref<50048x16xf32, #tpu.memory_space<vmem_shared>>
        %dma_start3A_215 = tpu.memref_slice %arg12[%rem3A_204] : memref<4x!tpu.dma_semaphore, #tpu.memory_space<semaphore_mem>> -> memref<1x!tpu.dma_semaphore, #tpu.memory_space<semaphore_mem>>
        %dma_start3A_216 = tpu.memref_squeeze %dma_start3A_215 : memref<1x!tpu.dma_semaphore, #tpu.memory_space<semaphore_mem>> -> memref<!tpu.dma_semaphore, #tpu.memory_space<semaphore_mem>>
        tpu.enqueue_indirect_dma source(%dma_start3A_208 : memref<1024x16xf32, #tpu.memory_space<vmem>>) target(%dma_start3A_214 : memref<50048x16xf32, #tpu.memory_space<vmem_shared>>) offsets(%dma_start3A_211 : memref<1024xi32, #tpu.memory_space<vmem>>) semaphore(%dma_start3A_216 : memref<!tpu.dma_semaphore, #tpu.memory_space<semaphore_mem>>) {add = true}
      } else {
      }
      %ge3A_175 = arith.constant 2 : i32
      %ge3A_176 = arith.cmpi sge, %while3A_132, %ge3A_175 : i32
      %convert_element_type3A_177 = arith.extui %ge3A_176 : i1 to i32
      %cond3A_178 = arith.constant 0 : i32
      %cond3A_179 = arith.cmpi ne, %convert_element_type3A_177, %cond3A_178 : i32
      scf.if %cond3A_179 {
        %sub3A_185 = arith.constant 2 : i32
        %sub3A_186 = arith.subi %while3A_132, %sub3A_185 : i32
        %rem3A_187 = arith.constant 4 : i32
        %rem3A_188 = arith.remsi %sub3A_186, %rem3A_187 : i32
        %dma_wait3A_189 = arith.constant 0 : i32
        %dma_wait3A_190 = arith.constant 0 : i32
        %dma_wait3A_191 = tpu.memref_slice %arg8[%rem3A_188, %dma_wait3A_189, %dma_wait3A_190] : memref<4x1024x16xf32, #tpu.memory_space<vmem>> -> memref<1x1024x16xf32, #tpu.memory_space<vmem>>
        %dma_wait3A_192 = tpu.memref_squeeze %dma_wait3A_191 : memref<1x1024x16xf32, #tpu.memory_space<vmem>> -> memref<1024x16xf32, #tpu.memory_space<vmem>>
        %dma_wait3A_193 = arith.constant 0 : i32
        %dma_wait3A_194 = tpu.memref_slice %arg7[%rem3A_188, %dma_wait3A_193] : memref<4x1024xi32, #tpu.memory_space<vmem>> -> memref<1x1024xi32, #tpu.memory_space<vmem>>
        %dma_wait3A_195 = tpu.memref_squeeze %dma_wait3A_194 : memref<1x1024xi32, #tpu.memory_space<vmem>> -> memref<1024xi32, #tpu.memory_space<vmem>>
        %dma_wait3A_196 = arith.constant 0 : i32
        %dma_wait3A_197 = arith.constant 0 : i32
        %dma_wait3A_198 = tpu.memref_slice %arg9[%dma_wait3A_196, %dma_wait3A_197] : memref<50048x16xf32, #tpu.memory_space<vmem_shared>> -> memref<50048x16xf32, #tpu.memory_space<vmem_shared>>
        %dma_wait3A_199 = tpu.memref_slice %arg12[%rem3A_188] : memref<4x!tpu.dma_semaphore, #tpu.memory_space<semaphore_mem>> -> memref<1x!tpu.dma_semaphore, #tpu.memory_space<semaphore_mem>>
        %dma_wait3A_200 = tpu.memref_squeeze %dma_wait3A_199 : memref<1x!tpu.dma_semaphore, #tpu.memory_space<semaphore_mem>> -> memref<!tpu.dma_semaphore, #tpu.memory_space<semaphore_mem>>
        tpu.wait_indirect_dma semaphore(%dma_wait3A_200 : memref<!tpu.dma_semaphore, #tpu.memory_space<semaphore_mem>>) src(%dma_wait3A_192 : memref<1024x16xf32, #tpu.memory_space<vmem>>) dst(%dma_wait3A_198 : memref<50048x16xf32, #tpu.memory_space<vmem_shared>>)
      } else {
      }
      %add3A_180 = arith.constant 2 : i32
      %add3A_181 = arith.addi %while3A_132, %add3A_180 : i32
      %lt3A = arith.cmpi slt, %add3A_181, %add3A_3 : i32
      %convert_element_type3A_182 = arith.extui %lt3A : i1 to i32
      %cond3A_183 = arith.constant 0 : i32
      %cond3A_184 = arith.cmpi ne, %convert_element_type3A_182, %cond3A_183 : i32
      scf.if %cond3A_184 {
        %add3A_185 = arith.constant 2 : i32
        %add3A_186 = arith.addi %while3A_132, %add3A_185 : i32
        %rem3A_187 = arith.constant 4 : i32
        %rem3A_188 = arith.remsi %add3A_186, %rem3A_187 : i32
        %mul3A_189 = arith.constant 1024 : i32
        %mul3A_190 = arith.muli %add3A_186, %mul3A_189 : i32
        %add3A_191 = arith.addi %mul3A_11, %mul3A_190 : i32
        %dma_start3A_192 = arith.constant 0 : i32
        %dma_start3A_193 = tpu.memref_slice %arg7[%rem3A_188, %dma_start3A_192] : memref<4x1024xi32, #tpu.memory_space<vmem>> -> memref<1x1024xi32, #tpu.memory_space<vmem>>
        %dma_start3A_194 = tpu.memref_squeeze %dma_start3A_193 : memref<1x1024xi32, #tpu.memory_space<vmem>> -> memref<1024xi32, #tpu.memory_space<vmem>>
        %dma_start3A_195 = tpu.memref_slice %arg3[%add3A_191] : memref<3211264xi32, #tpu.memory_space<hbm>> -> memref<1024xi32, #tpu.memory_space<hbm>>
        %dma_start3A_196 = tpu.memref_slice %arg10[%rem3A_188] : memref<4x!tpu.dma_semaphore, #tpu.memory_space<semaphore_mem>> -> memref<1x!tpu.dma_semaphore, #tpu.memory_space<semaphore_mem>>
        %dma_start3A_197 = tpu.memref_squeeze %dma_start3A_196 : memref<1x!tpu.dma_semaphore, #tpu.memory_space<semaphore_mem>> -> memref<!tpu.dma_semaphore, #tpu.memory_space<semaphore_mem>>
        %dma_start3A_198 = arith.constant 0 : i32
        %dma_start3A_199 = tpu.memref_slice %arg7[%rem3A_188, %dma_start3A_198] : memref<4x1024xi32, #tpu.memory_space<vmem>> -> memref<1x1024xi32, #tpu.memory_space<vmem>>
        %dma_start3A_200 = tpu.memref_squeeze %dma_start3A_199 : memref<1x1024xi32, #tpu.memory_space<vmem>> -> memref<1024xi32, #tpu.memory_space<vmem>>
        %dma_start3A_201 = tpu.memref_slice %arg3[%add3A_191] : memref<3211264xi32, #tpu.memory_space<hbm>> -> memref<1024xi32, #tpu.memory_space<hbm>>
        tpu.enqueue_dma source(%dma_start3A_201 : memref<1024xi32, #tpu.memory_space<hbm>>) target(%dma_start3A_200 : memref<1024xi32, #tpu.memory_space<vmem>>) target_semaphore(%dma_start3A_197 : memref<!tpu.dma_semaphore, #tpu.memory_space<semaphore_mem>>)
        %dma_start3A_202 = arith.constant 0 : i32
        %dma_start3A_203 = tpu.memref_slice %arg6[%rem3A_188, %dma_start3A_202] : memref<4x1024xi32, #tpu.memory_space<vmem>> -> memref<1x1024xi32, #tpu.memory_space<vmem>>
        %dma_start3A_204 = tpu.memref_squeeze %dma_start3A_203 : memref<1x1024xi32, #tpu.memory_space<vmem>> -> memref<1024xi32, #tpu.memory_space<vmem>>
        %dma_start3A_205 = tpu.memref_slice %arg2[%add3A_191] : memref<3211264xi32, #tpu.memory_space<hbm>> -> memref<1024xi32, #tpu.memory_space<hbm>>
        %dma_start3A_206 = tpu.memref_slice %arg10[%rem3A_188] : memref<4x!tpu.dma_semaphore, #tpu.memory_space<semaphore_mem>> -> memref<1x!tpu.dma_semaphore, #tpu.memory_space<semaphore_mem>>
        %dma_start3A_207 = tpu.memref_squeeze %dma_start3A_206 : memref<1x!tpu.dma_semaphore, #tpu.memory_space<semaphore_mem>> -> memref<!tpu.dma_semaphore, #tpu.memory_space<semaphore_mem>>
        %dma_start3A_208 = arith.constant 0 : i32
        %dma_start3A_209 = tpu.memref_slice %arg6[%rem3A_188, %dma_start3A_208] : memref<4x1024xi32, #tpu.memory_space<vmem>> -> memref<1x1024xi32, #tpu.memory_space<vmem>>
        %dma_start3A_210 = tpu.memref_squeeze %dma_start3A_209 : memref<1x1024xi32, #tpu.memory_space<vmem>> -> memref<1024xi32, #tpu.memory_space<vmem>>
        %dma_start3A_211 = tpu.memref_slice %arg2[%add3A_191] : memref<3211264xi32, #tpu.memory_space<hbm>> -> memref<1024xi32, #tpu.memory_space<hbm>>
        tpu.enqueue_dma source(%dma_start3A_211 : memref<1024xi32, #tpu.memory_space<hbm>>) target(%dma_start3A_210 : memref<1024xi32, #tpu.memory_space<vmem>>) target_semaphore(%dma_start3A_207 : memref<!tpu.dma_semaphore, #tpu.memory_space<semaphore_mem>>)
      } else {
      }
    }
    %while3A_68 = arith.constant 1 : i32
    scf.for %while3A_132 = %while3A_66 to %while3A_62 step %while3A_68  : i32 {
      %rem3A_133 = arith.constant 4 : i32
      %rem3A_134 = arith.remsi %while3A_132, %rem3A_133 : i32
      %dma_wait3A_135 = arith.constant 0 : i32
      %dma_wait3A_136 = tpu.memref_slice %arg7[%rem3A_134, %dma_wait3A_135] : memref<4x1024xi32, #tpu.memory_space<vmem>> -> memref<1x1024xi32, #tpu.memory_space<vmem>>
      %dma_wait3A_137 = tpu.memref_squeeze %dma_wait3A_136 : memref<1x1024xi32, #tpu.memory_space<vmem>> -> memref<1024xi32, #tpu.memory_space<vmem>>
      %dma_wait3A_138 = arith.constant 0 : i32
      %dma_wait3A_139 = tpu.memref_slice %arg3[%dma_wait3A_138] : memref<3211264xi32, #tpu.memory_space<hbm>> -> memref<1024xi32, #tpu.memory_space<hbm>>
      %dma_wait3A_140 = tpu.memref_slice %arg10[%rem3A_134] : memref<4x!tpu.dma_semaphore, #tpu.memory_space<semaphore_mem>> -> memref<1x!tpu.dma_semaphore, #tpu.memory_space<semaphore_mem>>
      %dma_wait3A_141 = tpu.memref_squeeze %dma_wait3A_140 : memref<1x!tpu.dma_semaphore, #tpu.memory_space<semaphore_mem>> -> memref<!tpu.dma_semaphore, #tpu.memory_space<semaphore_mem>>
      %dma_wait3A_142 = arith.constant 0 : i32
      %dma_wait3A_143 = tpu.memref_slice %arg7[%rem3A_134, %dma_wait3A_142] : memref<4x1024xi32, #tpu.memory_space<vmem>> -> memref<1x1024xi32, #tpu.memory_space<vmem>>
      %dma_wait3A_144 = tpu.memref_squeeze %dma_wait3A_143 : memref<1x1024xi32, #tpu.memory_space<vmem>> -> memref<1024xi32, #tpu.memory_space<vmem>>
      %dma_wait3A_145 = arith.constant 0 : i32
      %dma_wait3A_146 = tpu.memref_slice %arg3[%dma_wait3A_145] : memref<3211264xi32, #tpu.memory_space<hbm>> -> memref<1024xi32, #tpu.memory_space<hbm>>
      tpu.wait_dma2 semaphore(%dma_wait3A_141 : memref<!tpu.dma_semaphore, #tpu.memory_space<semaphore_mem>>) src(%dma_wait3A_146 : memref<1024xi32, #tpu.memory_space<hbm>>) dst(%dma_wait3A_144 : memref<1024xi32, #tpu.memory_space<vmem>>)
      %dma_wait3A_147 = arith.constant 0 : i32
      %dma_wait3A_148 = tpu.memref_slice %arg6[%rem3A_134, %dma_wait3A_147] : memref<4x1024xi32, #tpu.memory_space<vmem>> -> memref<1x1024xi32, #tpu.memory_space<vmem>>
      %dma_wait3A_149 = tpu.memref_squeeze %dma_wait3A_148 : memref<1x1024xi32, #tpu.memory_space<vmem>> -> memref<1024xi32, #tpu.memory_space<vmem>>
      %dma_wait3A_150 = arith.constant 0 : i32
      %dma_wait3A_151 = tpu.memref_slice %arg2[%dma_wait3A_150] : memref<3211264xi32, #tpu.memory_space<hbm>> -> memref<1024xi32, #tpu.memory_space<hbm>>
      %dma_wait3A_152 = tpu.memref_slice %arg10[%rem3A_134] : memref<4x!tpu.dma_semaphore, #tpu.memory_space<semaphore_mem>> -> memref<1x!tpu.dma_semaphore, #tpu.memory_space<semaphore_mem>>
      %dma_wait3A_153 = tpu.memref_squeeze %dma_wait3A_152 : memref<1x!tpu.dma_semaphore, #tpu.memory_space<semaphore_mem>> -> memref<!tpu.dma_semaphore, #tpu.memory_space<semaphore_mem>>
      %dma_wait3A_154 = arith.constant 0 : i32
      %dma_wait3A_155 = tpu.memref_slice %arg6[%rem3A_134, %dma_wait3A_154] : memref<4x1024xi32, #tpu.memory_space<vmem>> -> memref<1x1024xi32, #tpu.memory_space<vmem>>
      %dma_wait3A_156 = tpu.memref_squeeze %dma_wait3A_155 : memref<1x1024xi32, #tpu.memory_space<vmem>> -> memref<1024xi32, #tpu.memory_space<vmem>>
      %dma_wait3A_157 = arith.constant 0 : i32
      %dma_wait3A_158 = tpu.memref_slice %arg2[%dma_wait3A_157] : memref<3211264xi32, #tpu.memory_space<hbm>> -> memref<1024xi32, #tpu.memory_space<hbm>>
      tpu.wait_dma2 semaphore(%dma_wait3A_153 : memref<!tpu.dma_semaphore, #tpu.memory_space<semaphore_mem>>) src(%dma_wait3A_158 : memref<1024xi32, #tpu.memory_space<hbm>>) dst(%dma_wait3A_156 : memref<1024xi32, #tpu.memory_space<vmem>>)
      %rem3A_159 = arith.constant 4 : i32
      %rem3A_160 = arith.remsi %while3A_132, %rem3A_159 : i32
      %dma_start3A_161 = arith.constant 0 : i32
      %dma_start3A_162 = arith.constant 0 : i32
      %dma_start3A_163 = tpu.memref_slice %arg8[%rem3A_160, %dma_start3A_161, %dma_start3A_162] : memref<4x1024x16xf32, #tpu.memory_space<vmem>> -> memref<1x1024x16xf32, #tpu.memory_space<vmem>>
      %dma_start3A_164 = tpu.memref_squeeze %dma_start3A_163 : memref<1x1024x16xf32, #tpu.memory_space<vmem>> -> memref<1024x16xf32, #tpu.memory_space<vmem>>
      %dma_start3A_165 = arith.constant 0 : i32
      %dma_start3A_166 = tpu.memref_slice %arg6[%rem3A_160, %dma_start3A_165] : memref<4x1024xi32, #tpu.memory_space<vmem>> -> memref<1x1024xi32, #tpu.memory_space<vmem>>
      %dma_start3A_167 = tpu.memref_squeeze %dma_start3A_166 : memref<1x1024xi32, #tpu.memory_space<vmem>> -> memref<1024xi32, #tpu.memory_space<vmem>>
      %dma_start3A_168 = arith.constant 0 : i32
      %dma_start3A_169 = arith.constant 0 : i32
      %dma_start3A_170 = tpu.memref_slice %arg4[%dma_start3A_168, %dma_start3A_169] : memref<50048x16xf32, #tpu.memory_space<hbm>> -> memref<50048x16xf32, #tpu.memory_space<hbm>>
      %dma_start3A_171 = tpu.memref_slice %arg11[%rem3A_160] : memref<4x!tpu.dma_semaphore, #tpu.memory_space<semaphore_mem>> -> memref<1x!tpu.dma_semaphore, #tpu.memory_space<semaphore_mem>>
      %dma_start3A_172 = tpu.memref_squeeze %dma_start3A_171 : memref<1x!tpu.dma_semaphore, #tpu.memory_space<semaphore_mem>> -> memref<!tpu.dma_semaphore, #tpu.memory_space<semaphore_mem>>
      tpu.enqueue_indirect_dma source(%dma_start3A_170 : memref<50048x16xf32, #tpu.memory_space<hbm>>) target(%dma_start3A_164 : memref<1024x16xf32, #tpu.memory_space<vmem>>) offsets(%dma_start3A_167 : memref<1024xi32, #tpu.memory_space<vmem>>) semaphore(%dma_start3A_172 : memref<!tpu.dma_semaphore, #tpu.memory_space<semaphore_mem>>)
      %ge3A = arith.constant 1 : i32
      %ge3A_173 = arith.cmpi sge, %while3A_132, %ge3A : i32
      %convert_element_type3A = arith.extui %ge3A_173 : i1 to i32
      %cond3A = arith.constant 0 : i32
      %cond3A_174 = arith.cmpi ne, %convert_element_type3A, %cond3A : i32
      scf.if %cond3A_174 {
        %sub3A_185 = arith.constant 1 : i32
        %sub3A_186 = arith.subi %while3A_132, %sub3A_185 : i32
        %rem3A_187 = arith.constant 4 : i32
        %rem3A_188 = arith.remsi %sub3A_186, %rem3A_187 : i32
        %dma_wait3A_189 = arith.constant 0 : i32
        %dma_wait3A_190 = arith.constant 0 : i32
        %dma_wait3A_191 = tpu.memref_slice %arg8[%rem3A_188, %dma_wait3A_189, %dma_wait3A_190] : memref<4x1024x16xf32, #tpu.memory_space<vmem>> -> memref<1x1024x16xf32, #tpu.memory_space<vmem>>
        %dma_wait3A_192 = tpu.memref_squeeze %dma_wait3A_191 : memref<1x1024x16xf32, #tpu.memory_space<vmem>> -> memref<1024x16xf32, #tpu.memory_space<vmem>>
        %dma_wait3A_193 = arith.constant 0 : i32
        %dma_wait3A_194 = tpu.memref_slice %arg6[%rem3A_188, %dma_wait3A_193] : memref<4x1024xi32, #tpu.memory_space<vmem>> -> memref<1x1024xi32, #tpu.memory_space<vmem>>
        %dma_wait3A_195 = tpu.memref_squeeze %dma_wait3A_194 : memref<1x1024xi32, #tpu.memory_space<vmem>> -> memref<1024xi32, #tpu.memory_space<vmem>>
        %dma_wait3A_196 = arith.constant 0 : i32
        %dma_wait3A_197 = arith.constant 0 : i32
        %dma_wait3A_198 = tpu.memref_slice %arg4[%dma_wait3A_196, %dma_wait3A_197] : memref<50048x16xf32, #tpu.memory_space<hbm>> -> memref<50048x16xf32, #tpu.memory_space<hbm>>
        %dma_wait3A_199 = tpu.memref_slice %arg11[%rem3A_188] : memref<4x!tpu.dma_semaphore, #tpu.memory_space<semaphore_mem>> -> memref<1x!tpu.dma_semaphore, #tpu.memory_space<semaphore_mem>>
        %dma_wait3A_200 = tpu.memref_squeeze %dma_wait3A_199 : memref<1x!tpu.dma_semaphore, #tpu.memory_space<semaphore_mem>> -> memref<!tpu.dma_semaphore, #tpu.memory_space<semaphore_mem>>
        tpu.wait_indirect_dma semaphore(%dma_wait3A_200 : memref<!tpu.dma_semaphore, #tpu.memory_space<semaphore_mem>>) src(%dma_wait3A_198 : memref<50048x16xf32, #tpu.memory_space<hbm>>) dst(%dma_wait3A_192 : memref<1024x16xf32, #tpu.memory_space<vmem>>)
        %sub3A_201 = arith.constant 1 : i32
        %sub3A_202 = arith.subi %while3A_132, %sub3A_201 : i32
        %rem3A_203 = arith.constant 4 : i32
        %rem3A_204 = arith.remsi %sub3A_202, %rem3A_203 : i32
        %dma_start3A_205 = arith.constant 0 : i32
        %dma_start3A_206 = arith.constant 0 : i32
        %dma_start3A_207 = tpu.memref_slice %arg8[%rem3A_204, %dma_start3A_205, %dma_start3A_206] : memref<4x1024x16xf32, #tpu.memory_space<vmem>> -> memref<1x1024x16xf32, #tpu.memory_space<vmem>>
        %dma_start3A_208 = tpu.memref_squeeze %dma_start3A_207 : memref<1x1024x16xf32, #tpu.memory_space<vmem>> -> memref<1024x16xf32, #tpu.memory_space<vmem>>
        %dma_start3A_209 = arith.constant 0 : i32
        %dma_start3A_210 = tpu.memref_slice %arg7[%rem3A_204, %dma_start3A_209] : memref<4x1024xi32, #tpu.memory_space<vmem>> -> memref<1x1024xi32, #tpu.memory_space<vmem>>
        %dma_start3A_211 = tpu.memref_squeeze %dma_start3A_210 : memref<1x1024xi32, #tpu.memory_space<vmem>> -> memref<1024xi32, #tpu.memory_space<vmem>>
        %dma_start3A_212 = arith.constant 0 : i32
        %dma_start3A_213 = arith.constant 0 : i32
        %dma_start3A_214 = tpu.memref_slice %arg9[%dma_start3A_212, %dma_start3A_213] : memref<50048x16xf32, #tpu.memory_space<vmem_shared>> -> memref<50048x16xf32, #tpu.memory_space<vmem_shared>>
        %dma_start3A_215 = tpu.memref_slice %arg12[%rem3A_204] : memref<4x!tpu.dma_semaphore, #tpu.memory_space<semaphore_mem>> -> memref<1x!tpu.dma_semaphore, #tpu.memory_space<semaphore_mem>>
        %dma_start3A_216 = tpu.memref_squeeze %dma_start3A_215 : memref<1x!tpu.dma_semaphore, #tpu.memory_space<semaphore_mem>> -> memref<!tpu.dma_semaphore, #tpu.memory_space<semaphore_mem>>
        tpu.enqueue_indirect_dma source(%dma_start3A_208 : memref<1024x16xf32, #tpu.memory_space<vmem>>) target(%dma_start3A_214 : memref<50048x16xf32, #tpu.memory_space<vmem_shared>>) offsets(%dma_start3A_211 : memref<1024xi32, #tpu.memory_space<vmem>>) semaphore(%dma_start3A_216 : memref<!tpu.dma_semaphore, #tpu.memory_space<semaphore_mem>>) {add = true}
      } else {
      }
      %ge3A_175 = arith.constant 2 : i32
      %ge3A_176 = arith.cmpi sge, %while3A_132, %ge3A_175 : i32
      %convert_element_type3A_177 = arith.extui %ge3A_176 : i1 to i32
      %cond3A_178 = arith.constant 0 : i32
      %cond3A_179 = arith.cmpi ne, %convert_element_type3A_177, %cond3A_178 : i32
      scf.if %cond3A_179 {
        %sub3A_185 = arith.constant 2 : i32
        %sub3A_186 = arith.subi %while3A_132, %sub3A_185 : i32
        %rem3A_187 = arith.constant 4 : i32
        %rem3A_188 = arith.remsi %sub3A_186, %rem3A_187 : i32
        %dma_wait3A_189 = arith.constant 0 : i32
        %dma_wait3A_190 = arith.constant 0 : i32
        %dma_wait3A_191 = tpu.memref_slice %arg8[%rem3A_188, %dma_wait3A_189, %dma_wait3A_190] : memref<4x1024x16xf32, #tpu.memory_space<vmem>> -> memref<1x1024x16xf32, #tpu.memory_space<vmem>>
        %dma_wait3A_192 = tpu.memref_squeeze %dma_wait3A_191 : memref<1x1024x16xf32, #tpu.memory_space<vmem>> -> memref<1024x16xf32, #tpu.memory_space<vmem>>
        %dma_wait3A_193 = arith.constant 0 : i32
        %dma_wait3A_194 = tpu.memref_slice %arg7[%rem3A_188, %dma_wait3A_193] : memref<4x1024xi32, #tpu.memory_space<vmem>> -> memref<1x1024xi32, #tpu.memory_space<vmem>>
        %dma_wait3A_195 = tpu.memref_squeeze %dma_wait3A_194 : memref<1x1024xi32, #tpu.memory_space<vmem>> -> memref<1024xi32, #tpu.memory_space<vmem>>
        %dma_wait3A_196 = arith.constant 0 : i32
        %dma_wait3A_197 = arith.constant 0 : i32
        %dma_wait3A_198 = tpu.memref_slice %arg9[%dma_wait3A_196, %dma_wait3A_197] : memref<50048x16xf32, #tpu.memory_space<vmem_shared>> -> memref<50048x16xf32, #tpu.memory_space<vmem_shared>>
        %dma_wait3A_199 = tpu.memref_slice %arg12[%rem3A_188] : memref<4x!tpu.dma_semaphore, #tpu.memory_space<semaphore_mem>> -> memref<1x!tpu.dma_semaphore, #tpu.memory_space<semaphore_mem>>
        %dma_wait3A_200 = tpu.memref_squeeze %dma_wait3A_199 : memref<1x!tpu.dma_semaphore, #tpu.memory_space<semaphore_mem>> -> memref<!tpu.dma_semaphore, #tpu.memory_space<semaphore_mem>>
        tpu.wait_indirect_dma semaphore(%dma_wait3A_200 : memref<!tpu.dma_semaphore, #tpu.memory_space<semaphore_mem>>) src(%dma_wait3A_192 : memref<1024x16xf32, #tpu.memory_space<vmem>>) dst(%dma_wait3A_198 : memref<50048x16xf32, #tpu.memory_space<vmem_shared>>)
      } else {
      }
      %add3A_180 = arith.constant 2 : i32
      %add3A_181 = arith.addi %while3A_132, %add3A_180 : i32
      %lt3A = arith.cmpi slt, %add3A_181, %add3A_3 : i32
      %convert_element_type3A_182 = arith.extui %lt3A : i1 to i32
      %cond3A_183 = arith.constant 0 : i32
      %cond3A_184 = arith.cmpi ne, %convert_element_type3A_182, %cond3A_183 : i32
      scf.if %cond3A_184 {
        %add3A_185 = arith.constant 2 : i32
        %add3A_186 = arith.addi %while3A_132, %add3A_185 : i32
        %rem3A_187 = arith.constant 4 : i32
        %rem3A_188 = arith.remsi %add3A_186, %rem3A_187 : i32
        %mul3A_189 = arith.constant 1024 : i32
        %mul3A_190 = arith.muli %add3A_186, %mul3A_189 : i32
        %add3A_191 = arith.addi %mul3A_11, %mul3A_190 : i32
        %dma_start3A_192 = arith.constant 0 : i32
        %dma_start3A_193 = tpu.memref_slice %arg7[%rem3A_188, %dma_start3A_192] : memref<4x1024xi32, #tpu.memory_space<vmem>> -> memref<1x1024xi32, #tpu.memory_space<vmem>>
        %dma_start3A_194 = tpu.memref_squeeze %dma_start3A_193 : memref<1x1024xi32, #tpu.memory_space<vmem>> -> memref<1024xi32, #tpu.memory_space<vmem>>
        %dma_start3A_195 = tpu.memref_slice %arg3[%add3A_191] : memref<3211264xi32, #tpu.memory_space<hbm>> -> memref<1024xi32, #tpu.memory_space<hbm>>
        %dma_start3A_196 = tpu.memref_slice %arg10[%rem3A_188] : memref<4x!tpu.dma_semaphore, #tpu.memory_space<semaphore_mem>> -> memref<1x!tpu.dma_semaphore, #tpu.memory_space<semaphore_mem>>
        %dma_start3A_197 = tpu.memref_squeeze %dma_start3A_196 : memref<1x!tpu.dma_semaphore, #tpu.memory_space<semaphore_mem>> -> memref<!tpu.dma_semaphore, #tpu.memory_space<semaphore_mem>>
        %dma_start3A_198 = arith.constant 0 : i32
        %dma_start3A_199 = tpu.memref_slice %arg7[%rem3A_188, %dma_start3A_198] : memref<4x1024xi32, #tpu.memory_space<vmem>> -> memref<1x1024xi32, #tpu.memory_space<vmem>>
        %dma_start3A_200 = tpu.memref_squeeze %dma_start3A_199 : memref<1x1024xi32, #tpu.memory_space<vmem>> -> memref<1024xi32, #tpu.memory_space<vmem>>
        %dma_start3A_201 = tpu.memref_slice %arg3[%add3A_191] : memref<3211264xi32, #tpu.memory_space<hbm>> -> memref<1024xi32, #tpu.memory_space<hbm>>
        tpu.enqueue_dma source(%dma_start3A_201 : memref<1024xi32, #tpu.memory_space<hbm>>) target(%dma_start3A_200 : memref<1024xi32, #tpu.memory_space<vmem>>) target_semaphore(%dma_start3A_197 : memref<!tpu.dma_semaphore, #tpu.memory_space<semaphore_mem>>)
        %dma_start3A_202 = arith.constant 0 : i32
        %dma_start3A_203 = tpu.memref_slice %arg6[%rem3A_188, %dma_start3A_202] : memref<4x1024xi32, #tpu.memory_space<vmem>> -> memref<1x1024xi32, #tpu.memory_space<vmem>>
        %dma_start3A_204 = tpu.memref_squeeze %dma_start3A_203 : memref<1x1024xi32, #tpu.memory_space<vmem>> -> memref<1024xi32, #tpu.memory_space<vmem>>
        %dma_start3A_205 = tpu.memref_slice %arg2[%add3A_191] : memref<3211264xi32, #tpu.memory_space<hbm>> -> memref<1024xi32, #tpu.memory_space<hbm>>
        %dma_start3A_206 = tpu.memref_slice %arg10[%rem3A_188] : memref<4x!tpu.dma_semaphore, #tpu.memory_space<semaphore_mem>> -> memref<1x!tpu.dma_semaphore, #tpu.memory_space<semaphore_mem>>
        %dma_start3A_207 = tpu.memref_squeeze %dma_start3A_206 : memref<1x!tpu.dma_semaphore, #tpu.memory_space<semaphore_mem>> -> memref<!tpu.dma_semaphore, #tpu.memory_space<semaphore_mem>>
        %dma_start3A_208 = arith.constant 0 : i32
        %dma_start3A_209 = tpu.memref_slice %arg6[%rem3A_188, %dma_start3A_208] : memref<4x1024xi32, #tpu.memory_space<vmem>> -> memref<1x1024xi32, #tpu.memory_space<vmem>>
        %dma_start3A_210 = tpu.memref_squeeze %dma_start3A_209 : memref<1x1024xi32, #tpu.memory_space<vmem>> -> memref<1024xi32, #tpu.memory_space<vmem>>
        %dma_start3A_211 = tpu.memref_slice %arg2[%add3A_191] : memref<3211264xi32, #tpu.memory_space<hbm>> -> memref<1024xi32, #tpu.memory_space<hbm>>
        tpu.enqueue_dma source(%dma_start3A_211 : memref<1024xi32, #tpu.memory_space<hbm>>) target(%dma_start3A_210 : memref<1024xi32, #tpu.memory_space<vmem>>) target_semaphore(%dma_start3A_207 : memref<!tpu.dma_semaphore, #tpu.memory_space<semaphore_mem>>)
      } else {
      }
    }
    %sub3A = arith.constant 1 : i32
    %sub3A_69 = arith.subi %add3A_3, %sub3A : i32
    %rem3A_70 = arith.constant 4 : i32
    %rem3A_71 = arith.remsi %sub3A_69, %rem3A_70 : i32
    %dma_wait3A = arith.constant 0 : i32
    %dma_wait3A_72 = arith.constant 0 : i32
    %dma_wait3A_73 = tpu.memref_slice %arg8[%rem3A_71, %dma_wait3A, %dma_wait3A_72] : memref<4x1024x16xf32, #tpu.memory_space<vmem>> -> memref<1x1024x16xf32, #tpu.memory_space<vmem>>
    %dma_wait3A_74 = tpu.memref_squeeze %dma_wait3A_73 : memref<1x1024x16xf32, #tpu.memory_space<vmem>> -> memref<1024x16xf32, #tpu.memory_space<vmem>>
    %dma_wait3A_75 = arith.constant 0 : i32
    %dma_wait3A_76 = tpu.memref_slice %arg6[%rem3A_71, %dma_wait3A_75] : memref<4x1024xi32, #tpu.memory_space<vmem>> -> memref<1x1024xi32, #tpu.memory_space<vmem>>
    %dma_wait3A_77 = tpu.memref_squeeze %dma_wait3A_76 : memref<1x1024xi32, #tpu.memory_space<vmem>> -> memref<1024xi32, #tpu.memory_space<vmem>>
    %dma_wait3A_78 = arith.constant 0 : i32
    %dma_wait3A_79 = arith.constant 0 : i32
    %dma_wait3A_80 = tpu.memref_slice %arg4[%dma_wait3A_78, %dma_wait3A_79] : memref<50048x16xf32, #tpu.memory_space<hbm>> -> memref<50048x16xf32, #tpu.memory_space<hbm>>
    %dma_wait3A_81 = tpu.memref_slice %arg11[%rem3A_71] : memref<4x!tpu.dma_semaphore, #tpu.memory_space<semaphore_mem>> -> memref<1x!tpu.dma_semaphore, #tpu.memory_space<semaphore_mem>>
    %dma_wait3A_82 = tpu.memref_squeeze %dma_wait3A_81 : memref<1x!tpu.dma_semaphore, #tpu.memory_space<semaphore_mem>> -> memref<!tpu.dma_semaphore, #tpu.memory_space<semaphore_mem>>
    tpu.wait_indirect_dma semaphore(%dma_wait3A_82 : memref<!tpu.dma_semaphore, #tpu.memory_space<semaphore_mem>>) src(%dma_wait3A_80 : memref<50048x16xf32, #tpu.memory_space<hbm>>) dst(%dma_wait3A_74 : memref<1024x16xf32, #tpu.memory_space<vmem>>)
    %sub3A_83 = arith.constant 1 : i32
    %sub3A_84 = arith.subi %add3A_3, %sub3A_83 : i32
    %rem3A_85 = arith.constant 4 : i32
    %rem3A_86 = arith.remsi %sub3A_84, %rem3A_85 : i32
    %dma_start3A_87 = arith.constant 0 : i32
    %dma_start3A_88 = arith.constant 0 : i32
    %dma_start3A_89 = tpu.memref_slice %arg8[%rem3A_86, %dma_start3A_87, %dma_start3A_88] : memref<4x1024x16xf32, #tpu.memory_space<vmem>> -> memref<1x1024x16xf32, #tpu.memory_space<vmem>>
    %dma_start3A_90 = tpu.memref_squeeze %dma_start3A_89 : memref<1x1024x16xf32, #tpu.memory_space<vmem>> -> memref<1024x16xf32, #tpu.memory_space<vmem>>
    %dma_start3A_91 = arith.constant 0 : i32
    %dma_start3A_92 = tpu.memref_slice %arg7[%rem3A_86, %dma_start3A_91] : memref<4x1024xi32, #tpu.memory_space<vmem>> -> memref<1x1024xi32, #tpu.memory_space<vmem>>
    %dma_start3A_93 = tpu.memref_squeeze %dma_start3A_92 : memref<1x1024xi32, #tpu.memory_space<vmem>> -> memref<1024xi32, #tpu.memory_space<vmem>>
    %dma_start3A_94 = arith.constant 0 : i32
    %dma_start3A_95 = arith.constant 0 : i32
    %dma_start3A_96 = tpu.memref_slice %arg9[%dma_start3A_94, %dma_start3A_95] : memref<50048x16xf32, #tpu.memory_space<vmem_shared>> -> memref<50048x16xf32, #tpu.memory_space<vmem_shared>>
    %dma_start3A_97 = tpu.memref_slice %arg12[%rem3A_86] : memref<4x!tpu.dma_semaphore, #tpu.memory_space<semaphore_mem>> -> memref<1x!tpu.dma_semaphore, #tpu.memory_space<semaphore_mem>>
    %dma_start3A_98 = tpu.memref_squeeze %dma_start3A_97 : memref<1x!tpu.dma_semaphore, #tpu.memory_space<semaphore_mem>> -> memref<!tpu.dma_semaphore, #tpu.memory_space<semaphore_mem>>
    tpu.enqueue_indirect_dma source(%dma_start3A_90 : memref<1024x16xf32, #tpu.memory_space<vmem>>) target(%dma_start3A_96 : memref<50048x16xf32, #tpu.memory_space<vmem_shared>>) offsets(%dma_start3A_93 : memref<1024xi32, #tpu.memory_space<vmem>>) semaphore(%dma_start3A_98 : memref<!tpu.dma_semaphore, #tpu.memory_space<semaphore_mem>>) {add = true}
    %sub3A_99 = arith.constant 2 : i32
    %sub3A_100 = arith.subi %add3A_3, %sub3A_99 : i32
    %rem3A_101 = arith.constant 4 : i32
    %rem3A_102 = arith.remsi %sub3A_100, %rem3A_101 : i32
    %dma_wait3A_103 = arith.constant 0 : i32
    %dma_wait3A_104 = arith.constant 0 : i32
    %dma_wait3A_105 = tpu.memref_slice %arg8[%rem3A_102, %dma_wait3A_103, %dma_wait3A_104] : memref<4x1024x16xf32, #tpu.memory_space<vmem>> -> memref<1x1024x16xf32, #tpu.memory_space<vmem>>
    %dma_wait3A_106 = tpu.memref_squeeze %dma_wait3A_105 : memref<1x1024x16xf32, #tpu.memory_space<vmem>> -> memref<1024x16xf32, #tpu.memory_space<vmem>>
    %dma_wait3A_107 = arith.constant 0 : i32
    %dma_wait3A_108 = tpu.memref_slice %arg7[%rem3A_102, %dma_wait3A_107] : memref<4x1024xi32, #tpu.memory_space<vmem>> -> memref<1x1024xi32, #tpu.memory_space<vmem>>
    %dma_wait3A_109 = tpu.memref_squeeze %dma_wait3A_108 : memref<1x1024xi32, #tpu.memory_space<vmem>> -> memref<1024xi32, #tpu.memory_space<vmem>>
    %dma_wait3A_110 = arith.constant 0 : i32
    %dma_wait3A_111 = arith.constant 0 : i32
    %dma_wait3A_112 = tpu.memref_slice %arg9[%dma_wait3A_110, %dma_wait3A_111] : memref<50048x16xf32, #tpu.memory_space<vmem_shared>> -> memref<50048x16xf32, #tpu.memory_space<vmem_shared>>
    %dma_wait3A_113 = tpu.memref_slice %arg12[%rem3A_102] : memref<4x!tpu.dma_semaphore, #tpu.memory_space<semaphore_mem>> -> memref<1x!tpu.dma_semaphore, #tpu.memory_space<semaphore_mem>>
    %dma_wait3A_114 = tpu.memref_squeeze %dma_wait3A_113 : memref<1x!tpu.dma_semaphore, #tpu.memory_space<semaphore_mem>> -> memref<!tpu.dma_semaphore, #tpu.memory_space<semaphore_mem>>
    tpu.wait_indirect_dma semaphore(%dma_wait3A_114 : memref<!tpu.dma_semaphore, #tpu.memory_space<semaphore_mem>>) src(%dma_wait3A_106 : memref<1024x16xf32, #tpu.memory_space<vmem>>) dst(%dma_wait3A_112 : memref<50048x16xf32, #tpu.memory_space<vmem_shared>>)
    %sub3A_115 = arith.constant 1 : i32
    %sub3A_116 = arith.subi %add3A_3, %sub3A_115 : i32
    %rem3A_117 = arith.constant 4 : i32
    %rem3A_118 = arith.remsi %sub3A_116, %rem3A_117 : i32
    %dma_wait3A_119 = arith.constant 0 : i32
    %dma_wait3A_120 = arith.constant 0 : i32
    %dma_wait3A_121 = tpu.memref_slice %arg8[%rem3A_118, %dma_wait3A_119, %dma_wait3A_120] : memref<4x1024x16xf32, #tpu.memory_space<vmem>> -> memref<1x1024x16xf32, #tpu.memory_space<vmem>>
    %dma_wait3A_122 = tpu.memref_squeeze %dma_wait3A_121 : memref<1x1024x16xf32, #tpu.memory_space<vmem>> -> memref<1024x16xf32, #tpu.memory_space<vmem>>
    %dma_wait3A_123 = arith.constant 0 : i32
    %dma_wait3A_124 = tpu.memref_slice %arg7[%rem3A_118, %dma_wait3A_123] : memref<4x1024xi32, #tpu.memory_space<vmem>> -> memref<1x1024xi32, #tpu.memory_space<vmem>>
    %dma_wait3A_125 = tpu.memref_squeeze %dma_wait3A_124 : memref<1x1024xi32, #tpu.memory_space<vmem>> -> memref<1024xi32, #tpu.memory_space<vmem>>
    %dma_wait3A_126 = arith.constant 0 : i32
    %dma_wait3A_127 = arith.constant 0 : i32
    %dma_wait3A_128 = tpu.memref_slice %arg9[%dma_wait3A_126, %dma_wait3A_127] : memref<50048x16xf32, #tpu.memory_space<vmem_shared>> -> memref<50048x16xf32, #tpu.memory_space<vmem_shared>>
    %dma_wait3A_129 = tpu.memref_slice %arg12[%rem3A_118] : memref<4x!tpu.dma_semaphore, #tpu.memory_space<semaphore_mem>> -> memref<1x!tpu.dma_semaphore, #tpu.memory_space<semaphore_mem>>
    %dma_wait3A_130 = tpu.memref_squeeze %dma_wait3A_129 : memref<1x!tpu.dma_semaphore, #tpu.memory_space<semaphore_mem>> -> memref<!tpu.dma_semaphore, #tpu.memory_space<semaphore_mem>>
    tpu.wait_indirect_dma semaphore(%dma_wait3A_130 : memref<!tpu.dma_semaphore, #tpu.memory_space<semaphore_mem>>) src(%dma_wait3A_122 : memref<1024x16xf32, #tpu.memory_space<vmem>>) dst(%dma_wait3A_128 : memref<50048x16xf32, #tpu.memory_space<vmem_shared>>)
    %barrier3A_131 = arith.constant 0 : index
    tpu.barrier barrier_id(%barrier3A_131)
    "tpu.region"() ({
      %run_scoped3A = tpu.sem_alloc : memref<!tpu.dma_semaphore, #tpu.memory_space<semaphore_mem>>
      %dma_start3A_132 = arith.constant 0 : i32
      %dma_start3A_133 = arith.constant 0 : i32
      %dma_start3A_134 = tpu.memref_slice %arg5[%arg0, %dma_start3A_132, %dma_start3A_133] : memref<2x50048x16xf32, #tpu.memory_space<hbm>> -> memref<1x50048x16xf32, #tpu.memory_space<hbm>>
      %dma_start3A_135 = tpu.memref_squeeze %dma_start3A_134 : memref<1x50048x16xf32, #tpu.memory_space<hbm>> -> memref<50048x16xf32, #tpu.memory_space<hbm>>
      %dma_start3A_136 = arith.constant 0 : i32
      %dma_start3A_137 = tpu.memref_slice %dma_start3A_135[%mul3A_0, %dma_start3A_136] : memref<50048x16xf32, #tpu.memory_space<hbm>> -> memref<3128x16xf32, #tpu.memory_space<hbm>>
      %dma_start3A_138 = arith.constant 0 : i32
      %dma_start3A_139 = tpu.memref_slice %arg9[%mul3A_0, %dma_start3A_138] : memref<50048x16xf32, #tpu.memory_space<vmem_shared>> -> memref<3128x16xf32, #tpu.memory_space<vmem_shared>>
      tpu.enqueue_dma source(%dma_start3A_139 : memref<3128x16xf32, #tpu.memory_space<vmem_shared>>) target(%dma_start3A_137 : memref<3128x16xf32, #tpu.memory_space<hbm>>) target_semaphore(%run_scoped3A : memref<!tpu.dma_semaphore, #tpu.memory_space<semaphore_mem>>)
      %dma_wait3A_140 = arith.constant 0 : i32
      %dma_wait3A_141 = arith.constant 0 : i32
      %dma_wait3A_142 = tpu.memref_slice %arg5[%arg0, %dma_wait3A_140, %dma_wait3A_141] : memref<2x50048x16xf32, #tpu.memory_space<hbm>> -> memref<1x50048x16xf32, #tpu.memory_space<hbm>>
      %dma_wait3A_143 = tpu.memref_squeeze %dma_wait3A_142 : memref<1x50048x16xf32, #tpu.memory_space<hbm>> -> memref<50048x16xf32, #tpu.memory_space<hbm>>
      %dma_wait3A_144 = arith.constant 0 : i32
      %dma_wait3A_145 = tpu.memref_slice %dma_wait3A_143[%mul3A_0, %dma_wait3A_144] : memref<50048x16xf32, #tpu.memory_space<hbm>> -> memref<3128x16xf32, #tpu.memory_space<hbm>>
      %dma_wait3A_146 = arith.constant 0 : i32
      %dma_wait3A_147 = tpu.memref_slice %arg9[%mul3A_0, %dma_wait3A_146] : memref<50048x16xf32, #tpu.memory_space<vmem_shared>> -> memref<3128x16xf32, #tpu.memory_space<vmem_shared>>
      tpu.wait_dma2 semaphore(%run_scoped3A : memref<!tpu.dma_semaphore, #tpu.memory_space<semaphore_mem>>) src(%dma_wait3A_147 : memref<3128x16xf32, #tpu.memory_space<vmem_shared>>) dst(%dma_wait3A_145 : memref<3128x16xf32, #tpu.memory_space<hbm>>)
      tpu.yield
    }) : () -> ()
    return
  }
}

module attributes {stable_mosaic.version = 14 : i64} {
  func.func @_prep_body(%arg0: i32, %arg1: memref<2x2000x8xf32, #tpu.memory_space<vmem>>, %arg2: memref<2000x16xf32, #tpu.memory_space<vmem>>, %arg3: memref<2000x1xf32, #tpu.memory_space<vmem>>, %arg4: memref<2000x16xf32, #tpu.memory_space<vmem>>) attributes {dimension_semantics = [#tpu.dimension_semantics<arbitrary>], iteration_bounds = array<i64: 25>, scalar_prefetch = 0 : i64, scratch_operands = 0 : i64, tpu.core_type = #tpu.core_type<tc>, window_params = [{transform_indices = @transform_0, window_bounds = array<i64: 2, 2000, 8>}, {transform_indices = @transform_1, window_bounds = array<i64: 2000, 16>}, {transform_indices = @transform_2, window_bounds = array<i64: 2000, 1>}, {transform_indices = @transform_3, window_bounds = array<i64: 2000, 16>}]} {
    %get3A = arith.constant 0 : index
    %get3A_0 = arith.constant 0 : index
    %get3A_1 = arith.constant 0 : index
    %get3A_2 = vector.load %arg1[%get3A, %get3A_0, %get3A_1] : memref<2x2000x8xf32, #tpu.memory_space<vmem>>, vector<1x2000x1xf32>
    %get3A_3 = vector.shape_cast %get3A_2 : vector<1x2000x1xf32> to vector<2000x1xf32>
    %get3A_4 = arith.constant 1 : index
    %get3A_5 = arith.constant 0 : index
    %get3A_6 = arith.constant 0 : index
    %get3A_7 = vector.load %arg1[%get3A_4, %get3A_5, %get3A_6] : memref<2x2000x8xf32, #tpu.memory_space<vmem>>, vector<1x2000x1xf32>
    %get3A_8 = vector.shape_cast %get3A_7 : vector<1x2000x1xf32> to vector<2000x1xf32>
    %add3A = arith.addf %get3A_3, %get3A_8 : vector<2000x1xf32>
    %sub3A = arith.constant 1.000000e+00 : f32
    %sub3A_9 = vector.broadcast %sub3A : f32 to vector<2000x1xf32>
    %sub3A_10 = arith.subf %add3A, %sub3A_9 : vector<2000x1xf32>
    %rsqrt3A = math.rsqrt %sub3A_10 : vector<2000x1xf32>
    %swap3A = arith.constant 0 : index
    %swap3A_11 = arith.constant 0 : index
    %swap3A_12 = vector.load %arg3[%swap3A, %swap3A_11] : memref<2000x1xf32, #tpu.memory_space<vmem>>, vector<2000x1xf32>
    tpu.vector_store %arg3[%swap3A, %swap3A_11], %rsqrt3A {strides = array<i32>} : memref<2000x1xf32, #tpu.memory_space<vmem>>, vector<2000x1xf32>,
    %get3A_13 = arith.constant 0 : index
    %get3A_14 = arith.constant 0 : index
    %get3A_15 = vector.load %arg2[%get3A_13, %get3A_14] : memref<2000x16xf32, #tpu.memory_space<vmem>>, vector<2000x16xf32>
    %mul3A = vector.broadcast %rsqrt3A : vector<2000x1xf32> to vector<2000x16xf32>
    %mul3A_16 = arith.mulf %get3A_15, %mul3A : vector<2000x16xf32>
    %swap3A_17 = arith.constant 0 : index
    %swap3A_18 = arith.constant 0 : index
    %swap3A_19 = vector.load %arg4[%swap3A_17, %swap3A_18] : memref<2000x16xf32, #tpu.memory_space<vmem>>, vector<2000x16xf32>
    tpu.vector_store %arg4[%swap3A_17, %swap3A_18], %mul3A_16 {strides = array<i32>} : memref<2000x16xf32, #tpu.memory_space<vmem>>, vector<2000x16xf32>,
    return
  }
  func.func @transform_0(%arg0: i32) -> (i32, i32, i32) {
    %c0_i32 = arith.constant 0 : i32
    %c0_i32_0 = arith.constant 0 : i32
    %c0_i32_1 = arith.constant 0 : i32
    return %c0_i32, %arg0, %c0_i32_0 : i32, i32, i32
  }
  func.func @transform_1(%arg0: i32) -> (i32, i32) {
    %c0_i32 = arith.constant 0 : i32
    %c0_i32_0 = arith.constant 0 : i32
    return %arg0, %c0_i32 : i32, i32
  }
  func.func @transform_2(%arg0: i32) -> (i32, i32) {
    %c0_i32 = arith.constant 0 : i32
    %c0_i32_0 = arith.constant 0 : i32
    return %arg0, %c0_i32 : i32, i32
  }
  func.func @transform_3(%arg0: i32) -> (i32, i32) {
    %c0_i32 = arith.constant 0 : i32
    %c0_i32_0 = arith.constant 0 : i32
    return %arg0, %c0_i32 : i32, i32
  }
}

module attributes {stable_mosaic.version = 14 : i64} {
  func.func @_layer_body(%arg0: i32, %arg1: memref<2x2000x16xf32, #tpu.memory_space<vmem>>, %arg2: memref<2000x16xf32, #tpu.memory_space<vmem>>, %arg3: memref<2000x1xf32, #tpu.memory_space<vmem>>, %arg4: memref<16x16xf32, #tpu.memory_space<vmem>>, %arg5: memref<1x16xf32, #tpu.memory_space<vmem>>, %arg6: memref<2000x16xf32, #tpu.memory_space<vmem>>) attributes {dimension_semantics = [#tpu.dimension_semantics<arbitrary>], iteration_bounds = array<i64: 25>, scalar_prefetch = 0 : i64, scratch_operands = 0 : i64, tpu.core_type = #tpu.core_type<tc>, window_params = [{transform_indices = @transform_0, window_bounds = array<i64: 2, 2000, 16>}, {transform_indices = @transform_1, window_bounds = array<i64: 2000, 16>}, {transform_indices = @transform_2, window_bounds = array<i64: 2000, 1>}, {pipeline_mode = #tpu.pipeline_mode<synchronous>, transform_indices = @transform_3, window_bounds = array<i64: 16, 16>}, {pipeline_mode = #tpu.pipeline_mode<synchronous>, transform_indices = @transform_4, window_bounds = array<i64: 1, 16>}, {transform_indices = @transform_5, window_bounds = array<i64: 2000, 16>}]} {
    %get3A = arith.constant 0 : index
    %get3A_0 = arith.constant 0 : index
    %get3A_1 = vector.load %arg3[%get3A, %get3A_0] : memref<2000x1xf32, #tpu.memory_space<vmem>>, vector<2000x1xf32>
    %get3A_2 = arith.constant 0 : index
    %get3A_3 = arith.constant 0 : index
    %get3A_4 = arith.constant 0 : index
    %get3A_5 = vector.load %arg1[%get3A_2, %get3A_3, %get3A_4] : memref<2x2000x16xf32, #tpu.memory_space<vmem>>, vector<1x2000x16xf32>
    %get3A_6 = vector.shape_cast %get3A_5 : vector<1x2000x16xf32> to vector<2000x16xf32>
    %get3A_7 = arith.constant 1 : index
    %get3A_8 = arith.constant 0 : index
    %get3A_9 = arith.constant 0 : index
    %get3A_10 = vector.load %arg1[%get3A_7, %get3A_8, %get3A_9] : memref<2x2000x16xf32, #tpu.memory_space<vmem>>, vector<1x2000x16xf32>
    %get3A_11 = vector.shape_cast %get3A_10 : vector<1x2000x16xf32> to vector<2000x16xf32>
    %add3A = arith.addf %get3A_6, %get3A_11 : vector<2000x16xf32>
    %get3A_12 = arith.constant 0 : index
    %get3A_13 = arith.constant 0 : index
    %get3A_14 = vector.load %arg2[%get3A_12, %get3A_13] : memref<2000x16xf32, #tpu.memory_space<vmem>>, vector<2000x16xf32>
    %sub3A = arith.subf %add3A, %get3A_14 : vector<2000x16xf32>
    %mul3A = vector.broadcast %get3A_1 : vector<2000x1xf32> to vector<2000x16xf32>
    %mul3A_15 = arith.mulf %mul3A, %sub3A : vector<2000x16xf32>
    %get3A_16 = arith.constant 0 : index
    %get3A_17 = arith.constant 0 : index
    %get3A_18 = vector.load %arg4[%get3A_16, %get3A_17] : memref<16x16xf32, #tpu.memory_space<vmem>>, vector<16x16xf32>
    %dot_general3A = arith.constant dense<0.000000e+00> : vector<2000x16xf32>
    %dot_general3A_19 = tpu.matmul %mul3A_15, %get3A_18, %dot_general3A {dimension_numbers = #tpu.dot_dimension_numbers<[1], [0], [0], [1], [0, 0, 1, 1], [], []>, transpose_lhs_hint = false} : vector<2000x16xf32>, vector<16x16xf32>, vector<2000x16xf32> -> vector<2000x16xf32>
    %get3A_20 = arith.constant 0 : index
    %get3A_21 = arith.constant 0 : index
    %get3A_22 = vector.load %arg5[%get3A_20, %get3A_21] : memref<1x16xf32, #tpu.memory_space<vmem>>, vector<1x16xf32>
    %add3A_23 = vector.broadcast %get3A_22 : vector<1x16xf32> to vector<2000x16xf32>
    %add3A_24 = arith.addf %dot_general3A_19, %add3A_23 : vector<2000x16xf32>
    %max3A = arith.constant 0.000000e+00 : f32
    %max3A_25 = vector.broadcast %max3A : f32 to vector<2000x16xf32>
    %max3A_26 = arith.maximumf %add3A_24, %max3A_25 : vector<2000x16xf32>
    %mul3A_27 = vector.broadcast %get3A_1 : vector<2000x1xf32> to vector<2000x16xf32>
    %mul3A_28 = arith.mulf %max3A_26, %mul3A_27 : vector<2000x16xf32>
    %swap3A = arith.constant 0 : index
    %swap3A_29 = arith.constant 0 : index
    %swap3A_30 = vector.load %arg6[%swap3A, %swap3A_29] : memref<2000x16xf32, #tpu.memory_space<vmem>>, vector<2000x16xf32>
    tpu.vector_store %arg6[%swap3A, %swap3A_29], %mul3A_28 {strides = array<i32>} : memref<2000x16xf32, #tpu.memory_space<vmem>>, vector<2000x16xf32>,
    return
  }
  func.func @transform_0(%arg0: i32) -> (i32, i32, i32) {
    %c0_i32 = arith.constant 0 : i32
    %c0_i32_0 = arith.constant 0 : i32
    %c0_i32_1 = arith.constant 0 : i32
    return %c0_i32, %arg0, %c0_i32_0 : i32, i32, i32
  }
  func.func @transform_1(%arg0: i32) -> (i32, i32) {
    %c0_i32 = arith.constant 0 : i32
    %c0_i32_0 = arith.constant 0 : i32
    return %arg0, %c0_i32 : i32, i32
  }
  func.func @transform_2(%arg0: i32) -> (i32, i32) {
    %c0_i32 = arith.constant 0 : i32
    %c0_i32_0 = arith.constant 0 : i32
    return %arg0, %c0_i32 : i32, i32
  }
  func.func @transform_3(%arg0: i32) -> (i32, i32) {
    %c0_i32 = arith.constant 0 : i32
    %c0_i32_0 = arith.constant 0 : i32
    %c0_i32_1 = arith.constant 0 : i32
    return %c0_i32, %c0_i32_0 : i32, i32
  }
  func.func @transform_4(%arg0: i32) -> (i32, i32) {
    %c0_i32 = arith.constant 0 : i32
    %c0_i32_0 = arith.constant 0 : i32
    %c0_i32_1 = arith.constant 0 : i32
    return %c0_i32, %c0_i32_0 : i32, i32
  }
  func.func @transform_5(%arg0: i32) -> (i32, i32) {
    %c0_i32 = arith.constant 0 : i32
    %c0_i32_0 = arith.constant 0 : i32
    return %arg0, %c0_i32 : i32, i32
  }
}

module attributes {stable_mosaic.version = 14 : i64} {
  func.func @_layer_body(%arg0: i32, %arg1: memref<2x2000x16xf32, #tpu.memory_space<vmem>>, %arg2: memref<2000x16xf32, #tpu.memory_space<vmem>>, %arg3: memref<2000x1xf32, #tpu.memory_space<vmem>>, %arg4: memref<16x64xf32, #tpu.memory_space<vmem>>, %arg5: memref<1x64xf32, #tpu.memory_space<vmem>>, %arg6: memref<2000x16xf32, #tpu.memory_space<vmem>>, %arg7: memref<2000x16xf32, #tpu.memory_space<vmem>>, %arg8: memref<2000x16xf32, #tpu.memory_space<vmem>>, %arg9: memref<2000x16xf32, #tpu.memory_space<vmem>>) attributes {dimension_semantics = [#tpu.dimension_semantics<arbitrary>], iteration_bounds = array<i64: 25>, scalar_prefetch = 0 : i64, scratch_operands = 0 : i64, tpu.core_type = #tpu.core_type<tc>, window_params = [{transform_indices = @transform_0, window_bounds = array<i64: 2, 2000, 16>}, {transform_indices = @transform_1, window_bounds = array<i64: 2000, 16>}, {transform_indices = @transform_2, window_bounds = array<i64: 2000, 1>}, {pipeline_mode = #tpu.pipeline_mode<synchronous>, transform_indices = @transform_3, window_bounds = array<i64: 16, 64>}, {pipeline_mode = #tpu.pipeline_mode<synchronous>, transform_indices = @transform_4, window_bounds = array<i64: 1, 64>}, {transform_indices = @transform_5, window_bounds = array<i64: 2000, 16>}, {transform_indices = @transform_6, window_bounds = array<i64: 2000, 16>}, {transform_indices = @transform_7, window_bounds = array<i64: 2000, 16>}, {transform_indices = @transform_8, window_bounds = array<i64: 2000, 16>}]} {
    %get3A = arith.constant 0 : index
    %get3A_0 = arith.constant 0 : index
    %get3A_1 = vector.load %arg3[%get3A, %get3A_0] : memref<2000x1xf32, #tpu.memory_space<vmem>>, vector<2000x1xf32>
    %get3A_2 = arith.constant 0 : index
    %get3A_3 = arith.constant 0 : index
    %get3A_4 = arith.constant 0 : index
    %get3A_5 = vector.load %arg1[%get3A_2, %get3A_3, %get3A_4] : memref<2x2000x16xf32, #tpu.memory_space<vmem>>, vector<1x2000x16xf32>
    %get3A_6 = vector.shape_cast %get3A_5 : vector<1x2000x16xf32> to vector<2000x16xf32>
    %get3A_7 = arith.constant 1 : index
    %get3A_8 = arith.constant 0 : index
    %get3A_9 = arith.constant 0 : index
    %get3A_10 = vector.load %arg1[%get3A_7, %get3A_8, %get3A_9] : memref<2x2000x16xf32, #tpu.memory_space<vmem>>, vector<1x2000x16xf32>
    %get3A_11 = vector.shape_cast %get3A_10 : vector<1x2000x16xf32> to vector<2000x16xf32>
    %add3A = arith.addf %get3A_6, %get3A_11 : vector<2000x16xf32>
    %get3A_12 = arith.constant 0 : index
    %get3A_13 = arith.constant 0 : index
    %get3A_14 = vector.load %arg2[%get3A_12, %get3A_13] : memref<2000x16xf32, #tpu.memory_space<vmem>>, vector<2000x16xf32>
    %sub3A = arith.subf %add3A, %get3A_14 : vector<2000x16xf32>
    %mul3A = vector.broadcast %get3A_1 : vector<2000x1xf32> to vector<2000x16xf32>
    %mul3A_15 = arith.mulf %mul3A, %sub3A : vector<2000x16xf32>
    %get3A_16 = arith.constant 0 : index
    %get3A_17 = arith.constant 0 : index
    %get3A_18 = vector.load %arg4[%get3A_16, %get3A_17] : memref<16x64xf32, #tpu.memory_space<vmem>>, vector<16x64xf32>
    %dot_general3A = arith.constant dense<0.000000e+00> : vector<2000x64xf32>
    %dot_general3A_19 = tpu.matmul %mul3A_15, %get3A_18, %dot_general3A {dimension_numbers = #tpu.dot_dimension_numbers<[1], [0], [0], [1], [0, 0, 1, 1], [], []>, transpose_lhs_hint = false} : vector<2000x16xf32>, vector<16x64xf32>, vector<2000x64xf32> -> vector<2000x64xf32>
    %get3A_20 = arith.constant 0 : index
    %get3A_21 = arith.constant 0 : index
    %get3A_22 = vector.load %arg5[%get3A_20, %get3A_21] : memref<1x64xf32, #tpu.memory_space<vmem>>, vector<1x64xf32>
    %add3A_23 = vector.broadcast %get3A_22 : vector<1x64xf32> to vector<2000x64xf32>
    %add3A_24 = arith.addf %dot_general3A_19, %add3A_23 : vector<2000x64xf32>
    %max3A = arith.constant 0.000000e+00 : f32
    %max3A_25 = vector.broadcast %max3A : f32 to vector<2000x64xf32>
    %max3A_26 = arith.maximumf %add3A_24, %max3A_25 : vector<2000x64xf32>
    %mul3A_27 = vector.broadcast %get3A_1 : vector<2000x1xf32> to vector<2000x64xf32>
    %mul3A_28 = arith.mulf %max3A_26, %mul3A_27 : vector<2000x64xf32>
    %slice3A = vector.extract_strided_slice %mul3A_28 {offsets = [0, 0], sizes = [2000, 16], strides = [1, 1]} : vector<2000x64xf32> to vector<2000x16xf32>
    %swap3A = arith.constant 0 : index
    %swap3A_29 = arith.constant 0 : index
    %swap3A_30 = vector.load %arg6[%swap3A, %swap3A_29] : memref<2000x16xf32, #tpu.memory_space<vmem>>, vector<2000x16xf32>
    tpu.vector_store %arg6[%swap3A, %swap3A_29], %slice3A {strides = array<i32>} : memref<2000x16xf32, #tpu.memory_space<vmem>>, vector<2000x16xf32>,
    %slice3A_31 = vector.extract_strided_slice %mul3A_28 {offsets = [0, 16], sizes = [2000, 16], strides = [1, 1]} : vector<2000x64xf32> to vector<2000x16xf32>
    %swap3A_32 = arith.constant 0 : index
    %swap3A_33 = arith.constant 0 : index
    %swap3A_34 = vector.load %arg7[%swap3A_32, %swap3A_33] : memref<2000x16xf32, #tpu.memory_space<vmem>>, vector<2000x16xf32>
    tpu.vector_store %arg7[%swap3A_32, %swap3A_33], %slice3A_31 {strides = array<i32>} : memref<2000x16xf32, #tpu.memory_space<vmem>>, vector<2000x16xf32>,
    %slice3A_35 = vector.extract_strided_slice %mul3A_28 {offsets = [0, 32], sizes = [2000, 16], strides = [1, 1]} : vector<2000x64xf32> to vector<2000x16xf32>
    %swap3A_36 = arith.constant 0 : index
    %swap3A_37 = arith.constant 0 : index
    %swap3A_38 = vector.load %arg8[%swap3A_36, %swap3A_37] : memref<2000x16xf32, #tpu.memory_space<vmem>>, vector<2000x16xf32>
    tpu.vector_store %arg8[%swap3A_36, %swap3A_37], %slice3A_35 {strides = array<i32>} : memref<2000x16xf32, #tpu.memory_space<vmem>>, vector<2000x16xf32>,
    %slice3A_39 = vector.extract_strided_slice %mul3A_28 {offsets = [0, 48], sizes = [2000, 16], strides = [1, 1]} : vector<2000x64xf32> to vector<2000x16xf32>
    %swap3A_40 = arith.constant 0 : index
    %swap3A_41 = arith.constant 0 : index
    %swap3A_42 = vector.load %arg9[%swap3A_40, %swap3A_41] : memref<2000x16xf32, #tpu.memory_space<vmem>>, vector<2000x16xf32>
    tpu.vector_store %arg9[%swap3A_40, %swap3A_41], %slice3A_39 {strides = array<i32>} : memref<2000x16xf32, #tpu.memory_space<vmem>>, vector<2000x16xf32>,
    return
  }
  func.func @transform_0(%arg0: i32) -> (i32, i32, i32) {
    %c0_i32 = arith.constant 0 : i32
    %c0_i32_0 = arith.constant 0 : i32
    %c0_i32_1 = arith.constant 0 : i32
    return %c0_i32, %arg0, %c0_i32_0 : i32, i32, i32
  }
  func.func @transform_1(%arg0: i32) -> (i32, i32) {
    %c0_i32 = arith.constant 0 : i32
    %c0_i32_0 = arith.constant 0 : i32
    return %arg0, %c0_i32 : i32, i32
  }
  func.func @transform_2(%arg0: i32) -> (i32, i32) {
    %c0_i32 = arith.constant 0 : i32
    %c0_i32_0 = arith.constant 0 : i32
    return %arg0, %c0_i32 : i32, i32
  }
  func.func @transform_3(%arg0: i32) -> (i32, i32) {
    %c0_i32 = arith.constant 0 : i32
    %c0_i32_0 = arith.constant 0 : i32
    %c0_i32_1 = arith.constant 0 : i32
    return %c0_i32, %c0_i32_0 : i32, i32
  }
  func.func @transform_4(%arg0: i32) -> (i32, i32) {
    %c0_i32 = arith.constant 0 : i32
    %c0_i32_0 = arith.constant 0 : i32
    %c0_i32_1 = arith.constant 0 : i32
    return %c0_i32, %c0_i32_0 : i32, i32
  }
  func.func @transform_5(%arg0: i32) -> (i32, i32) {
    %c0_i32 = arith.constant 0 : i32
    %c0_i32_0 = arith.constant 0 : i32
    return %arg0, %c0_i32 : i32, i32
  }
  func.func @transform_6(%arg0: i32) -> (i32, i32) {
    %c0_i32 = arith.constant 0 : i32
    %c0_i32_0 = arith.constant 0 : i32
    return %arg0, %c0_i32 : i32, i32
  }
  func.func @transform_7(%arg0: i32) -> (i32, i32) {
    %c0_i32 = arith.constant 0 : i32
    %c0_i32_0 = arith.constant 0 : i32
    return %arg0, %c0_i32 : i32, i32
  }
  func.func @transform_8(%arg0: i32) -> (i32, i32) {
    %c0_i32 = arith.constant 0 : i32
    %c0_i32_0 = arith.constant 0 : i32
    return %arg0, %c0_i32 : i32, i32
  }
}

module attributes {stable_mosaic.version = 14 : i64} {
  func.func @_layer3_body(%arg0: i32, %arg1: memref<2x2000x16xf32, #tpu.memory_space<vmem>>, %arg2: memref<2x2000x16xf32, #tpu.memory_space<vmem>>, %arg3: memref<2x2000x16xf32, #tpu.memory_space<vmem>>, %arg4: memref<2x2000x16xf32, #tpu.memory_space<vmem>>, %arg5: memref<2000x16xf32, #tpu.memory_space<vmem>>, %arg6: memref<2000x16xf32, #tpu.memory_space<vmem>>, %arg7: memref<2000x16xf32, #tpu.memory_space<vmem>>, %arg8: memref<2000x16xf32, #tpu.memory_space<vmem>>, %arg9: memref<2000x1xf32, #tpu.memory_space<vmem>>, %arg10: memref<64x128xf32, #tpu.memory_space<vmem>>, %arg11: memref<1x128xf32, #tpu.memory_space<vmem>>, %arg12: memref<1x1x2000xi32, #tpu.memory_space<vmem>>, %arg13: memref<128x10xf32, #tpu.memory_space<vmem>>, %arg14: memref<1x10xf32, #tpu.memory_space<vmem>>, %arg15: memref<512x128xf32, #tpu.memory_space<vmem>>, %arg16: memref<512x1xf32, #tpu.memory_space<vmem>>, %arg17: memref<512x10xf32, #tpu.memory_space<vmem>>) attributes {dimension_semantics = [#tpu.dimension_semantics<arbitrary>], iteration_bounds = array<i64: 25>, scalar_prefetch = 0 : i64, scratch_operands = 0 : i64, tpu.core_type = #tpu.core_type<tc>, window_params = [{transform_indices = @transform_0, window_bounds = array<i64: 2, 2000, 16>}, {transform_indices = @transform_1, window_bounds = array<i64: 2, 2000, 16>}, {transform_indices = @transform_2, window_bounds = array<i64: 2, 2000, 16>}, {transform_indices = @transform_3, window_bounds = array<i64: 2, 2000, 16>}, {transform_indices = @transform_4, window_bounds = array<i64: 2000, 16>}, {transform_indices = @transform_5, window_bounds = array<i64: 2000, 16>}, {transform_indices = @transform_6, window_bounds = array<i64: 2000, 16>}, {transform_indices = @transform_7, window_bounds = array<i64: 2000, 16>}, {transform_indices = @transform_8, window_bounds = array<i64: 2000, 1>}, {pipeline_mode = #tpu.pipeline_mode<synchronous>, transform_indices = @transform_9, window_bounds = array<i64: 64, 128>}, {pipeline_mode = #tpu.pipeline_mode<synchronous>, transform_indices = @transform_10, window_bounds = array<i64: 1, 128>}, {transform_indices = @transform_11, window_bounds = array<i64: 1, 1, 2000>}, {pipeline_mode = #tpu.pipeline_mode<synchronous>, transform_indices = @transform_12, window_bounds = array<i64: 128, 10>}, {pipeline_mode = #tpu.pipeline_mode<synchronous>, transform_indices = @transform_13, window_bounds = array<i64: 1, 10>}, {pipeline_mode = #tpu.pipeline_mode<synchronous>, transform_indices = @transform_14, window_bounds = array<i64: 512, 128>}, {pipeline_mode = #tpu.pipeline_mode<synchronous>, transform_indices = @transform_15, window_bounds = array<i64: 512, 1>}, {pipeline_mode = #tpu.pipeline_mode<synchronous>, transform_indices = @transform_16, window_bounds = array<i64: 512, 10>}]} {
    %get3A = arith.constant 0 : index
    %get3A_0 = arith.constant 0 : index
    %get3A_1 = vector.load %arg9[%get3A, %get3A_0] : memref<2000x1xf32, #tpu.memory_space<vmem>>, vector<2000x1xf32>
    %get3A_2 = arith.constant 0 : index
    %get3A_3 = arith.constant 0 : index
    %get3A_4 = vector.load %arg10[%get3A_2, %get3A_3] : memref<64x128xf32, #tpu.memory_space<vmem>>, vector<64x128xf32>
    %get3A_5 = arith.constant 0 : index
    %get3A_6 = arith.constant 0 : index
    %get3A_7 = vector.load %arg11[%get3A_5, %get3A_6] : memref<1x128xf32, #tpu.memory_space<vmem>>, vector<1x128xf32>
    %get3A_8 = arith.constant 0 : index
    %get3A_9 = arith.constant 0 : index
    %get3A_10 = arith.constant 0 : index
    %get3A_11 = vector.load %arg1[%get3A_8, %get3A_9, %get3A_10] : memref<2x2000x16xf32, #tpu.memory_space<vmem>>, vector<1x2000x16xf32>
    %get3A_12 = vector.shape_cast %get3A_11 : vector<1x2000x16xf32> to vector<2000x16xf32>
    %get3A_13 = arith.constant 1 : index
    %get3A_14 = arith.constant 0 : index
    %get3A_15 = arith.constant 0 : index
    %get3A_16 = vector.load %arg1[%get3A_13, %get3A_14, %get3A_15] : memref<2x2000x16xf32, #tpu.memory_space<vmem>>, vector<1x2000x16xf32>
    %get3A_17 = vector.shape_cast %get3A_16 : vector<1x2000x16xf32> to vector<2000x16xf32>
    %add3A = arith.addf %get3A_12, %get3A_17 : vector<2000x16xf32>
    %get3A_18 = arith.constant 0 : index
    %get3A_19 = arith.constant 0 : index
    %get3A_20 = vector.load %arg5[%get3A_18, %get3A_19] : memref<2000x16xf32, #tpu.memory_space<vmem>>, vector<2000x16xf32>
    %sub3A = arith.subf %add3A, %get3A_20 : vector<2000x16xf32>
    %mul3A = vector.broadcast %get3A_1 : vector<2000x1xf32> to vector<2000x16xf32>
    %mul3A_21 = arith.mulf %mul3A, %sub3A : vector<2000x16xf32>
    %slice3A = vector.extract_strided_slice %get3A_4 {offsets = [0, 0], sizes = [16, 128], strides = [1, 1]} : vector<64x128xf32> to vector<16x128xf32>
    %dot_general3A = arith.constant dense<0.000000e+00> : vector<2000x128xf32>
    %dot_general3A_22 = tpu.matmul %mul3A_21, %slice3A, %dot_general3A {dimension_numbers = #tpu.dot_dimension_numbers<[1], [0], [0], [1], [0, 0, 1, 1], [], []>, transpose_lhs_hint = false} : vector<2000x16xf32>, vector<16x128xf32>, vector<2000x128xf32> -> vector<2000x128xf32>
    %add3A_23 = vector.broadcast %get3A_7 : vector<1x128xf32> to vector<2000x128xf32>
    %add3A_24 = arith.addf %add3A_23, %dot_general3A_22 : vector<2000x128xf32>
    %get3A_25 = arith.constant 0 : index
    %get3A_26 = arith.constant 0 : index
    %get3A_27 = arith.constant 0 : index
    %get3A_28 = vector.load %arg2[%get3A_25, %get3A_26, %get3A_27] : memref<2x2000x16xf32, #tpu.memory_space<vmem>>, vector<1x2000x16xf32>
    %get3A_29 = vector.shape_cast %get3A_28 : vector<1x2000x16xf32> to vector<2000x16xf32>
    %get3A_30 = arith.constant 1 : index
    %get3A_31 = arith.constant 0 : index
    %get3A_32 = arith.constant 0 : index
    %get3A_33 = vector.load %arg2[%get3A_30, %get3A_31, %get3A_32] : memref<2x2000x16xf32, #tpu.memory_space<vmem>>, vector<1x2000x16xf32>
    %get3A_34 = vector.shape_cast %get3A_33 : vector<1x2000x16xf32> to vector<2000x16xf32>
    %add3A_35 = arith.addf %get3A_29, %get3A_34 : vector<2000x16xf32>
    %get3A_36 = arith.constant 0 : index
    %get3A_37 = arith.constant 0 : index
    %get3A_38 = vector.load %arg6[%get3A_36, %get3A_37] : memref<2000x16xf32, #tpu.memory_space<vmem>>, vector<2000x16xf32>
    %sub3A_39 = arith.subf %add3A_35, %get3A_38 : vector<2000x16xf32>
    %mul3A_40 = vector.broadcast %get3A_1 : vector<2000x1xf32> to vector<2000x16xf32>
    %mul3A_41 = arith.mulf %mul3A_40, %sub3A_39 : vector<2000x16xf32>
    %slice3A_42 = vector.extract_strided_slice %get3A_4 {offsets = [16, 0], sizes = [16, 128], strides = [1, 1]} : vector<64x128xf32> to vector<16x128xf32>
    %dot_general3A_43 = arith.constant dense<0.000000e+00> : vector<2000x128xf32>
    %dot_general3A_44 = tpu.matmul %mul3A_41, %slice3A_42, %dot_general3A_43 {dimension_numbers = #tpu.dot_dimension_numbers<[1], [0], [0], [1], [0, 0, 1, 1], [], []>, transpose_lhs_hint = false} : vector<2000x16xf32>, vector<16x128xf32>, vector<2000x128xf32> -> vector<2000x128xf32>
    %add3A_45 = arith.addf %add3A_24, %dot_general3A_44 : vector<2000x128xf32>
    %get3A_46 = arith.constant 0 : index
    %get3A_47 = arith.constant 0 : index
    %get3A_48 = arith.constant 0 : index
    %get3A_49 = vector.load %arg3[%get3A_46, %get3A_47, %get3A_48] : memref<2x2000x16xf32, #tpu.memory_space<vmem>>, vector<1x2000x16xf32>
    %get3A_50 = vector.shape_cast %get3A_49 : vector<1x2000x16xf32> to vector<2000x16xf32>
    %get3A_51 = arith.constant 1 : index
    %get3A_52 = arith.constant 0 : index
    %get3A_53 = arith.constant 0 : index
    %get3A_54 = vector.load %arg3[%get3A_51, %get3A_52, %get3A_53] : memref<2x2000x16xf32, #tpu.memory_space<vmem>>, vector<1x2000x16xf32>
    %get3A_55 = vector.shape_cast %get3A_54 : vector<1x2000x16xf32> to vector<2000x16xf32>
    %add3A_56 = arith.addf %get3A_50, %get3A_55 : vector<2000x16xf32>
    %get3A_57 = arith.constant 0 : index
    %get3A_58 = arith.constant 0 : index
    %get3A_59 = vector.load %arg7[%get3A_57, %get3A_58] : memref<2000x16xf32, #tpu.memory_space<vmem>>, vector<2000x16xf32>
    %sub3A_60 = arith.subf %add3A_56, %get3A_59 : vector<2000x16xf32>
    %mul3A_61 = vector.broadcast %get3A_1 : vector<2000x1xf32> to vector<2000x16xf32>
    %mul3A_62 = arith.mulf %mul3A_61, %sub3A_60 : vector<2000x16xf32>
    %slice3A_63 = vector.extract_strided_slice %get3A_4 {offsets = [32, 0], sizes = [16, 128], strides = [1, 1]} : vector<64x128xf32> to vector<16x128xf32>
    %dot_general3A_64 = arith.constant dense<0.000000e+00> : vector<2000x128xf32>
    %dot_general3A_65 = tpu.matmul %mul3A_62, %slice3A_63, %dot_general3A_64 {dimension_numbers = #tpu.dot_dimension_numbers<[1], [0], [0], [1], [0, 0, 1, 1], [], []>, transpose_lhs_hint = false} : vector<2000x16xf32>, vector<16x128xf32>, vector<2000x128xf32> -> vector<2000x128xf32>
    %add3A_66 = arith.addf %add3A_45, %dot_general3A_65 : vector<2000x128xf32>
    %get3A_67 = arith.constant 0 : index
    %get3A_68 = arith.constant 0 : index
    %get3A_69 = arith.constant 0 : index
    %get3A_70 = vector.load %arg4[%get3A_67, %get3A_68, %get3A_69] : memref<2x2000x16xf32, #tpu.memory_space<vmem>>, vector<1x2000x16xf32>
    %get3A_71 = vector.shape_cast %get3A_70 : vector<1x2000x16xf32> to vector<2000x16xf32>
    %get3A_72 = arith.constant 1 : index
    %get3A_73 = arith.constant 0 : index
    %get3A_74 = arith.constant 0 : index
    %get3A_75 = vector.load %arg4[%get3A_72, %get3A_73, %get3A_74] : memref<2x2000x16xf32, #tpu.memory_space<vmem>>, vector<1x2000x16xf32>
    %get3A_76 = vector.shape_cast %get3A_75 : vector<1x2000x16xf32> to vector<2000x16xf32>
    %add3A_77 = arith.addf %get3A_71, %get3A_76 : vector<2000x16xf32>
    %get3A_78 = arith.constant 0 : index
    %get3A_79 = arith.constant 0 : index
    %get3A_80 = vector.load %arg8[%get3A_78, %get3A_79] : memref<2000x16xf32, #tpu.memory_space<vmem>>, vector<2000x16xf32>
    %sub3A_81 = arith.subf %add3A_77, %get3A_80 : vector<2000x16xf32>
    %mul3A_82 = vector.broadcast %get3A_1 : vector<2000x1xf32> to vector<2000x16xf32>
    %mul3A_83 = arith.mulf %mul3A_82, %sub3A_81 : vector<2000x16xf32>
    %slice3A_84 = vector.extract_strided_slice %get3A_4 {offsets = [48, 0], sizes = [16, 128], strides = [1, 1]} : vector<64x128xf32> to vector<16x128xf32>
    %dot_general3A_85 = arith.constant dense<0.000000e+00> : vector<2000x128xf32>
    %dot_general3A_86 = tpu.matmul %mul3A_83, %slice3A_84, %dot_general3A_85 {dimension_numbers = #tpu.dot_dimension_numbers<[1], [0], [0], [1], [0, 0, 1, 1], [], []>, transpose_lhs_hint = false} : vector<2000x16xf32>, vector<16x128xf32>, vector<2000x128xf32> -> vector<2000x128xf32>
    %add3A_87 = arith.addf %add3A_66, %dot_general3A_86 : vector<2000x128xf32>
    %max3A = arith.constant 0.000000e+00 : f32
    %max3A_88 = vector.broadcast %max3A : f32 to vector<2000x128xf32>
    %max3A_89 = arith.maximumf %add3A_87, %max3A_88 : vector<2000x128xf32>
    %get3A_90 = arith.constant 0 : index
    %get3A_91 = arith.constant 0 : index
    %get3A_92 = arith.constant 0 : index
    %get3A_93 = vector.load %arg12[%get3A_90, %get3A_91, %get3A_92] : memref<1x1x2000xi32, #tpu.memory_space<vmem>>, vector<1x1x2000xi32>
    %get3A_94 = vector.shape_cast %get3A_93 : vector<1x1x2000xi32> to vector<2000xi32>
    %broadcast_in_dim3A = vector.shape_cast %get3A_94 : vector<2000xi32> to vector<2000x1xi32>
    %iota3A = tpu.iota {dimensions = array<i32: 1>} : vector<2000x512xi32>
    %eq3A = vector.broadcast %broadcast_in_dim3A : vector<2000x1xi32> to vector<2000x512xi32>
    %eq3A_95 = arith.cmpi eq, %eq3A, %iota3A : vector<2000x512xi32>
    %jit3A = arith.constant 1.000000e+00 : f32
    %jit3A_96 = arith.constant 0.000000e+00 : f32
    %broadcast_in_dim3A_97 = vector.broadcast %jit3A : f32 to vector<2000x512xf32>
    %broadcast_in_dim3A_98 = vector.broadcast %jit3A_96 : f32 to vector<2000x512xf32>
    %select_n3A = arith.select %eq3A_95, %broadcast_in_dim3A_97, %broadcast_in_dim3A_98 : vector<2000x512xi1>, vector<2000x512xf32>
    %dot_general3A_99 = arith.constant dense<0.000000e+00> : vector<512x128xf32>
    %dot_general3A_100 = tpu.matmul %select_n3A, %max3A_89, %dot_general3A_99 {dimension_numbers = #tpu.dot_dimension_numbers<[0], [0], [1], [1], [0, 1, 1, 1], [], []>, transpose_lhs_hint = false} : vector<2000x512xf32>, vector<2000x128xf32>, vector<512x128xf32> -> vector<512x128xf32>
    %reduce_sum3A = arith.constant dense<0.000000e+00> : vector<512xf32>
    %reduce_sum3A_101 = vector.multi_reduction <add>, %select_n3A, %reduce_sum3A [0] : vector<2000x512xf32> to vector<512xf32>
    %broadcast_in_dim3A_102 = vector.shape_cast %reduce_sum3A_101 : vector<512xf32> to vector<512x1xf32>
    %eq3A_103 = arith.constant 0 : i32
    %eq3A_104 = arith.cmpi eq, %arg0, %eq3A_103 : i32
    %convert_element_type3A = arith.extui %eq3A_104 : i1 to i32
    %cond3A = arith.constant 0 : i32
    %cond3A_105 = arith.cmpi ne, %convert_element_type3A, %cond3A : i32
    scf.if %cond3A_105 {
      %broadcast_in_dim3A_124 = arith.constant 0.000000e+00 : f32
      %broadcast_in_dim3A_125 = vector.broadcast %broadcast_in_dim3A_124 : f32 to vector<512x128xf32>
      %swap3A_126 = arith.constant 0 : index
      %swap3A_127 = arith.constant 0 : index
      %swap3A_128 = vector.load %arg15[%swap3A_126, %swap3A_127] : memref<512x128xf32, #tpu.memory_space<vmem>>, vector<512x128xf32>
      tpu.vector_store %arg15[%swap3A_126, %swap3A_127], %broadcast_in_dim3A_125 {strides = array<i32>} : memref<512x128xf32, #tpu.memory_space<vmem>>, vector<512x128xf32>,
      %broadcast_in_dim3A_129 = arith.constant 0.000000e+00 : f32
      %broadcast_in_dim3A_130 = vector.broadcast %broadcast_in_dim3A_129 : f32 to vector<512x1xf32>
      %swap3A_131 = arith.constant 0 : index
      %swap3A_132 = arith.constant 0 : index
      %swap3A_133 = vector.load %arg16[%swap3A_131, %swap3A_132] : memref<512x1xf32, #tpu.memory_space<vmem>>, vector<512x1xf32>
      tpu.vector_store %arg16[%swap3A_131, %swap3A_132], %broadcast_in_dim3A_130 {strides = array<i32>} : memref<512x1xf32, #tpu.memory_space<vmem>>, vector<512x1xf32>,
    } else {
    }
    %get3A_106 = arith.constant 0 : index
    %get3A_107 = arith.constant 0 : index
    %get3A_108 = vector.load %arg15[%get3A_106, %get3A_107] : memref<512x128xf32, #tpu.memory_space<vmem>>, vector<512x128xf32>
    %add3A_109 = arith.addf %get3A_108, %dot_general3A_100 : vector<512x128xf32>
    %swap3A = arith.constant 0 : index
    %swap3A_110 = arith.constant 0 : index
    %swap3A_111 = vector.load %arg15[%swap3A, %swap3A_110] : memref<512x128xf32, #tpu.memory_space<vmem>>, vector<512x128xf32>
    tpu.vector_store %arg15[%swap3A, %swap3A_110], %add3A_109 {strides = array<i32>} : memref<512x128xf32, #tpu.memory_space<vmem>>, vector<512x128xf32>,
    %get3A_112 = arith.constant 0 : index
    %get3A_113 = arith.constant 0 : index
    %get3A_114 = vector.load %arg16[%get3A_112, %get3A_113] : memref<512x1xf32, #tpu.memory_space<vmem>>, vector<512x1xf32>
    %add3A_115 = arith.addf %get3A_114, %broadcast_in_dim3A_102 : vector<512x1xf32>
    %swap3A_116 = arith.constant 0 : index
    %swap3A_117 = arith.constant 0 : index
    %swap3A_118 = vector.load %arg16[%swap3A_116, %swap3A_117] : memref<512x1xf32, #tpu.memory_space<vmem>>, vector<512x1xf32>
    tpu.vector_store %arg16[%swap3A_116, %swap3A_117], %add3A_115 {strides = array<i32>} : memref<512x1xf32, #tpu.memory_space<vmem>>, vector<512x1xf32>,
    %eq3A_119 = arith.constant 24 : i32
    %eq3A_120 = arith.cmpi eq, %arg0, %eq3A_119 : i32
    %convert_element_type3A_121 = arith.extui %eq3A_120 : i1 to i32
    %cond3A_122 = arith.constant 0 : i32
    %cond3A_123 = arith.cmpi ne, %convert_element_type3A_121, %cond3A_122 : i32
    scf.if %cond3A_123 {
      %get3A_124 = arith.constant 0 : index
      %get3A_125 = arith.constant 0 : index
      %get3A_126 = vector.load %arg15[%get3A_124, %get3A_125] : memref<512x128xf32, #tpu.memory_space<vmem>>, vector<512x128xf32>
      %get3A_127 = arith.constant 0 : index
      %get3A_128 = arith.constant 0 : index
      %get3A_129 = vector.load %arg16[%get3A_127, %get3A_128] : memref<512x1xf32, #tpu.memory_space<vmem>>, vector<512x1xf32>
      %max3A_130 = arith.constant 1.000000e+00 : f32
      %max3A_131 = vector.broadcast %max3A_130 : f32 to vector<512x1xf32>
      %max3A_132 = arith.maximumf %get3A_129, %max3A_131 : vector<512x1xf32>
      %div3A = vector.broadcast %max3A_132 : vector<512x1xf32> to vector<512x128xf32>
      %div3A_133 = arith.divf %get3A_126, %div3A : vector<512x128xf32>
      %get3A_134 = arith.constant 0 : index
      %get3A_135 = arith.constant 0 : index
      %get3A_136 = vector.load %arg13[%get3A_134, %get3A_135] : memref<128x10xf32, #tpu.memory_space<vmem>>, vector<128x10xf32>
      %dot_general3A_137 = arith.constant dense<0.000000e+00> : vector<512x10xf32>
      %dot_general3A_138 = tpu.matmul %div3A_133, %get3A_136, %dot_general3A_137 {dimension_numbers = #tpu.dot_dimension_numbers<[1], [0], [0], [1], [0, 0, 1, 1], [], []>, transpose_lhs_hint = false} : vector<512x128xf32>, vector<128x10xf32>, vector<512x10xf32> -> vector<512x10xf32>
      %get3A_139 = arith.constant 0 : index
      %get3A_140 = arith.constant 0 : index
      %get3A_141 = vector.load %arg14[%get3A_139, %get3A_140] : memref<1x10xf32, #tpu.memory_space<vmem>>, vector<1x10xf32>
      %add3A_142 = vector.broadcast %get3A_141 : vector<1x10xf32> to vector<512x10xf32>
      %add3A_143 = arith.addf %dot_general3A_138, %add3A_142 : vector<512x10xf32>
      %reduce_max3A = arith.constant dense<0xFF800000> : vector<512xf32>
      %reduce_max3A_144 = vector.multi_reduction <maximumf>, %add3A_143, %reduce_max3A [1] : vector<512x10xf32> to vector<512xf32>
      %broadcast_in_dim3A_145 = vector.shape_cast %reduce_max3A_144 : vector<512xf32> to vector<512x1xf32>
      %sub3A_146 = vector.broadcast %broadcast_in_dim3A_145 : vector<512x1xf32> to vector<512x10xf32>
      %sub3A_147 = arith.subf %add3A_143, %sub3A_146 : vector<512x10xf32>
      %exp3A = math.exp %sub3A_147 : vector<512x10xf32>
      %reduce_sum3A_148 = arith.constant dense<0.000000e+00> : vector<512xf32>
      %reduce_sum3A_149 = vector.multi_reduction <add>, %exp3A, %reduce_sum3A_148 [1] : vector<512x10xf32> to vector<512xf32>
      %broadcast_in_dim3A_150 = vector.shape_cast %reduce_sum3A_149 : vector<512xf32> to vector<512x1xf32>
      %log3A = math.log %broadcast_in_dim3A_150 : vector<512x1xf32>
      %sub3A_151 = vector.broadcast %log3A : vector<512x1xf32> to vector<512x10xf32>
      %sub3A_152 = arith.subf %sub3A_147, %sub3A_151 : vector<512x10xf32>
      %swap3A_153 = arith.constant 0 : index
      %swap3A_154 = arith.constant 0 : index
      %swap3A_155 = vector.load %arg17[%swap3A_153, %swap3A_154] : memref<512x10xf32, #tpu.memory_space<vmem>>, vector<512x10xf32>
      tpu.vector_store %arg17[%swap3A_153, %swap3A_154], %sub3A_152 {strides = array<i32>} : memref<512x10xf32, #tpu.memory_space<vmem>>, vector<512x10xf32>,
    } else {
    }
    return
  }
  func.func @transform_0(%arg0: i32) -> (i32, i32, i32) {
    %c0_i32 = arith.constant 0 : i32
    %c0_i32_0 = arith.constant 0 : i32
    %c0_i32_1 = arith.constant 0 : i32
    return %c0_i32, %arg0, %c0_i32_0 : i32, i32, i32
  }
  func.func @transform_1(%arg0: i32) -> (i32, i32, i32) {
    %c0_i32 = arith.constant 0 : i32
    %c0_i32_0 = arith.constant 0 : i32
    %c0_i32_1 = arith.constant 0 : i32
    return %c0_i32, %arg0, %c0_i32_0 : i32, i32, i32
  }
  func.func @transform_2(%arg0: i32) -> (i32, i32, i32) {
    %c0_i32 = arith.constant 0 : i32
    %c0_i32_0 = arith.constant 0 : i32
    %c0_i32_1 = arith.constant 0 : i32
    return %c0_i32, %arg0, %c0_i32_0 : i32, i32, i32
  }
  func.func @transform_3(%arg0: i32) -> (i32, i32, i32) {
    %c0_i32 = arith.constant 0 : i32
    %c0_i32_0 = arith.constant 0 : i32
    %c0_i32_1 = arith.constant 0 : i32
    return %c0_i32, %arg0, %c0_i32_0 : i32, i32, i32
  }
  func.func @transform_4(%arg0: i32) -> (i32, i32) {
    %c0_i32 = arith.constant 0 : i32
    %c0_i32_0 = arith.constant 0 : i32
    return %arg0, %c0_i32 : i32, i32
  }
  func.func @transform_5(%arg0: i32) -> (i32, i32) {
    %c0_i32 = arith.constant 0 : i32
    %c0_i32_0 = arith.constant 0 : i32
    return %arg0, %c0_i32 : i32, i32
  }
  func.func @transform_6(%arg0: i32) -> (i32, i32) {
    %c0_i32 = arith.constant 0 : i32
    %c0_i32_0 = arith.constant 0 : i32
    return %arg0, %c0_i32 : i32, i32
  }
  func.func @transform_7(%arg0: i32) -> (i32, i32) {
    %c0_i32 = arith.constant 0 : i32
    %c0_i32_0 = arith.constant 0 : i32
    return %arg0, %c0_i32 : i32, i32
  }
  func.func @transform_8(%arg0: i32) -> (i32, i32) {
    %c0_i32 = arith.constant 0 : i32
    %c0_i32_0 = arith.constant 0 : i32
    return %arg0, %c0_i32 : i32, i32
  }
  func.func @transform_9(%arg0: i32) -> (i32, i32) {
    %c0_i32 = arith.constant 0 : i32
    %c0_i32_0 = arith.constant 0 : i32
    %c0_i32_1 = arith.constant 0 : i32
    return %c0_i32, %c0_i32_0 : i32, i32
  }
  func.func @transform_10(%arg0: i32) -> (i32, i32) {
    %c0_i32 = arith.constant 0 : i32
    %c0_i32_0 = arith.constant 0 : i32
    %c0_i32_1 = arith.constant 0 : i32
    return %c0_i32, %c0_i32_0 : i32, i32
  }
  func.func @transform_11(%arg0: i32) -> (i32, i32, i32) {
    %c0_i32 = arith.constant 0 : i32
    %c0_i32_0 = arith.constant 0 : i32
    %c0_i32_1 = arith.constant 0 : i32
    return %arg0, %c0_i32, %c0_i32_0 : i32, i32, i32
  }
  func.func @transform_12(%arg0: i32) -> (i32, i32) {
    %c0_i32 = arith.constant 0 : i32
    %c0_i32_0 = arith.constant 0 : i32
    %c0_i32_1 = arith.constant 0 : i32
    return %c0_i32, %c0_i32_0 : i32, i32
  }
  func.func @transform_13(%arg0: i32) -> (i32, i32) {
    %c0_i32 = arith.constant 0 : i32
    %c0_i32_0 = arith.constant 0 : i32
    %c0_i32_1 = arith.constant 0 : i32
    return %c0_i32, %c0_i32_0 : i32, i32
  }
  func.func @transform_14(%arg0: i32) -> (i32, i32) {
    %c0_i32 = arith.constant 0 : i32
    %c0_i32_0 = arith.constant 0 : i32
    %c0_i32_1 = arith.constant 0 : i32
    return %c0_i32, %c0_i32_0 : i32, i32
  }
  func.func @transform_15(%arg0: i32) -> (i32, i32) {
    %c0_i32 = arith.constant 0 : i32
    %c0_i32_0 = arith.constant 0 : i32
    %c0_i32_1 = arith.constant 0 : i32
    return %c0_i32, %c0_i32_0 : i32, i32
  }
  func.func @transform_16(%arg0: i32) -> (i32, i32) {
    %c0_i32 = arith.constant 0 : i32
    %c0_i32_0 = arith.constant 0 : i32
    %c0_i32_1 = arith.constant 0 : i32
    return %c0_i32, %c0_i32_0 : i32, i32
  }
}

</mosaic_0001>

<sc_bundles>
// kernel: kernel.10.cloned.1.call-start
scs
__scs_entry_jumppad:
0x0: {  	(pc) =	sbr.rel $0x88, $3  }
0x1: {  	(tag) =	ssettag $0x0;
	lr =	simm.s32 $0x1  }
0x2: {  	[smem:$0x3F96] =	sst lr;
	_ =	strace $0xD0000000  }
0x3: {  	_ = 	snop  }
0x4: {  	_ = 	snop  }
0x5: {  	_ = 	snop  }
0x6: {  	_ = 	snop  }
0x7: {  	_ = 	snop  }
__scs_overlays_trampoline_lowered:
0x8: {  	[smem:$0x3FA5] =	sst s0  }
0x9: {  	[smem:$0x3FA6] =	sst s1  }
0xa: {  	[smem:$0x3FA7] =	sst s2  }
0xb: {  	[smem:$0x3FA8] =	sst s3  }
0xc: {  	[smem:$0x3FA9] =	sst s4  }
0xd: {  	[smem:$0x3FAA] =	sst s5  }
0xe: {  	[smem:$0x3FAB] =	sst s6  }
0xf: {  	[smem:$0x3FAC] =	sst s7  }
0x10: {  	[smem:$0x3FAD] =	sst s8  }
0x11: {  	[smem:$0x3FAE] =	sst s9;
	s0 =	simm.s32 @!p0 $0x0  }
0x12: {  	s1 =	sld [smem:$0x3F94];
	s0 =	simm.s32 @p0 $0x1  }
0x13: {  	[smem:$0x3FAF] =	sst s0;
	s0 =	simm.s32 @!p1 $0x0  }
0x14: {  	s2 =	sld [smem:$0x3F93];
	s0 =	simm.s32 @p1 $0x1  }
0x15: {  	[smem:$0x3FB0] =	sst s0;
	s0 =	simm.s32 @!p2 $0x0  }
0x16: {  	s3 =	sld [smem:$0x3FDB];
	s0 =	simm.s32 @p2 $0x1  }
0x17: {  	s4 =	simm.s32 $0x1BF5;
	[smem:$0x3FB2] =	sst s0  }
0x18: {  	s0 =	sld [smem:$0x3F95];
	_ =	swait.ge [sflag:s4], $0x0  }
0x19: {  	s7 =	sld [smem:$0x3F96]  }
0x1a: {  	s8 =	sadd.s32 $0xFFFFE003, lr  }
0x1b: {  	s9 =	sadd.s32 $0xFFFFFEF7, lr;
	s5 =	simm.s32 $0xFFFFFFFF;
	p2 =	slt.u32 s8, $0xFFFFF086  }
0x1c: {  	p1 =	slt.u32 s9, $0xF7A;
	s5 =	simm.s32 @!p2 $0x0  }
0x1d: {  	s5 =	simm.s32 @p1 $0x1;
	p0 =	seq.s32 s7, s2  }
0x1e: {  	s7 =	smul.u32 @!p0 $0xF7A, s2;
	p2 =	seq.s32 @!p0 s5, $0x0  }
0x1f: {  	s9 =	smul.u32 $0xF7A, s1;
	s8 =	simm.s32 @!p0 $0x1BF5;
	p2 =	por !p2, p0  }
0x20: {  	[sflag:s8] =	ssyncset.s32 @!p0 $0xFFFFF086;
	s6 =	sadd.s32 @!p0 s3, s7;
	s7 =	simm.s32 @!p0 $0x108  }
0x21: {  	s3 =	sadd.s32 s3, s9;
	s6 =	sadd.s32 @!p0 $0x88, s6;
	s7 =	simm.s32 @p2 $0x1082  }
0x22: {  	[simem:s7], [sflag:s8] =	dma.local @!p0 [hbm:s6], $0xF7A  }
0x23: {  	s9 =	sor.u32 $0xD0000000, s2;
	s6 =	simm.s32 $0x108;
	_ =	swait.ge @!p0 [sflag:s8], $0x0  }
0x24: {  	s3 =	sadd.s32 $0x88, s3;
	s6 =	simm.s32 @!p1 $0x1082;
	[sflag:s4] =	ssyncset.s32 $0xFFFFF086  }
0x25: {  	[simem:s6], [sflag:s4] =	dma.local [hbm:s3], $0xF7A  }
0x26: {  	[smem:$0x3F96] =	sst s1;
	(tag) =	ssettag s2;
	_ =	strace s9  }
0x27: {  	s1 =	sld [smem:$0x3FA6]  }
0x28: {  	s2 =	sld [smem:$0x3FA7]  }
0x29: {  	s4 =	sld [smem:$0x3FA9]  }
0x2a: {  	p0 =	seq.s32 s5, $0x0;
	s5 =	sld [smem:$0x3FAA]  }
0x2b: {  	s6 =	sld [smem:$0x3FAB]  }
0x2c: {  	s7 =	sld [smem:$0x3FAC]  }
0x2d: {  	s3 =	simm.s32 $0x108;
	s8 =	sld [smem:$0x3FAD]  }
0x2e: {  	s3 =	simm.s32 @!p0 $0x1082;
	s9 =	sld [smem:$0x3FAE]  }
0x2f: {  	lr =	sadd.s32 s0, s3;
	s0 =	sld [smem:$0x3FA5]  }
0x30: {  	s3 =	sld [smem:$0x3FA8]  }
0x31: {  	[smem:$0x3FB1] =	sst s10  }
0x32: {  	s10 =	sld [smem:$0x3FAF];
	_ =	sdelay $0x3  }
0x33: {  	p0 =	seq.s32 s10, $0x1;
	s10 =	sld [smem:$0x3FB1];
	_ =	sdelay $0x3  }
0x34: {  	[smem:$0x3FB1] =	sst s10  }
0x35: {  	s10 =	sld [smem:$0x3FB0];
	_ =	sdelay $0x3  }
0x36: {  	p1 =	seq.s32 s10, $0x1;
	s10 =	sld [smem:$0x3FB1];
	_ =	sdelay $0x3  }
0x37: {  	[smem:$0x3FB1] =	sst s10  }
0x38: {  	s10 =	sld [smem:$0x3FB2]  }
0x39: {  	_ = 	snop;
	(pc) =	sbr.ind lr, $3  }
0x3a: {  	_ = 	snop  }
0x3b: {  	_ = 	snop  }
0x3c: {  	p2 =	seq.s32 s10, $0x1;
	s10 =	sld [smem:$0x3FB1]  }
0x3d: {  	_ =	shalt  }
0x3e: {  	_ =	shalt  }
0x3f: {  	_ =	shalt  }
0x40: {  	_ =	shalt  }
0x41: {  	_ =	shalt  }
0x42: {  	_ =	shalt  }
0x43: {  	_ =	shalt  }
0x44: {  	_ =	shalt  }
0x45: {  	_ =	shalt  }
0x46: {  	_ =	shalt  }
0x47: {  	_ =	shalt  }
0x48: {  	_ =	shalt  }
0x49: {  	_ =	shalt  }
0x4a: {  	_ =	shalt  }
0x4b: {  	_ =	shalt  }
0x4c: {  	_ =	shalt  }
0x4d: {  	_ =	shalt  }
0x4e: {  	_ =	shalt  }
0x4f: {  	_ =	shalt  }
0x50: {  	_ =	shalt  }
0x51: {  	_ =	shalt  }
0x52: {  	_ =	shalt  }
0x53: {  	_ =	shalt  }
0x54: {  	_ =	shalt  }
0x55: {  	_ =	shalt  }
0x56: {  	_ =	shalt  }
0x57: {  	_ =	shalt  }
0x58: {  	_ =	shalt  }
0x59: {  	_ =	shalt  }
0x5a: {  	_ =	shalt  }
0x5b: {  	_ =	shalt  }
0x5c: {  	_ =	shalt  }
0x5d: {  	_ =	shalt  }
0x5e: {  	_ =	shalt  }
0x5f: {  	_ =	shalt  }
0x60: {  	_ =	shalt  }
0x61: {  	_ =	shalt  }
0x62: {  	_ =	shalt  }
0x63: {  	_ =	shalt  }
0x64: {  	_ =	shalt  }
0x65: {  	_ =	shalt  }
0x66: {  	_ =	shalt  }
0x67: {  	_ =	shalt  }
0x68: {  	_ =	shalt  }
0x69: {  	_ =	shalt  }
0x6a: {  	_ =	shalt  }
0x6b: {  	_ =	shalt  }
0x6c: {  	_ =	shalt  }
0x6d: {  	_ =	shalt  }
0x6e: {  	_ =	shalt  }
0x6f: {  	_ =	shalt  }
0x70: {  	_ =	shalt  }
0x71: {  	_ =	shalt  }
0x72: {  	_ =	shalt  }
0x73: {  	_ =	shalt  }
0x74: {  	_ =	shalt  }
0x75: {  	_ =	shalt  }
0x76: {  	_ =	shalt  }
0x77: {  	_ =	shalt  }
0x78: {  	_ =	shalt  }
0x79: {  	_ =	shalt  }
0x7a: {  	_ =	shalt  }
0x7b: {  	_ =	shalt  }
0x7c: {  	_ =	shalt  }
0x7d: {  	_ =	shalt  }
0x7e: {  	_ =	shalt  }
0x7f: {  	_ =	shalt  }
0x80: {  	_ =	shalt  }
0x81: {  	_ =	shalt  }
0x82: {  	_ =	shalt  }
0x83: {  	_ =	shalt  }
0x84: {  	_ =	shalt  }
0x85: {  	_ =	shalt  }
0x86: {  	_ =	shalt  }
0x87: {  	_ =	shalt  }
.Lfunc_end0:
.L_simem_size_0:
called_computation_lowered:
.L_overlay_start_0:
0x88: {  	s2 =	sld [smem:$0x3FD9]  }
0x89: {  	s3 =	sld [smem:$0x3FFE];
	_ =	sdelay $0x1  }
0x8a: {  	s1 =	srdreg.scid  }
0x8b: {  	s0 =	sand.u32 $0x1, s1  }
0x8c: {  	s16 =	sshll.u32 s0, $0xA;
	s2 =	sadd.s32 s3, s2  }
0x8d: {  	s2 =	sadd.s32 s2, s16  }
0x8e: {  	[smem:$0x3FBD] =	sst s2  }
0x8f: {  	_ = 	snop  }
0x90: {  	(tm) =	ssettm $0x1  }
0x91: {  	s17 =	sld [smem:$0x3FFB];
	_ =	sdelay $0x3  }
0x92: {  	_ =	strace s17  }
0x93: {  	s2 =	sld [smem:$0x3FFC];
	_ =	sdelay $0x3  }
0x94: {  	_ =	strace s2  }
0x95: {  	s2 =	sld [smem:$0x3FFD];
	_ =	sdelay $0x3  }
0x96: {  	_ =	strace s2  }
0x97: {  	_ =	strace $0x8FFFFFFF  }
0x98: {  	s18 =	sld [smem:$0x3FDB];
	_ =	sdelay $0x1  }
0x99: {  	s19 =	simm.s32 $_scs_section_size  }
0x9a: {  	s4 =	simm.s32 $_size__tile_overlayer_lowered;
	s5 =	simm.s32 $_tile_overlayer_lowered  }
0x9b: {  	s22 =	simm.s32 $0x1BFF;
	s21 =	sshll.u32 s5, $0x1;
	s2 =	sadd.s32 s19, s18  }
0x9c: {  	s6 =	simm.s32 $0x0;
	s20 =	sshll.u32 s4, $0x1;
	s4 =	sadd.s32 s21, s2  }
0x9d: {  	[timem:s6], [sflag:s22] =	dma.local [hbm:s4], s20  }
0x9e: {  	_ =	swait.ge [sflag:s22], s20  }
0x9f: {  	s3 =	ssub.s32 $0x0, s20;
	[sflag:s22] =	ssyncset.done $0x0  }
0xa0: {  	[sflag:s22] =	ssyncadd.s32 s3;
	_ =	sdelay $0x1  }
0xa1: {  	s23 =	simm.s32 $0x1B8B  }
0xa2: {  	_ =	swait.ge [sflag:s23], $0x1  }
0xa3: {  	[sflag:s23] =	ssyncset.done $0x0  }
0xa4: {  	s25 =	simm.s32 $0x1B8E;
	s24 =	sld [smem:$0x3FFE];
	[sflag:s23] =	ssyncadd.s32 $0xFFFFFFFF  }
0xa5: {  	s26 =	simm.s32 $execute0_lowered;
	[smem:$0x3FD2] =	sst s25  }
0xa6: {  	s4 =	sshll.u32 s26, $0x1;
	_ =	strace $0x80000046;
	[dreg:$0x1] =	wrdreg $0xFFFFFFFF  }
0xa7: {  	s28 =	simm.s32 $_size_execute0_lowered;
	s2 =	sadd.s32 s2, s4;
	[dreg:$0x0] =	wrdreg $0x0  }
0xa8: {  	s4 =	sshll.u32 s28, $0x1;
	[dreg:$0x2] =	wrdreg s2  }
0xa9: {  	[dreg:$0x3] =	wrdreg s4  }
0xaa: {  	[dreg:$0x4] =	wrdreg $0xC0  }
0xab: {  	_ =	task [dreg:s6], $0x5FFFF  }
0xac: {  	[dreg:$0x1] =	wrdreg $0xFFFFFFFF  }
0xad: {  	[dreg:$0x0] =	wrdreg $0x60  }
0xae: {  	[dreg:$0x2] =	wrdreg s24  }
0xaf: {  	[dreg:$0x3] =	wrdreg $0x90000  }
0xb0: {  	[dreg:$0x4] =	wrdreg $0x9  }
0xb1: {  	_ =	task.clear_ibuf [dreg:s6], $0x5FFFF;
	_ =	strace $0x90000046  }
0xb2: {  	s29 =	simm.s32 $0x9;
	_ =	strace $0x80000048  }
0xb3: {  	_ =	swait.ge [sflag:s29], $0x1  }
0xb4: {  	[sflag:s29] =	ssyncadd.s32 $0xFFFFFFFF  }
0xb5: {  	_ =	strace $0x90000048  }
0xb6: {  	_ =	sfence  }
0xb7: {  	s30 =	sld [smem:$0x0];
	_ =	sdelay $0x2  }
0xb8: {  	s31 =	sshll.u32 s1, $0xD;
	s1 =	sshrl.u32 s1, $0x2  }
0xb9: {  	s3 =	sand.u32 $0x4000, s31;
	s1 =	sadd.s32 s1, s30  }
0xba: {  	s0 =	sor.u32 s3, s0;
	s1 =	sshll.u32 s1, $0x11  }
0xbb: {  	s0 =	sor.u32 s1, s0  }
0xbc: {  	s0 =	sadd.s32 $0x8F2B, s0  }
0xbd: {  	[sflag:s0] =	ssyncadd.remote.s32 $0x1  }
0xbe: {  	_ =	sfence.sel $0xFFFF  }
0xbf: {  	[dreg:$0x0] =	wrdreg $0xFFFFFFFF;
	(pc) =	sbr.abs _section_cstart, $3  }
0xc0: {  	[dreg:$0x1] =	wrdreg $0xFFFFFFFF  }
0xc1: {  	_ =	task.clear_ibuf [dreg:s6], $0x2FFFF;
	_ =	strace $0x9FFFFFFF  }
0xc2: {  	(tm) =	ssettm $0x7FFFFFFF  }
0xc3: {  	_ =	shalt  }
tec
execute0_lowered:
.L_overlay_start_1:
0x0: {  	(tag) =	ssettag $0x1  }
0x1: {  	s0 =	rddreg [dreg:$0x0]  }
0x2: {  	s1 =	rddreg [dreg:$0x1];
	s3 =	srdreg.scid;
	s2 =	simm.s32 $0x0  }
0x3: {  	s7 =	stileid.u32;
	s17 =	simm.s32 $0x9;
	s18 =	simm.s32 $0x1000  }
0x4: {  	s19 =	simm.s32 $0x400;
	s20 =	simm.s32 $0x1;
	s22 =	simm.s32 $0x2  }
0x5: {  	s23 =	simm.s32 $0xC00;
	s3 =	sand.u32 $0x1, s3;
	s12 =	smul.u32 $0x61C0, s7  }
0x6: {  	s28 =	simm.s32 $0x0;
	[smem:$0x7FF] =	sst s2;
	s4 =	smul.u32 $0xFFFFFFBC, s3  }
0x7: {  	s6 =	sadd.s32 $0x5200, s0;
	s13 =	sadd.s32 $0xC9200, s0;
	s8 =	smul.u32 $0xC380, s3  }
0x8: {  	s29 =	sshll.u32 s7, $0x6;
	s9 =	smul.u32 $0x840, s3;
	s3 =	ssub.s32 $0x2, s3  }
0x9: {  	_ =	strace $0x80000047;
	[dreg:$0x3] =	wrdreg s13;
	s11 =	sshrl.u32 s3, $0x1  }
0xa: {  	s16 =	sadd.s32 s12, s1;
	s24 =	sshrl.u32 s12, $0x3;
	s5 =	sadd.s32 $0x84, s4  }
0xb: {  	s0 =	sadd.s32 s8, s0;
	s26 =	sadd.s32 s13, s24;
	s10 =	smul.u32 s7, s5  }
0xc: {  	s3 =	ssub.s32 s3, s11;
	s16 =	sshrl.u32 s16, $0x3;
	[dreg:$0x4] =	wrdreg s26  }
0xd: {  	s0 =	sadd.s32 $0xD5600, s0;
	s12 =	smax.u32 s3, $0x1;
	s25 =	sadd.s32 s9, s10  }
0xe: {  	s26 =	simm.s32 $0x8;
	s24 =	sadd.s32 s24, s0;
	s15 =	sshll.u32 s25, $0x7  }
0xf: {  	s10 =	sor.u32 $0x1C09, s29;
	s25 =	simm.s32 $0x7;
	s30 =	sand.u32 $0x1FFFFE00, s15  }
0x10: {  	s9 =	sadd.s32 s6, s15;
	s15 =	sadd.s32 $0x200, s15;
	s31 =	sadd.s32 s30, s6  }
0x11: {  	s11 =	sadd.s32 $0x80, s9;
	s13 =	sadd.s32 $0x100, s31;
	s14 =	sadd.s32 $0x180, s31  }
.LBB2_1:
0x12: {  	s0 =	rddreg [dreg:$0x4]  }
0x13: {  	[spmem:s16], [sflag:s10] =	dma.local [hbm:s0], $0xC38  }
0x14: {  	_ =	swait.ge [sflag:s17], $0xC38  }
0x15: {  	[sflag:s17] =	ssyncset.done $0x0  }
0x16: {  	s8 =	rddreg [dreg:$0x3];
	[sflag:s17] =	ssyncadd.s32 $0xFFFFF3C8  }
0x17: {  	[tilespmem:s18], [sflag:$0x9] =	stream.linear.gather [hbm4b:s8+s2], $0x2000, $0x38;
	[tilespmem:$0xF1C0] =	vst v63  }
0x18: {  	_ =	swait.ge [sflag:s17], $0x2000  }
0x19: {  	[sflag:s17] =	ssyncset.done $0x0  }
0x1a: {  	[sflag:s17] =	ssyncadd.s32 $0xFFFFE000  }
0x1b: {  	[bflag:$0x0] =	sbarrier.arrive $0xFFFF  }
0x1c: {  	[tilespmem:s2], [sflag:$0x1] =	stream.linear.gather [hbm4b:s9+s2], $0x400, $0x38;
	[tilespmem:$0xF1C0] =	vst v63  }
0x1d: {  	_ = 	snop  }
0x1e: {  	[tilespmem:s19], [sflag:$0x2] =	stream.linear.gather [hbm4b:s11+s2], $0x400, $0x38;
	[tilespmem:$0xF1C0] =	vst v63  }
0x1f: {  	_ =	swait.ge [sflag:s20], $0x400  }
0x20: {  	[sflag:s20] =	ssyncset.done $0x0  }
0x21: {  	s21 =	simm.s32 $0x800;
	[sflag:s20] =	ssyncadd.s32 $0xFFFFFC00  }
0x22: {  	[tilespmem:s21], [sflag:$0x3] =	stream.linear.gather [hbm4b:s13+s2], $0x400, $0x38;
	[tilespmem:$0xF1C0] =	vst v63  }
0x23: {  	_ =	swait.ge [sflag:s22], $0x400  }
0x24: {  	s3 =	simm.s32 $0x2;
	s29 =	simm.s32 $0xFFFFFF7F;
	[sflag:s22] =	ssyncset.done $0x0  }
0x25: {  	s30 =	simm.s32 $0xFFFFFF7D;
	s0 =	sand.u32 $0x3, s3;
	[sflag:s22] =	ssyncadd.s32 $0xFFFFFC00  }
0x26: {  	[spmem:s1] =	stream.indirect.scatter.add.f32 [tilespmem:s18], [sflag:$0x5], $0x8, s2, s19, $0xb8;
	[tilespmem:$0xF1C0] =	vst v63  }
0x27: {  	p1 =	sne.s32 s4, $0xFFFFFF7F;
	p0 =	sle.u32 s5, $0x4;
	s3 =	sadd.s32 $0x1, s0  }
0x28: {  	[tilespmem:s23], [sflag:$0x4] =	stream.linear.gather [hbm4b:s14+s2], $0x400, $0x38;
	[tilespmem:$0xF1C0] =	vst v63  }
0x29: {  	s30 =	sand.u32 $0x3, s30;
	s0 =	sxor.u32 $0x2, s0;
	_ =	swait.ge [sflag:s3], $0x400  }
.Ltmp0:
0x2a: {  	s7 =	sshll.u32 s30, $0xA;
	[sflag:s3] =	ssyncset.done $0x0;
	(pc) =	sbr.rel @!p1 .LBB2_3-.Ltmp0, $4  }
0x2b: {  	s31 =	sadd.s32 $0x5, s0;
	s8 =	sadd.s32 $0x5, s30;
	[sflag:s3] =	ssyncadd.s32 $0xFFFFFC00  }
0x2c: {  	[spmem:s1] =	stream.indirect.scatter.add.f32 [tilespmem:s18], [sflag:s8], $0x8, s7, s19, $0xb8;
	[tilespmem:$0xF1C0] =	vst v63  }
0x2d: {  	s30 =	sadd.s32 $0x80, s15;
	s21 =	simm.s32 $0x4;
	_ =	swait.ge [sflag:s31], $0x2000  }
0x2e: {  	s0 =	sand.u32 @!p0 $0x3, s21;
	s3 =	sand.u32 @!p0 $0x1FFFFF80, s15;
	[sflag:s31] =	ssyncset.done $0x0  }
.LBB2_2:
0x2f: {  	[sflag:s31] =	ssyncadd.s32 $0xFFFFE000;
	s21 =	sshll.u32 @!p0 s0, $0xA;
	s31 =	simm.s32 @!p0 $0x0  }
0x30: {  	s7 =	sadd.s32 $0x84, s29;
	s0 =	sadd.s32 @!p0 $0x1, s0;
	s3 =	sadd.s32 @!p0 s6, s3  }
0x31: {  	[tilespmem:s21], [sflag:s0] =	stream.linear.gather @!p0 [hbm4b:s3+s31], $0x400, $0x38;
	[tilespmem:$0xF1C0] =	vst v63  }
0x32: {  	s0 =	sand.u32 $0x3, s7;
	s3 =	smov.u32 s29;
	s29 =	sadd.s32 $0x1, s29  }
0x33: {  	s7 =	sadd.s32 $0x1, s0;
	s0 =	sxor.u32 $0x2, s0;
	p1 =	sne.s32 s4, s29  }
0x34: {  	s8 =	smov.u32 s30;
	s21 =	sadd.s32 $0xFFFFFFFF, s3;
	_ =	swait.ge [sflag:s7], $0x400  }
0x35: {  	s21 =	sand.u32 $0x3, s21;
	s31 =	sadd.s32 $0x5, s0;
	[sflag:s7] =	ssyncset.done $0x0  }
.Ltmp1:
0x36: {  	[sflag:s7] =	ssyncadd.s32 $0xFFFFFC00;
	s7 =	sshll.u32 s21, $0xA;
	(pc) =	sbr.rel @p1 .LBB2_2-.Ltmp1, $4  }
0x37: {  	s3 =	sadd.s32 $0x86, s3;
	s0 =	sadd.s32 $0x5, s21  }
0x38: {  	[spmem:s1] =	stream.indirect.scatter.add.f32 [tilespmem:s18], [sflag:s0], $0x8, s7, s19, $0xb8;
	[tilespmem:$0xF1C0] =	vst v63  }
0x39: {  	s30 =	sadd.s32 $0x80, s30;
	p0 =	sge.u32 s3, s5;
	_ =	swait.ge [sflag:s31], $0x2000  }
0x3a: {  	s0 =	sand.u32 @!p0 $0x3, s3;
	s3 =	sand.u32 @!p0 $0x1FFFFF80, s8;
	[sflag:s31] =	ssyncset.done $0x0  }
.LBB2_3:
0x3b: {  	[sflag:s31] =	ssyncadd.s32 $0xFFFFE000;
	s7 =	sshll.u32 @!p0 s0, $0xA  }
0x3c: {  	s8 =	simm.s32 @!p0 $0x0;
	s0 =	sadd.s32 @!p0 $0x1, s0;
	s3 =	sadd.s32 @!p0 s6, s3  }
0x3d: {  	[tilespmem:s7], [sflag:s0] =	stream.linear.gather @!p0 [hbm4b:s3+s8], $0x400, $0x38;
	[tilespmem:$0xF1C0] =	vst v63  }
0x3e: {  	_ = 	snop  }
0x3f: {  	[spmem:s1] =	stream.indirect.scatter.add.f32 [tilespmem:s18], [sflag:$0x8], $0x8, s23, s19, $0xb8;
	[tilespmem:$0xF1C0] =	vst v63  }
0x40: {  	_ =	swait.ge [sflag:s25], $0x2000  }
0x41: {  	[sflag:s25] =	ssyncset.done $0x0  }
0x42: {  	[sflag:s25] =	ssyncadd.s32 $0xFFFFE000  }
0x43: {  	_ =	swait.ge [sflag:s26], $0x2000  }
0x44: {  	s28 =	sadd.s32 $0x1, s28;
	[sflag:s26] =	ssyncset.done $0x0  }
0x45: {  	p0 =	sne.s32 s28, s12;
	[sflag:s26] =	ssyncadd.s32 $0xFFFFE000  }
.Ltmp2:
0x46: {  	[bflag:$0x0] =	sbarrier.arrive $0xFFFF;
	(pc) =	sbr.rel @p0 .LBB2_1-.Ltmp2, $4  }
0x47: {  	[hbm:s24], [sflag:s10] =	dma.local [spmem:s16], $0xC38  }
0x48: {  	_ =	swait.ge [sflag:s17], $0xC38  }
0x49: {  	[sflag:s17] =	ssyncset.done $0x0  }
0x4a: {  	[sflag:s17] =	ssyncadd.s32 $0xFFFFF3C8  }
0x4b: {  	_ =	sfence.sel $0x180000  }
0x4c: {  	[bflag:$0x0] =	sbarrier.arrive $0xFFFF  }
0x4d: {  	_ =	strace $0x90000047  }
0x4e: {  	s0 =	stileid.u32;
	[bflag:$0x2] =	sbarrier.arrive $0xFFFF  }
0x4f: {  	p0 =	sne.s32 s0, $0x0;
	s0 =	rddreg [dreg:$0x2]  }
0x50: {  	s0 =	sadd.s32 @!p0 $0x100000, s0  }
0x51: {  	[sflag:s0] =	ssyncadd.tile.s32 @!p0 $0x1;
	_ =	shalt  }
.Lfunc_end2:
_tile_overlayer_lowered:
.L_overlay_start_2:
0x52: {  	(tag) =	ssettag $0x2  }
0x53: {  	s0 =	rddreg [dreg:$0x0];
	s2 =	stileid.u32  }
0x54: {  	s1 =	rddreg [dreg:$0x1];
	p0 =	sne.s32 s2, $0x0  }
0x55: {  	s3 =	rddreg [dreg:$0x2];
	[bflag:$0x3] =	sbarrier.arrive $0xFFFF;
	s2 =	simm.s32 @!p0 $0x1C09  }
0x56: {  	[timem:s3], [sflag:s2] =	dma.local @!p0 [hbm:s0], s1  }
0x57: {  	s0 =	simm.s32 @!p0 $0x9  }
0x58: {  	_ =	swait.ge @!p0 [sflag:s0], s1  }
0x59: {  	s1 =	ssub.s32 @!p0 $0x0, s1;
	[sflag:s0] =	ssyncset.done @!p0 $0x0  }
0x5a: {  	[sflag:s0] =	ssyncadd.s32 @!p0 s1  }
0x5b: {  	[bflag:$0x3] =	sbarrier.arrive $0xFFFF  }
0x5c: {  	_ =	shalt  }

// kernel: kernel.13.cloned.1.call-start
scs
__scs_entry_jumppad:
0x0: {  	(pc) =	sbr.rel $0x88, $3  }
0x1: {  	(tag) =	ssettag $0x0;
	lr =	simm.s32 $0x1  }
0x2: {  	[smem:$0x3F96] =	sst lr;
	_ =	strace $0xD0000000  }
0x3: {  	_ = 	snop  }
0x4: {  	_ = 	snop  }
0x5: {  	_ = 	snop  }
0x6: {  	_ = 	snop  }
0x7: {  	_ = 	snop  }
__scs_overlays_trampoline_lowered:
0x8: {  	[smem:$0x3FA5] =	sst s0  }
0x9: {  	[smem:$0x3FA6] =	sst s1  }
0xa: {  	[smem:$0x3FA7] =	sst s2  }
0xb: {  	[smem:$0x3FA8] =	sst s3  }
0xc: {  	[smem:$0x3FA9] =	sst s4  }
0xd: {  	[smem:$0x3FAA] =	sst s5  }
0xe: {  	[smem:$0x3FAB] =	sst s6  }
0xf: {  	[smem:$0x3FAC] =	sst s7  }
0x10: {  	[smem:$0x3FAD] =	sst s8  }
0x11: {  	[smem:$0x3FAE] =	sst s9;
	s0 =	simm.s32 @!p0 $0x0  }
0x12: {  	s1 =	sld [smem:$0x3F94];
	s0 =	simm.s32 @p0 $0x1  }
0x13: {  	[smem:$0x3FAF] =	sst s0;
	s0 =	simm.s32 @!p1 $0x0  }
0x14: {  	s2 =	sld [smem:$0x3F93];
	s0 =	simm.s32 @p1 $0x1  }
0x15: {  	[smem:$0x3FB0] =	sst s0;
	s0 =	simm.s32 @!p2 $0x0  }
0x16: {  	s3 =	sld [smem:$0x3FDB];
	s0 =	simm.s32 @p2 $0x1  }
0x17: {  	s4 =	simm.s32 $0x1BF5;
	[smem:$0x3FB2] =	sst s0  }
0x18: {  	s0 =	sld [smem:$0x3F95];
	_ =	swait.ge [sflag:s4], $0x0  }
0x19: {  	s7 =	sld [smem:$0x3F96]  }
0x1a: {  	s8 =	sadd.s32 $0xFFFFE003, lr  }
0x1b: {  	s9 =	sadd.s32 $0xFFFFFEF7, lr;
	s5 =	simm.s32 $0xFFFFFFFF;
	p2 =	slt.u32 s8, $0xFFFFF086  }
0x1c: {  	p1 =	slt.u32 s9, $0xF7A;
	s5 =	simm.s32 @!p2 $0x0  }
0x1d: {  	s5 =	simm.s32 @p1 $0x1;
	p0 =	seq.s32 s7, s2  }
0x1e: {  	s7 =	smul.u32 @!p0 $0xF7A, s2;
	p2 =	seq.s32 @!p0 s5, $0x0  }
0x1f: {  	s9 =	smul.u32 $0xF7A, s1;
	s8 =	simm.s32 @!p0 $0x1BF5;
	p2 =	por !p2, p0  }
0x20: {  	[sflag:s8] =	ssyncset.s32 @!p0 $0xFFFFF086;
	s6 =	sadd.s32 @!p0 s3, s7;
	s7 =	simm.s32 @!p0 $0x108  }
0x21: {  	s3 =	sadd.s32 s3, s9;
	s6 =	sadd.s32 @!p0 $0x88, s6;
	s7 =	simm.s32 @p2 $0x1082  }
0x22: {  	[simem:s7], [sflag:s8] =	dma.local @!p0 [hbm:s6], $0xF7A  }
0x23: {  	s9 =	sor.u32 $0xD0000000, s2;
	s6 =	simm.s32 $0x108;
	_ =	swait.ge @!p0 [sflag:s8], $0x0  }
0x24: {  	s3 =	sadd.s32 $0x88, s3;
	s6 =	simm.s32 @!p1 $0x1082;
	[sflag:s4] =	ssyncset.s32 $0xFFFFF086  }
0x25: {  	[simem:s6], [sflag:s4] =	dma.local [hbm:s3], $0xF7A  }
0x26: {  	[smem:$0x3F96] =	sst s1;
	(tag) =	ssettag s2;
	_ =	strace s9  }
0x27: {  	s1 =	sld [smem:$0x3FA6]  }
0x28: {  	s2 =	sld [smem:$0x3FA7]  }
0x29: {  	s4 =	sld [smem:$0x3FA9]  }
0x2a: {  	p0 =	seq.s32 s5, $0x0;
	s5 =	sld [smem:$0x3FAA]  }
0x2b: {  	s6 =	sld [smem:$0x3FAB]  }
0x2c: {  	s7 =	sld [smem:$0x3FAC]  }
0x2d: {  	s3 =	simm.s32 $0x108;
	s8 =	sld [smem:$0x3FAD]  }
0x2e: {  	s3 =	simm.s32 @!p0 $0x1082;
	s9 =	sld [smem:$0x3FAE]  }
0x2f: {  	lr =	sadd.s32 s0, s3;
	s0 =	sld [smem:$0x3FA5]  }
0x30: {  	s3 =	sld [smem:$0x3FA8]  }
0x31: {  	[smem:$0x3FB1] =	sst s10  }
0x32: {  	s10 =	sld [smem:$0x3FAF];
	_ =	sdelay $0x3  }
0x33: {  	p0 =	seq.s32 s10, $0x1;
	s10 =	sld [smem:$0x3FB1];
	_ =	sdelay $0x3  }
0x34: {  	[smem:$0x3FB1] =	sst s10  }
0x35: {  	s10 =	sld [smem:$0x3FB0];
	_ =	sdelay $0x3  }
0x36: {  	p1 =	seq.s32 s10, $0x1;
	s10 =	sld [smem:$0x3FB1];
	_ =	sdelay $0x3  }
0x37: {  	[smem:$0x3FB1] =	sst s10  }
0x38: {  	s10 =	sld [smem:$0x3FB2]  }
0x39: {  	_ = 	snop;
	(pc) =	sbr.ind lr, $3  }
0x3a: {  	_ = 	snop  }
0x3b: {  	_ = 	snop  }
0x3c: {  	p2 =	seq.s32 s10, $0x1;
	s10 =	sld [smem:$0x3FB1]  }
0x3d: {  	_ =	shalt  }
0x3e: {  	_ =	shalt  }
0x3f: {  	_ =	shalt  }
0x40: {  	_ =	shalt  }
0x41: {  	_ =	shalt  }
0x42: {  	_ =	shalt  }
0x43: {  	_ =	shalt  }
0x44: {  	_ =	shalt  }
0x45: {  	_ =	shalt  }
0x46: {  	_ =	shalt  }
0x47: {  	_ =	shalt  }
0x48: {  	_ =	shalt  }
0x49: {  	_ =	shalt  }
0x4a: {  	_ =	shalt  }
0x4b: {  	_ =	shalt  }
0x4c: {  	_ =	shalt  }
0x4d: {  	_ =	shalt  }
0x4e: {  	_ =	shalt  }
0x4f: {  	_ =	shalt  }
0x50: {  	_ =	shalt  }
0x51: {  	_ =	shalt  }
0x52: {  	_ =	shalt  }
0x53: {  	_ =	shalt  }
0x54: {  	_ =	shalt  }
0x55: {  	_ =	shalt  }
0x56: {  	_ =	shalt  }
0x57: {  	_ =	shalt  }
0x58: {  	_ =	shalt  }
0x59: {  	_ =	shalt  }
0x5a: {  	_ =	shalt  }
0x5b: {  	_ =	shalt  }
0x5c: {  	_ =	shalt  }
0x5d: {  	_ =	shalt  }
0x5e: {  	_ =	shalt  }
0x5f: {  	_ =	shalt  }
0x60: {  	_ =	shalt  }
0x61: {  	_ =	shalt  }
0x62: {  	_ =	shalt  }
0x63: {  	_ =	shalt  }
0x64: {  	_ =	shalt  }
0x65: {  	_ =	shalt  }
0x66: {  	_ =	shalt  }
0x67: {  	_ =	shalt  }
0x68: {  	_ =	shalt  }
0x69: {  	_ =	shalt  }
0x6a: {  	_ =	shalt  }
0x6b: {  	_ =	shalt  }
0x6c: {  	_ =	shalt  }
0x6d: {  	_ =	shalt  }
0x6e: {  	_ =	shalt  }
0x6f: {  	_ =	shalt  }
0x70: {  	_ =	shalt  }
0x71: {  	_ =	shalt  }
0x72: {  	_ =	shalt  }
0x73: {  	_ =	shalt  }
0x74: {  	_ =	shalt  }
0x75: {  	_ =	shalt  }
0x76: {  	_ =	shalt  }
0x77: {  	_ =	shalt  }
0x78: {  	_ =	shalt  }
0x79: {  	_ =	shalt  }
0x7a: {  	_ =	shalt  }
0x7b: {  	_ =	shalt  }
0x7c: {  	_ =	shalt  }
0x7d: {  	_ =	shalt  }
0x7e: {  	_ =	shalt  }
0x7f: {  	_ =	shalt  }
0x80: {  	_ =	shalt  }
0x81: {  	_ =	shalt  }
0x82: {  	_ =	shalt  }
0x83: {  	_ =	shalt  }
0x84: {  	_ =	shalt  }
0x85: {  	_ =	shalt  }
0x86: {  	_ =	shalt  }
0x87: {  	_ =	shalt  }
.Lfunc_end0:
.L_simem_size_0:
called_computation.1_lowered:
.L_overlay_start_0:
0x88: {  	s2 =	sld [smem:$0x3FD9]  }
0x89: {  	s3 =	sld [smem:$0x3FFE];
	_ =	sdelay $0x1  }
0x8a: {  	s1 =	srdreg.scid  }
0x8b: {  	s0 =	sand.u32 $0x1, s1  }
0x8c: {  	s16 =	sshll.u32 s0, $0xA;
	s2 =	sadd.s32 s3, s2  }
0x8d: {  	s2 =	sadd.s32 s2, s16  }
0x8e: {  	[smem:$0x3FBD] =	sst s2  }
0x8f: {  	_ = 	snop  }
0x90: {  	(tm) =	ssettm $0x1  }
0x91: {  	s17 =	sld [smem:$0x3FFB];
	_ =	sdelay $0x3  }
0x92: {  	_ =	strace s17  }
0x93: {  	s2 =	sld [smem:$0x3FFC];
	_ =	sdelay $0x3  }
0x94: {  	_ =	strace s2  }
0x95: {  	s2 =	sld [smem:$0x3FFD];
	_ =	sdelay $0x3  }
0x96: {  	_ =	strace s2  }
0x97: {  	_ =	strace $0x8FFFFFFF  }
0x98: {  	s18 =	sld [smem:$0x3FDB];
	_ =	sdelay $0x1  }
0x99: {  	s19 =	simm.s32 $_scs_section_size  }
0x9a: {  	s4 =	simm.s32 $_size__tile_overlayer_lowered;
	s5 =	simm.s32 $_tile_overlayer_lowered  }
0x9b: {  	s22 =	simm.s32 $0x1BFF;
	s21 =	sshll.u32 s5, $0x1;
	s2 =	sadd.s32 s19, s18  }
0x9c: {  	s6 =	simm.s32 $0x0;
	s20 =	sshll.u32 s4, $0x1;
	s4 =	sadd.s32 s21, s2  }
0x9d: {  	[timem:s6], [sflag:s22] =	dma.local [hbm:s4], s20  }
0x9e: {  	_ =	swait.ge [sflag:s22], s20  }
0x9f: {  	s3 =	ssub.s32 $0x0, s20;
	[sflag:s22] =	ssyncset.done $0x0  }
0xa0: {  	[sflag:s22] =	ssyncadd.s32 s3;
	_ =	sdelay $0x1  }
0xa1: {  	s23 =	simm.s32 $0x1B8B  }
0xa2: {  	_ =	swait.ge [sflag:s23], $0x1  }
0xa3: {  	[sflag:s23] =	ssyncset.done $0x0  }
0xa4: {  	s25 =	simm.s32 $0x1B8E;
	s24 =	sld [smem:$0x3FFE];
	[sflag:s23] =	ssyncadd.s32 $0xFFFFFFFF  }
0xa5: {  	s26 =	simm.s32 $execute0_lowered;
	[smem:$0x3FD2] =	sst s25  }
0xa6: {  	s4 =	sshll.u32 s26, $0x1;
	_ =	strace $0x80000049;
	[dreg:$0x1] =	wrdreg $0xFFFFFFFF  }
0xa7: {  	s28 =	simm.s32 $_size_execute0_lowered;
	s2 =	sadd.s32 s2, s4;
	[dreg:$0x0] =	wrdreg $0x0  }
0xa8: {  	s4 =	sshll.u32 s28, $0x1;
	[dreg:$0x2] =	wrdreg s2  }
0xa9: {  	[dreg:$0x3] =	wrdreg s4  }
0xaa: {  	[dreg:$0x4] =	wrdreg $0xC0  }
0xab: {  	_ =	task [dreg:s6], $0x5FFFF  }
0xac: {  	[dreg:$0x1] =	wrdreg $0xFFFFFFFF  }
0xad: {  	[dreg:$0x0] =	wrdreg $0x60  }
0xae: {  	[dreg:$0x2] =	wrdreg s24  }
0xaf: {  	[dreg:$0x3] =	wrdreg $0x120000  }
0xb0: {  	[dreg:$0x4] =	wrdreg $0x9  }
0xb1: {  	_ =	task.clear_ibuf [dreg:s6], $0x5FFFF;
	_ =	strace $0x90000049  }
0xb2: {  	s29 =	simm.s32 $0x9;
	_ =	strace $0x8000004B  }
0xb3: {  	_ =	swait.ge [sflag:s29], $0x1  }
0xb4: {  	[sflag:s29] =	ssyncadd.s32 $0xFFFFFFFF  }
0xb5: {  	_ =	strace $0x9000004B  }
0xb6: {  	_ =	sfence  }
0xb7: {  	s30 =	sld [smem:$0x0];
	_ =	sdelay $0x2  }
0xb8: {  	s31 =	sshll.u32 s1, $0xD;
	s1 =	sshrl.u32 s1, $0x2  }
0xb9: {  	s3 =	sand.u32 $0x4000, s31;
	s1 =	sadd.s32 s1, s30  }
0xba: {  	s0 =	sor.u32 s3, s0;
	s1 =	sshll.u32 s1, $0x11  }
0xbb: {  	s0 =	sor.u32 s1, s0  }
0xbc: {  	s0 =	sadd.s32 $0x8F2B, s0  }
0xbd: {  	[sflag:s0] =	ssyncadd.remote.s32 $0x1  }
0xbe: {  	_ =	sfence.sel $0xFFFF  }
0xbf: {  	[dreg:$0x0] =	wrdreg $0xFFFFFFFF;
	(pc) =	sbr.abs _section_cstart, $3  }
0xc0: {  	[dreg:$0x1] =	wrdreg $0xFFFFFFFF  }
0xc1: {  	_ =	task.clear_ibuf [dreg:s6], $0x2FFFF;
	_ =	strace $0x9FFFFFFF  }
0xc2: {  	(tm) =	ssettm $0x7FFFFFFF  }
0xc3: {  	_ =	shalt  }
tec
execute0_lowered:
.L_overlay_start_1:
0x0: {  	(tag) =	ssettag $0x1  }
0x1: {  	s0 =	rddreg [dreg:$0x0]  }
0x2: {  	s2 =	srdreg.scid;
	s1 =	rddreg [dreg:$0x1];
	s3 =	simm.s32 $0x0  }
0x3: {  	s13 =	stileid.u32;
	s28 =	simm.s32 $0x1;
	s29 =	simm.s32 $0x2000  }
0x4: {  	s30 =	simm.s32 $0x8;
	s2 =	sand.u32 $0x1, s2;
	s12 =	smul.u32 $0xC380, s13  }
0x5: {  	s31 =	simm.s32 $0xB;
	[smem:$0x7FF] =	sst s3;
	s4 =	smul.u32 $0xFFFFFFBC, s2  }
0x6: {  	s6 =	sadd.s32 $0x67200, s0;
	s7 =	sadd.s32 $0x5200, s0;
	s9 =	smul.u32 $0x18700, s2  }
0x7: {  	s8 =	sadd.s32 $0xC9200, s0;
	s10 =	smul.u32 $0x840, s2;
	s2 =	ssub.s32 $0x2, s2  }
0x8: {  	s17 =	sshll.u32 s13, $0x6;
	_ =	strace $0x8000004A;
	s26 =	sshrl.u32 s2, $0x1  }
0x9: {  	s15 =	sadd.s32 s12, s1;
	s16 =	sshrl.u32 s12, $0x3;
	s5 =	sadd.s32 $0x84, s4  }
0xa: {  	s0 =	sadd.s32 s9, s0;
	[dreg:$0x3] =	wrdreg s15;
	s12 =	sadd.s32 s8, s16  }
0xb: {  	s2 =	ssub.s32 s2, s26;
	s11 =	smul.u32 s13, s5;
	[dreg:$0x4] =	wrdreg s12  }
0xc: {  	s0 =	sadd.s32 $0xE1A00, s0;
	s2 =	smax.u32 s2, $0x1;
	p0 =	seq.s32 s5, $0x0  }
0xd: {  	[dreg:$0x9] =	wrdreg s2;
	s0 =	sadd.s32 s16, s0;
	s14 =	sadd.s32 s10, s11  }
0xe: {  	s11 =	sor.u32 $0x1C0D, s17;
	[dreg:$0xe] =	wrdreg s0;
	s9 =	sshll.u32 s14, $0x7  }
0xf: {  	s0 =	simm.s32 $0x2;
	s18 =	sor.u32 $0x80, s9;
	s19 =	sadd.s32 s7, s9  }
0x10: {  	s20 =	sadd.s32 s6, s9;
	s22 =	sand.u32 $0x1FFFFE00, s9;
	[dreg:$0x5] =	wrdreg s19  }
0x11: {  	s14 =	sadd.s32 $0x200, s9;
	[dreg:$0x6] =	wrdreg s20;
	s21 =	sadd.s32 s7, s18  }
0x12: {  	s12 =	sadd.s32 s6, s18;
	s23 =	sor.u32 $0x100, s22;
	[dreg:$0x7] =	wrdreg s21  }
0x13: {  	s9 =	simm.s32 $0x0;
	[dreg:$0x8] =	wrdreg s12;
	s24 =	sadd.s32 s7, s23  }
0x14: {  	s12 =	sor.u32 $0x180, s22;
	s2 =	sadd.s32 s6, s23;
	[dreg:$0xa] =	wrdreg s24  }
0x15: {  	s22 =	simm.s32 $0xD;
	[dreg:$0xb] =	wrdreg s2;
	s25 =	sadd.s32 s7, s12  }
0x16: {  	s26 =	sadd.s32 s6, s12;
	s2 =	simm.s32 $0xC;
	[dreg:$0xc] =	wrdreg s25  }
0x17: {  	[dreg:$0xd] =	wrdreg s26;
	s26 =	simm.s32 $0x400;
	s25 =	simm.s32 $0x5  }
.LBB2_1:
0x18: {  	s10 =	rddreg [dreg:$0x3]  }
0x19: {  	s12 =	rddreg [dreg:$0x4];
	s10 =	sshrl.u32 s10, $0x3  }
0x1a: {  	[spmem:s10], [sflag:s11] =	dma.local [hbm:s12], $0x1870  }
0x1b: {  	_ =	swait.ge [sflag:s22], $0x1870  }
0x1c: {  	[sflag:s22] =	ssyncset.done $0x0  }
0x1d: {  	[sflag:s22] =	ssyncadd.s32 $0xFFFFE790  }
0x1e: {  	[bflag:$0x0] =	sbarrier.arrive $0xFFFF  }
0x1f: {  	s13 =	simm.s32 $0x1000;
	s21 =	rddreg [dreg:$0x5]  }
0x20: {  	[tilespmem:s13], [sflag:$0x1] =	stream.linear.gather [hbm4b:s21+s3], $0x400, $0x38;
	[tilespmem:$0x1E380] =	vst v63  }
0x21: {  	s23 =	rddreg [dreg:$0x6]  }
0x22: {  	[tilespmem:s3], [sflag:$0x1] =	stream.linear.gather [hbm4b:s23+s3], $0x400, $0x38;
	[tilespmem:$0x1E380] =	vst v63  }
0x23: {  	s15 =	simm.s32 $0x1400;
	s24 =	rddreg [dreg:$0x7]  }
0x24: {  	[tilespmem:s15], [sflag:$0x2] =	stream.linear.gather [hbm4b:s24+s3], $0x400, $0x38;
	[tilespmem:$0x1E380] =	vst v63  }
0x25: {  	s16 =	rddreg [dreg:$0x8]  }
0x26: {  	[tilespmem:s26], [sflag:$0x2] =	stream.linear.gather [hbm4b:s16+s3], $0x400, $0x38;
	[tilespmem:$0x1E380] =	vst v63  }
0x27: {  	_ =	swait.ge [sflag:s28], $0x400  }
0x28: {  	[sflag:s28] =	ssyncset.done $0x0  }
0x29: {  	[sflag:s28] =	ssyncadd.s32 $0xFFFFFC00  }
0x2a: {  	_ =	swait.ge [sflag:s28], $0x400  }
0x2b: {  	[sflag:s28] =	ssyncset.done $0x0  }
0x2c: {  	[sflag:s28] =	ssyncadd.s32 $0xFFFFFC00  }
0x2d: {  	[tilespmem:s29], [sflag:$0x5] =	stream.indirect.gather [hbm4b:s8+s26], $0x10, s3, s26, $0xb8;
	[tilespmem:$0x1E380] =	vst v63  }
0x2e: {  	s18 =	simm.s32 $0x1800;
	s17 =	rddreg [dreg:$0xa]  }
0x2f: {  	[tilespmem:s18], [sflag:$0x3] =	stream.linear.gather [hbm4b:s17+s3], $0x400, $0x38;
	[tilespmem:$0x1E380] =	vst v63  }
0x30: {  	s20 =	simm.s32 $0x800;
	s19 =	rddreg [dreg:$0xb]  }
0x31: {  	[tilespmem:s20], [sflag:$0x3] =	stream.linear.gather [hbm4b:s19+s3], $0x400, $0x38;
	[tilespmem:$0x1E380] =	vst v63  }
0x32: {  	_ =	swait.ge [sflag:s0], $0x400  }
0x33: {  	[sflag:s0] =	ssyncset.done $0x0  }
0x34: {  	[sflag:s0] =	ssyncadd.s32 $0xFFFFFC00  }
0x35: {  	_ =	swait.ge [sflag:s0], $0x400  }
0x36: {  	p1 =	sne.s32 s4, $0xFFFFFF7F;
	[sflag:s0] =	ssyncset.done $0x0  }
0x37: {  	s21 =	simm.s32 $0x6000;
	s23 =	simm.s32 $0x2;
	[sflag:s0] =	ssyncadd.s32 $0xFFFFFC00  }
0x38: {  	[tilespmem:s21], [sflag:$0x6] =	stream.indirect.gather [hbm4b:s8+s26], $0x10, s26, s26, $0xb8;
	[tilespmem:$0x1E380] =	vst v63  }
0x39: {  	p2 =	sle.u32 s5, $0x4;
	s24 =	sand.u32 $0x3, s23;
	_ =	swait.ge [sflag:s25], $0x4000  }
0x3a: {  	s12 =	simm.s32 @!p0 $0x0;
	s16 =	sadd.s32 $0x1, s24;
	[sflag:s25] =	ssyncset.done $0x0  }
0x3b: {  	s17 =	sshll.u32 s24, $0xE;
	s18 =	simm.s32 $0x4;
	[sflag:s25] =	ssyncadd.s32 $0xFFFFC000  }
0x3c: {  	[spmem:s1] =	stream.indirect.scatter.add.f32 [tilespmem:s29], [sflag:$0x9], $0x10, s13, s26, $0xb8;
	[tilespmem:$0x1E380] =	vst v63  }
0x3d: {  	s17 =	sor.u32 $0x2000, s17;
	s15 =	rddreg [dreg:$0xc];
	s13 =	simm.s32 @!p0 $0x1C00  }
0x3e: {  	[tilespmem:s13], [sflag:$0x4] =	stream.linear.gather @!p0 [hbm4b:s15+s12], $0x400, $0x38;
	[tilespmem:$0x1E380] =	vst v63  }
0x3f: {  	s19 =	simm.s32 $0xFFFFFF7D;
	s13 =	simm.s32 @!p0 $0xC00;
	s15 =	rddreg [dreg:$0xd]  }
0x40: {  	[tilespmem:s13], [sflag:$0x4] =	stream.linear.gather @!p0 [hbm4b:s15+s12], $0x400, $0x38;
	[tilespmem:$0x1E380] =	vst v63  }
0x41: {  	s18 =	sand.u32 @!p2 $0x3, s18;
	s19 =	sand.u32 $0x3, s19;
	_ =	swait.ge [sflag:s16], $0x400  }
0x42: {  	s20 =	sadd.s32 $0x5, s24;
	s23 =	sshll.u32 s19, $0xA;
	[sflag:s16] =	ssyncset.done $0x0  }
0x43: {  	s21 =	sxor.u32 $0x2, s24;
	s12 =	simm.s32 $0xFFFFFF7F;
	[sflag:s16] =	ssyncadd.s32 $0xFFFFFC00  }
0x44: {  	s13 =	sadd.s32 $0x9, s21;
	s21 =	sshll.u32 s19, $0xE;
	_ =	swait.ge [sflag:s16], $0x400  }
0x45: {  	s15 =	sshll.u32 s24, $0xA;
	s24 =	sor.u32 $0x2000, s21;
	[sflag:s16] =	ssyncset.done $0x0  }
0x46: {  	s21 =	smov.u32 s14;
	[sflag:s16] =	ssyncadd.s32 $0xFFFFFC00;
	s16 =	sadd.s32 $0x5, s19  }
0x47: {  	[tilespmem:s17], [sflag:s20] =	stream.indirect.gather [hbm4b:s8+s26], $0x10, s15, s26, $0xb8;
	[tilespmem:$0x1E380] =	vst v63  }
0x48: {  	s19 =	sadd.s32 $0x9, s19;
	s15 =	sor.u32 $0x1000, s23;
	_ =	swait.ge [sflag:s16], $0x4000  }
.Ltmp0:
0x49: {  	s17 =	sshll.u32 @!p2 s18, $0xA;
	[sflag:s16] =	ssyncset.done $0x0;
	(pc) =	sbr.rel @!p1 .LBB2_3-.Ltmp0, $4  }
0x4a: {  	[sflag:s16] =	ssyncadd.s32 $0xFFFFC000;
	s16 =	sadd.s32 @!p2 $0x1, s18;
	s18 =	sand.u32 @!p2 $0x1FFFFF80, s14  }
0x4b: {  	[spmem:s1] =	stream.indirect.scatter.add.f32 [tilespmem:s24], [sflag:s19], $0x10, s15, s26, $0xb8;
	[tilespmem:$0x1E380] =	vst v63  }
0x4c: {  	s15 =	simm.s32 @!p2 $0x0;
	s19 =	sor.u32 @!p2 $0x1000, s17;
	_ =	swait.ge [sflag:s13], $0x4000  }
0x4d: {  	s20 =	sadd.s32 @!p2 s7, s18;
	s18 =	sadd.s32 @!p2 s6, s18;
	[sflag:s13] =	ssyncset.done $0x0  }
.LBB2_2:
0x4e: {  	s21 =	sadd.s32 $0x80, s21;
	s23 =	smov.u32 s12;
	s12 =	sadd.s32 $0x1, s12  }
0x4f: {  	s24 =	sadd.s32 $0x84, s23;
	p1 =	sne.s32 s4, s12;
	[sflag:s13] =	ssyncadd.s32 $0xFFFFC000  }
0x50: {  	[tilespmem:s19], [sflag:s16] =	stream.linear.gather @!p2 [hbm4b:s20+s15], $0x400, $0x38;
	[tilespmem:$0x1E380] =	vst v63  }
0x51: {  	s19 =	sand.u32 $0x3, s24  }
0x52: {  	s20 =	sadd.s32 $0x1, s19;
	s24 =	sshll.u32 s19, $0xE;
	s13 =	sxor.u32 $0x2, s19  }
0x53: {  	[tilespmem:s17], [sflag:s16] =	stream.linear.gather @!p2 [hbm4b:s18+s15], $0x400, $0x38;
	[tilespmem:$0x1E380] =	vst v63  }
0x54: {  	s13 =	sadd.s32 $0x9, s13;
	_ =	swait.ge [sflag:s20], $0x400  }
0x55: {  	s15 =	sadd.s32 $0x86, s23;
	s16 =	sadd.s32 $0x5, s19;
	[sflag:s20] =	ssyncset.done $0x0  }
0x56: {  	s17 =	sadd.s32 $0xFFFFFFFF, s23;
	s18 =	sor.u32 $0x2000, s24;
	[sflag:s20] =	ssyncadd.s32 $0xFFFFFC00  }
0x57: {  	s19 =	sshll.u32 s19, $0xA;
	s17 =	sand.u32 $0x3, s17;
	_ =	swait.ge [sflag:s20], $0x400  }
0x58: {  	s23 =	sshll.u32 s17, $0xE;
	s24 =	sadd.s32 $0x5, s17;
	[sflag:s20] =	ssyncset.done $0x0  }
0x59: {  	p2 =	sge.u32 s15, s5;
	[sflag:s20] =	ssyncadd.s32 $0xFFFFFC00;
	s20 =	sshll.u32 s17, $0xA  }
0x5a: {  	[tilespmem:s18], [sflag:s16] =	stream.indirect.gather [hbm4b:s8+s26], $0x10, s19, s26, $0xb8;
	[tilespmem:$0x1E380] =	vst v63  }
0x5b: {  	s16 =	sor.u32 $0x2000, s23;
	s18 =	sor.u32 $0x1000, s20;
	_ =	swait.ge [sflag:s24], $0x4000  }
0x5c: {  	s17 =	sadd.s32 $0x9, s17;
	s19 =	sand.u32 @!p2 $0x3, s15;
	[sflag:s24] =	ssyncset.done $0x0  }
.Ltmp1:
0x5d: {  	s15 =	simm.s32 @!p2 $0x0;
	[sflag:s24] =	ssyncadd.s32 $0xFFFFC000;
	(pc) =	sbr.rel @p1 .LBB2_2-.Ltmp1, $4  }
0x5e: {  	[spmem:s1] =	stream.indirect.scatter.add.f32 [tilespmem:s16], [sflag:s17], $0x10, s18, s26, $0xb8;
	[tilespmem:$0x1E380] =	vst v63  }
0x5f: {  	s16 =	sadd.s32 @!p2 $0x1, s19;
	s17 =	sshll.u32 @!p2 s19, $0xA;
	s18 =	sand.u32 @!p2 $0x1FFFFF80, s21  }
0x60: {  	s19 =	sor.u32 @!p2 $0x1000, s17;
	s20 =	sadd.s32 @!p2 s7, s18;
	_ =	swait.ge [sflag:s13], $0x4000  }
0x61: {  	s18 =	sadd.s32 @!p2 s6, s18;
	[sflag:s13] =	ssyncset.done $0x0  }
.LBB2_3:
0x62: {  	[sflag:s13] =	ssyncadd.s32 $0xFFFFC000  }
0x63: {  	[tilespmem:s19], [sflag:s16] =	stream.linear.gather @!p2 [hbm4b:s20+s15], $0x400, $0x38;
	[tilespmem:$0x1E380] =	vst v63  }
0x64: {  	_ = 	snop  }
0x65: {  	[tilespmem:s17], [sflag:s16] =	stream.linear.gather @!p2 [hbm4b:s18+s15], $0x400, $0x38;
	[tilespmem:$0x1E380] =	vst v63  }
0x66: {  	_ =	swait.ge [sflag:s30], $0x4000  }
0x67: {  	[sflag:s30] =	ssyncset.done $0x0  }
0x68: {  	s12 =	simm.s32 $0x1C00;
	s21 =	simm.s32 $0xE000;
	[sflag:s30] =	ssyncadd.s32 $0xFFFFC000  }
0x69: {  	[spmem:s1] =	stream.indirect.scatter.add.f32 [tilespmem:s21], [sflag:$0xC], $0x10, s12, s26, $0xb8;
	[tilespmem:$0x1E380] =	vst v63  }
0x6a: {  	_ =	swait.ge [sflag:s31], $0x4000  }
0x6b: {  	[sflag:s31] =	ssyncset.done $0x0  }
0x6c: {  	[sflag:s31] =	ssyncadd.s32 $0xFFFFC000  }
0x6d: {  	_ =	swait.ge [sflag:s2], $0x4000  }
0x6e: {  	[sflag:s2] =	ssyncset.done $0x0  }
0x6f: {  	[sflag:s2] =	ssyncadd.s32 $0xFFFFC000  }
0x70: {  	[bflag:$0x0] =	sbarrier.arrive $0xFFFF  }
0x71: {  	s23 =	rddreg [dreg:$0xe]  }
0x72: {  	[hbm:s23], [sflag:s11] =	dma.local [spmem:s10], $0x1870  }
0x73: {  	_ =	swait.ge [sflag:s22], $0x1870  }
0x74: {  	s9 =	sadd.s32 $0x1, s9;
	s24 =	rddreg [dreg:$0x9]  }
0x75: {  	p1 =	sne.s32 s9, s24  }
.Ltmp2:
0x76: {  	_ = 	snop;
	(pc) =	sbr.rel @p1 .LBB2_1-.Ltmp2, $3  }
0x77: {  	_ =	sdelay $0x1  }
0x78: {  	[sflag:s22] =	ssyncset.done $0x0  }
0x79: {  	[sflag:s22] =	ssyncadd.s32 $0xFFFFE790  }
0x7a: {  	_ =	sfence.sel $0x180000  }
0x7b: {  	[bflag:$0x0] =	sbarrier.arrive $0xFFFF  }
0x7c: {  	_ =	strace $0x9000004A  }
0x7d: {  	s0 =	stileid.u32;
	[bflag:$0x2] =	sbarrier.arrive $0xFFFF  }
0x7e: {  	p0 =	sne.s32 s0, $0x0;
	s0 =	rddreg [dreg:$0x2]  }
0x7f: {  	s0 =	sadd.s32 @!p0 $0x100000, s0  }
0x80: {  	[sflag:s0] =	ssyncadd.tile.s32 @!p0 $0x1;
	_ =	shalt  }
.Lfunc_end2:
_tile_overlayer_lowered:
.L_overlay_start_2:
0x81: {  	(tag) =	ssettag $0x2  }
0x82: {  	s0 =	rddreg [dreg:$0x0];
	s2 =	stileid.u32  }
0x83: {  	s1 =	rddreg [dreg:$0x1];
	p0 =	sne.s32 s2, $0x0  }
0x84: {  	s3 =	rddreg [dreg:$0x2];
	[bflag:$0x3] =	sbarrier.arrive $0xFFFF;
	s2 =	simm.s32 @!p0 $0x1C0D  }
0x85: {  	[timem:s3], [sflag:s2] =	dma.local @!p0 [hbm:s0], s1  }
0x86: {  	s0 =	simm.s32 @!p0 $0xD  }
0x87: {  	_ =	swait.ge @!p0 [sflag:s0], s1  }
0x88: {  	s1 =	ssub.s32 @!p0 $0x0, s1;
	[sflag:s0] =	ssyncset.done @!p0 $0x0  }
0x89: {  	[sflag:s0] =	ssyncadd.s32 @!p0 s1  }
0x8a: {  	[bflag:$0x3] =	sbarrier.arrive $0xFFFF  }
0x8b: {  	_ =	shalt  }

// kernel: kernel.16.cloned.1.call-start
scs
__scs_entry_jumppad:
0x0: {  	(pc) =	sbr.rel $0x88, $3  }
0x1: {  	(tag) =	ssettag $0x0;
	lr =	simm.s32 $0x1  }
0x2: {  	[smem:$0x3F96] =	sst lr;
	_ =	strace $0xD0000000  }
0x3: {  	_ = 	snop  }
0x4: {  	_ = 	snop  }
0x5: {  	_ = 	snop  }
0x6: {  	_ = 	snop  }
0x7: {  	_ = 	snop  }
__scs_overlays_trampoline_lowered:
0x8: {  	[smem:$0x3FA5] =	sst s0  }
0x9: {  	[smem:$0x3FA6] =	sst s1  }
0xa: {  	[smem:$0x3FA7] =	sst s2  }
0xb: {  	[smem:$0x3FA8] =	sst s3  }
0xc: {  	[smem:$0x3FA9] =	sst s4  }
0xd: {  	[smem:$0x3FAA] =	sst s5  }
0xe: {  	[smem:$0x3FAB] =	sst s6  }
0xf: {  	[smem:$0x3FAC] =	sst s7  }
0x10: {  	[smem:$0x3FAD] =	sst s8  }
0x11: {  	[smem:$0x3FAE] =	sst s9;
	s0 =	simm.s32 @!p0 $0x0  }
0x12: {  	s1 =	sld [smem:$0x3F94];
	s0 =	simm.s32 @p0 $0x1  }
0x13: {  	[smem:$0x3FAF] =	sst s0;
	s0 =	simm.s32 @!p1 $0x0  }
0x14: {  	s2 =	sld [smem:$0x3F93];
	s0 =	simm.s32 @p1 $0x1  }
0x15: {  	[smem:$0x3FB0] =	sst s0;
	s0 =	simm.s32 @!p2 $0x0  }
0x16: {  	s3 =	sld [smem:$0x3FDB];
	s0 =	simm.s32 @p2 $0x1  }
0x17: {  	s4 =	simm.s32 $0x1BF5;
	[smem:$0x3FB2] =	sst s0  }
0x18: {  	s0 =	sld [smem:$0x3F95];
	_ =	swait.ge [sflag:s4], $0x0  }
0x19: {  	s7 =	sld [smem:$0x3F96]  }
0x1a: {  	s8 =	sadd.s32 $0xFFFFE003, lr  }
0x1b: {  	s9 =	sadd.s32 $0xFFFFFEF7, lr;
	s5 =	simm.s32 $0xFFFFFFFF;
	p2 =	slt.u32 s8, $0xFFFFF086  }
0x1c: {  	p1 =	slt.u32 s9, $0xF7A;
	s5 =	simm.s32 @!p2 $0x0  }
0x1d: {  	s5 =	simm.s32 @p1 $0x1;
	p0 =	seq.s32 s7, s2  }
0x1e: {  	s7 =	smul.u32 @!p0 $0xF7A, s2;
	p2 =	seq.s32 @!p0 s5, $0x0  }
0x1f: {  	s9 =	smul.u32 $0xF7A, s1;
	s8 =	simm.s32 @!p0 $0x1BF5;
	p2 =	por !p2, p0  }
0x20: {  	[sflag:s8] =	ssyncset.s32 @!p0 $0xFFFFF086;
	s6 =	sadd.s32 @!p0 s3, s7;
	s7 =	simm.s32 @!p0 $0x108  }
0x21: {  	s3 =	sadd.s32 s3, s9;
	s6 =	sadd.s32 @!p0 $0x88, s6;
	s7 =	simm.s32 @p2 $0x1082  }
0x22: {  	[simem:s7], [sflag:s8] =	dma.local @!p0 [hbm:s6], $0xF7A  }
0x23: {  	s9 =	sor.u32 $0xD0000000, s2;
	s6 =	simm.s32 $0x108;
	_ =	swait.ge @!p0 [sflag:s8], $0x0  }
0x24: {  	s3 =	sadd.s32 $0x88, s3;
	s6 =	simm.s32 @!p1 $0x1082;
	[sflag:s4] =	ssyncset.s32 $0xFFFFF086  }
0x25: {  	[simem:s6], [sflag:s4] =	dma.local [hbm:s3], $0xF7A  }
0x26: {  	[smem:$0x3F96] =	sst s1;
	(tag) =	ssettag s2;
	_ =	strace s9  }
0x27: {  	s1 =	sld [smem:$0x3FA6]  }
0x28: {  	s2 =	sld [smem:$0x3FA7]  }
0x29: {  	s4 =	sld [smem:$0x3FA9]  }
0x2a: {  	p0 =	seq.s32 s5, $0x0;
	s5 =	sld [smem:$0x3FAA]  }
0x2b: {  	s6 =	sld [smem:$0x3FAB]  }
0x2c: {  	s7 =	sld [smem:$0x3FAC]  }
0x2d: {  	s3 =	simm.s32 $0x108;
	s8 =	sld [smem:$0x3FAD]  }
0x2e: {  	s3 =	simm.s32 @!p0 $0x1082;
	s9 =	sld [smem:$0x3FAE]  }
0x2f: {  	lr =	sadd.s32 s0, s3;
	s0 =	sld [smem:$0x3FA5]  }
0x30: {  	s3 =	sld [smem:$0x3FA8]  }
0x31: {  	[smem:$0x3FB1] =	sst s10  }
0x32: {  	s10 =	sld [smem:$0x3FAF];
	_ =	sdelay $0x3  }
0x33: {  	p0 =	seq.s32 s10, $0x1;
	s10 =	sld [smem:$0x3FB1];
	_ =	sdelay $0x3  }
0x34: {  	[smem:$0x3FB1] =	sst s10  }
0x35: {  	s10 =	sld [smem:$0x3FB0];
	_ =	sdelay $0x3  }
0x36: {  	p1 =	seq.s32 s10, $0x1;
	s10 =	sld [smem:$0x3FB1];
	_ =	sdelay $0x3  }
0x37: {  	[smem:$0x3FB1] =	sst s10  }
0x38: {  	s10 =	sld [smem:$0x3FB2]  }
0x39: {  	_ = 	snop;
	(pc) =	sbr.ind lr, $3  }
0x3a: {  	_ = 	snop  }
0x3b: {  	_ = 	snop  }
0x3c: {  	p2 =	seq.s32 s10, $0x1;
	s10 =	sld [smem:$0x3FB1]  }
0x3d: {  	_ =	shalt  }
0x3e: {  	_ =	shalt  }
0x3f: {  	_ =	shalt  }
0x40: {  	_ =	shalt  }
0x41: {  	_ =	shalt  }
0x42: {  	_ =	shalt  }
0x43: {  	_ =	shalt  }
0x44: {  	_ =	shalt  }
0x45: {  	_ =	shalt  }
0x46: {  	_ =	shalt  }
0x47: {  	_ =	shalt  }
0x48: {  	_ =	shalt  }
0x49: {  	_ =	shalt  }
0x4a: {  	_ =	shalt  }
0x4b: {  	_ =	shalt  }
0x4c: {  	_ =	shalt  }
0x4d: {  	_ =	shalt  }
0x4e: {  	_ =	shalt  }
0x4f: {  	_ =	shalt  }
0x50: {  	_ =	shalt  }
0x51: {  	_ =	shalt  }
0x52: {  	_ =	shalt  }
0x53: {  	_ =	shalt  }
0x54: {  	_ =	shalt  }
0x55: {  	_ =	shalt  }
0x56: {  	_ =	shalt  }
0x57: {  	_ =	shalt  }
0x58: {  	_ =	shalt  }
0x59: {  	_ =	shalt  }
0x5a: {  	_ =	shalt  }
0x5b: {  	_ =	shalt  }
0x5c: {  	_ =	shalt  }
0x5d: {  	_ =	shalt  }
0x5e: {  	_ =	shalt  }
0x5f: {  	_ =	shalt  }
0x60: {  	_ =	shalt  }
0x61: {  	_ =	shalt  }
0x62: {  	_ =	shalt  }
0x63: {  	_ =	shalt  }
0x64: {  	_ =	shalt  }
0x65: {  	_ =	shalt  }
0x66: {  	_ =	shalt  }
0x67: {  	_ =	shalt  }
0x68: {  	_ =	shalt  }
0x69: {  	_ =	shalt  }
0x6a: {  	_ =	shalt  }
0x6b: {  	_ =	shalt  }
0x6c: {  	_ =	shalt  }
0x6d: {  	_ =	shalt  }
0x6e: {  	_ =	shalt  }
0x6f: {  	_ =	shalt  }
0x70: {  	_ =	shalt  }
0x71: {  	_ =	shalt  }
0x72: {  	_ =	shalt  }
0x73: {  	_ =	shalt  }
0x74: {  	_ =	shalt  }
0x75: {  	_ =	shalt  }
0x76: {  	_ =	shalt  }
0x77: {  	_ =	shalt  }
0x78: {  	_ =	shalt  }
0x79: {  	_ =	shalt  }
0x7a: {  	_ =	shalt  }
0x7b: {  	_ =	shalt  }
0x7c: {  	_ =	shalt  }
0x7d: {  	_ =	shalt  }
0x7e: {  	_ =	shalt  }
0x7f: {  	_ =	shalt  }
0x80: {  	_ =	shalt  }
0x81: {  	_ =	shalt  }
0x82: {  	_ =	shalt  }
0x83: {  	_ =	shalt  }
0x84: {  	_ =	shalt  }
0x85: {  	_ =	shalt  }
0x86: {  	_ =	shalt  }
0x87: {  	_ =	shalt  }
.Lfunc_end0:
.L_simem_size_0:
called_computation.2_lowered:
.L_overlay_start_0:
0x88: {  	s2 =	sld [smem:$0x3FD9]  }
0x89: {  	s3 =	sld [smem:$0x3FFE];
	_ =	sdelay $0x1  }
0x8a: {  	s1 =	srdreg.scid  }
0x8b: {  	s0 =	sand.u32 $0x1, s1  }
0x8c: {  	s16 =	sshll.u32 s0, $0xA;
	s2 =	sadd.s32 s3, s2  }
0x8d: {  	s2 =	sadd.s32 s2, s16  }
0x8e: {  	[smem:$0x3FBD] =	sst s2  }
0x8f: {  	_ = 	snop  }
0x90: {  	(tm) =	ssettm $0x1  }
0x91: {  	s17 =	sld [smem:$0x3FFB];
	_ =	sdelay $0x3  }
0x92: {  	_ =	strace s17  }
0x93: {  	s2 =	sld [smem:$0x3FFC];
	_ =	sdelay $0x3  }
0x94: {  	_ =	strace s2  }
0x95: {  	s2 =	sld [smem:$0x3FFD];
	_ =	sdelay $0x3  }
0x96: {  	_ =	strace s2  }
0x97: {  	_ =	strace $0x8FFFFFFF  }
0x98: {  	s18 =	sld [smem:$0x3FDB];
	_ =	sdelay $0x1  }
0x99: {  	s19 =	simm.s32 $_scs_section_size  }
0x9a: {  	s4 =	simm.s32 $_size__tile_overlayer_lowered;
	s5 =	simm.s32 $_tile_overlayer_lowered  }
0x9b: {  	s22 =	simm.s32 $0x1BFF;
	s21 =	sshll.u32 s5, $0x1;
	s2 =	sadd.s32 s19, s18  }
0x9c: {  	s6 =	simm.s32 $0x0;
	s20 =	sshll.u32 s4, $0x1;
	s4 =	sadd.s32 s21, s2  }
0x9d: {  	[timem:s6], [sflag:s22] =	dma.local [hbm:s4], s20  }
0x9e: {  	_ =	swait.ge [sflag:s22], s20  }
0x9f: {  	s3 =	ssub.s32 $0x0, s20;
	[sflag:s22] =	ssyncset.done $0x0  }
0xa0: {  	[sflag:s22] =	ssyncadd.s32 s3;
	_ =	sdelay $0x1  }
0xa1: {  	s23 =	simm.s32 $0x1B8B  }
0xa2: {  	_ =	swait.ge [sflag:s23], $0x1  }
0xa3: {  	[sflag:s23] =	ssyncset.done $0x0  }
0xa4: {  	s25 =	simm.s32 $0x1B8E;
	s24 =	sld [smem:$0x3FFE];
	[sflag:s23] =	ssyncadd.s32 $0xFFFFFFFF  }
0xa5: {  	s26 =	simm.s32 $execute0_lowered;
	[smem:$0x3FD2] =	sst s25  }
0xa6: {  	s4 =	sshll.u32 s26, $0x1;
	_ =	strace $0x8000004C;
	[dreg:$0x1] =	wrdreg $0xFFFFFFFF  }
0xa7: {  	s28 =	simm.s32 $_size_execute0_lowered;
	s2 =	sadd.s32 s2, s4;
	[dreg:$0x0] =	wrdreg $0x0  }
0xa8: {  	s4 =	sshll.u32 s28, $0x1;
	[dreg:$0x2] =	wrdreg s2  }
0xa9: {  	[dreg:$0x3] =	wrdreg s4  }
0xaa: {  	[dreg:$0x4] =	wrdreg $0xC0  }
0xab: {  	_ =	task [dreg:s6], $0x5FFFF  }
0xac: {  	[dreg:$0x1] =	wrdreg $0xFFFFFFFF  }
0xad: {  	[dreg:$0x0] =	wrdreg $0x60  }
0xae: {  	[dreg:$0x2] =	wrdreg s24  }
0xaf: {  	[dreg:$0x3] =	wrdreg $0x120000  }
0xb0: {  	[dreg:$0x4] =	wrdreg $0x9  }
0xb1: {  	_ =	task.clear_ibuf [dreg:s6], $0x5FFFF;
	_ =	strace $0x9000004C  }
0xb2: {  	s29 =	simm.s32 $0x9;
	_ =	strace $0x8000004E  }
0xb3: {  	_ =	swait.ge [sflag:s29], $0x1  }
0xb4: {  	[sflag:s29] =	ssyncadd.s32 $0xFFFFFFFF  }
0xb5: {  	_ =	strace $0x9000004E  }
0xb6: {  	_ =	sfence  }
0xb7: {  	s30 =	sld [smem:$0x0];
	_ =	sdelay $0x2  }
0xb8: {  	s31 =	sshll.u32 s1, $0xD;
	s1 =	sshrl.u32 s1, $0x2  }
0xb9: {  	s3 =	sand.u32 $0x4000, s31;
	s1 =	sadd.s32 s1, s30  }
0xba: {  	s0 =	sor.u32 s3, s0;
	s1 =	sshll.u32 s1, $0x11  }
0xbb: {  	s0 =	sor.u32 s1, s0  }
0xbc: {  	s0 =	sadd.s32 $0x8F2B, s0  }
0xbd: {  	[sflag:s0] =	ssyncadd.remote.s32 $0x1  }
0xbe: {  	_ =	sfence.sel $0xFFFF  }
0xbf: {  	[dreg:$0x0] =	wrdreg $0xFFFFFFFF;
	(pc) =	sbr.abs _section_cstart, $3  }
0xc0: {  	[dreg:$0x1] =	wrdreg $0xFFFFFFFF  }
0xc1: {  	_ =	task.clear_ibuf [dreg:s6], $0x2FFFF;
	_ =	strace $0x9FFFFFFF  }
0xc2: {  	(tm) =	ssettm $0x7FFFFFFF  }
0xc3: {  	_ =	shalt  }
tec
execute0_lowered:
.L_overlay_start_1:
0x0: {  	(tag) =	ssettag $0x1  }
0x1: {  	s0 =	rddreg [dreg:$0x0]  }
0x2: {  	s2 =	srdreg.scid;
	s1 =	rddreg [dreg:$0x1];
	s3 =	simm.s32 $0x0  }
0x3: {  	s13 =	stileid.u32;
	s28 =	simm.s32 $0x1;
	s29 =	simm.s32 $0x2000  }
0x4: {  	s30 =	simm.s32 $0x8;
	s2 =	sand.u32 $0x1, s2;
	s12 =	smul.u32 $0xC380, s13  }
0x5: {  	s31 =	simm.s32 $0xB;
	[smem:$0x7FF] =	sst s3;
	s4 =	smul.u32 $0xFFFFFFBC, s2  }
0x6: {  	s6 =	sadd.s32 $0x67200, s0;
	s7 =	sadd.s32 $0x5200, s0;
	s9 =	smul.u32 $0x18700, s2  }
0x7: {  	s8 =	sadd.s32 $0xC9200, s0;
	s10 =	smul.u32 $0x840, s2;
	s2 =	ssub.s32 $0x2, s2  }
0x8: {  	s17 =	sshll.u32 s13, $0x6;
	_ =	strace $0x8000004D;
	s26 =	sshrl.u32 s2, $0x1  }
0x9: {  	s15 =	sadd.s32 s12, s1;
	s16 =	sshrl.u32 s12, $0x3;
	s5 =	sadd.s32 $0x84, s4  }
0xa: {  	s0 =	sadd.s32 s9, s0;
	[dreg:$0x3] =	wrdreg s15;
	s12 =	sadd.s32 s8, s16  }
0xb: {  	s2 =	ssub.s32 s2, s26;
	s11 =	smul.u32 s13, s5;
	[dreg:$0x4] =	wrdreg s12  }
0xc: {  	s0 =	sadd.s32 $0xE1A00, s0;
	s2 =	smax.u32 s2, $0x1;
	p0 =	seq.s32 s5, $0x0  }
0xd: {  	[dreg:$0x9] =	wrdreg s2;
	s0 =	sadd.s32 s16, s0;
	s14 =	sadd.s32 s10, s11  }
0xe: {  	s11 =	sor.u32 $0x1C0D, s17;
	[dreg:$0xe] =	wrdreg s0;
	s9 =	sshll.u32 s14, $0x7  }
0xf: {  	s0 =	simm.s32 $0x2;
	s18 =	sor.u32 $0x80, s9;
	s19 =	sadd.s32 s7, s9  }
0x10: {  	s20 =	sadd.s32 s6, s9;
	s22 =	sand.u32 $0x1FFFFE00, s9;
	[dreg:$0x5] =	wrdreg s19  }
0x11: {  	s14 =	sadd.s32 $0x200, s9;
	[dreg:$0x6] =	wrdreg s20;
	s21 =	sadd.s32 s7, s18  }
0x12: {  	s12 =	sadd.s32 s6, s18;
	s23 =	sor.u32 $0x100, s22;
	[dreg:$0x7] =	wrdreg s21  }
0x13: {  	s9 =	simm.s32 $0x0;
	[dreg:$0x8] =	wrdreg s12;
	s24 =	sadd.s32 s7, s23  }
0x14: {  	s12 =	sor.u32 $0x180, s22;
	s2 =	sadd.s32 s6, s23;
	[dreg:$0xa] =	wrdreg s24  }
0x15: {  	s22 =	simm.s32 $0xD;
	[dreg:$0xb] =	wrdreg s2;
	s25 =	sadd.s32 s7, s12  }
0x16: {  	s26 =	sadd.s32 s6, s12;
	s2 =	simm.s32 $0xC;
	[dreg:$0xc] =	wrdreg s25  }
0x17: {  	[dreg:$0xd] =	wrdreg s26;
	s26 =	simm.s32 $0x400;
	s25 =	simm.s32 $0x5  }
.LBB2_1:
0x18: {  	s10 =	rddreg [dreg:$0x3]  }
0x19: {  	s12 =	rddreg [dreg:$0x4];
	s10 =	sshrl.u32 s10, $0x3  }
0x1a: {  	[spmem:s10], [sflag:s11] =	dma.local [hbm:s12], $0x1870  }
0x1b: {  	_ =	swait.ge [sflag:s22], $0x1870  }
0x1c: {  	[sflag:s22] =	ssyncset.done $0x0  }
0x1d: {  	[sflag:s22] =	ssyncadd.s32 $0xFFFFE790  }
0x1e: {  	[bflag:$0x0] =	sbarrier.arrive $0xFFFF  }
0x1f: {  	s13 =	simm.s32 $0x1000;
	s21 =	rddreg [dreg:$0x5]  }
0x20: {  	[tilespmem:s13], [sflag:$0x1] =	stream.linear.gather [hbm4b:s21+s3], $0x400, $0x38;
	[tilespmem:$0x1E380] =	vst v63  }
0x21: {  	s23 =	rddreg [dreg:$0x6]  }
0x22: {  	[tilespmem:s3], [sflag:$0x1] =	stream.linear.gather [hbm4b:s23+s3], $0x400, $0x38;
	[tilespmem:$0x1E380] =	vst v63  }
0x23: {  	s15 =	simm.s32 $0x1400;
	s24 =	rddreg [dreg:$0x7]  }
0x24: {  	[tilespmem:s15], [sflag:$0x2] =	stream.linear.gather [hbm4b:s24+s3], $0x400, $0x38;
	[tilespmem:$0x1E380] =	vst v63  }
0x25: {  	s16 =	rddreg [dreg:$0x8]  }
0x26: {  	[tilespmem:s26], [sflag:$0x2] =	stream.linear.gather [hbm4b:s16+s3], $0x400, $0x38;
	[tilespmem:$0x1E380] =	vst v63  }
0x27: {  	_ =	swait.ge [sflag:s28], $0x400  }
0x28: {  	[sflag:s28] =	ssyncset.done $0x0  }
0x29: {  	[sflag:s28] =	ssyncadd.s32 $0xFFFFFC00  }
0x2a: {  	_ =	swait.ge [sflag:s28], $0x400  }
0x2b: {  	[sflag:s28] =	ssyncset.done $0x0  }
0x2c: {  	[sflag:s28] =	ssyncadd.s32 $0xFFFFFC00  }
0x2d: {  	[tilespmem:s29], [sflag:$0x5] =	stream.indirect.gather [hbm4b:s8+s26], $0x10, s3, s26, $0xb8;
	[tilespmem:$0x1E380] =	vst v63  }
0x2e: {  	s18 =	simm.s32 $0x1800;
	s17 =	rddreg [dreg:$0xa]  }
0x2f: {  	[tilespmem:s18], [sflag:$0x3] =	stream.linear.gather [hbm4b:s17+s3], $0x400, $0x38;
	[tilespmem:$0x1E380] =	vst v63  }
0x30: {  	s20 =	simm.s32 $0x800;
	s19 =	rddreg [dreg:$0xb]  }
0x31: {  	[tilespmem:s20], [sflag:$0x3] =	stream.linear.gather [hbm4b:s19+s3], $0x400, $0x38;
	[tilespmem:$0x1E380] =	vst v63  }
0x32: {  	_ =	swait.ge [sflag:s0], $0x400  }
0x33: {  	[sflag:s0] =	ssyncset.done $0x0  }
0x34: {  	[sflag:s0] =	ssyncadd.s32 $0xFFFFFC00  }
0x35: {  	_ =	swait.ge [sflag:s0], $0x400  }
0x36: {  	p1 =	sne.s32 s4, $0xFFFFFF7F;
	[sflag:s0] =	ssyncset.done $0x0  }
0x37: {  	s21 =	simm.s32 $0x6000;
	s23 =	simm.s32 $0x2;
	[sflag:s0] =	ssyncadd.s32 $0xFFFFFC00  }
0x38: {  	[tilespmem:s21], [sflag:$0x6] =	stream.indirect.gather [hbm4b:s8+s26], $0x10, s26, s26, $0xb8;
	[tilespmem:$0x1E380] =	vst v63  }
0x39: {  	p2 =	sle.u32 s5, $0x4;
	s24 =	sand.u32 $0x3, s23;
	_ =	swait.ge [sflag:s25], $0x4000  }
0x3a: {  	s12 =	simm.s32 @!p0 $0x0;
	s16 =	sadd.s32 $0x1, s24;
	[sflag:s25] =	ssyncset.done $0x0  }
0x3b: {  	s17 =	sshll.u32 s24, $0xE;
	s18 =	simm.s32 $0x4;
	[sflag:s25] =	ssyncadd.s32 $0xFFFFC000  }
0x3c: {  	[spmem:s1] =	stream.indirect.scatter.add.f32 [tilespmem:s29], [sflag:$0x9], $0x10, s13, s26, $0xb8;
	[tilespmem:$0x1E380] =	vst v63  }
0x3d: {  	s17 =	sor.u32 $0x2000, s17;
	s15 =	rddreg [dreg:$0xc];
	s13 =	simm.s32 @!p0 $0x1C00  }
0x3e: {  	[tilespmem:s13], [sflag:$0x4] =	stream.linear.gather @!p0 [hbm4b:s15+s12], $0x400, $0x38;
	[tilespmem:$0x1E380] =	vst v63  }
0x3f: {  	s19 =	simm.s32 $0xFFFFFF7D;
	s13 =	simm.s32 @!p0 $0xC00;
	s15 =	rddreg [dreg:$0xd]  }
0x40: {  	[tilespmem:s13], [sflag:$0x4] =	stream.linear.gather @!p0 [hbm4b:s15+s12], $0x400, $0x38;
	[tilespmem:$0x1E380] =	vst v63  }
0x41: {  	s18 =	sand.u32 @!p2 $0x3, s18;
	s19 =	sand.u32 $0x3, s19;
	_ =	swait.ge [sflag:s16], $0x400  }
0x42: {  	s20 =	sadd.s32 $0x5, s24;
	s23 =	sshll.u32 s19, $0xA;
	[sflag:s16] =	ssyncset.done $0x0  }
0x43: {  	s21 =	sxor.u32 $0x2, s24;
	s12 =	simm.s32 $0xFFFFFF7F;
	[sflag:s16] =	ssyncadd.s32 $0xFFFFFC00  }
0x44: {  	s13 =	sadd.s32 $0x9, s21;
	s21 =	sshll.u32 s19, $0xE;
	_ =	swait.ge [sflag:s16], $0x400  }
0x45: {  	s15 =	sshll.u32 s24, $0xA;
	s24 =	sor.u32 $0x2000, s21;
	[sflag:s16] =	ssyncset.done $0x0  }
0x46: {  	s21 =	smov.u32 s14;
	[sflag:s16] =	ssyncadd.s32 $0xFFFFFC00;
	s16 =	sadd.s32 $0x5, s19  }
0x47: {  	[tilespmem:s17], [sflag:s20] =	stream.indirect.gather [hbm4b:s8+s26], $0x10, s15, s26, $0xb8;
	[tilespmem:$0x1E380] =	vst v63  }
0x48: {  	s19 =	sadd.s32 $0x9, s19;
	s15 =	sor.u32 $0x1000, s23;
	_ =	swait.ge [sflag:s16], $0x4000  }
.Ltmp0:
0x49: {  	s17 =	sshll.u32 @!p2 s18, $0xA;
	[sflag:s16] =	ssyncset.done $0x0;
	(pc) =	sbr.rel @!p1 .LBB2_3-.Ltmp0, $4  }
0x4a: {  	[sflag:s16] =	ssyncadd.s32 $0xFFFFC000;
	s16 =	sadd.s32 @!p2 $0x1, s18;
	s18 =	sand.u32 @!p2 $0x1FFFFF80, s14  }
0x4b: {  	[spmem:s1] =	stream.indirect.scatter.add.f32 [tilespmem:s24], [sflag:s19], $0x10, s15, s26, $0xb8;
	[tilespmem:$0x1E380] =	vst v63  }
0x4c: {  	s15 =	simm.s32 @!p2 $0x0;
	s19 =	sor.u32 @!p2 $0x1000, s17;
	_ =	swait.ge [sflag:s13], $0x4000  }
0x4d: {  	s20 =	sadd.s32 @!p2 s7, s18;
	s18 =	sadd.s32 @!p2 s6, s18;
	[sflag:s13] =	ssyncset.done $0x0  }
.LBB2_2:
0x4e: {  	s21 =	sadd.s32 $0x80, s21;
	s23 =	smov.u32 s12;
	s12 =	sadd.s32 $0x1, s12  }
0x4f: {  	s24 =	sadd.s32 $0x84, s23;
	p1 =	sne.s32 s4, s12;
	[sflag:s13] =	ssyncadd.s32 $0xFFFFC000  }
0x50: {  	[tilespmem:s19], [sflag:s16] =	stream.linear.gather @!p2 [hbm4b:s20+s15], $0x400, $0x38;
	[tilespmem:$0x1E380] =	vst v63  }
0x51: {  	s19 =	sand.u32 $0x3, s24  }
0x52: {  	s20 =	sadd.s32 $0x1, s19;
	s24 =	sshll.u32 s19, $0xE;
	s13 =	sxor.u32 $0x2, s19  }
0x53: {  	[tilespmem:s17], [sflag:s16] =	stream.linear.gather @!p2 [hbm4b:s18+s15], $0x400, $0x38;
	[tilespmem:$0x1E380] =	vst v63  }
0x54: {  	s13 =	sadd.s32 $0x9, s13;
	_ =	swait.ge [sflag:s20], $0x400  }
0x55: {  	s15 =	sadd.s32 $0x86, s23;
	s16 =	sadd.s32 $0x5, s19;
	[sflag:s20] =	ssyncset.done $0x0  }
0x56: {  	s17 =	sadd.s32 $0xFFFFFFFF, s23;
	s18 =	sor.u32 $0x2000, s24;
	[sflag:s20] =	ssyncadd.s32 $0xFFFFFC00  }
0x57: {  	s19 =	sshll.u32 s19, $0xA;
	s17 =	sand.u32 $0x3, s17;
	_ =	swait.ge [sflag:s20], $0x400  }
0x58: {  	s23 =	sshll.u32 s17, $0xE;
	s24 =	sadd.s32 $0x5, s17;
	[sflag:s20] =	ssyncset.done $0x0  }
0x59: {  	p2 =	sge.u32 s15, s5;
	[sflag:s20] =	ssyncadd.s32 $0xFFFFFC00;
	s20 =	sshll.u32 s17, $0xA  }
0x5a: {  	[tilespmem:s18], [sflag:s16] =	stream.indirect.gather [hbm4b:s8+s26], $0x10, s19, s26, $0xb8;
	[tilespmem:$0x1E380] =	vst v63  }
0x5b: {  	s16 =	sor.u32 $0x2000, s23;
	s18 =	sor.u32 $0x1000, s20;
	_ =	swait.ge [sflag:s24], $0x4000  }
0x5c: {  	s17 =	sadd.s32 $0x9, s17;
	s19 =	sand.u32 @!p2 $0x3, s15;
	[sflag:s24] =	ssyncset.done $0x0  }
.Ltmp1:
0x5d: {  	s15 =	simm.s32 @!p2 $0x0;
	[sflag:s24] =	ssyncadd.s32 $0xFFFFC000;
	(pc) =	sbr.rel @p1 .LBB2_2-.Ltmp1, $4  }
0x5e: {  	[spmem:s1] =	stream.indirect.scatter.add.f32 [tilespmem:s16], [sflag:s17], $0x10, s18, s26, $0xb8;
	[tilespmem:$0x1E380] =	vst v63  }
0x5f: {  	s16 =	sadd.s32 @!p2 $0x1, s19;
	s17 =	sshll.u32 @!p2 s19, $0xA;
	s18 =	sand.u32 @!p2 $0x1FFFFF80, s21  }
0x60: {  	s19 =	sor.u32 @!p2 $0x1000, s17;
	s20 =	sadd.s32 @!p2 s7, s18;
	_ =	swait.ge [sflag:s13], $0x4000  }
0x61: {  	s18 =	sadd.s32 @!p2 s6, s18;
	[sflag:s13] =	ssyncset.done $0x0  }
.LBB2_3:
0x62: {  	[sflag:s13] =	ssyncadd.s32 $0xFFFFC000  }
0x63: {  	[tilespmem:s19], [sflag:s16] =	stream.linear.gather @!p2 [hbm4b:s20+s15], $0x400, $0x38;
	[tilespmem:$0x1E380] =	vst v63  }
0x64: {  	_ = 	snop  }
0x65: {  	[tilespmem:s17], [sflag:s16] =	stream.linear.gather @!p2 [hbm4b:s18+s15], $0x400, $0x38;
	[tilespmem:$0x1E380] =	vst v63  }
0x66: {  	_ =	swait.ge [sflag:s30], $0x4000  }
0x67: {  	[sflag:s30] =	ssyncset.done $0x0  }
0x68: {  	s12 =	simm.s32 $0x1C00;
	s21 =	simm.s32 $0xE000;
	[sflag:s30] =	ssyncadd.s32 $0xFFFFC000  }
0x69: {  	[spmem:s1] =	stream.indirect.scatter.add.f32 [tilespmem:s21], [sflag:$0xC], $0x10, s12, s26, $0xb8;
	[tilespmem:$0x1E380] =	vst v63  }
0x6a: {  	_ =	swait.ge [sflag:s31], $0x4000  }
0x6b: {  	[sflag:s31] =	ssyncset.done $0x0  }
0x6c: {  	[sflag:s31] =	ssyncadd.s32 $0xFFFFC000  }
0x6d: {  	_ =	swait.ge [sflag:s2], $0x4000  }
0x6e: {  	[sflag:s2] =	ssyncset.done $0x0  }
0x6f: {  	[sflag:s2] =	ssyncadd.s32 $0xFFFFC000  }
0x70: {  	[bflag:$0x0] =	sbarrier.arrive $0xFFFF  }
0x71: {  	s23 =	rddreg [dreg:$0xe]  }
0x72: {  	[hbm:s23], [sflag:s11] =	dma.local [spmem:s10], $0x1870  }
0x73: {  	_ =	swait.ge [sflag:s22], $0x1870  }
0x74: {  	s9 =	sadd.s32 $0x1, s9;
	s24 =	rddreg [dreg:$0x9]  }
0x75: {  	p1 =	sne.s32 s9, s24  }
.Ltmp2:
0x76: {  	_ = 	snop;
	(pc) =	sbr.rel @p1 .LBB2_1-.Ltmp2, $3  }
0x77: {  	_ =	sdelay $0x1  }
0x78: {  	[sflag:s22] =	ssyncset.done $0x0  }
0x79: {  	[sflag:s22] =	ssyncadd.s32 $0xFFFFE790  }
0x7a: {  	_ =	sfence.sel $0x180000  }
0x7b: {  	[bflag:$0x0] =	sbarrier.arrive $0xFFFF  }
0x7c: {  	_ =	strace $0x9000004D  }
0x7d: {  	s0 =	stileid.u32;
	[bflag:$0x2] =	sbarrier.arrive $0xFFFF  }
0x7e: {  	p0 =	sne.s32 s0, $0x0;
	s0 =	rddreg [dreg:$0x2]  }
0x7f: {  	s0 =	sadd.s32 @!p0 $0x100000, s0  }
0x80: {  	[sflag:s0] =	ssyncadd.tile.s32 @!p0 $0x1;
	_ =	shalt  }
.Lfunc_end2:
_tile_overlayer_lowered:
.L_overlay_start_2:
0x81: {  	(tag) =	ssettag $0x2  }
0x82: {  	s0 =	rddreg [dreg:$0x0];
	s2 =	stileid.u32  }
0x83: {  	s1 =	rddreg [dreg:$0x1];
	p0 =	sne.s32 s2, $0x0  }
0x84: {  	s3 =	rddreg [dreg:$0x2];
	[bflag:$0x3] =	sbarrier.arrive $0xFFFF;
	s2 =	simm.s32 @!p0 $0x1C0D  }
0x85: {  	[timem:s3], [sflag:s2] =	dma.local @!p0 [hbm:s0], s1  }
0x86: {  	s0 =	simm.s32 @!p0 $0xD  }
0x87: {  	_ =	swait.ge @!p0 [sflag:s0], s1  }
0x88: {  	s1 =	ssub.s32 @!p0 $0x0, s1;
	[sflag:s0] =	ssyncset.done @!p0 $0x0  }
0x89: {  	[sflag:s0] =	ssyncadd.s32 @!p0 s1  }
0x8a: {  	[bflag:$0x3] =	sbarrier.arrive $0xFFFF  }
0x8b: {  	_ =	shalt  }

// kernel: kernel.19.cloned.1.call-start
scs
__scs_entry_jumppad:
0x0: {  	(pc) =	sbr.rel $0x88, $3  }
0x1: {  	(tag) =	ssettag $0x0;
	lr =	simm.s32 $0x1  }
0x2: {  	[smem:$0x3F96] =	sst lr;
	_ =	strace $0xD0000000  }
0x3: {  	_ = 	snop  }
0x4: {  	_ = 	snop  }
0x5: {  	_ = 	snop  }
0x6: {  	_ = 	snop  }
0x7: {  	_ = 	snop  }
__scs_overlays_trampoline_lowered:
0x8: {  	[smem:$0x3FA5] =	sst s0  }
0x9: {  	[smem:$0x3FA6] =	sst s1  }
0xa: {  	[smem:$0x3FA7] =	sst s2  }
0xb: {  	[smem:$0x3FA8] =	sst s3  }
0xc: {  	[smem:$0x3FA9] =	sst s4  }
0xd: {  	[smem:$0x3FAA] =	sst s5  }
0xe: {  	[smem:$0x3FAB] =	sst s6  }
0xf: {  	[smem:$0x3FAC] =	sst s7  }
0x10: {  	[smem:$0x3FAD] =	sst s8  }
0x11: {  	[smem:$0x3FAE] =	sst s9;
	s0 =	simm.s32 @!p0 $0x0  }
0x12: {  	s1 =	sld [smem:$0x3F94];
	s0 =	simm.s32 @p0 $0x1  }
0x13: {  	[smem:$0x3FAF] =	sst s0;
	s0 =	simm.s32 @!p1 $0x0  }
0x14: {  	s2 =	sld [smem:$0x3F93];
	s0 =	simm.s32 @p1 $0x1  }
0x15: {  	[smem:$0x3FB0] =	sst s0;
	s0 =	simm.s32 @!p2 $0x0  }
0x16: {  	s3 =	sld [smem:$0x3FDB];
	s0 =	simm.s32 @p2 $0x1  }
0x17: {  	s4 =	simm.s32 $0x1BF5;
	[smem:$0x3FB2] =	sst s0  }
0x18: {  	s0 =	sld [smem:$0x3F95];
	_ =	swait.ge [sflag:s4], $0x0  }
0x19: {  	s7 =	sld [smem:$0x3F96]  }
0x1a: {  	s8 =	sadd.s32 $0xFFFFE003, lr  }
0x1b: {  	s9 =	sadd.s32 $0xFFFFFEF7, lr;
	s5 =	simm.s32 $0xFFFFFFFF;
	p2 =	slt.u32 s8, $0xFFFFF086  }
0x1c: {  	p1 =	slt.u32 s9, $0xF7A;
	s5 =	simm.s32 @!p2 $0x0  }
0x1d: {  	s5 =	simm.s32 @p1 $0x1;
	p0 =	seq.s32 s7, s2  }
0x1e: {  	s7 =	smul.u32 @!p0 $0xF7A, s2;
	p2 =	seq.s32 @!p0 s5, $0x0  }
0x1f: {  	s9 =	smul.u32 $0xF7A, s1;
	s8 =	simm.s32 @!p0 $0x1BF5;
	p2 =	por !p2, p0  }
0x20: {  	[sflag:s8] =	ssyncset.s32 @!p0 $0xFFFFF086;
	s6 =	sadd.s32 @!p0 s3, s7;
	s7 =	simm.s32 @!p0 $0x108  }
0x21: {  	s3 =	sadd.s32 s3, s9;
	s6 =	sadd.s32 @!p0 $0x88, s6;
	s7 =	simm.s32 @p2 $0x1082  }
0x22: {  	[simem:s7], [sflag:s8] =	dma.local @!p0 [hbm:s6], $0xF7A  }
0x23: {  	s9 =	sor.u32 $0xD0000000, s2;
	s6 =	simm.s32 $0x108;
	_ =	swait.ge @!p0 [sflag:s8], $0x0  }
0x24: {  	s3 =	sadd.s32 $0x88, s3;
	s6 =	simm.s32 @!p1 $0x1082;
	[sflag:s4] =	ssyncset.s32 $0xFFFFF086  }
0x25: {  	[simem:s6], [sflag:s4] =	dma.local [hbm:s3], $0xF7A  }
0x26: {  	[smem:$0x3F96] =	sst s1;
	(tag) =	ssettag s2;
	_ =	strace s9  }
0x27: {  	s1 =	sld [smem:$0x3FA6]  }
0x28: {  	s2 =	sld [smem:$0x3FA7]  }
0x29: {  	s4 =	sld [smem:$0x3FA9]  }
0x2a: {  	p0 =	seq.s32 s5, $0x0;
	s5 =	sld [smem:$0x3FAA]  }
0x2b: {  	s6 =	sld [smem:$0x3FAB]  }
0x2c: {  	s7 =	sld [smem:$0x3FAC]  }
0x2d: {  	s3 =	simm.s32 $0x108;
	s8 =	sld [smem:$0x3FAD]  }
0x2e: {  	s3 =	simm.s32 @!p0 $0x1082;
	s9 =	sld [smem:$0x3FAE]  }
0x2f: {  	lr =	sadd.s32 s0, s3;
	s0 =	sld [smem:$0x3FA5]  }
0x30: {  	s3 =	sld [smem:$0x3FA8]  }
0x31: {  	[smem:$0x3FB1] =	sst s10  }
0x32: {  	s10 =	sld [smem:$0x3FAF];
	_ =	sdelay $0x3  }
0x33: {  	p0 =	seq.s32 s10, $0x1;
	s10 =	sld [smem:$0x3FB1];
	_ =	sdelay $0x3  }
0x34: {  	[smem:$0x3FB1] =	sst s10  }
0x35: {  	s10 =	sld [smem:$0x3FB0];
	_ =	sdelay $0x3  }
0x36: {  	p1 =	seq.s32 s10, $0x1;
	s10 =	sld [smem:$0x3FB1];
	_ =	sdelay $0x3  }
0x37: {  	[smem:$0x3FB1] =	sst s10  }
0x38: {  	s10 =	sld [smem:$0x3FB2]  }
0x39: {  	_ = 	snop;
	(pc) =	sbr.ind lr, $3  }
0x3a: {  	_ = 	snop  }
0x3b: {  	_ = 	snop  }
0x3c: {  	p2 =	seq.s32 s10, $0x1;
	s10 =	sld [smem:$0x3FB1]  }
0x3d: {  	_ =	shalt  }
0x3e: {  	_ =	shalt  }
0x3f: {  	_ =	shalt  }
0x40: {  	_ =	shalt  }
0x41: {  	_ =	shalt  }
0x42: {  	_ =	shalt  }
0x43: {  	_ =	shalt  }
0x44: {  	_ =	shalt  }
0x45: {  	_ =	shalt  }
0x46: {  	_ =	shalt  }
0x47: {  	_ =	shalt  }
0x48: {  	_ =	shalt  }
0x49: {  	_ =	shalt  }
0x4a: {  	_ =	shalt  }
0x4b: {  	_ =	shalt  }
0x4c: {  	_ =	shalt  }
0x4d: {  	_ =	shalt  }
0x4e: {  	_ =	shalt  }
0x4f: {  	_ =	shalt  }
0x50: {  	_ =	shalt  }
0x51: {  	_ =	shalt  }
0x52: {  	_ =	shalt  }
0x53: {  	_ =	shalt  }
0x54: {  	_ =	shalt  }
0x55: {  	_ =	shalt  }
0x56: {  	_ =	shalt  }
0x57: {  	_ =	shalt  }
0x58: {  	_ =	shalt  }
0x59: {  	_ =	shalt  }
0x5a: {  	_ =	shalt  }
0x5b: {  	_ =	shalt  }
0x5c: {  	_ =	shalt  }
0x5d: {  	_ =	shalt  }
0x5e: {  	_ =	shalt  }
0x5f: {  	_ =	shalt  }
0x60: {  	_ =	shalt  }
0x61: {  	_ =	shalt  }
0x62: {  	_ =	shalt  }
0x63: {  	_ =	shalt  }
0x64: {  	_ =	shalt  }
0x65: {  	_ =	shalt  }
0x66: {  	_ =	shalt  }
0x67: {  	_ =	shalt  }
0x68: {  	_ =	shalt  }
0x69: {  	_ =	shalt  }
0x6a: {  	_ =	shalt  }
0x6b: {  	_ =	shalt  }
0x6c: {  	_ =	shalt  }
0x6d: {  	_ =	shalt  }
0x6e: {  	_ =	shalt  }
0x6f: {  	_ =	shalt  }
0x70: {  	_ =	shalt  }
0x71: {  	_ =	shalt  }
0x72: {  	_ =	shalt  }
0x73: {  	_ =	shalt  }
0x74: {  	_ =	shalt  }
0x75: {  	_ =	shalt  }
0x76: {  	_ =	shalt  }
0x77: {  	_ =	shalt  }
0x78: {  	_ =	shalt  }
0x79: {  	_ =	shalt  }
0x7a: {  	_ =	shalt  }
0x7b: {  	_ =	shalt  }
0x7c: {  	_ =	shalt  }
0x7d: {  	_ =	shalt  }
0x7e: {  	_ =	shalt  }
0x7f: {  	_ =	shalt  }
0x80: {  	_ =	shalt  }
0x81: {  	_ =	shalt  }
0x82: {  	_ =	shalt  }
0x83: {  	_ =	shalt  }
0x84: {  	_ =	shalt  }
0x85: {  	_ =	shalt  }
0x86: {  	_ =	shalt  }
0x87: {  	_ =	shalt  }
.Lfunc_end0:
.L_simem_size_0:
called_computation.3_lowered:
.L_overlay_start_0:
0x88: {  	s2 =	sld [smem:$0x3FD9]  }
0x89: {  	s3 =	sld [smem:$0x3FFE];
	_ =	sdelay $0x1  }
0x8a: {  	s1 =	srdreg.scid  }
0x8b: {  	s0 =	sand.u32 $0x1, s1  }
0x8c: {  	s16 =	sshll.u32 s0, $0xA;
	s2 =	sadd.s32 s3, s2  }
0x8d: {  	s2 =	sadd.s32 s2, s16  }
0x8e: {  	[smem:$0x3FBD] =	sst s2  }
0x8f: {  	_ = 	snop  }
0x90: {  	(tm) =	ssettm $0x1  }
0x91: {  	s17 =	sld [smem:$0x3FFB];
	_ =	sdelay $0x3  }
0x92: {  	_ =	strace s17  }
0x93: {  	s2 =	sld [smem:$0x3FFC];
	_ =	sdelay $0x3  }
0x94: {  	_ =	strace s2  }
0x95: {  	s2 =	sld [smem:$0x3FFD];
	_ =	sdelay $0x3  }
0x96: {  	_ =	strace s2  }
0x97: {  	_ =	strace $0x8FFFFFFF  }
0x98: {  	s18 =	sld [smem:$0x3FDB];
	_ =	sdelay $0x1  }
0x99: {  	s19 =	simm.s32 $_scs_section_size  }
0x9a: {  	s4 =	simm.s32 $_size__tile_overlayer_lowered;
	s5 =	simm.s32 $_tile_overlayer_lowered  }
0x9b: {  	s22 =	simm.s32 $0x1BFF;
	s21 =	sshll.u32 s5, $0x1;
	s2 =	sadd.s32 s19, s18  }
0x9c: {  	s6 =	simm.s32 $0x0;
	s20 =	sshll.u32 s4, $0x1;
	s4 =	sadd.s32 s21, s2  }
0x9d: {  	[timem:s6], [sflag:s22] =	dma.local [hbm:s4], s20  }
0x9e: {  	_ =	swait.ge [sflag:s22], s20  }
0x9f: {  	s3 =	ssub.s32 $0x0, s20;
	[sflag:s22] =	ssyncset.done $0x0  }
0xa0: {  	[sflag:s22] =	ssyncadd.s32 s3;
	_ =	sdelay $0x1  }
0xa1: {  	s23 =	simm.s32 $0x1B8B  }
0xa2: {  	_ =	swait.ge [sflag:s23], $0x1  }
0xa3: {  	[sflag:s23] =	ssyncset.done $0x0  }
0xa4: {  	s25 =	simm.s32 $0x1B8E;
	s24 =	sld [smem:$0x3FFE];
	[sflag:s23] =	ssyncadd.s32 $0xFFFFFFFF  }
0xa5: {  	s26 =	simm.s32 $execute0_lowered;
	[smem:$0x3FD2] =	sst s25  }
0xa6: {  	s4 =	sshll.u32 s26, $0x1;
	_ =	strace $0x8000004F;
	[dreg:$0x1] =	wrdreg $0xFFFFFFFF  }
0xa7: {  	s28 =	simm.s32 $_size_execute0_lowered;
	s2 =	sadd.s32 s2, s4;
	[dreg:$0x0] =	wrdreg $0x0  }
0xa8: {  	s4 =	sshll.u32 s28, $0x1;
	[dreg:$0x2] =	wrdreg s2  }
0xa9: {  	[dreg:$0x3] =	wrdreg s4  }
0xaa: {  	[dreg:$0x4] =	wrdreg $0xC0  }
0xab: {  	_ =	task [dreg:s6], $0x5FFFF  }
0xac: {  	[dreg:$0x1] =	wrdreg $0xFFFFFFFF  }
0xad: {  	[dreg:$0x0] =	wrdreg $0x60  }
0xae: {  	[dreg:$0x2] =	wrdreg s24  }
0xaf: {  	[dreg:$0x3] =	wrdreg $0x120000  }
0xb0: {  	[dreg:$0x4] =	wrdreg $0x9  }
0xb1: {  	_ =	task.clear_ibuf [dreg:s6], $0x5FFFF;
	_ =	strace $0x9000004F  }
0xb2: {  	s29 =	simm.s32 $0x9;
	_ =	strace $0x80000051  }
0xb3: {  	_ =	swait.ge [sflag:s29], $0x1  }
0xb4: {  	[sflag:s29] =	ssyncadd.s32 $0xFFFFFFFF  }
0xb5: {  	_ =	strace $0x90000051  }
0xb6: {  	_ =	sfence  }
0xb7: {  	s30 =	sld [smem:$0x0];
	_ =	sdelay $0x2  }
0xb8: {  	s31 =	sshll.u32 s1, $0xD;
	s1 =	sshrl.u32 s1, $0x2  }
0xb9: {  	s3 =	sand.u32 $0x4000, s31;
	s1 =	sadd.s32 s1, s30  }
0xba: {  	s0 =	sor.u32 s3, s0;
	s1 =	sshll.u32 s1, $0x11  }
0xbb: {  	s0 =	sor.u32 s1, s0  }
0xbc: {  	s0 =	sadd.s32 $0x8F2B, s0  }
0xbd: {  	[sflag:s0] =	ssyncadd.remote.s32 $0x1  }
0xbe: {  	_ =	sfence.sel $0xFFFF  }
0xbf: {  	[dreg:$0x0] =	wrdreg $0xFFFFFFFF;
	(pc) =	sbr.abs _section_cstart, $3  }
0xc0: {  	[dreg:$0x1] =	wrdreg $0xFFFFFFFF  }
0xc1: {  	_ =	task.clear_ibuf [dreg:s6], $0x2FFFF;
	_ =	strace $0x9FFFFFFF  }
0xc2: {  	(tm) =	ssettm $0x7FFFFFFF  }
0xc3: {  	_ =	shalt  }
tec
execute0_lowered:
.L_overlay_start_1:
0x0: {  	(tag) =	ssettag $0x1  }
0x1: {  	s0 =	rddreg [dreg:$0x0]  }
0x2: {  	s1 =	rddreg [dreg:$0x1];
	s2 =	simm.s32 $0x0;
	s3 =	srdreg.scid  }
0x3: {  	s16 =	stileid.u32;
	[smem:$0x7FF] =	sst s2  }
0x4: {  	s4 =	sand.u32 $0x1, s3;
	s3 =	sadd.s32 $0x67200, s0;
	s6 =	sadd.s32 $0x5200, s0  }
0x5: {  	s7 =	sadd.s32 $0x3A6800, s0;
	s9 =	sadd.s32 $0x38E000, s0;
	s15 =	smul.u32 $0xC380, s16  }
0x6: {  	s10 =	sadd.s32 $0x375800, s0;
	s11 =	sadd.s32 $0x35D000, s0;
	s5 =	smul.u32 $0xFFFFFFBC, s4  }
0x7: {  	s23 =	sshll.u32 s16, $0x6;
	_ =	strace $0x80000050;
	s12 =	smul.u32 $0x18700, s4  }
0x8: {  	s13 =	smul.u32 $0x840, s4;
	s4 =	ssub.s32 $0x2, s4;
	s8 =	sadd.s32 $0x84, s5  }
0x9: {  	s21 =	sshrl.u32 s4, $0x1;
	s22 =	sadd.s32 s15, s1;
	s14 =	smul.u32 s16, s8  }
0xa: {  	s0 =	sadd.s32 s12, s0;
	s4 =	ssub.s32 s4, s21;
	[dreg:$0x3] =	wrdreg s22  }
0xb: {  	s22 =	sor.u32 $0x1C0D, s23;
	s4 =	smax.u32 s4, $0x1;
	s13 =	sadd.s32 s13, s14  }
0xc: {  	[dreg:$0x5] =	wrdreg s22;
	s12 =	sshll.u32 s13, $0x7;
	s13 =	sshrl.u32 s15, $0x3  }
0xd: {  	[dreg:$0xf] =	wrdreg s4;
	s26 =	sadd.s32 s7, s13  }
0xe: {  	s29 =	sadd.s32 s9, s13;
	[dreg:$0x4] =	wrdreg s26  }
0xf: {  	s28 =	sadd.s32 $0x521000, s0;
	s17 =	sadd.s32 s10, s13;
	[dreg:$0x8] =	wrdreg s29  }
0x10: {  	s30 =	sadd.s32 $0x4F0200, s0;
	s14 =	sadd.s32 s13, s28;
	[dreg:$0x9] =	wrdreg s17  }
0x11: {  	s18 =	sadd.s32 $0x4BF400, s0;
	s19 =	sadd.s32 s13, s30;
	[dreg:$0xa] =	wrdreg s14  }
0x12: {  	s0 =	sadd.s32 $0x3BF000, s0;
	s20 =	sadd.s32 s13, s18;
	[dreg:$0xb] =	wrdreg s19  }
0x13: {  	s0 =	sadd.s32 s13, s0;
	[dreg:$0xc] =	wrdreg s20  }
0x14: {  	s13 =	sadd.s32 s11, s13;
	[dreg:$0xd] =	wrdreg s0  }
0x15: {  	s28 =	sadd.s32 s6, s12;
	[dreg:$0xe] =	wrdreg s13  }
0x16: {  	s30 =	sadd.s32 $0x200, s12;
	[dreg:$0x14] =	wrdreg s28  }
0x17: {  	s24 =	sor.u32 $0x80, s12;
	s29 =	sadd.s32 s3, s12;
	[dreg:$0x16] =	wrdreg s30  }
0x18: {  	s21 =	sand.u32 $0x1FFFFE00, s12;
	s25 =	sadd.s32 s6, s24;
	[dreg:$0x15] =	wrdreg s29  }
0x19: {  	s26 =	sadd.s32 s3, s24;
	s23 =	sor.u32 $0x100, s21;
	[dreg:$0x6] =	wrdreg s25  }
0x1a: {  	s0 =	sor.u32 $0x180, s21;
	s4 =	sadd.s32 s3, s23;
	[dreg:$0x7] =	wrdreg s26  }
0x1b: {  	s24 =	sadd.s32 s6, s0;
	[dreg:$0x11] =	wrdreg s4  }
0x1c: {  	p0 =	seq.s32 s8, $0x0;
	s0 =	sadd.s32 s3, s0;
	[dreg:$0x12] =	wrdreg s24  }
0x1d: {  	s17 =	simm.s32 $0x400;
	s31 =	sadd.s32 s6, s23;
	[dreg:$0x13] =	wrdreg s0  }
0x1e: {  	s12 =	simm.s32 $0x0;
	s4 =	simm.s32 $0xD;
	[dreg:$0x10] =	wrdreg s31  }
.LBB2_1:
0x1f: {  	[dreg:$0x17] =	wrdreg s12  }
0x20: {  	s0 =	rddreg [dreg:$0x3]  }
0x21: {  	s20 =	rddreg [dreg:$0x4];
	s19 =	sshrl.u32 s0, $0x3  }
0x22: {  	[dreg:$0x18] =	wrdreg s19  }
0x23: {  	[spmem:s19], [sflag:s22] =	dma.local [hbm:s20], $0x1870  }
0x24: {  	_ =	swait.ge [sflag:s4], $0x1870  }
0x25: {  	[sflag:s4] =	ssyncset.done $0x0  }
0x26: {  	[sflag:s4] =	ssyncadd.s32 $0xFFFFE790  }
0x27: {  	[bflag:$0x0] =	sbarrier.arrive $0xFFFF  }
0x28: {  	s22 =	simm.s32 $0x1000;
	s21 =	rddreg [dreg:$0x14]  }
0x29: {  	[tilespmem:s22], [sflag:$0x1] =	stream.linear.gather [hbm4b:s21+s2], $0x400, $0x38;
	[tilespmem:$0x1E380] =	vst v63  }
0x2a: {  	s23 =	rddreg [dreg:$0x15]  }
0x2b: {  	[tilespmem:s2], [sflag:$0x1] =	stream.linear.gather [hbm4b:s23+s2], $0x400, $0x38;
	[tilespmem:$0x1E380] =	vst v63  }
0x2c: {  	s24 =	simm.s32 $0x1400  }
0x2d: {  	[tilespmem:s24], [sflag:$0x2] =	stream.linear.gather [hbm4b:s25+s2], $0x400, $0x38;
	[tilespmem:$0x1E380] =	vst v63  }
0x2e: {  	s25 =	simm.s32 $0x1  }
0x2f: {  	[tilespmem:s17], [sflag:$0x2] =	stream.linear.gather [hbm4b:s26+s2], $0x400, $0x38;
	[tilespmem:$0x1E380] =	vst v63  }
0x30: {  	_ =	swait.ge [sflag:s25], $0x400  }
0x31: {  	[sflag:s25] =	ssyncset.done $0x0  }
0x32: {  	[sflag:s25] =	ssyncadd.s32 $0xFFFFFC00  }
0x33: {  	_ =	swait.ge [sflag:s25], $0x400  }
0x34: {  	[sflag:s25] =	ssyncset.done $0x0  }
0x35: {  	s26 =	simm.s32 $0x2000;
	[sflag:s25] =	ssyncadd.s32 $0xFFFFFC00  }
0x36: {  	[tilespmem:s26], [sflag:$0x5] =	stream.indirect.gather [hbm4b:s7+s17], $0x10, s2, s17, $0xb8;
	[tilespmem:$0x1E380] =	vst v63  }
0x37: {  	s13 =	simm.s32 $0x1800  }
0x38: {  	[tilespmem:s13], [sflag:$0x3] =	stream.linear.gather [hbm4b:s31+s2], $0x400, $0x38;
	[tilespmem:$0x1E380] =	vst v63  }
0x39: {  	s15 =	simm.s32 $0x2;
	s14 =	rddreg [dreg:$0x11];
	s13 =	simm.s32 $0x800  }
0x3a: {  	[tilespmem:s13], [sflag:$0x3] =	stream.linear.gather [hbm4b:s14+s2], $0x400, $0x38;
	[tilespmem:$0x1E380] =	vst v63  }
0x3b: {  	_ =	swait.ge [sflag:s15], $0x400  }
0x3c: {  	[sflag:s15] =	ssyncset.done $0x0  }
0x3d: {  	[sflag:s15] =	ssyncadd.s32 $0xFFFFFC00  }
0x3e: {  	_ =	swait.ge [sflag:s15], $0x400  }
0x3f: {  	s16 =	simm.s32 $0x6000;
	[sflag:s15] =	ssyncset.done $0x0  }
0x40: {  	s18 =	simm.s32 $0x5;
	p1 =	sle.u32 s8, $0x4;
	[sflag:s15] =	ssyncadd.s32 $0xFFFFFC00  }
0x41: {  	[tilespmem:s16], [sflag:$0x6] =	stream.indirect.gather [hbm4b:s7+s17], $0x10, s17, s17, $0xb8;
	[tilespmem:$0x1E380] =	vst v63  }
0x42: {  	p2 =	sne.s32 s5, $0xFFFFFF7F;
	s0 =	simm.s32 @!p0 $0x0;
	_ =	swait.ge [sflag:s18], $0x4000  }
0x43: {  	s28 =	simm.s32 @!p1 $0x0;
	p3 =	por p1, p1;
	[sflag:s18] =	ssyncset.done $0x0  }
0x44: {  	s19 =	simm.s32 $0x2;
	s4 =	simm.s32 @!p0 $0x1C00;
	[sflag:s18] =	ssyncadd.s32 $0xFFFFC000  }
0x45: {  	[spmem:s1] =	stream.indirect.scatter.add.f32 [tilespmem:s26], [sflag:$0x9], $0x10, s22, s17, $0xb8;
	[tilespmem:$0x1E380] =	vst v63  }
0x46: {  	s14 =	simm.s32 $0xFFFFFF7F;
	s12 =	rddreg [dreg:$0x12];
	s22 =	simm.s32 $0xFFFFFF7D  }
0x47: {  	[tilespmem:s4], [sflag:$0x4] =	stream.linear.gather @!p0 [hbm4b:s12+s0], $0x400, $0x38;
	[tilespmem:$0x1E380] =	vst v63  }
0x48: {  	s13 =	sand.u32 $0x3, s22;
	s4 =	simm.s32 @!p0 $0xC00;
	s12 =	rddreg [dreg:$0x13]  }
0x49: {  	[tilespmem:s4], [sflag:$0x4] =	stream.linear.gather @!p0 [hbm4b:s12+s0], $0x400, $0x38;
	[tilespmem:$0x1E380] =	vst v63  }
0x4a: {  	s15 =	simm.s32 $0x4;
	s23 =	sshll.u32 s13, $0xE;
	s0 =	sand.u32 $0x3, s19  }
0x4b: {  	s24 =	sadd.s32 $0x5, s13;
	s25 =	sshll.u32 s13, $0xA;
	s29 =	sadd.s32 $0x1, s0  }
0x4c: {  	s13 =	sadd.s32 $0x9, s13;
	s26 =	sor.u32 $0x1000, s25;
	_ =	swait.ge [sflag:s29], $0x400  }
0x4d: {  	s4 =	sor.u32 $0x2000, s23;
	s20 =	sshll.u32 s0, $0xE;
	[sflag:s29] =	ssyncset.done $0x0  }
0x4e: {  	s21 =	sxor.u32 $0x2, s0;
	s16 =	sadd.s32 $0x5, s0;
	[sflag:s29] =	ssyncadd.s32 $0xFFFFFC00  }
0x4f: {  	s18 =	sor.u32 $0x2000, s20;
	_ =	swait.ge [sflag:s29], $0x400;
	[dreg:$0x19] =	wrdreg s16  }
0x50: {  	s0 =	sshll.u32 s0, $0xA;
	[dreg:$0x1b] =	wrdreg s18;
	[sflag:s29] =	ssyncset.done $0x0  }
0x51: {  	s19 =	sadd.s32 $0x9, s21;
	[dreg:$0x1d] =	wrdreg s0;
	[sflag:s29] =	ssyncadd.s32 $0xFFFFFC00  }
0x52: {  	[tilespmem:s18], [sflag:s16] =	stream.indirect.gather [hbm4b:s7+s17], $0x10, s0, s17, $0xb8;
	[tilespmem:$0x1E380] =	vst v63  }
0x53: {  	s0 =	sand.u32 @!p1 $0x3, s15;
	_ =	swait.ge [sflag:s24], $0x4000;
	[dreg:$0x1e] =	wrdreg s4  }
0x54: {  	s16 =	smov.u32 s19;
	s23 =	sadd.s32 @!p1 $0x1, s0;
	[smem:$0x7FC] =	sst s26  }
0x55: {  	s21 =	sshll.u32 @!p1 s0, $0xA;
	[sflag:s24] =	ssyncset.done $0x0;
	[smem:$0x7FD] =	sst s13  }
0x56: {  	s15 =	rddreg [dreg:$0x16];
	s20 =	sor.u32 @!p1 $0x1000, s21;
	s25 =	smov.u32 s23  }
.Ltmp0:
0x57: {  	[sflag:s24] =	ssyncadd.s32 $0xFFFFC000;
	s0 =	sand.u32 @!p1 $0x1FFFFF80, s15;
	(pc) =	sbr.rel @!p2 .LBB2_3-.Ltmp0, $4  }
0x58: {  	[spmem:s1] =	stream.indirect.scatter.add.f32 [tilespmem:s4], [sflag:s13], $0x10, s26, s17, $0xb8;
	[tilespmem:$0x1E380] =	vst v63  }
0x59: {  	s31 =	smov.u32 s20;
	s18 =	sadd.s32 @!p1 s6, s0;
	s4 =	sadd.s32 @!p1 s3, s0  }
0x5a: {  	s0 =	simm.s32 @!p1 $0x0;
	s26 =	smov.u32 s21;
	_ =	swait.ge [sflag:s19], $0x4000  }
0x5b: {  	s12 =	smov.u32 s18;
	s30 =	smov.u32 s4;
	[sflag:s19] =	ssyncset.done $0x0  }
.LBB2_2:
0x5c: {  	s15 =	sadd.s32 $0x80, s15;
	s13 =	smov.u32 s14;
	s14 =	sadd.s32 $0x1, s14  }
0x5d: {  	s22 =	sadd.s32 $0x84, s13;
	p2 =	sne.s32 s5, s14;
	[sflag:s16] =	ssyncadd.s32 $0xFFFFC000  }
0x5e: {  	[tilespmem:s31], [sflag:s25] =	stream.linear.gather @!p3 [hbm4b:s12+s0], $0x400, $0x38;
	[tilespmem:$0x1E380] =	vst v63  }
0x5f: {  	s12 =	sand.u32 $0x3, s22  }
0x60: {  	s22 =	sadd.s32 $0x1, s12;
	s31 =	sshll.u32 s12, $0xE;
	s16 =	sxor.u32 $0x2, s12  }
0x61: {  	[tilespmem:s26], [sflag:s25] =	stream.linear.gather @!p3 [hbm4b:s30+s0], $0x400, $0x38;
	[tilespmem:$0x1E380] =	vst v63  }
0x62: {  	s16 =	sadd.s32 $0x9, s16;
	_ =	swait.ge [sflag:s22], $0x400  }
0x63: {  	s0 =	sadd.s32 $0x86, s13;
	s25 =	sadd.s32 $0x5, s12;
	[sflag:s22] =	ssyncset.done $0x0  }
0x64: {  	s13 =	sadd.s32 $0xFFFFFFFF, s13;
	s26 =	sor.u32 $0x2000, s31;
	[sflag:s22] =	ssyncadd.s32 $0xFFFFFC00  }
0x65: {  	s12 =	sshll.u32 s12, $0xA;
	s13 =	sand.u32 $0x3, s13;
	_ =	swait.ge [sflag:s22], $0x400  }
0x66: {  	s30 =	sshll.u32 s13, $0xE;
	s31 =	sadd.s32 $0x5, s13;
	[sflag:s22] =	ssyncset.done $0x0  }
0x67: {  	p3 =	sge.u32 s0, s8;
	[sflag:s22] =	ssyncadd.s32 $0xFFFFFC00;
	s22 =	sshll.u32 s13, $0xA  }
0x68: {  	[tilespmem:s26], [sflag:s25] =	stream.indirect.gather [hbm4b:s7+s17], $0x10, s12, s17, $0xb8;
	[tilespmem:$0x1E380] =	vst v63  }
0x69: {  	s12 =	sor.u32 $0x2000, s30;
	s22 =	sor.u32 $0x1000, s22;
	_ =	swait.ge [sflag:s31], $0x4000  }
0x6a: {  	s13 =	sadd.s32 $0x9, s13;
	s26 =	sand.u32 @!p3 $0x3, s0;
	[sflag:s31] =	ssyncset.done $0x0  }
.Ltmp1:
0x6b: {  	s0 =	simm.s32 @!p3 $0x0;
	[sflag:s31] =	ssyncadd.s32 $0xFFFFC000;
	(pc) =	sbr.rel @p2 .LBB2_2-.Ltmp1, $4  }
0x6c: {  	[spmem:s1] =	stream.indirect.scatter.add.f32 [tilespmem:s12], [sflag:s13], $0x10, s22, s17, $0xb8;
	[tilespmem:$0x1E380] =	vst v63  }
0x6d: {  	s25 =	sadd.s32 @!p3 $0x1, s26;
	s26 =	sshll.u32 @!p3 s26, $0xA;
	s13 =	sand.u32 @!p3 $0x1FFFFF80, s15  }
0x6e: {  	s31 =	sor.u32 @!p3 $0x1000, s26;
	s12 =	sadd.s32 @!p3 s6, s13;
	_ =	swait.ge [sflag:s16], $0x4000  }
0x6f: {  	s30 =	sadd.s32 @!p3 s3, s13;
	[sflag:s16] =	ssyncset.done $0x0  }
.LBB2_3:
0x70: {  	[sflag:s16] =	ssyncadd.s32 $0xFFFFC000  }
0x71: {  	[tilespmem:s31], [sflag:s25] =	stream.linear.gather @!p3 [hbm4b:s12+s0], $0x400, $0x38;
	[tilespmem:$0x1E380] =	vst v63  }
0x72: {  	s22 =	simm.s32 $0x8  }
0x73: {  	[tilespmem:s26], [sflag:s25] =	stream.linear.gather @!p3 [hbm4b:s30+s0], $0x400, $0x38;
	[tilespmem:$0x1E380] =	vst v63  }
0x74: {  	_ =	swait.ge [sflag:s22], $0x4000  }
0x75: {  	s15 =	simm.s32 $0x1C00;
	[sflag:s22] =	ssyncset.done $0x0  }
0x76: {  	s25 =	simm.s32 $0xE000;
	s26 =	simm.s32 $0xB;
	[sflag:s22] =	ssyncadd.s32 $0xFFFFC000  }
0x77: {  	[spmem:s1] =	stream.indirect.scatter.add.f32 [tilespmem:s25], [sflag:$0xC], $0x10, s15, s17, $0xb8;
	[tilespmem:$0x1E380] =	vst v63  }
0x78: {  	_ =	swait.ge [sflag:s26], $0x4000  }
0x79: {  	[sflag:s26] =	ssyncset.done $0x0  }
0x7a: {  	s31 =	simm.s32 $0xC;
	[sflag:s26] =	ssyncadd.s32 $0xFFFFC000  }
0x7b: {  	_ =	swait.ge [sflag:s31], $0x4000  }
0x7c: {  	[sflag:s31] =	ssyncset.done $0x0  }
0x7d: {  	[sflag:s31] =	ssyncadd.s32 $0xFFFFC000  }
0x7e: {  	[bflag:$0x0] =	sbarrier.arrive $0xFFFF  }
0x7f: {  	s22 =	rddreg [dreg:$0x5]  }
0x80: {  	s12 =	rddreg [dreg:$0xa]  }
0x81: {  	s14 =	simm.s32 $0xD;
	s13 =	rddreg [dreg:$0x18]  }
0x82: {  	[hbm:s12], [sflag:s22] =	dma.local [spmem:s13], $0x1870  }
0x83: {  	_ =	swait.ge [sflag:s14], $0x1870  }
0x84: {  	[sflag:s14] =	ssyncset.done $0x0  }
0x85: {  	s16 =	rddreg [dreg:$0x8];
	[sflag:s14] =	ssyncadd.s32 $0xFFFFE790  }
0x86: {  	[spmem:s13], [sflag:s22] =	dma.local [hbm:s16], $0x1870  }
0x87: {  	_ =	swait.ge [sflag:s14], $0x1870  }
0x88: {  	[sflag:s14] =	ssyncset.done $0x0  }
0x89: {  	[sflag:s14] =	ssyncadd.s32 $0xFFFFE790  }
0x8a: {  	[bflag:$0x0] =	sbarrier.arrive $0xFFFF  }
0x8b: {  	s12 =	simm.s32 $0x1000;
	s25 =	rddreg [dreg:$0x14]  }
0x8c: {  	[tilespmem:s12], [sflag:$0x1] =	stream.linear.gather [hbm4b:s25+s2], $0x400, $0x38;
	[tilespmem:$0x1E380] =	vst v63  }
0x8d: {  	s26 =	rddreg [dreg:$0x15]  }
0x8e: {  	[tilespmem:s2], [sflag:$0x1] =	stream.linear.gather [hbm4b:s26+s2], $0x400, $0x38;
	[tilespmem:$0x1E380] =	vst v63  }
0x8f: {  	s31 =	simm.s32 $0x1400;
	s25 =	rddreg [dreg:$0x6]  }
0x90: {  	[tilespmem:s31], [sflag:$0x2] =	stream.linear.gather [hbm4b:s25+s2], $0x400, $0x38;
	[tilespmem:$0x1E380] =	vst v63  }
0x91: {  	s13 =	simm.s32 $0x1;
	s26 =	rddreg [dreg:$0x7]  }
0x92: {  	[tilespmem:s17], [sflag:$0x2] =	stream.linear.gather [hbm4b:s26+s2], $0x400, $0x38;
	[tilespmem:$0x1E380] =	vst v63  }
0x93: {  	_ =	swait.ge [sflag:s13], $0x400  }
0x94: {  	[sflag:s13] =	ssyncset.done $0x0  }
0x95: {  	[sflag:s13] =	ssyncadd.s32 $0xFFFFFC00  }
0x96: {  	_ =	swait.ge [sflag:s13], $0x400  }
0x97: {  	[sflag:s13] =	ssyncset.done $0x0  }
0x98: {  	[sflag:s13] =	ssyncadd.s32 $0xFFFFFC00;
	s13 =	simm.s32 $0x2000  }
0x99: {  	[tilespmem:s13], [sflag:$0x5] =	stream.indirect.gather [hbm4b:s9+s17], $0x10, s2, s17, $0xb8;
	[tilespmem:$0x1E380] =	vst v63  }
0x9a: {  	s14 =	simm.s32 $0x1800;
	s30 =	rddreg [dreg:$0x10]  }
0x9b: {  	[tilespmem:s14], [sflag:$0x3] =	stream.linear.gather [hbm4b:s30+s2], $0x400, $0x38;
	[tilespmem:$0x1E380] =	vst v63  }
0x9c: {  	s31 =	simm.s32 $0x2;
	s16 =	rddreg [dreg:$0x11];
	s14 =	simm.s32 $0x800  }
0x9d: {  	[tilespmem:s14], [sflag:$0x3] =	stream.linear.gather [hbm4b:s16+s2], $0x400, $0x38;
	[tilespmem:$0x1E380] =	vst v63  }
0x9e: {  	_ =	swait.ge [sflag:s31], $0x400  }
0x9f: {  	[sflag:s31] =	ssyncset.done $0x0  }
0xa0: {  	[sflag:s31] =	ssyncadd.s32 $0xFFFFFC00  }
0xa1: {  	_ =	swait.ge [sflag:s31], $0x400  }
0xa2: {  	[sflag:s31] =	ssyncset.done $0x0  }
0xa3: {  	s14 =	simm.s32 $0x6000;
	s16 =	simm.s32 $0x5;
	[sflag:s31] =	ssyncadd.s32 $0xFFFFFC00  }
0xa4: {  	[tilespmem:s14], [sflag:$0x6] =	stream.indirect.gather [hbm4b:s9+s17], $0x10, s17, s17, $0xb8;
	[tilespmem:$0x1E380] =	vst v63  }
0xa5: {  	_ =	swait.ge [sflag:s16], $0x4000  }
0xa6: {  	[sflag:s16] =	ssyncset.done $0x0  }
0xa7: {  	[sflag:s16] =	ssyncadd.s32 $0xFFFFC000  }
0xa8: {  	[spmem:s1] =	stream.indirect.scatter.add.f32 [tilespmem:s13], [sflag:$0x9], $0x10, s12, s17, $0xb8;
	[tilespmem:$0x1E380] =	vst v63  }
0xa9: {  	s31 =	rddreg [dreg:$0x12]  }
0xaa: {  	[tilespmem:s15], [sflag:$0x4] =	stream.linear.gather [hbm4b:s31+s2], $0x400, $0x38;
	[tilespmem:$0x1E380] =	vst v63  }
0xab: {  	s12 =	rddreg [dreg:$0x13];
	s13 =	simm.s32 $0xC00  }
0xac: {  	[tilespmem:s13], [sflag:$0x4] =	stream.linear.gather [hbm4b:s12+s2], $0x400, $0x38;
	[tilespmem:$0x1E380] =	vst v63  }
0xad: {  	_ =	swait.ge [sflag:s29], $0x400  }
0xae: {  	[sflag:s29] =	ssyncset.done $0x0  }
0xaf: {  	[sflag:s29] =	ssyncadd.s32 $0xFFFFFC00  }
0xb0: {  	_ =	swait.ge [sflag:s29], $0x400  }
0xb1: {  	s14 =	rddreg [dreg:$0x19]  }
0xb2: {  	[sflag:s29] =	ssyncset.done $0x0;
	s15 =	rddreg [dreg:$0x1b]  }
0xb3: {  	s16 =	rddreg [dreg:$0x1d];
	[sflag:s29] =	ssyncadd.s32 $0xFFFFFC00  }
0xb4: {  	[tilespmem:s15], [sflag:s14] =	stream.indirect.gather [hbm4b:s9+s17], $0x10, s16, s17, $0xb8;
	[tilespmem:$0x1E380] =	vst v63  }
0xb5: {  	_ =	swait.ge [sflag:s24], $0x4000  }
0xb6: {  	s29 =	sld [smem:$0x7FC]  }
0xb7: {  	p2 =	sne.s32 s5, $0xFFFFFF7F;
	s31 =	sld [smem:$0x7FD]  }
.Ltmp2:
0xb8: {  	[sflag:s24] =	ssyncset.done $0x0;
	(pc) =	sbr.rel @!p2 .LBB2_5-.Ltmp2, $4  }
0xb9: {  	[sflag:s24] =	ssyncadd.s32 $0xFFFFC000;
	s24 =	rddreg [dreg:$0x1e]  }
0xba: {  	[spmem:s1] =	stream.indirect.scatter.add.f32 [tilespmem:s24], [sflag:s31], $0x10, s29, s17, $0xb8;
	[tilespmem:$0x1E380] =	vst v63  }
0xbb: {  	_ =	swait.ge [sflag:s19], $0x4000  }
0xbc: {  	s0 =	simm.s32 $0xFFFFFF7F;
	[sflag:s19] =	ssyncset.done $0x0;
	s13 =	rddreg [dreg:$0x16]  }
.LBB2_4:
0xbd: {  	s13 =	sadd.s32 $0x80, s13;
	s12 =	smov.u32 s0;
	s0 =	sadd.s32 $0x1, s0  }
0xbe: {  	s14 =	sadd.s32 $0x84, s12;
	p2 =	sne.s32 s5, s0;
	[sflag:s19] =	ssyncadd.s32 $0xFFFFC000  }
0xbf: {  	[tilespmem:s20], [sflag:s23] =	stream.linear.gather @!p1 [hbm4b:s18+s28], $0x400, $0x38;
	[tilespmem:$0x1E380] =	vst v63  }
0xc0: {  	s14 =	sand.u32 $0x3, s14  }
0xc1: {  	s15 =	sadd.s32 $0x1, s14;
	s16 =	sshll.u32 s14, $0xE;
	s18 =	sxor.u32 $0x2, s14  }
0xc2: {  	[tilespmem:s21], [sflag:s23] =	stream.linear.gather @!p1 [hbm4b:s4+s28], $0x400, $0x38;
	[tilespmem:$0x1E380] =	vst v63  }
0xc3: {  	s19 =	sadd.s32 $0x9, s18;
	_ =	swait.ge [sflag:s15], $0x400  }
0xc4: {  	s18 =	sadd.s32 $0x5, s14;
	s4 =	sadd.s32 $0x86, s12;
	[sflag:s15] =	ssyncset.done $0x0  }
0xc5: {  	s16 =	sor.u32 $0x2000, s16;
	s12 =	sadd.s32 $0xFFFFFFFF, s12;
	[sflag:s15] =	ssyncadd.s32 $0xFFFFFC00  }
0xc6: {  	s14 =	sshll.u32 s14, $0xA;
	s12 =	sand.u32 $0x3, s12;
	_ =	swait.ge [sflag:s15], $0x400  }
0xc7: {  	s20 =	sshll.u32 s12, $0xE;
	s21 =	sadd.s32 $0x5, s12;
	[sflag:s15] =	ssyncset.done $0x0  }
0xc8: {  	p1 =	sge.u32 s4, s8;
	[sflag:s15] =	ssyncadd.s32 $0xFFFFFC00;
	s15 =	sshll.u32 s12, $0xA  }
0xc9: {  	[tilespmem:s16], [sflag:s18] =	stream.indirect.gather [hbm4b:s9+s17], $0x10, s14, s17, $0xb8;
	[tilespmem:$0x1E380] =	vst v63  }
0xca: {  	s14 =	sor.u32 $0x2000, s20;
	s15 =	sor.u32 $0x1000, s15;
	_ =	swait.ge [sflag:s21], $0x4000  }
0xcb: {  	s4 =	sand.u32 @!p1 $0x3, s4;
	s12 =	sadd.s32 $0x9, s12;
	[sflag:s21] =	ssyncset.done $0x0  }
.Ltmp3:
0xcc: {  	s28 =	simm.s32 @!p1 $0x0;
	[sflag:s21] =	ssyncadd.s32 $0xFFFFC000;
	(pc) =	sbr.rel @p2 .LBB2_4-.Ltmp3, $4  }
0xcd: {  	[spmem:s1] =	stream.indirect.scatter.add.f32 [tilespmem:s14], [sflag:s12], $0x10, s15, s17, $0xb8;
	[tilespmem:$0x1E380] =	vst v63  }
0xce: {  	s23 =	sadd.s32 @!p1 $0x1, s4;
	s21 =	sshll.u32 @!p1 s4, $0xA;
	s4 =	sand.u32 @!p1 $0x1FFFFF80, s13  }
0xcf: {  	s20 =	sor.u32 @!p1 $0x1000, s21;
	s18 =	sadd.s32 @!p1 s6, s4;
	_ =	swait.ge [sflag:s19], $0x4000  }
0xd0: {  	s4 =	sadd.s32 @!p1 s3, s4;
	[sflag:s19] =	ssyncset.done $0x0  }
.LBB2_5:
0xd1: {  	[sflag:s19] =	ssyncadd.s32 $0xFFFFC000  }
0xd2: {  	[tilespmem:s20], [sflag:s23] =	stream.linear.gather @!p1 [hbm4b:s18+s28], $0x400, $0x38;
	[tilespmem:$0x1E380] =	vst v63  }
0xd3: {  	s0 =	simm.s32 $0x8  }
0xd4: {  	[tilespmem:s21], [sflag:s23] =	stream.linear.gather @!p1 [hbm4b:s4+s28], $0x400, $0x38;
	[tilespmem:$0x1E380] =	vst v63  }
0xd5: {  	_ =	swait.ge [sflag:s0], $0x4000  }
0xd6: {  	s14 =	simm.s32 $0x1C00;
	[sflag:s0] =	ssyncset.done $0x0  }
0xd7: {  	s19 =	simm.s32 $0xE000;
	s20 =	simm.s32 $0xB;
	[sflag:s0] =	ssyncadd.s32 $0xFFFFC000  }
0xd8: {  	[spmem:s1] =	stream.indirect.scatter.add.f32 [tilespmem:s19], [sflag:$0xC], $0x10, s14, s17, $0xb8;
	[tilespmem:$0x1E380] =	vst v63  }
0xd9: {  	_ =	swait.ge [sflag:s20], $0x4000  }
0xda: {  	[sflag:s20] =	ssyncset.done $0x0  }
0xdb: {  	s21 =	simm.s32 $0xC;
	[sflag:s20] =	ssyncadd.s32 $0xFFFFC000  }
0xdc: {  	_ =	swait.ge [sflag:s21], $0x4000  }
0xdd: {  	[sflag:s21] =	ssyncset.done $0x0  }
0xde: {  	[sflag:s21] =	ssyncadd.s32 $0xFFFFC000  }
0xdf: {  	[bflag:$0x0] =	sbarrier.arrive $0xFFFF  }
0xe0: {  	s23 =	rddreg [dreg:$0xb]  }
0xe1: {  	s24 =	simm.s32 $0xD;
	s12 =	rddreg [dreg:$0x18]  }
0xe2: {  	[hbm:s23], [sflag:s22] =	dma.local [spmem:s12], $0x1870  }
0xe3: {  	_ =	swait.ge [sflag:s24], $0x1870  }
0xe4: {  	[sflag:s24] =	ssyncset.done $0x0  }
0xe5: {  	s13 =	rddreg [dreg:$0x9];
	[sflag:s24] =	ssyncadd.s32 $0xFFFFE790  }
0xe6: {  	[spmem:s12], [sflag:s22] =	dma.local [hbm:s13], $0x1870  }
0xe7: {  	_ =	swait.ge [sflag:s24], $0x1870  }
0xe8: {  	[sflag:s24] =	ssyncset.done $0x0  }
0xe9: {  	[sflag:s24] =	ssyncadd.s32 $0xFFFFE790  }
0xea: {  	[bflag:$0x0] =	sbarrier.arrive $0xFFFF  }
0xeb: {  	s16 =	simm.s32 $0x1000;
	s15 =	rddreg [dreg:$0x14]  }
0xec: {  	[tilespmem:s16], [sflag:$0x1] =	stream.linear.gather [hbm4b:s15+s2], $0x400, $0x38;
	[tilespmem:$0x1E380] =	vst v63  }
0xed: {  	s18 =	rddreg [dreg:$0x15]  }
0xee: {  	[tilespmem:s2], [sflag:$0x1] =	stream.linear.gather [hbm4b:s18+s2], $0x400, $0x38;
	[tilespmem:$0x1E380] =	vst v63  }
0xef: {  	s19 =	simm.s32 $0x1400  }
0xf0: {  	[tilespmem:s19], [sflag:$0x2] =	stream.linear.gather [hbm4b:s25+s2], $0x400, $0x38;
	[tilespmem:$0x1E380] =	vst v63  }
0xf1: {  	s20 =	simm.s32 $0x1  }
0xf2: {  	[tilespmem:s17], [sflag:$0x2] =	stream.linear.gather [hbm4b:s26+s2], $0x400, $0x38;
	[tilespmem:$0x1E380] =	vst v63  }
0xf3: {  	_ =	swait.ge [sflag:s20], $0x400  }
0xf4: {  	[sflag:s20] =	ssyncset.done $0x0  }
0xf5: {  	[sflag:s20] =	ssyncadd.s32 $0xFFFFFC00  }
0xf6: {  	_ =	swait.ge [sflag:s20], $0x400  }
0xf7: {  	[sflag:s20] =	ssyncset.done $0x0  }
0xf8: {  	s21 =	simm.s32 $0x2000;
	[sflag:s20] =	ssyncadd.s32 $0xFFFFFC00  }
0xf9: {  	[tilespmem:s21], [sflag:$0x5] =	stream.indirect.gather [hbm4b:s10+s17], $0x10, s2, s17, $0xb8;
	[tilespmem:$0x1E380] =	vst v63  }
0xfa: {  	s22 =	simm.s32 $0x1800  }
0xfb: {  	[tilespmem:s22], [sflag:$0x3] =	stream.linear.gather [hbm4b:s30+s2], $0x400, $0x38;
	[tilespmem:$0x1E380] =	vst v63  }
0xfc: {  	s13 =	simm.s32 $0x800;
	s24 =	simm.s32 $0x2;
	s23 =	rddreg [dreg:$0x11]  }
0xfd: {  	[tilespmem:s13], [sflag:$0x3] =	stream.linear.gather [hbm4b:s23+s2], $0x400, $0x38;
	[tilespmem:$0x1E380] =	vst v63  }
0xfe: {  	_ =	swait.ge [sflag:s24], $0x400  }
0xff: {  	[sflag:s24] =	ssyncset.done $0x0  }
0x100: {  	[sflag:s24] =	ssyncadd.s32 $0xFFFFFC00  }
0x101: {  	_ =	swait.ge [sflag:s24], $0x400  }
0x102: {  	p2 =	sne.s32 s5, $0xFFFFFF7F;
	p1 =	sle.u32 s8, $0x4;
	[sflag:s24] =	ssyncset.done $0x0  }
0x103: {  	s25 =	simm.s32 $0x6000;
	s26 =	simm.s32 $0x5;
	[sflag:s24] =	ssyncadd.s32 $0xFFFFFC00  }
0x104: {  	[tilespmem:s25], [sflag:$0x6] =	stream.indirect.gather [hbm4b:s10+s17], $0x10, s17, s17, $0xb8;
	[tilespmem:$0x1E380] =	vst v63  }
0x105: {  	s28 =	simm.s32 @!p1 $0x0;
	s18 =	simm.s32 $0x2;
	_ =	swait.ge [sflag:s26], $0x4000  }
0x106: {  	p3 =	por p1, p1;
	s0 =	sand.u32 $0x3, s18;
	[sflag:s26] =	ssyncset.done $0x0  }
0x107: {  	s29 =	sadd.s32 $0x1, s0;
	s19 =	sshll.u32 s0, $0xE;
	[sflag:s26] =	ssyncadd.s32 $0xFFFFC000  }
0x108: {  	[spmem:s1] =	stream.indirect.scatter.add.f32 [tilespmem:s21], [sflag:$0x9], $0x10, s16, s17, $0xb8;
	[tilespmem:$0x1E380] =	vst v63  }
0x109: {  	s20 =	sxor.u32 $0x2, s0;
	s22 =	sor.u32 $0x2000, s19;
	s13 =	rddreg [dreg:$0x12]  }
0x10a: {  	[tilespmem:s14], [sflag:$0x4] =	stream.linear.gather [hbm4b:s13+s2], $0x400, $0x38;
	[tilespmem:$0x1E380] =	vst v63  }
0x10b: {  	s15 =	rddreg [dreg:$0x13];
	s16 =	simm.s32 $0xC00;
	s21 =	simm.s32 $0xFFFFFF7D  }
0x10c: {  	[tilespmem:s16], [sflag:$0x4] =	stream.linear.gather [hbm4b:s15+s2], $0x400, $0x38;
	[tilespmem:$0x1E380] =	vst v63  }
0x10d: {  	s19 =	sadd.s32 $0x9, s20;
	s13 =	sand.u32 $0x3, s21;
	_ =	swait.ge [sflag:s29], $0x400  }
0x10e: {  	s14 =	simm.s32 $0xFFFFFF7F;
	s23 =	sshll.u32 s13, $0xE;
	[sflag:s29] =	ssyncset.done $0x0  }
0x10f: {  	s24 =	sadd.s32 $0x5, s13;
	s16 =	sadd.s32 $0x5, s0;
	[sflag:s29] =	ssyncadd.s32 $0xFFFFFC00  }
0x110: {  	s25 =	sshll.u32 s13, $0xA;
	_ =	swait.ge [sflag:s29], $0x400;
	[dreg:$0x1a] =	wrdreg s16  }
0x111: {  	s0 =	sshll.u32 s0, $0xA;
	[dreg:$0x1c] =	wrdreg s22;
	[sflag:s29] =	ssyncset.done $0x0  }
0x112: {  	s13 =	sadd.s32 $0x9, s13;
	[dreg:$0x1f] =	wrdreg s0;
	[sflag:s29] =	ssyncadd.s32 $0xFFFFFC00  }
0x113: {  	[tilespmem:s22], [sflag:s16] =	stream.indirect.gather [hbm4b:s10+s17], $0x10, s0, s17, $0xb8;
	[tilespmem:$0x1E380] =	vst v63  }
0x114: {  	s15 =	simm.s32 $0x4;
	s4 =	sor.u32 $0x2000, s23;
	_ =	swait.ge [sflag:s24], $0x4000  }
0x115: {  	s26 =	sor.u32 $0x1000, s25;
	s0 =	sand.u32 @!p1 $0x3, s15;
	[smem:$0x7F9] =	sst s4  }
0x116: {  	s16 =	smov.u32 s19;
	s23 =	sadd.s32 @!p1 $0x1, s0;
	[smem:$0x7FA] =	sst s26  }
0x117: {  	s21 =	sshll.u32 @!p1 s0, $0xA;
	[sflag:s24] =	ssyncset.done $0x0;
	[smem:$0x7FB] =	sst s13  }
0x118: {  	s15 =	rddreg [dreg:$0x16];
	s20 =	sor.u32 @!p1 $0x1000, s21;
	s25 =	smov.u32 s23  }
.Ltmp4:
0x119: {  	[sflag:s24] =	ssyncadd.s32 $0xFFFFC000;
	s0 =	sand.u32 @!p1 $0x1FFFFF80, s15;
	(pc) =	sbr.rel @!p2 .LBB2_7-.Ltmp4, $4  }
0x11a: {  	[spmem:s1] =	stream.indirect.scatter.add.f32 [tilespmem:s4], [sflag:s13], $0x10, s26, s17, $0xb8;
	[tilespmem:$0x1E380] =	vst v63  }
0x11b: {  	s31 =	smov.u32 s20;
	s12 =	sadd.s32 @!p1 s6, s0;
	s30 =	sadd.s32 @!p1 s3, s0  }
0x11c: {  	s0 =	simm.s32 @!p1 $0x0;
	s26 =	smov.u32 s21;
	_ =	swait.ge [sflag:s19], $0x4000  }
0x11d: {  	s18 =	smov.u32 s12;
	s4 =	smov.u32 s30;
	[sflag:s19] =	ssyncset.done $0x0  }
.LBB2_6:
0x11e: {  	s15 =	sadd.s32 $0x80, s15;
	s22 =	smov.u32 s14;
	s14 =	sadd.s32 $0x1, s14  }
0x11f: {  	s13 =	sadd.s32 $0x84, s22;
	p2 =	sne.s32 s5, s14;
	[sflag:s16] =	ssyncadd.s32 $0xFFFFC000  }
0x120: {  	[tilespmem:s31], [sflag:s25] =	stream.linear.gather @!p3 [hbm4b:s18+s0], $0x400, $0x38;
	[tilespmem:$0x1E380] =	vst v63  }
0x121: {  	s13 =	sand.u32 $0x3, s13  }
0x122: {  	s18 =	sadd.s32 $0x1, s13;
	s31 =	sshll.u32 s13, $0xE;
	s16 =	sxor.u32 $0x2, s13  }
0x123: {  	[tilespmem:s26], [sflag:s25] =	stream.linear.gather @!p3 [hbm4b:s4+s0], $0x400, $0x38;
	[tilespmem:$0x1E380] =	vst v63  }
0x124: {  	s16 =	sadd.s32 $0x9, s16;
	_ =	swait.ge [sflag:s18], $0x400  }
0x125: {  	s0 =	sadd.s32 $0x86, s22;
	s4 =	sadd.s32 $0x5, s13;
	[sflag:s18] =	ssyncset.done $0x0  }
0x126: {  	s22 =	sadd.s32 $0xFFFFFFFF, s22;
	s25 =	sor.u32 $0x2000, s31;
	[sflag:s18] =	ssyncadd.s32 $0xFFFFFC00  }
0x127: {  	s13 =	sshll.u32 s13, $0xA;
	s22 =	sand.u32 $0x3, s22;
	_ =	swait.ge [sflag:s18], $0x400  }
0x128: {  	s26 =	sshll.u32 s22, $0xE;
	s31 =	sadd.s32 $0x5, s22;
	[sflag:s18] =	ssyncset.done $0x0  }
0x129: {  	p3 =	sge.u32 s0, s8;
	[sflag:s18] =	ssyncadd.s32 $0xFFFFFC00;
	s18 =	sshll.u32 s22, $0xA  }
0x12a: {  	[tilespmem:s25], [sflag:s4] =	stream.indirect.gather [hbm4b:s10+s17], $0x10, s13, s17, $0xb8;
	[tilespmem:$0x1E380] =	vst v63  }
0x12b: {  	s4 =	sor.u32 $0x2000, s26;
	s13 =	sor.u32 $0x1000, s18;
	_ =	swait.ge [sflag:s31], $0x4000  }
0x12c: {  	s18 =	sadd.s32 $0x9, s22;
	s22 =	sand.u32 @!p3 $0x3, s0;
	[sflag:s31] =	ssyncset.done $0x0  }
.Ltmp5:
0x12d: {  	s0 =	simm.s32 @!p3 $0x0;
	[sflag:s31] =	ssyncadd.s32 $0xFFFFC000;
	(pc) =	sbr.rel @p2 .LBB2_6-.Ltmp5, $4  }
0x12e: {  	[spmem:s1] =	stream.indirect.scatter.add.f32 [tilespmem:s4], [sflag:s18], $0x10, s13, s17, $0xb8;
	[tilespmem:$0x1E380] =	vst v63  }
0x12f: {  	s25 =	sadd.s32 @!p3 $0x1, s22;
	s26 =	sshll.u32 @!p3 s22, $0xA;
	s4 =	sand.u32 @!p3 $0x1FFFFF80, s15  }
0x130: {  	s31 =	sor.u32 @!p3 $0x1000, s26;
	s18 =	sadd.s32 @!p3 s6, s4;
	_ =	swait.ge [sflag:s16], $0x4000  }
0x131: {  	s4 =	sadd.s32 @!p3 s3, s4;
	[sflag:s16] =	ssyncset.done $0x0  }
.LBB2_7:
0x132: {  	[sflag:s16] =	ssyncadd.s32 $0xFFFFC000  }
0x133: {  	[tilespmem:s31], [sflag:s25] =	stream.linear.gather @!p3 [hbm4b:s18+s0], $0x400, $0x38;
	[tilespmem:$0x1E380] =	vst v63  }
0x134: {  	s18 =	simm.s32 $0x8  }
0x135: {  	[tilespmem:s26], [sflag:s25] =	stream.linear.gather @!p3 [hbm4b:s4+s0], $0x400, $0x38;
	[tilespmem:$0x1E380] =	vst v63  }
0x136: {  	_ =	swait.ge [sflag:s18], $0x4000  }
0x137: {  	s15 =	simm.s32 $0x1C00;
	[sflag:s18] =	ssyncset.done $0x0  }
0x138: {  	s22 =	simm.s32 $0xE000;
	s25 =	simm.s32 $0xB;
	[sflag:s18] =	ssyncadd.s32 $0xFFFFC000  }
0x139: {  	[spmem:s1] =	stream.indirect.scatter.add.f32 [tilespmem:s22], [sflag:$0xC], $0x10, s15, s17, $0xb8;
	[tilespmem:$0x1E380] =	vst v63  }
0x13a: {  	_ =	swait.ge [sflag:s25], $0x4000  }
0x13b: {  	[sflag:s25] =	ssyncset.done $0x0  }
0x13c: {  	s26 =	simm.s32 $0xC;
	[sflag:s25] =	ssyncadd.s32 $0xFFFFC000  }
0x13d: {  	_ =	swait.ge [sflag:s26], $0x4000  }
0x13e: {  	[sflag:s26] =	ssyncset.done $0x0  }
0x13f: {  	[sflag:s26] =	ssyncadd.s32 $0xFFFFC000  }
0x140: {  	[bflag:$0x0] =	sbarrier.arrive $0xFFFF  }
0x141: {  	s22 =	rddreg [dreg:$0x5]  }
0x142: {  	s4 =	rddreg [dreg:$0xc]  }
0x143: {  	s14 =	simm.s32 $0xD;
	s13 =	rddreg [dreg:$0x18]  }
0x144: {  	[hbm:s4], [sflag:s22] =	dma.local [spmem:s13], $0x1870  }
0x145: {  	_ =	swait.ge [sflag:s14], $0x1870  }
0x146: {  	[sflag:s14] =	ssyncset.done $0x0  }
0x147: {  	s16 =	rddreg [dreg:$0xe];
	[sflag:s14] =	ssyncadd.s32 $0xFFFFE790  }
0x148: {  	[spmem:s13], [sflag:s22] =	dma.local [hbm:s16], $0x1870  }
0x149: {  	_ =	swait.ge [sflag:s14], $0x1870  }
0x14a: {  	[sflag:s14] =	ssyncset.done $0x0  }
0x14b: {  	[sflag:s14] =	ssyncadd.s32 $0xFFFFE790  }
0x14c: {  	[bflag:$0x0] =	sbarrier.arrive $0xFFFF  }
0x14d: {  	s4 =	simm.s32 $0x1000;
	s18 =	rddreg [dreg:$0x14]  }
0x14e: {  	[tilespmem:s4], [sflag:$0x1] =	stream.linear.gather [hbm4b:s18+s2], $0x400, $0x38;
	[tilespmem:$0x1E380] =	vst v63  }
0x14f: {  	s25 =	rddreg [dreg:$0x15]  }
0x150: {  	[tilespmem:s2], [sflag:$0x1] =	stream.linear.gather [hbm4b:s25+s2], $0x400, $0x38;
	[tilespmem:$0x1E380] =	vst v63  }
0x151: {  	s26 =	simm.s32 $0x1400;
	s25 =	rddreg [dreg:$0x6]  }
0x152: {  	[tilespmem:s26], [sflag:$0x2] =	stream.linear.gather [hbm4b:s25+s2], $0x400, $0x38;
	[tilespmem:$0x1E380] =	vst v63  }
0x153: {  	s13 =	simm.s32 $0x1;
	s26 =	rddreg [dreg:$0x7]  }
0x154: {  	[tilespmem:s17], [sflag:$0x2] =	stream.linear.gather [hbm4b:s26+s2], $0x400, $0x38;
	[tilespmem:$0x1E380] =	vst v63  }
0x155: {  	_ =	swait.ge [sflag:s13], $0x400  }
0x156: {  	[sflag:s13] =	ssyncset.done $0x0  }
0x157: {  	[sflag:s13] =	ssyncadd.s32 $0xFFFFFC00  }
0x158: {  	_ =	swait.ge [sflag:s13], $0x400  }
0x159: {  	[sflag:s13] =	ssyncset.done $0x0  }
0x15a: {  	[sflag:s13] =	ssyncadd.s32 $0xFFFFFC00;
	s13 =	simm.s32 $0x2000  }
0x15b: {  	[tilespmem:s13], [sflag:$0x5] =	stream.indirect.gather [hbm4b:s11+s17], $0x10, s2, s17, $0xb8;
	[tilespmem:$0x1E380] =	vst v63  }
0x15c: {  	s14 =	simm.s32 $0x1800;
	s31 =	rddreg [dreg:$0x10]  }
0x15d: {  	[tilespmem:s14], [sflag:$0x3] =	stream.linear.gather [hbm4b:s31+s2], $0x400, $0x38;
	[tilespmem:$0x1E380] =	vst v63  }
0x15e: {  	s18 =	simm.s32 $0x2;
	s16 =	rddreg [dreg:$0x11];
	s14 =	simm.s32 $0x800  }
0x15f: {  	[tilespmem:s14], [sflag:$0x3] =	stream.linear.gather [hbm4b:s16+s2], $0x400, $0x38;
	[tilespmem:$0x1E380] =	vst v63  }
0x160: {  	_ =	swait.ge [sflag:s18], $0x400  }
0x161: {  	[sflag:s18] =	ssyncset.done $0x0  }
0x162: {  	[sflag:s18] =	ssyncadd.s32 $0xFFFFFC00  }
0x163: {  	_ =	swait.ge [sflag:s18], $0x400  }
0x164: {  	[sflag:s18] =	ssyncset.done $0x0  }
0x165: {  	s14 =	simm.s32 $0x6000;
	s16 =	simm.s32 $0x5;
	[sflag:s18] =	ssyncadd.s32 $0xFFFFFC00  }
0x166: {  	[tilespmem:s14], [sflag:$0x6] =	stream.indirect.gather [hbm4b:s11+s17], $0x10, s17, s17, $0xb8;
	[tilespmem:$0x1E380] =	vst v63  }
0x167: {  	_ =	swait.ge [sflag:s16], $0x4000  }
0x168: {  	[sflag:s16] =	ssyncset.done $0x0  }
0x169: {  	[sflag:s16] =	ssyncadd.s32 $0xFFFFC000  }
0x16a: {  	[spmem:s1] =	stream.indirect.scatter.add.f32 [tilespmem:s13], [sflag:$0x9], $0x10, s4, s17, $0xb8;
	[tilespmem:$0x1E380] =	vst v63  }
0x16b: {  	s18 =	rddreg [dreg:$0x12]  }
0x16c: {  	[tilespmem:s15], [sflag:$0x4] =	stream.linear.gather [hbm4b:s18+s2], $0x400, $0x38;
	[tilespmem:$0x1E380] =	vst v63  }
0x16d: {  	s4 =	rddreg [dreg:$0x13];
	s13 =	simm.s32 $0xC00  }
0x16e: {  	[tilespmem:s13], [sflag:$0x4] =	stream.linear.gather [hbm4b:s4+s2], $0x400, $0x38;
	[tilespmem:$0x1E380] =	vst v63  }
0x16f: {  	_ =	swait.ge [sflag:s29], $0x400  }
0x170: {  	[sflag:s29] =	ssyncset.done $0x0  }
0x171: {  	[sflag:s29] =	ssyncadd.s32 $0xFFFFFC00  }
0x172: {  	_ =	swait.ge [sflag:s29], $0x400  }
0x173: {  	s14 =	rddreg [dreg:$0x1a]  }
0x174: {  	[sflag:s29] =	ssyncset.done $0x0;
	s15 =	rddreg [dreg:$0x1c]  }
0x175: {  	s16 =	rddreg [dreg:$0x1f];
	[sflag:s29] =	ssyncadd.s32 $0xFFFFFC00  }
0x176: {  	[tilespmem:s15], [sflag:s14] =	stream.indirect.gather [hbm4b:s11+s17], $0x10, s16, s17, $0xb8;
	[tilespmem:$0x1E380] =	vst v63  }
0x177: {  	_ =	swait.ge [sflag:s24], $0x4000  }
0x178: {  	s18 =	sld [smem:$0x7F9]  }
0x179: {  	[sflag:s24] =	ssyncset.done $0x0;
	s29 =	sld [smem:$0x7FB]  }
0x17a: {  	p2 =	sne.s32 s5, $0xFFFFFF7F;
	[sflag:s24] =	ssyncadd.s32 $0xFFFFC000;
	s24 =	sld [smem:$0x7FA]  }
.Ltmp6:
0x17b: {  	_ = 	snop;
	(pc) =	sbr.rel @!p2 .LBB2_9-.Ltmp6, $4  }
0x17c: {  	_ = 	snop  }
0x17d: {  	[spmem:s1] =	stream.indirect.scatter.add.f32 [tilespmem:s18], [sflag:s29], $0x10, s24, s17, $0xb8;
	[tilespmem:$0x1E380] =	vst v63  }
0x17e: {  	_ =	swait.ge [sflag:s19], $0x4000  }
0x17f: {  	s0 =	simm.s32 $0xFFFFFF7F;
	[sflag:s19] =	ssyncset.done $0x0;
	s13 =	rddreg [dreg:$0x16]  }
.LBB2_8:
0x180: {  	s13 =	sadd.s32 $0x80, s13;
	s4 =	smov.u32 s0;
	s0 =	sadd.s32 $0x1, s0  }
0x181: {  	s14 =	sadd.s32 $0x84, s4;
	p2 =	sne.s32 s5, s0;
	[sflag:s19] =	ssyncadd.s32 $0xFFFFC000  }
0x182: {  	[tilespmem:s20], [sflag:s23] =	stream.linear.gather @!p1 [hbm4b:s12+s28], $0x400, $0x38;
	[tilespmem:$0x1E380] =	vst v63  }
0x183: {  	s12 =	sand.u32 $0x3, s14  }
0x184: {  	s14 =	sadd.s32 $0x1, s12;
	s15 =	sshll.u32 s12, $0xE;
	s16 =	sxor.u32 $0x2, s12  }
0x185: {  	[tilespmem:s21], [sflag:s23] =	stream.linear.gather @!p1 [hbm4b:s30+s28], $0x400, $0x38;
	[tilespmem:$0x1E380] =	vst v63  }
0x186: {  	s18 =	sadd.s32 $0x5, s12;
	_ =	swait.ge [sflag:s14], $0x400  }
0x187: {  	s19 =	sadd.s32 $0x9, s16;
	s16 =	sadd.s32 $0x86, s4;
	[sflag:s14] =	ssyncset.done $0x0  }
0x188: {  	s12 =	sshll.u32 s12, $0xA;
	s4 =	sadd.s32 $0xFFFFFFFF, s4;
	[sflag:s14] =	ssyncadd.s32 $0xFFFFFC00  }
0x189: {  	s15 =	sor.u32 $0x2000, s15;
	s4 =	sand.u32 $0x3, s4;
	_ =	swait.ge [sflag:s14], $0x400  }
0x18a: {  	s20 =	sshll.u32 s4, $0xE;
	s21 =	sadd.s32 $0x5, s4;
	[sflag:s14] =	ssyncset.done $0x0  }
0x18b: {  	p1 =	sge.u32 s16, s8;
	[sflag:s14] =	ssyncadd.s32 $0xFFFFFC00;
	s14 =	sshll.u32 s4, $0xA  }
0x18c: {  	[tilespmem:s15], [sflag:s18] =	stream.indirect.gather [hbm4b:s11+s17], $0x10, s12, s17, $0xb8;
	[tilespmem:$0x1E380] =	vst v63  }
0x18d: {  	s12 =	sor.u32 $0x2000, s20;
	s14 =	sor.u32 $0x1000, s14;
	_ =	swait.ge [sflag:s21], $0x4000  }
0x18e: {  	s28 =	simm.s32 @!p1 $0x0;
	s4 =	sadd.s32 $0x9, s4;
	[sflag:s21] =	ssyncset.done $0x0  }
.Ltmp7:
0x18f: {  	s15 =	sand.u32 @!p1 $0x3, s16;
	[sflag:s21] =	ssyncadd.s32 $0xFFFFC000;
	(pc) =	sbr.rel @p2 .LBB2_8-.Ltmp7, $4  }
0x190: {  	[spmem:s1] =	stream.indirect.scatter.add.f32 [tilespmem:s12], [sflag:s4], $0x10, s14, s17, $0xb8;
	[tilespmem:$0x1E380] =	vst v63  }
0x191: {  	s23 =	sadd.s32 @!p1 $0x1, s15;
	s21 =	sshll.u32 @!p1 s15, $0xA;
	s4 =	sand.u32 @!p1 $0x1FFFFF80, s13  }
0x192: {  	s20 =	sor.u32 @!p1 $0x1000, s21;
	s12 =	sadd.s32 @!p1 s6, s4;
	_ =	swait.ge [sflag:s19], $0x4000  }
0x193: {  	s30 =	sadd.s32 @!p1 s3, s4;
	[sflag:s19] =	ssyncset.done $0x0  }
.LBB2_9:
0x194: {  	[sflag:s19] =	ssyncadd.s32 $0xFFFFC000  }
0x195: {  	[tilespmem:s20], [sflag:s23] =	stream.linear.gather @!p1 [hbm4b:s12+s28], $0x400, $0x38;
	[tilespmem:$0x1E380] =	vst v63  }
0x196: {  	s0 =	simm.s32 $0x8  }
0x197: {  	[tilespmem:s21], [sflag:s23] =	stream.linear.gather @!p1 [hbm4b:s30+s28], $0x400, $0x38;
	[tilespmem:$0x1E380] =	vst v63  }
0x198: {  	_ =	swait.ge [sflag:s0], $0x4000  }
0x199: {  	s4 =	simm.s32 $0xE000;
	[sflag:s0] =	ssyncset.done $0x0  }
0x19a: {  	s20 =	simm.s32 $0x1C00;
	s21 =	simm.s32 $0xB;
	[sflag:s0] =	ssyncadd.s32 $0xFFFFC000  }
0x19b: {  	[spmem:s1] =	stream.indirect.scatter.add.f32 [tilespmem:s4], [sflag:$0xC], $0x10, s20, s17, $0xb8;
	[tilespmem:$0x1E380] =	vst v63  }
0x19c: {  	_ =	swait.ge [sflag:s21], $0x4000  }
0x19d: {  	[sflag:s21] =	ssyncset.done $0x0  }
0x19e: {  	s23 =	simm.s32 $0xC;
	[sflag:s21] =	ssyncadd.s32 $0xFFFFC000  }
0x19f: {  	_ =	swait.ge [sflag:s23], $0x4000  }
0x1a0: {  	[sflag:s23] =	ssyncset.done $0x0  }
0x1a1: {  	[sflag:s23] =	ssyncadd.s32 $0xFFFFC000  }
0x1a2: {  	[bflag:$0x0] =	sbarrier.arrive $0xFFFF  }
0x1a3: {  	s24 =	rddreg [dreg:$0xd]  }
0x1a4: {  	s4 =	simm.s32 $0xD;
	s28 =	rddreg [dreg:$0x18]  }
0x1a5: {  	[hbm:s24], [sflag:s22] =	dma.local [spmem:s28], $0x1870  }
0x1a6: {  	_ =	swait.ge [sflag:s4], $0x1870  }
0x1a7: {  	s29 =	rddreg [dreg:$0x17]  }
0x1a8: {  	s30 =	rddreg [dreg:$0xf];
	s12 =	sadd.s32 $0x1, s29  }
0x1a9: {  	p1 =	sne.s32 s12, s30  }
.Ltmp8:
0x1aa: {  	_ = 	snop;
	(pc) =	sbr.rel @p1 .LBB2_1-.Ltmp8, $3  }
0x1ab: {  	_ =	sdelay $0x1  }
0x1ac: {  	[sflag:s4] =	ssyncset.done $0x0  }
0x1ad: {  	[sflag:s4] =	ssyncadd.s32 $0xFFFFE790  }
0x1ae: {  	_ =	sfence.sel $0x180000  }
0x1af: {  	[bflag:$0x0] =	sbarrier.arrive $0xFFFF  }
0x1b0: {  	_ =	strace $0x90000050  }
0x1b1: {  	s0 =	stileid.u32;
	[bflag:$0x2] =	sbarrier.arrive $0xFFFF  }
0x1b2: {  	p0 =	sne.s32 s0, $0x0;
	s0 =	rddreg [dreg:$0x2]  }
0x1b3: {  	s0 =	sadd.s32 @!p0 $0x100000, s0  }
0x1b4: {  	[sflag:s0] =	ssyncadd.tile.s32 @!p0 $0x1;
	_ =	shalt  }
.Lfunc_end2:
_tile_overlayer_lowered:
.L_overlay_start_2:
0x1b5: {  	(tag) =	ssettag $0x2  }
0x1b6: {  	s0 =	rddreg [dreg:$0x0];
	s2 =	stileid.u32  }
0x1b7: {  	s1 =	rddreg [dreg:$0x1];
	p0 =	sne.s32 s2, $0x0  }
0x1b8: {  	s3 =	rddreg [dreg:$0x2];
	[bflag:$0x3] =	sbarrier.arrive $0xFFFF;
	s2 =	simm.s32 @!p0 $0x1C0D  }
0x1b9: {  	[timem:s3], [sflag:s2] =	dma.local @!p0 [hbm:s0], s1  }
0x1ba: {  	s0 =	simm.s32 @!p0 $0xD  }
0x1bb: {  	_ =	swait.ge @!p0 [sflag:s0], s1  }
0x1bc: {  	s1 =	ssub.s32 @!p0 $0x0, s1;
	[sflag:s0] =	ssyncset.done @!p0 $0x0  }
0x1bd: {  	[sflag:s0] =	ssyncadd.s32 @!p0 s1  }
0x1be: {  	[bflag:$0x3] =	sbarrier.arrive $0xFFFF  }
0x1bf: {  	_ =	shalt  }

</sc_bundles>
